<compile_context>
chip_gen: v7x
topology: tpu7x:2x2x1
jax: 0.10.2.dev20260603
libtpu: 0.0.44.dev20260713+nightly
codegen_flags: <defaults>
</compile_context>

<pallas_src>
import functools

import jax
import jax.numpy as jnp
import numpy as np
from jax import lax
from jax.experimental import pallas as pl
from jax.experimental.pallas import tpu as pltpu
from jax.experimental.pallas import tpu_sc as plsc

B, N, C = 4, 32768, 4
VOXEL_SIZE = np.array([0.05, 0.05, 0.1], np.float32)
BOUNDS = np.array([0.0, -40.0, -3.0, 70.4, 40.0, 1.0], np.float32)
MAX_VOXELS = 16000
MAX_OCC = 5
NUM_KEYPOINTS = 2048
GRID = np.round((BOUNDS[3:] - BOUNDS[:3]) / VOXEL_SIZE).astype(np.int32)
GX, GY, GZ = int(GRID[0]), int(GRID[1]), int(GRID[2])
SENT = GX * GY * GZ

ROWS = N // 128
NW = 16
CH = N // NW
NVEC = CH // 16
FD = MAX_VOXELS * MAX_OCC
FPAD = 327680
CPAD = 65536
OPAD = 16384



def _keys_body(xs_ref, ys_ref, zs_ref, key_ref, zc_ref, yc_ref, xc_ref):
    xs = xs_ref[...]
    ys = ys_ref[...]
    zs = zs_ref[...]
    cx = jnp.floor((xs - BOUNDS[0]) / VOXEL_SIZE[0]).astype(jnp.int32)
    cy = jnp.floor((ys - BOUNDS[1]) / VOXEL_SIZE[1]).astype(jnp.int32)
    cz = jnp.floor((zs - BOUNDS[2]) / VOXEL_SIZE[2]).astype(jnp.int32)
    valid = ((cx >= 0) & (cx < GX) & (cy >= 0) & (cy < GY)
             & (cz >= 0) & (cz < GZ))
    key = cz * (GY * GX) + cy * GX + cx
    key_ref[...] = jnp.where(valid, key, SENT)
    zc_ref[...] = cz
    yc_ref[...] = cy
    xc_ref[...] = cx


def _keys_stage(xs, ys, zs):
    flat = (B * ROWS, 128)
    outs = pl.pallas_call(
        _keys_body,
        out_shape=[jax.ShapeDtypeStruct(flat, jnp.int32)] * 4,
    )(xs.reshape(flat), ys.reshape(flat), zs.reshape(flat))
    return outs


def _fps_body(xs_ref, ys_ref, zs_ref, kp_ref, dist_ref):
    k = kp_ref.shape[1]
    lane = lax.broadcasted_iota(jnp.int32, (ROWS, 128), 1)
    row = lax.broadcasted_iota(jnp.int32, (ROWS, 128), 0)
    lin = row * 128 + lane

    xsl = [xs_ref[b] for b in range(B)]
    ysl = [ys_ref[b] for b in range(B)]
    zsl = [zs_ref[b] for b in range(B)]

    p0 = []
    for b in range(B):
        px0 = xsl[b][0, 0]
        py0 = ysl[b][0, 0]
        pz0 = zsl[b][0, 0]
        kp_ref[b, 0, :] = jnp.stack([px0, py0, pz0])
        dist_ref[b] = jnp.full((ROWS, 128), 1e10, jnp.float32)
        p0 += [px0, py0, pz0]

    def step(i, carry):
        nxts = []
        for b in range(B):
            px, py, pz = carry[3 * b], carry[3 * b + 1], carry[3 * b + 2]
            dx = xsl[b] - px
            dy = ysl[b] - py
            dz = zsl[b] - pz
            d = (dx * dx + dy * dy) + dz * dz
            dist = jnp.minimum(dist_ref[b], d)
            dist_ref[b] = dist
            m = jnp.max(dist)
            cand = jnp.where(dist == m, lin, jnp.int32(2**30))
            nxt = jnp.min(cand)
            r = nxt // 128
            c = nxt - r * 128
            lanemask = lax.broadcasted_iota(jnp.int32, (1, 128), 1) == c
            nx = jnp.sum(jnp.where(lanemask, xs_ref[b, pl.ds(r, 1), :], 0.0))
            ny = jnp.sum(jnp.where(lanemask, ys_ref[b, pl.ds(r, 1), :], 0.0))
            nz = jnp.sum(jnp.where(lanemask, zs_ref[b, pl.ds(r, 1), :], 0.0))
            kp_ref[b, pl.ds(i, 1), :] = jnp.stack([nx, ny, nz]).reshape(1, 3)
            nxts += [nx, ny, nz]
        return tuple(nxts)

    lax.fori_loop(1, k, step, tuple(p0))


def _fps_stage(xs, ys, zs):
    return pl.pallas_call(
        _fps_body,
        out_shape=jax.ShapeDtypeStruct((B, NUM_KEYPOINTS, 3), jnp.float32),
        scratch_shapes=[pltpu.VMEM((B, ROWS, 128), jnp.float32)],
    )(xs, ys, zs)



_MESH = plsc.VectorSubcoreMesh(core_axis_name="c", subcore_axis_name="s")


def _make_sc():
    i32 = jnp.int32
    f32 = jnp.float32

    @functools.partial(
        pl.kernel,
        mesh=_MESH,
        compiler_params=pltpu.CompilerParams(
            needs_layout_passes=False, use_tc_tiling_on_sc=False),
        out_type=[
            jax.ShapeDtypeStruct((B * FD * 4,), f32),
            jax.ShapeDtypeStruct((B * MAX_VOXELS * 4,), i32),
            jax.ShapeDtypeStruct((B * MAX_VOXELS,), i32),
        ],
        scratch_types=[
            pltpu.VMEM((CH,), i32),
            pltpu.VMEM((CH,), i32),
            pltpu.VMEM((CH,), i32),
            pltpu.VMEM((CH,), i32),
            pltpu.VMEM((CH,), i32),
            pltpu.VMEM((CH,), i32),
            pltpu.VMEM((512,), i32),
            pltpu.VMEM((512,), i32),
            pltpu.VMEM((NW * 512,), i32),
            pltpu.VMEM((CH,), i32),
            pltpu.VMEM((CH,), i32),
            pltpu.VMEM((CH,), i32),
            pltpu.VMEM((CH,), i32),
            pltpu.VMEM((CH,), i32),
            pltpu.VMEM((CH,), i32),
            pltpu.VMEM((CH,), i32),
            pltpu.VMEM((CH,), i32),
            pltpu.VMEM((CH,), i32),
            pltpu.VMEM((CH,), i32),
            pltpu.VMEM((CH,), i32),
            pltpu.VMEM((CH,), i32),
            pltpu.VMEM((CH,), f32),
            pltpu.VMEM((CH,), f32),
            pltpu.VMEM((CH,), f32),
            pltpu.VMEM((CH,), f32),
            pltpu.VMEM((CH,), i32),
            pltpu.VMEM((CH,), i32),
            pltpu.VMEM((CH,), i32),
            pltpu.VMEM((CH,), i32),
            pltpu.VMEM((CH,), f32),
            pltpu.VMEM((CH,), i32),
            pltpu.VMEM((CH,), i32),
            pltpu.VMEM((16,), i32),
            pltpu.VMEM((16,), i32),
            pltpu.VMEM((NW * 16,), i32),
            pltpu.VMEM((NW * 16,), i32),
            pltpu.VMEM((8,), i32),
            pltpu.VMEM_SHARED((N,), i32),
            pltpu.VMEM_SHARED((N,), i32),
            pltpu.VMEM_SHARED((N,), i32),
            pltpu.VMEM_SHARED((N,), i32),
            pltpu.VMEM_SHARED((NW * 512,), i32),
            pltpu.VMEM_SHARED((NW * 16,), i32),
            pltpu.VMEM_SHARED((NW * 16,), i32),
            pltpu.VMEM_SHARED((N,), i32),
            pltpu.VMEM_SHARED((N,), i32),
            pltpu.VMEM_SHARED((N,), i32),
            pltpu.VMEM_SHARED((FPAD,), f32),
            pltpu.VMEM_SHARED((CPAD,), i32),
            pltpu.VMEM_SHARED((OPAD,), i32),
        ],
    )
    def vox(keys_hbm, zch, ych, xch, pxh, pyh, pzh, pwh,
            feat_hbm, coords_hbm, occ_hbm,
            ck, ci, cpos, db, rankb, lastb, ctr, basebuf, hgrid,
            lcumb, lstb, fdb, odb, cdb, fi0, fi1, fi2, fi3, cj1, cj2, cj3,
            pxc, pyc, pzc, pwc, zcc, ycc, xcc, onesb, zf, zi, patb,
            nub, lsb, nuall, lsall, prevb,
            kA, iA, kB, iB, hist_sp, nu_sp, ls_sp, dstF, dstO, dstC,
            ftab, ctab, otab):
        cid = lax.axis_index("c")
        wid = lax.axis_index("s")
        iota = lax.iota(i32, 16)
        z16 = jnp.zeros((16,), i32)
        stripe = wid * CH

        def shift_up(v, s, fill):
            sh = jnp.take(v, jnp.maximum(iota - s, 0))
            return jnp.where(iota >= s, sh, fill)

        def shift_down(v, s, fill):
            sh = jnp.take(v, jnp.minimum(iota + s, 15))
            return jnp.where(iota + s <= 15, sh, fill)

        def rank_and_last(d):
            rank = z16
            later = z16
            for s in range(1, 16):
                rank = rank + jnp.where(shift_up(d, s, -1) == d, 1, 0)
                later = later + jnp.where(shift_down(d, s, -2) == d, 1, 0)
            return rank, later == 0

        def psum(v):
            p = v
            for s in (1, 2, 4, 8):
                p = p + shift_up(p, s, 0)
            return p

        def pmax(v):
            p = v
            for s in (1, 2, 4, 8):
                p = jnp.maximum(p, shift_up(p, s, jnp.int32(-(2**30))))
            return p

        def bcast_last(v):
            return jnp.take(v, z16 + 15)

        def do_batch(bi, _bcarry):
            b = cid * 2 + bi
            nbase = b * N

            def init_body(j, _):
                lpos = j * 16 + iota
                plsc.store_scatter(zf, [lpos], jnp.zeros((16,), f32))
                plsc.store_scatter(zi, [lpos], z16)
                plsc.store_scatter(onesb, [lpos], z16 + 1)
                plsc.store_scatter(patb, [lpos],
                                   jnp.where((lpos & 3) == 0, b, -1))
                plsc.store_scatter(ci, [lpos], stripe + lpos)
                return 0

            lax.fori_loop(0, NVEC, init_body, 0)

            pltpu.sync_copy(keys_hbm.at[pl.ds(nbase + stripe, CH)], ck)
            pltpu.sync_copy(ck, kA.at[pl.ds(stripe, CH)])
            pltpu.sync_copy(ci, iA.at[pl.ds(stripe, CH)])
            for j in range(FPAD // (NW * CH)):
                pltpu.sync_copy(
                    zf, ftab.at[pl.ds(wid * (FPAD // NW) + j * CH, CH)])
            for j in range(CPAD // (NW * CH)):
                pltpu.sync_copy(
                    patb, ctab.at[pl.ds(wid * (CPAD // NW) + j * CH, CH)])
            pltpu.sync_copy(zi.at[pl.ds(0, OPAD // NW)],
                            otab.at[pl.ds(wid * (OPAD // NW), OPAD // NW)])

            def radix_pass(p, _):
                shiftv = z16 + p * 9
                pltpu.sync_copy(kA.at[pl.ds(stripe, CH)], ck)
                pltpu.sync_copy(iA.at[pl.ds(stripe, CH)], ci)

                for j in range(512 // 16):
                    ctr[pl.ds(j * 16, 16)] = z16

                def hist_body(i, _h):
                    lpos = i * 16 + iota
                    k16 = plsc.load_gather(ck, [lpos])
                    d = jnp.right_shift(k16, shiftv) & 511
                    rank, is_last = rank_and_last(d)
                    plsc.store_scatter(db, [lpos], d)
                    plsc.store_scatter(rankb, [lpos], rank)
                    plsc.store_scatter(lastb, [lpos],
                                       jnp.where(is_last, 1, 0))
                    old = plsc.load_gather(ctr, [d])
                    plsc.store_scatter(ctr, [d], old + rank + 1,
                                       mask=is_last)
                    return 0

                lax.fori_loop(0, NVEC, hist_body, 0)
                pltpu.sync_copy(ctr, hist_sp.at[pl.ds(wid * 512, 512)])
                plsc.subcore_barrier()

                pltpu.sync_copy(hist_sp, hgrid)

                def base_body(cidx, carry):
                    d0 = cidx * 16
                    tot = z16
                    bef = z16
                    for t in range(NW):
                        h = plsc.load_gather(hgrid, [t * 512 + d0 + iota])
                        tot = tot + h
                        bef = bef + jnp.where(t < wid, h, 0)
                    incl = psum(tot)
                    base16 = carry + (incl - tot) + bef
                    plsc.store_scatter(basebuf, [d0 + iota], base16)
                    return carry + bcast_last(incl)

                lax.fori_loop(0, 512 // 16, base_body, z16)

                for j in range(512 // 16):
                    ctr[pl.ds(j * 16, 16)] = z16

                def scat_body(i, _s):
                    lpos = i * 16 + iota
                    d = plsc.load_gather(db, [lpos])
                    rank = plsc.load_gather(rankb, [lpos])
                    is_last = plsc.load_gather(lastb, [lpos]) == 1
                    cnt = plsc.load_gather(ctr, [d])
                    bs = plsc.load_gather(basebuf, [d])
                    plsc.store_scatter(cpos, [lpos], bs + cnt + rank)
                    plsc.store_scatter(ctr, [d], cnt + rank + 1,
                                       mask=is_last)
                    return 0

                lax.fori_loop(0, NVEC, scat_body, 0)
                pltpu.sync_copy(ck, kB.at[cpos])
                pltpu.sync_copy(ci, iB.at[cpos])
                plsc.subcore_barrier()
                pltpu.sync_copy(kB.at[pl.ds(stripe, CH)], ck)
                pltpu.sync_copy(ck, kA.at[pl.ds(stripe, CH)])
                pltpu.sync_copy(iB.at[pl.ds(stripe, CH)], ci)
                pltpu.sync_copy(ci, iA.at[pl.ds(stripe, CH)])
                plsc.subcore_barrier()
                return 0

            lax.fori_loop(0, 3, radix_pass, 0)

            @pl.when(wid > 0)
            def _():
                pltpu.sync_copy(kA.at[pl.ds(stripe - 8, 8)], prevb)

            pv = plsc.load_gather(prevb, [z16 + 7])
            pv = jnp.where(wid > 0, pv, -1)

            def c1_body(i, carry):
                runcum, prevk, runmax = carry
                lpos = i * 16 + iota
                pos = stripe + lpos
                k16 = plsc.load_gather(ck, [lpos])
                sh = shift_up(k16, 1, 0)
                sh = jnp.where(iota == 0, prevk, sh)
                isnew = jnp.where(k16 != sh, 1, 0)
                incl = psum(isnew)
                lcum16 = runcum + incl
                plsc.store_scatter(lcumb, [lpos], lcum16)
                s16 = jnp.where(isnew == 1, pos, -1)
                lst16 = jnp.maximum(runmax, pmax(s16))
                plsc.store_scatter(lstb, [lpos], lst16)
                return (bcast_last(lcum16), bcast_last(k16),
                        bcast_last(lst16))

            runcum, _pk, runmax = lax.fori_loop(
                0, NVEC, c1_body, (z16, pv, z16 - 1))
            nub[...] = runcum
            lsb[...] = runmax
            pltpu.sync_copy(nub, nu_sp.at[pl.ds(wid * 16, 16)])
            pltpu.sync_copy(lsb, ls_sp.at[pl.ds(wid * 16, 16)])
            plsc.subcore_barrier()

            pltpu.sync_copy(nu_sp, nuall)
            pltpu.sync_copy(ls_sp, lsall)
            pnu = plsc.load_gather(nuall, [iota * 16])
            pls = plsc.load_gather(lsall, [iota * 16])
            sb = bcast_last(psum(jnp.where(iota < wid, pnu, 0)))
            cin = bcast_last(pmax(jnp.where(iota < wid, pls, -1)))

            def c2_body(i, _c):
                lpos = i * 16 + iota
                pos = stripe + lpos
                k16 = plsc.load_gather(ck, [lpos])
                lcum16 = plsc.load_gather(lcumb, [lpos])
                lst16 = plsc.load_gather(lstb, [lpos])
                slot = sb + lcum16 - 1
                start = jnp.maximum(lst16, cin)
                rank = pos - start
                validk = k16 != SENT
                sok = slot < MAX_VOXELS
                ok = validk & sok & (rank < MAX_OCC)
                fdst = jnp.where(ok, slot * MAX_OCC + rank, FD)
                odst = jnp.where(ok, slot, MAX_VOXELS)
                cdst = jnp.where(validk & sok & (rank == 0), slot,
                                 MAX_VOXELS)
                plsc.store_scatter(fdb, [lpos], fdst)
                plsc.store_scatter(odb, [lpos], odst)
                plsc.store_scatter(cdb, [lpos], cdst)
                return 0

            lax.fori_loop(0, NVEC, c2_body, 0)
            pltpu.sync_copy(fdb, dstF.at[ci])
            pltpu.sync_copy(odb, dstO.at[ci])
            pltpu.sync_copy(cdb, dstC.at[ci])
            plsc.subcore_barrier()

            pltpu.sync_copy(dstF.at[pl.ds(stripe, CH)], fdb)
            pltpu.sync_copy(dstO.at[pl.ds(stripe, CH)], odb)
            pltpu.sync_copy(dstC.at[pl.ds(stripe, CH)], cdb)
            pltpu.sync_copy(pxh.at[pl.ds(nbase + stripe, CH)], pxc)
            pltpu.sync_copy(pyh.at[pl.ds(nbase + stripe, CH)], pyc)
            pltpu.sync_copy(pzh.at[pl.ds(nbase + stripe, CH)], pzc)
            pltpu.sync_copy(pwh.at[pl.ds(nbase + stripe, CH)], pwc)
            pltpu.sync_copy(zch.at[pl.ds(nbase + stripe, CH)], zcc)
            pltpu.sync_copy(ych.at[pl.ds(nbase + stripe, CH)], ycc)
            pltpu.sync_copy(xch.at[pl.ds(nbase + stripe, CH)], xcc)

            def d_body(i, _d):
                lpos = i * 16 + iota
                f16 = plsc.load_gather(fdb, [lpos])
                c16 = plsc.load_gather(cdb, [lpos])
                plsc.store_scatter(fi0, [lpos], f16 * 4)
                plsc.store_scatter(fi1, [lpos], f16 * 4 + 1)
                plsc.store_scatter(fi2, [lpos], f16 * 4 + 2)
                plsc.store_scatter(fi3, [lpos], f16 * 4 + 3)
                plsc.store_scatter(cj1, [lpos], c16 * 4 + 1)
                plsc.store_scatter(cj2, [lpos], c16 * 4 + 2)
                plsc.store_scatter(cj3, [lpos], c16 * 4 + 3)
                return 0

            lax.fori_loop(0, NVEC, d_body, 0)
            pltpu.sync_copy(pxc, ftab.at[fi0])
            pltpu.sync_copy(pyc, ftab.at[fi1])
            pltpu.sync_copy(pzc, ftab.at[fi2])
            pltpu.sync_copy(pwc, ftab.at[fi3])
            pltpu.sync_copy(zcc, ctab.at[cj1])
            pltpu.sync_copy(ycc, ctab.at[cj2])
            pltpu.sync_copy(xcc, ctab.at[cj3])
            pltpu.sync_copy(onesb, otab.at[odb], add=True)
            plsc.subcore_barrier()

            fs = FD * 4 // NW
            pltpu.sync_copy(ftab.at[pl.ds(wid * fs, fs)],
                            feat_hbm.at[pl.ds(b * FD * 4 + wid * fs, fs)])
            cs = MAX_VOXELS * 4 // NW
            pltpu.sync_copy(
                ctab.at[pl.ds(wid * cs, cs)],
                coords_hbm.at[pl.ds(b * MAX_VOXELS * 4 + wid * cs, cs)])
            osz = MAX_VOXELS // NW
            pltpu.sync_copy(
                otab.at[pl.ds(wid * osz, osz)],
                occ_hbm.at[pl.ds(b * MAX_VOXELS + wid * osz, osz)])
            plsc.subcore_barrier()
            return 0

        lax.fori_loop(0, B // 2, do_batch, 0)

    return vox


_SC_VOX = _make_sc()


def kernel(points):
    xs = points[..., 0].reshape(B, ROWS, 128)
    ys = points[..., 1].reshape(B, ROWS, 128)
    zs = points[..., 2].reshape(B, ROWS, 128)
    keyp, zcp, ycp, xcp = _keys_stage(xs, ys, zs)
    kp = _fps_stage(xs, ys, zs)
    keys_flat = keyp.reshape(B * N)
    zc_flat = zcp.reshape(B * N)
    yc_flat = ycp.reshape(B * N)
    xc_flat = xcp.reshape(B * N)
    px = points[..., 0].reshape(B * N)
    py = points[..., 1].reshape(B * N)
    pz = points[..., 2].reshape(B * N)
    pw = points[..., 3].reshape(B * N)
    feat, coords, occ = _SC_VOX(keys_flat, zc_flat, yc_flat, xc_flat,
                                px, py, pz, pw)
    features = feat.reshape(B * MAX_VOXELS, MAX_OCC, 4)
    coordinates = coords.reshape(B * MAX_VOXELS, 4)
    occupancy = occ.reshape(B * MAX_VOXELS)
    return points, features, coordinates, occupancy, kp

# --- scband reference (transcript-rebuilt; emitter-appended) ---
"""Pipeline reference for scband-preprocessor-9552007266409 (READ-ONLY COPY).

The authoritative reference and input builder live on the scoring server;
editing this copy changes nothing except your own understanding.
"""

import jax, jax.numpy as jnp
import numpy as np

B, N, C = 4, 32768, 4
VOXEL_SIZE = np.array([0.05, 0.05, 0.1], np.float32)
BOUNDS = np.array([0.0, -40.0, -3.0, 70.4, 40.0, 1.0], np.float32)
MAX_VOXELS = 16000
MAX_OCC = 5
NUM_KEYPOINTS = 2048
GRID = np.round((BOUNDS[3:] - BOUNDS[:3]) / VOXEL_SIZE).astype(np.int32)  # xyz order: [1408, 1600, 40]
GX, GY, GZ = int(GRID[0]), int(GRID[1]), int(GRID[2])
SENTINEL = GX * GY * GZ  # one past max linear zyx key; fits int32 (90112000)


def _voxelize_one(pts):
    # pts: [N, 4]. Mirrors spconv.utils.VoxelGenerator.generate: per-point voxel coords
    # (reversed XYZ -> ZYX), at most MAX_VOXELS voxels, at most MAX_OCC points per voxel.
    n = pts.shape[0]
    xyz = pts[:, :3]
    c = jnp.floor((xyz - jnp.asarray(BOUNDS[:3])) / jnp.asarray(VOXEL_SIZE)).astype(jnp.int32)
    valid = jnp.all((c >= 0) & (c < jnp.asarray(GRID)), axis=-1)
    key = c[:, 2] * (GY * GX) + c[:, 1] * GX + c[:, 0]  # linear zyx key
    key = jnp.where(valid, key, SENTINEL)
    uniq = jnp.unique(key, size=MAX_VOXELS, fill_value=SENTINEL)  # sorted voxel keys
    slot = jnp.searchsorted(uniq, key)
    slot_c = jnp.clip(slot, 0, MAX_VOXELS - 1)
    ok = (slot < MAX_VOXELS) & (uniq[slot_c] == key) & (key != SENTINEL)
    # within-voxel rank via stable sort by key
    order = jnp.argsort(key)
    sk = key[order]
    start = jnp.searchsorted(sk, sk, side='left').astype(jnp.int32)
    rank = jnp.zeros((n,), jnp.int32).at[order].set(jnp.arange(n, dtype=jnp.int32) - start)
    ok = ok & (rank < MAX_OCC)
    slot_w = jnp.where(ok, slot_c, MAX_VOXELS)  # out-of-bounds scatter indices are dropped
    rank_w = jnp.where(ok, rank, 0)
    features = jnp.zeros((MAX_VOXELS, MAX_OCC, pts.shape[1]), pts.dtype).at[slot_w, rank_w].add(pts)
    occupancy = jnp.zeros((MAX_VOXELS,), jnp.int32).at[slot_w].add(1)
    z = uniq // (GY * GX)
    rem = uniq % (GY * GX)
    y = rem // GX
    x = rem % GX
    coords = jnp.stack([z, y, x], axis=1).astype(jnp.int32)
    coords = jnp.where((uniq != SENTINEL)[:, None], coords, -1)
    return features, coords, occupancy


def _fps(xyz, k):
    # furthest point sampling: xyz [B, N, 3] -> indices [B, k]
    b, n, _ = xyz.shape

    def body(i, state):
        dist, idxs, last = state
        lp = jax.vmap(lambda p, j: p[j])(xyz, last)  # [B, 3]
        d = jnp.sum((xyz - lp[:, None, :]) ** 2, axis=-1)
        dist = jnp.minimum(dist, d)
        nxt = jnp.argmax(dist, axis=-1).astype(jnp.int32)
        idxs = idxs.at[:, i].set(nxt)
        return dist, idxs, nxt

    state = (jnp.full((b, n), 1e10, xyz.dtype), jnp.zeros((b, k), jnp.int32), jnp.zeros((b,), jnp.int32))
    _, idxs, _ = jax.lax.fori_loop(1, k, body, state)
    return idxs


def setup_inputs(seed: int = 0):
    key = jax.random.key(seed)
    k1, k2 = jax.random.split(key)
    u = jax.random.uniform(k1, (B, N, 3), dtype=jnp.float32)
    xyz = jnp.asarray(BOUNDS[:3]) + u * jnp.asarray(BOUNDS[3:] - BOUNDS[:3])
    inten = jax.random.uniform(k2, (B, N, 1), dtype=jnp.float32)
    return {"points": jnp.concatenate([xyz, inten], axis=-1)}


def reference(points):
    feats, coords, occs = [], [], []
    for i in range(points.shape[0]):
        f, c, o = _voxelize_one(points[i])
        c = jnp.concatenate([jnp.full((c.shape[0], 1), i, jnp.int32), c], axis=1)  # pad batch idx
        feats.append(f)
        coords.append(c)
        occs.append(o)
    features = jnp.concatenate(feats, axis=0)       # [B*MAX_VOXELS, MAX_OCC, 4]
    coordinates = jnp.concatenate(coords, axis=0)   # [B*MAX_VOXELS, 4] (b, z, y, x)
    occupancy = jnp.concatenate(occs, axis=0)       # [B*MAX_VOXELS]
    xyz = points[..., :3]
    idxs = _fps(jax.lax.stop_gradient(xyz), NUM_KEYPOINTS)
    keypoints = jax.vmap(lambda p, ii: p[ii])(xyz, idxs)  # [B, K, 3]
    return points, features, coordinates, occupancy, keypoints

if __name__ == "__main__":
    import jax
    _d = setup_inputs()
    print(jax.jit(kernel)(*tuple(_d.values())))

</pallas_src>

<mosaic_0001>
#map = affine_map<(d0, d1) -> (0)>
module attributes {stable_mosaic.version = 14 : i64} {
  func.func @vox(%arg0: i32, %arg1: i32, %arg2: memref<131072xi32, #tpu.memory_space<hbm>>, %arg3: memref<131072xi32, #tpu.memory_space<hbm>>, %arg4: memref<131072xi32, #tpu.memory_space<hbm>>, %arg5: memref<131072xi32, #tpu.memory_space<hbm>>, %arg6: memref<131072xf32, #tpu.memory_space<hbm>>, %arg7: memref<131072xf32, #tpu.memory_space<hbm>>, %arg8: memref<131072xf32, #tpu.memory_space<hbm>>, %arg9: memref<131072xf32, #tpu.memory_space<hbm>>, %arg10: memref<1280000xf32, #tpu.memory_space<hbm>>, %arg11: memref<256000xi32, #tpu.memory_space<hbm>>, %arg12: memref<64000xi32, #tpu.memory_space<hbm>>, %arg13: memref<2048xi32, #tpu.memory_space<vmem>>, %arg14: memref<2048xi32, #tpu.memory_space<vmem>>, %arg15: memref<2048xi32, #tpu.memory_space<vmem>>, %arg16: memref<2048xi32, #tpu.memory_space<vmem>>, %arg17: memref<2048xi32, #tpu.memory_space<vmem>>, %arg18: memref<2048xi32, #tpu.memory_space<vmem>>, %arg19: memref<512xi32, #tpu.memory_space<vmem>>, %arg20: memref<512xi32, #tpu.memory_space<vmem>>, %arg21: memref<8192xi32, #tpu.memory_space<vmem>>, %arg22: memref<2048xi32, #tpu.memory_space<vmem>>, %arg23: memref<2048xi32, #tpu.memory_space<vmem>>, %arg24: memref<2048xi32, #tpu.memory_space<vmem>>, %arg25: memref<2048xi32, #tpu.memory_space<vmem>>, %arg26: memref<2048xi32, #tpu.memory_space<vmem>>, %arg27: memref<2048xi32, #tpu.memory_space<vmem>>, %arg28: memref<2048xi32, #tpu.memory_space<vmem>>, %arg29: memref<2048xi32, #tpu.memory_space<vmem>>, %arg30: memref<2048xi32, #tpu.memory_space<vmem>>, %arg31: memref<2048xi32, #tpu.memory_space<vmem>>, %arg32: memref<2048xi32, #tpu.memory_space<vmem>>, %arg33: memref<2048xi32, #tpu.memory_space<vmem>>, %arg34: memref<2048xf32, #tpu.memory_space<vmem>>, %arg35: memref<2048xf32, #tpu.memory_space<vmem>>, %arg36: memref<2048xf32, #tpu.memory_space<vmem>>, %arg37: memref<2048xf32, #tpu.memory_space<vmem>>, %arg38: memref<2048xi32, #tpu.memory_space<vmem>>, %arg39: memref<2048xi32, #tpu.memory_space<vmem>>, %arg40: memref<2048xi32, #tpu.memory_space<vmem>>, %arg41: memref<2048xi32, #tpu.memory_space<vmem>>, %arg42: memref<2048xf32, #tpu.memory_space<vmem>>, %arg43: memref<2048xi32, #tpu.memory_space<vmem>>, %arg44: memref<2048xi32, #tpu.memory_space<vmem>>, %arg45: memref<16xi32, #tpu.memory_space<vmem>>, %arg46: memref<16xi32, #tpu.memory_space<vmem>>, %arg47: memref<256xi32, #tpu.memory_space<vmem>>, %arg48: memref<256xi32, #tpu.memory_space<vmem>>, %arg49: memref<8xi32, #tpu.memory_space<vmem>>, %arg50: memref<32768xi32, #tpu.memory_space<vmem_shared>>, %arg51: memref<32768xi32, #tpu.memory_space<vmem_shared>>, %arg52: memref<32768xi32, #tpu.memory_space<vmem_shared>>, %arg53: memref<32768xi32, #tpu.memory_space<vmem_shared>>, %arg54: memref<8192xi32, #tpu.memory_space<vmem_shared>>, %arg55: memref<256xi32, #tpu.memory_space<vmem_shared>>, %arg56: memref<256xi32, #tpu.memory_space<vmem_shared>>, %arg57: memref<32768xi32, #tpu.memory_space<vmem_shared>>, %arg58: memref<32768xi32, #tpu.memory_space<vmem_shared>>, %arg59: memref<32768xi32, #tpu.memory_space<vmem_shared>>, %arg60: memref<327680xf32, #tpu.memory_space<vmem_shared>>, %arg61: memref<65536xi32, #tpu.memory_space<vmem_shared>>, %arg62: memref<16384xi32, #tpu.memory_space<vmem_shared>>) attributes {dimension_semantics = [#tpu.dimension_semantics<core_parallel>, #tpu.dimension_semantics<subcore_parallel>], iteration_bounds = array<i64: 2, 16>, scalar_prefetch = 0 : i64, scratch_operands = 50 : i64, tpu.core_type = #tpu.core_type<sc_vector_subcore>, window_params = [{transform_indices = #map}, {transform_indices = #map}, {transform_indices = #map}, {transform_indices = #map}, {transform_indices = #map}, {transform_indices = #map}, {transform_indices = #map}, {transform_indices = #map}, {transform_indices = #map}, {transform_indices = #map}, {transform_indices = #map}]} {
    %iota3A = tpu.iota {dimensions = array<i32: 0>} : vector<16xi32>
    %broadcast_in_dim3A = arith.constant 0 : i32
    %broadcast_in_dim3A_0 = vector.broadcast %broadcast_in_dim3A : i32 to vector<16xi32>
    %mul3A = arith.constant 2048 : i32
    %mul3A_1 = arith.muli %arg1, %mul3A : i32
    %scan3A = arith.constant 0 : i32
    %scan3A_2 = arith.constant 0 : i32
    %scan3A_3 = arith.constant 2 : i32
    %scan3A_4 = arith.addi %scan3A_2, %scan3A_3 : i32
    %scan3A_5 = arith.constant 1 : i32
    %scan3A_6 = scf.for %scan3A_8 = %scan3A_2 to %scan3A_4 step %scan3A_5 iter_args(%scan3A_9 = %scan3A) -> (i32)  : i32 {
      %mul3A_10 = arith.constant 2 : i32
      %mul3A_11 = arith.muli %arg0, %mul3A_10 : i32
      %add3A = arith.addi %mul3A_11, %scan3A_8 : i32
      %mul3A_12 = arith.constant 32768 : i32
      %mul3A_13 = arith.muli %add3A, %mul3A_12 : i32
      %scan3A_14 = arith.constant 0 : i32
      %scan3A_15 = arith.constant 0 : i32
      %scan3A_16 = arith.constant 128 : i32
      %scan3A_17 = arith.addi %scan3A_15, %scan3A_16 : i32
      %scan3A_18 = arith.constant 1 : i32
      %scan3A_19 = scf.for %scan3A_377 = %scan3A_15 to %scan3A_17 step %scan3A_18 iter_args(%scan3A_378 = %scan3A_14) -> (i32)  : i32 {
        %mul3A_379 = arith.constant 16 : i32
        %mul3A_380 = arith.muli %scan3A_377, %mul3A_379 : i32
        %add3A_381 = vector.broadcast %mul3A_380 : i32 to vector<16xi32>
        %add3A_382 = arith.addi %add3A_381, %iota3A : vector<16xi32>
        %broadcast_in_dim3A_383 = arith.constant 0.000000e+00 : f32
        %broadcast_in_dim3A_384 = vector.broadcast %broadcast_in_dim3A_383 : f32 to vector<16xf32>
        tpu.vector_store_idx %arg42[%add3A_382], %broadcast_in_dim3A_384 : memref<2048xf32, #tpu.memory_space<vmem>>[vector<16xi32>], vector<16xf32>,
        tpu.vector_store_idx %arg43[%add3A_382], %broadcast_in_dim3A_0 : memref<2048xi32, #tpu.memory_space<vmem>>[vector<16xi32>], vector<16xi32>,
        %add3A_385 = arith.constant 1 : i32
        %add3A_386 = vector.broadcast %add3A_385 : i32 to vector<16xi32>
        %add3A_387 = arith.addi %broadcast_in_dim3A_0, %add3A_386 : vector<16xi32>
        tpu.vector_store_idx %arg41[%add3A_382], %add3A_387 : memref<2048xi32, #tpu.memory_space<vmem>>[vector<16xi32>], vector<16xi32>,
        %and3A = arith.constant 3 : i32
        %and3A_388 = vector.broadcast %and3A : i32 to vector<16xi32>
        %and3A_389 = arith.andi %add3A_382, %and3A_388 : vector<16xi32>
        %eq3A = arith.constant 0 : i32
        %eq3A_390 = vector.broadcast %eq3A : i32 to vector<16xi32>
        %eq3A_391 = arith.cmpi eq, %and3A_389, %eq3A_390 : vector<16xi32>
        %jit3A_392 = arith.constant -1 : i32
        %broadcast_in_dim3A_393 = vector.broadcast %add3A : i32 to vector<16xi32>
        %broadcast_in_dim3A_394 = vector.broadcast %jit3A_392 : i32 to vector<16xi32>
        %select_n3A_395 = arith.select %eq3A_391, %broadcast_in_dim3A_393, %broadcast_in_dim3A_394 : vector<16xi1>, vector<16xi32>
        tpu.vector_store_idx %arg44[%add3A_382], %select_n3A_395 : memref<2048xi32, #tpu.memory_space<vmem>>[vector<16xi32>], vector<16xi32>,
        %add3A_396 = vector.broadcast %mul3A_1 : i32 to vector<16xi32>
        %add3A_397 = arith.addi %add3A_396, %add3A_382 : vector<16xi32>
        tpu.vector_store_idx %arg14[%add3A_382], %add3A_397 : memref<2048xi32, #tpu.memory_space<vmem>>[vector<16xi32>], vector<16xi32>,
        %scan3A_398 = arith.constant 0 : i32
        scf.yield %scan3A_398 : i32
      }
      %scan3A_20 = arith.constant 128 : i32
      %add3A_21 = arith.addi %mul3A_13, %mul3A_1 : i32
      "tpu.region"() ({
        %run_scoped3A = tpu.sem_alloc : memref<!tpu.dma_semaphore, #tpu.memory_space<semaphore_mem>>
        %dma_start3A = tpu.memref_slice %arg2[%add3A_21] : memref<131072xi32, #tpu.memory_space<hbm>> -> memref<2048xi32, #tpu.memory_space<hbm>>
        %dma_start3A_377 = tpu.memref_slice %arg2[%add3A_21] : memref<131072xi32, #tpu.memory_space<hbm>> -> memref<2048xi32, #tpu.memory_space<hbm>>
        tpu.enqueue_dma source(%dma_start3A_377 : memref<2048xi32, #tpu.memory_space<hbm>>) target(%arg13 : memref<2048xi32, #tpu.memory_space<vmem>>) target_semaphore(%run_scoped3A : memref<!tpu.dma_semaphore, #tpu.memory_space<semaphore_mem>>)
        %dma_wait3A = tpu.memref_slice %arg2[%add3A_21] : memref<131072xi32, #tpu.memory_space<hbm>> -> memref<2048xi32, #tpu.memory_space<hbm>>
        %dma_wait3A_378 = tpu.memref_slice %arg2[%add3A_21] : memref<131072xi32, #tpu.memory_space<hbm>> -> memref<2048xi32, #tpu.memory_space<hbm>>
        tpu.wait_dma2 semaphore(%run_scoped3A : memref<!tpu.dma_semaphore, #tpu.memory_space<semaphore_mem>>) src(%dma_wait3A_378 : memref<2048xi32, #tpu.memory_space<hbm>>) dst(%arg13 : memref<2048xi32, #tpu.memory_space<vmem>>)
        tpu.yield
      }) : () -> ()
      "tpu.region"() ({
        %run_scoped3A = tpu.sem_alloc : memref<!tpu.dma_semaphore, #tpu.memory_space<semaphore_mem>>
        %dma_start3A = tpu.memref_slice %arg50[%mul3A_1] : memref<32768xi32, #tpu.memory_space<vmem_shared>> -> memref<2048xi32, #tpu.memory_space<vmem_shared>>
        %dma_start3A_377 = tpu.memref_slice %arg50[%mul3A_1] : memref<32768xi32, #tpu.memory_space<vmem_shared>> -> memref<2048xi32, #tpu.memory_space<vmem_shared>>
        tpu.enqueue_dma source(%arg13 : memref<2048xi32, #tpu.memory_space<vmem>>) target(%dma_start3A_377 : memref<2048xi32, #tpu.memory_space<vmem_shared>>) target_semaphore(%run_scoped3A : memref<!tpu.dma_semaphore, #tpu.memory_space<semaphore_mem>>)
        %dma_wait3A = tpu.memref_slice %arg50[%mul3A_1] : memref<32768xi32, #tpu.memory_space<vmem_shared>> -> memref<2048xi32, #tpu.memory_space<vmem_shared>>
        %dma_wait3A_378 = tpu.memref_slice %arg50[%mul3A_1] : memref<32768xi32, #tpu.memory_space<vmem_shared>> -> memref<2048xi32, #tpu.memory_space<vmem_shared>>
        tpu.wait_dma2 semaphore(%run_scoped3A : memref<!tpu.dma_semaphore, #tpu.memory_space<semaphore_mem>>) src(%arg13 : memref<2048xi32, #tpu.memory_space<vmem>>) dst(%dma_wait3A_378 : memref<2048xi32, #tpu.memory_space<vmem_shared>>)
        tpu.yield
      }) : () -> ()
      "tpu.region"() ({
        %run_scoped3A = tpu.sem_alloc : memref<!tpu.dma_semaphore, #tpu.memory_space<semaphore_mem>>
        %dma_start3A = tpu.memref_slice %arg51[%mul3A_1] : memref<32768xi32, #tpu.memory_space<vmem_shared>> -> memref<2048xi32, #tpu.memory_space<vmem_shared>>
        %dma_start3A_377 = tpu.memref_slice %arg51[%mul3A_1] : memref<32768xi32, #tpu.memory_space<vmem_shared>> -> memref<2048xi32, #tpu.memory_space<vmem_shared>>
        tpu.enqueue_dma source(%arg14 : memref<2048xi32, #tpu.memory_space<vmem>>) target(%dma_start3A_377 : memref<2048xi32, #tpu.memory_space<vmem_shared>>) target_semaphore(%run_scoped3A : memref<!tpu.dma_semaphore, #tpu.memory_space<semaphore_mem>>)
        %dma_wait3A = tpu.memref_slice %arg51[%mul3A_1] : memref<32768xi32, #tpu.memory_space<vmem_shared>> -> memref<2048xi32, #tpu.memory_space<vmem_shared>>
        %dma_wait3A_378 = tpu.memref_slice %arg51[%mul3A_1] : memref<32768xi32, #tpu.memory_space<vmem_shared>> -> memref<2048xi32, #tpu.memory_space<vmem_shared>>
        tpu.wait_dma2 semaphore(%run_scoped3A : memref<!tpu.dma_semaphore, #tpu.memory_space<semaphore_mem>>) src(%arg14 : memref<2048xi32, #tpu.memory_space<vmem>>) dst(%dma_wait3A_378 : memref<2048xi32, #tpu.memory_space<vmem_shared>>)
        tpu.yield
      }) : () -> ()
      %mul3A_22 = arith.constant 20480 : i32
      %mul3A_23 = arith.muli %arg1, %mul3A_22 : i32
      %add3A_24 = arith.constant 0 : i32
      %add3A_25 = arith.addi %mul3A_23, %add3A_24 : i32
      "tpu.region"() ({
        %run_scoped3A = tpu.sem_alloc : memref<!tpu.dma_semaphore, #tpu.memory_space<semaphore_mem>>
        %dma_start3A = tpu.memref_slice %arg60[%add3A_25] : memref<327680xf32, #tpu.memory_space<vmem_shared>> -> memref<2048xf32, #tpu.memory_space<vmem_shared>>
        %dma_start3A_377 = tpu.memref_slice %arg60[%add3A_25] : memref<327680xf32, #tpu.memory_space<vmem_shared>> -> memref<2048xf32, #tpu.memory_space<vmem_shared>>
        tpu.enqueue_dma source(%arg42 : memref<2048xf32, #tpu.memory_space<vmem>>) target(%dma_start3A_377 : memref<2048xf32, #tpu.memory_space<vmem_shared>>) target_semaphore(%run_scoped3A : memref<!tpu.dma_semaphore, #tpu.memory_space<semaphore_mem>>)
        %dma_wait3A = tpu.memref_slice %arg60[%add3A_25] : memref<327680xf32, #tpu.memory_space<vmem_shared>> -> memref<2048xf32, #tpu.memory_space<vmem_shared>>
        %dma_wait3A_378 = tpu.memref_slice %arg60[%add3A_25] : memref<327680xf32, #tpu.memory_space<vmem_shared>> -> memref<2048xf32, #tpu.memory_space<vmem_shared>>
        tpu.wait_dma2 semaphore(%run_scoped3A : memref<!tpu.dma_semaphore, #tpu.memory_space<semaphore_mem>>) src(%arg42 : memref<2048xf32, #tpu.memory_space<vmem>>) dst(%dma_wait3A_378 : memref<2048xf32, #tpu.memory_space<vmem_shared>>)
        tpu.yield
      }) : () -> ()
      %mul3A_26 = arith.constant 20480 : i32
      %mul3A_27 = arith.muli %arg1, %mul3A_26 : i32
      %add3A_28 = arith.constant 2048 : i32
      %add3A_29 = arith.addi %mul3A_27, %add3A_28 : i32
      "tpu.region"() ({
        %run_scoped3A = tpu.sem_alloc : memref<!tpu.dma_semaphore, #tpu.memory_space<semaphore_mem>>
        %dma_start3A = tpu.memref_slice %arg60[%add3A_29] : memref<327680xf32, #tpu.memory_space<vmem_shared>> -> memref<2048xf32, #tpu.memory_space<vmem_shared>>
        %dma_start3A_377 = tpu.memref_slice %arg60[%add3A_29] : memref<327680xf32, #tpu.memory_space<vmem_shared>> -> memref<2048xf32, #tpu.memory_space<vmem_shared>>
        tpu.enqueue_dma source(%arg42 : memref<2048xf32, #tpu.memory_space<vmem>>) target(%dma_start3A_377 : memref<2048xf32, #tpu.memory_space<vmem_shared>>) target_semaphore(%run_scoped3A : memref<!tpu.dma_semaphore, #tpu.memory_space<semaphore_mem>>)
        %dma_wait3A = tpu.memref_slice %arg60[%add3A_29] : memref<327680xf32, #tpu.memory_space<vmem_shared>> -> memref<2048xf32, #tpu.memory_space<vmem_shared>>
        %dma_wait3A_378 = tpu.memref_slice %arg60[%add3A_29] : memref<327680xf32, #tpu.memory_space<vmem_shared>> -> memref<2048xf32, #tpu.memory_space<vmem_shared>>
        tpu.wait_dma2 semaphore(%run_scoped3A : memref<!tpu.dma_semaphore, #tpu.memory_space<semaphore_mem>>) src(%arg42 : memref<2048xf32, #tpu.memory_space<vmem>>) dst(%dma_wait3A_378 : memref<2048xf32, #tpu.memory_space<vmem_shared>>)
        tpu.yield
      }) : () -> ()
      %mul3A_30 = arith.constant 20480 : i32
      %mul3A_31 = arith.muli %arg1, %mul3A_30 : i32
      %add3A_32 = arith.constant 4096 : i32
      %add3A_33 = arith.addi %mul3A_31, %add3A_32 : i32
      "tpu.region"() ({
        %run_scoped3A = tpu.sem_alloc : memref<!tpu.dma_semaphore, #tpu.memory_space<semaphore_mem>>
        %dma_start3A = tpu.memref_slice %arg60[%add3A_33] : memref<327680xf32, #tpu.memory_space<vmem_shared>> -> memref<2048xf32, #tpu.memory_space<vmem_shared>>
        %dma_start3A_377 = tpu.memref_slice %arg60[%add3A_33] : memref<327680xf32, #tpu.memory_space<vmem_shared>> -> memref<2048xf32, #tpu.memory_space<vmem_shared>>
        tpu.enqueue_dma source(%arg42 : memref<2048xf32, #tpu.memory_space<vmem>>) target(%dma_start3A_377 : memref<2048xf32, #tpu.memory_space<vmem_shared>>) target_semaphore(%run_scoped3A : memref<!tpu.dma_semaphore, #tpu.memory_space<semaphore_mem>>)
        %dma_wait3A = tpu.memref_slice %arg60[%add3A_33] : memref<327680xf32, #tpu.memory_space<vmem_shared>> -> memref<2048xf32, #tpu.memory_space<vmem_shared>>
        %dma_wait3A_378 = tpu.memref_slice %arg60[%add3A_33] : memref<327680xf32, #tpu.memory_space<vmem_shared>> -> memref<2048xf32, #tpu.memory_space<vmem_shared>>
        tpu.wait_dma2 semaphore(%run_scoped3A : memref<!tpu.dma_semaphore, #tpu.memory_space<semaphore_mem>>) src(%arg42 : memref<2048xf32, #tpu.memory_space<vmem>>) dst(%dma_wait3A_378 : memref<2048xf32, #tpu.memory_space<vmem_shared>>)
        tpu.yield
      }) : () -> ()
      %mul3A_34 = arith.constant 20480 : i32
      %mul3A_35 = arith.muli %arg1, %mul3A_34 : i32
      %add3A_36 = arith.constant 6144 : i32
      %add3A_37 = arith.addi %mul3A_35, %add3A_36 : i32
      "tpu.region"() ({
        %run_scoped3A = tpu.sem_alloc : memref<!tpu.dma_semaphore, #tpu.memory_space<semaphore_mem>>
        %dma_start3A = tpu.memref_slice %arg60[%add3A_37] : memref<327680xf32, #tpu.memory_space<vmem_shared>> -> memref<2048xf32, #tpu.memory_space<vmem_shared>>
        %dma_start3A_377 = tpu.memref_slice %arg60[%add3A_37] : memref<327680xf32, #tpu.memory_space<vmem_shared>> -> memref<2048xf32, #tpu.memory_space<vmem_shared>>
        tpu.enqueue_dma source(%arg42 : memref<2048xf32, #tpu.memory_space<vmem>>) target(%dma_start3A_377 : memref<2048xf32, #tpu.memory_space<vmem_shared>>) target_semaphore(%run_scoped3A : memref<!tpu.dma_semaphore, #tpu.memory_space<semaphore_mem>>)
        %dma_wait3A = tpu.memref_slice %arg60[%add3A_37] : memref<327680xf32, #tpu.memory_space<vmem_shared>> -> memref<2048xf32, #tpu.memory_space<vmem_shared>>
        %dma_wait3A_378 = tpu.memref_slice %arg60[%add3A_37] : memref<327680xf32, #tpu.memory_space<vmem_shared>> -> memref<2048xf32, #tpu.memory_space<vmem_shared>>
        tpu.wait_dma2 semaphore(%run_scoped3A : memref<!tpu.dma_semaphore, #tpu.memory_space<semaphore_mem>>) src(%arg42 : memref<2048xf32, #tpu.memory_space<vmem>>) dst(%dma_wait3A_378 : memref<2048xf32, #tpu.memory_space<vmem_shared>>)
        tpu.yield
      }) : () -> ()
      %mul3A_38 = arith.constant 20480 : i32
      %mul3A_39 = arith.muli %arg1, %mul3A_38 : i32
      %add3A_40 = arith.constant 8192 : i32
      %add3A_41 = arith.addi %mul3A_39, %add3A_40 : i32
      "tpu.region"() ({
        %run_scoped3A = tpu.sem_alloc : memref<!tpu.dma_semaphore, #tpu.memory_space<semaphore_mem>>
        %dma_start3A = tpu.memref_slice %arg60[%add3A_41] : memref<327680xf32, #tpu.memory_space<vmem_shared>> -> memref<2048xf32, #tpu.memory_space<vmem_shared>>
        %dma_start3A_377 = tpu.memref_slice %arg60[%add3A_41] : memref<327680xf32, #tpu.memory_space<vmem_shared>> -> memref<2048xf32, #tpu.memory_space<vmem_shared>>
        tpu.enqueue_dma source(%arg42 : memref<2048xf32, #tpu.memory_space<vmem>>) target(%dma_start3A_377 : memref<2048xf32, #tpu.memory_space<vmem_shared>>) target_semaphore(%run_scoped3A : memref<!tpu.dma_semaphore, #tpu.memory_space<semaphore_mem>>)
        %dma_wait3A = tpu.memref_slice %arg60[%add3A_41] : memref<327680xf32, #tpu.memory_space<vmem_shared>> -> memref<2048xf32, #tpu.memory_space<vmem_shared>>
        %dma_wait3A_378 = tpu.memref_slice %arg60[%add3A_41] : memref<327680xf32, #tpu.memory_space<vmem_shared>> -> memref<2048xf32, #tpu.memory_space<vmem_shared>>
        tpu.wait_dma2 semaphore(%run_scoped3A : memref<!tpu.dma_semaphore, #tpu.memory_space<semaphore_mem>>) src(%arg42 : memref<2048xf32, #tpu.memory_space<vmem>>) dst(%dma_wait3A_378 : memref<2048xf32, #tpu.memory_space<vmem_shared>>)
        tpu.yield
      }) : () -> ()
      %mul3A_42 = arith.constant 20480 : i32
      %mul3A_43 = arith.muli %arg1, %mul3A_42 : i32
      %add3A_44 = arith.constant 10240 : i32
      %add3A_45 = arith.addi %mul3A_43, %add3A_44 : i32
      "tpu.region"() ({
        %run_scoped3A = tpu.sem_alloc : memref<!tpu.dma_semaphore, #tpu.memory_space<semaphore_mem>>
        %dma_start3A = tpu.memref_slice %arg60[%add3A_45] : memref<327680xf32, #tpu.memory_space<vmem_shared>> -> memref<2048xf32, #tpu.memory_space<vmem_shared>>
        %dma_start3A_377 = tpu.memref_slice %arg60[%add3A_45] : memref<327680xf32, #tpu.memory_space<vmem_shared>> -> memref<2048xf32, #tpu.memory_space<vmem_shared>>
        tpu.enqueue_dma source(%arg42 : memref<2048xf32, #tpu.memory_space<vmem>>) target(%dma_start3A_377 : memref<2048xf32, #tpu.memory_space<vmem_shared>>) target_semaphore(%run_scoped3A : memref<!tpu.dma_semaphore, #tpu.memory_space<semaphore_mem>>)
        %dma_wait3A = tpu.memref_slice %arg60[%add3A_45] : memref<327680xf32, #tpu.memory_space<vmem_shared>> -> memref<2048xf32, #tpu.memory_space<vmem_shared>>
        %dma_wait3A_378 = tpu.memref_slice %arg60[%add3A_45] : memref<327680xf32, #tpu.memory_space<vmem_shared>> -> memref<2048xf32, #tpu.memory_space<vmem_shared>>
        tpu.wait_dma2 semaphore(%run_scoped3A : memref<!tpu.dma_semaphore, #tpu.memory_space<semaphore_mem>>) src(%arg42 : memref<2048xf32, #tpu.memory_space<vmem>>) dst(%dma_wait3A_378 : memref<2048xf32, #tpu.memory_space<vmem_shared>>)
        tpu.yield
      }) : () -> ()
      %mul3A_46 = arith.constant 20480 : i32
      %mul3A_47 = arith.muli %arg1, %mul3A_46 : i32
      %add3A_48 = arith.constant 12288 : i32
      %add3A_49 = arith.addi %mul3A_47, %add3A_48 : i32
      "tpu.region"() ({
        %run_scoped3A = tpu.sem_alloc : memref<!tpu.dma_semaphore, #tpu.memory_space<semaphore_mem>>
        %dma_start3A = tpu.memref_slice %arg60[%add3A_49] : memref<327680xf32, #tpu.memory_space<vmem_shared>> -> memref<2048xf32, #tpu.memory_space<vmem_shared>>
        %dma_start3A_377 = tpu.memref_slice %arg60[%add3A_49] : memref<327680xf32, #tpu.memory_space<vmem_shared>> -> memref<2048xf32, #tpu.memory_space<vmem_shared>>
        tpu.enqueue_dma source(%arg42 : memref<2048xf32, #tpu.memory_space<vmem>>) target(%dma_start3A_377 : memref<2048xf32, #tpu.memory_space<vmem_shared>>) target_semaphore(%run_scoped3A : memref<!tpu.dma_semaphore, #tpu.memory_space<semaphore_mem>>)
        %dma_wait3A = tpu.memref_slice %arg60[%add3A_49] : memref<327680xf32, #tpu.memory_space<vmem_shared>> -> memref<2048xf32, #tpu.memory_space<vmem_shared>>
        %dma_wait3A_378 = tpu.memref_slice %arg60[%add3A_49] : memref<327680xf32, #tpu.memory_space<vmem_shared>> -> memref<2048xf32, #tpu.memory_space<vmem_shared>>
        tpu.wait_dma2 semaphore(%run_scoped3A : memref<!tpu.dma_semaphore, #tpu.memory_space<semaphore_mem>>) src(%arg42 : memref<2048xf32, #tpu.memory_space<vmem>>) dst(%dma_wait3A_378 : memref<2048xf32, #tpu.memory_space<vmem_shared>>)
        tpu.yield
      }) : () -> ()
      %mul3A_50 = arith.constant 20480 : i32
      %mul3A_51 = arith.muli %arg1, %mul3A_50 : i32
      %add3A_52 = arith.constant 14336 : i32
      %add3A_53 = arith.addi %mul3A_51, %add3A_52 : i32
      "tpu.region"() ({
        %run_scoped3A = tpu.sem_alloc : memref<!tpu.dma_semaphore, #tpu.memory_space<semaphore_mem>>
        %dma_start3A = tpu.memref_slice %arg60[%add3A_53] : memref<327680xf32, #tpu.memory_space<vmem_shared>> -> memref<2048xf32, #tpu.memory_space<vmem_shared>>
        %dma_start3A_377 = tpu.memref_slice %arg60[%add3A_53] : memref<327680xf32, #tpu.memory_space<vmem_shared>> -> memref<2048xf32, #tpu.memory_space<vmem_shared>>
        tpu.enqueue_dma source(%arg42 : memref<2048xf32, #tpu.memory_space<vmem>>) target(%dma_start3A_377 : memref<2048xf32, #tpu.memory_space<vmem_shared>>) target_semaphore(%run_scoped3A : memref<!tpu.dma_semaphore, #tpu.memory_space<semaphore_mem>>)
        %dma_wait3A = tpu.memref_slice %arg60[%add3A_53] : memref<327680xf32, #tpu.memory_space<vmem_shared>> -> memref<2048xf32, #tpu.memory_space<vmem_shared>>
        %dma_wait3A_378 = tpu.memref_slice %arg60[%add3A_53] : memref<327680xf32, #tpu.memory_space<vmem_shared>> -> memref<2048xf32, #tpu.memory_space<vmem_shared>>
        tpu.wait_dma2 semaphore(%run_scoped3A : memref<!tpu.dma_semaphore, #tpu.memory_space<semaphore_mem>>) src(%arg42 : memref<2048xf32, #tpu.memory_space<vmem>>) dst(%dma_wait3A_378 : memref<2048xf32, #tpu.memory_space<vmem_shared>>)
        tpu.yield
      }) : () -> ()
      %mul3A_54 = arith.constant 20480 : i32
      %mul3A_55 = arith.muli %arg1, %mul3A_54 : i32
      %add3A_56 = arith.constant 16384 : i32
      %add3A_57 = arith.addi %mul3A_55, %add3A_56 : i32
      "tpu.region"() ({
        %run_scoped3A = tpu.sem_alloc : memref<!tpu.dma_semaphore, #tpu.memory_space<semaphore_mem>>
        %dma_start3A = tpu.memref_slice %arg60[%add3A_57] : memref<327680xf32, #tpu.memory_space<vmem_shared>> -> memref<2048xf32, #tpu.memory_space<vmem_shared>>
        %dma_start3A_377 = tpu.memref_slice %arg60[%add3A_57] : memref<327680xf32, #tpu.memory_space<vmem_shared>> -> memref<2048xf32, #tpu.memory_space<vmem_shared>>
        tpu.enqueue_dma source(%arg42 : memref<2048xf32, #tpu.memory_space<vmem>>) target(%dma_start3A_377 : memref<2048xf32, #tpu.memory_space<vmem_shared>>) target_semaphore(%run_scoped3A : memref<!tpu.dma_semaphore, #tpu.memory_space<semaphore_mem>>)
        %dma_wait3A = tpu.memref_slice %arg60[%add3A_57] : memref<327680xf32, #tpu.memory_space<vmem_shared>> -> memref<2048xf32, #tpu.memory_space<vmem_shared>>
        %dma_wait3A_378 = tpu.memref_slice %arg60[%add3A_57] : memref<327680xf32, #tpu.memory_space<vmem_shared>> -> memref<2048xf32, #tpu.memory_space<vmem_shared>>
        tpu.wait_dma2 semaphore(%run_scoped3A : memref<!tpu.dma_semaphore, #tpu.memory_space<semaphore_mem>>) src(%arg42 : memref<2048xf32, #tpu.memory_space<vmem>>) dst(%dma_wait3A_378 : memref<2048xf32, #tpu.memory_space<vmem_shared>>)
        tpu.yield
      }) : () -> ()
      %mul3A_58 = arith.constant 20480 : i32
      %mul3A_59 = arith.muli %arg1, %mul3A_58 : i32
      %add3A_60 = arith.constant 18432 : i32
      %add3A_61 = arith.addi %mul3A_59, %add3A_60 : i32
      "tpu.region"() ({
        %run_scoped3A = tpu.sem_alloc : memref<!tpu.dma_semaphore, #tpu.memory_space<semaphore_mem>>
        %dma_start3A = tpu.memref_slice %arg60[%add3A_61] : memref<327680xf32, #tpu.memory_space<vmem_shared>> -> memref<2048xf32, #tpu.memory_space<vmem_shared>>
        %dma_start3A_377 = tpu.memref_slice %arg60[%add3A_61] : memref<327680xf32, #tpu.memory_space<vmem_shared>> -> memref<2048xf32, #tpu.memory_space<vmem_shared>>
        tpu.enqueue_dma source(%arg42 : memref<2048xf32, #tpu.memory_space<vmem>>) target(%dma_start3A_377 : memref<2048xf32, #tpu.memory_space<vmem_shared>>) target_semaphore(%run_scoped3A : memref<!tpu.dma_semaphore, #tpu.memory_space<semaphore_mem>>)
        %dma_wait3A = tpu.memref_slice %arg60[%add3A_61] : memref<327680xf32, #tpu.memory_space<vmem_shared>> -> memref<2048xf32, #tpu.memory_space<vmem_shared>>
        %dma_wait3A_378 = tpu.memref_slice %arg60[%add3A_61] : memref<327680xf32, #tpu.memory_space<vmem_shared>> -> memref<2048xf32, #tpu.memory_space<vmem_shared>>
        tpu.wait_dma2 semaphore(%run_scoped3A : memref<!tpu.dma_semaphore, #tpu.memory_space<semaphore_mem>>) src(%arg42 : memref<2048xf32, #tpu.memory_space<vmem>>) dst(%dma_wait3A_378 : memref<2048xf32, #tpu.memory_space<vmem_shared>>)
        tpu.yield
      }) : () -> ()
      %mul3A_62 = arith.constant 4096 : i32
      %mul3A_63 = arith.muli %arg1, %mul3A_62 : i32
      %add3A_64 = arith.constant 0 : i32
      %add3A_65 = arith.addi %mul3A_63, %add3A_64 : i32
      "tpu.region"() ({
        %run_scoped3A = tpu.sem_alloc : memref<!tpu.dma_semaphore, #tpu.memory_space<semaphore_mem>>
        %dma_start3A = tpu.memref_slice %arg61[%add3A_65] : memref<65536xi32, #tpu.memory_space<vmem_shared>> -> memref<2048xi32, #tpu.memory_space<vmem_shared>>
        %dma_start3A_377 = tpu.memref_slice %arg61[%add3A_65] : memref<65536xi32, #tpu.memory_space<vmem_shared>> -> memref<2048xi32, #tpu.memory_space<vmem_shared>>
        tpu.enqueue_dma source(%arg44 : memref<2048xi32, #tpu.memory_space<vmem>>) target(%dma_start3A_377 : memref<2048xi32, #tpu.memory_space<vmem_shared>>) target_semaphore(%run_scoped3A : memref<!tpu.dma_semaphore, #tpu.memory_space<semaphore_mem>>)
        %dma_wait3A = tpu.memref_slice %arg61[%add3A_65] : memref<65536xi32, #tpu.memory_space<vmem_shared>> -> memref<2048xi32, #tpu.memory_space<vmem_shared>>
        %dma_wait3A_378 = tpu.memref_slice %arg61[%add3A_65] : memref<65536xi32, #tpu.memory_space<vmem_shared>> -> memref<2048xi32, #tpu.memory_space<vmem_shared>>
        tpu.wait_dma2 semaphore(%run_scoped3A : memref<!tpu.dma_semaphore, #tpu.memory_space<semaphore_mem>>) src(%arg44 : memref<2048xi32, #tpu.memory_space<vmem>>) dst(%dma_wait3A_378 : memref<2048xi32, #tpu.memory_space<vmem_shared>>)
        tpu.yield
      }) : () -> ()
      %mul3A_66 = arith.constant 4096 : i32
      %mul3A_67 = arith.muli %arg1, %mul3A_66 : i32
      %add3A_68 = arith.constant 2048 : i32
      %add3A_69 = arith.addi %mul3A_67, %add3A_68 : i32
      "tpu.region"() ({
        %run_scoped3A = tpu.sem_alloc : memref<!tpu.dma_semaphore, #tpu.memory_space<semaphore_mem>>
        %dma_start3A = tpu.memref_slice %arg61[%add3A_69] : memref<65536xi32, #tpu.memory_space<vmem_shared>> -> memref<2048xi32, #tpu.memory_space<vmem_shared>>
        %dma_start3A_377 = tpu.memref_slice %arg61[%add3A_69] : memref<65536xi32, #tpu.memory_space<vmem_shared>> -> memref<2048xi32, #tpu.memory_space<vmem_shared>>
        tpu.enqueue_dma source(%arg44 : memref<2048xi32, #tpu.memory_space<vmem>>) target(%dma_start3A_377 : memref<2048xi32, #tpu.memory_space<vmem_shared>>) target_semaphore(%run_scoped3A : memref<!tpu.dma_semaphore, #tpu.memory_space<semaphore_mem>>)
        %dma_wait3A = tpu.memref_slice %arg61[%add3A_69] : memref<65536xi32, #tpu.memory_space<vmem_shared>> -> memref<2048xi32, #tpu.memory_space<vmem_shared>>
        %dma_wait3A_378 = tpu.memref_slice %arg61[%add3A_69] : memref<65536xi32, #tpu.memory_space<vmem_shared>> -> memref<2048xi32, #tpu.memory_space<vmem_shared>>
        tpu.wait_dma2 semaphore(%run_scoped3A : memref<!tpu.dma_semaphore, #tpu.memory_space<semaphore_mem>>) src(%arg44 : memref<2048xi32, #tpu.memory_space<vmem>>) dst(%dma_wait3A_378 : memref<2048xi32, #tpu.memory_space<vmem_shared>>)
        tpu.yield
      }) : () -> ()
      %mul3A_70 = arith.constant 1024 : i32
      %mul3A_71 = arith.muli %arg1, %mul3A_70 : i32
      "tpu.region"() ({
        %run_scoped3A = tpu.sem_alloc : memref<!tpu.dma_semaphore, #tpu.memory_space<semaphore_mem>>
        %dma_start3A = arith.constant 0 : i32
        %dma_start3A_377 = tpu.memref_slice %arg43[%dma_start3A] : memref<2048xi32, #tpu.memory_space<vmem>> -> memref<1024xi32, #tpu.memory_space<vmem>>
        %dma_start3A_378 = tpu.memref_slice %arg62[%mul3A_71] : memref<16384xi32, #tpu.memory_space<vmem_shared>> -> memref<1024xi32, #tpu.memory_space<vmem_shared>>
        %dma_start3A_379 = tpu.memref_slice %arg62[%mul3A_71] : memref<16384xi32, #tpu.memory_space<vmem_shared>> -> memref<1024xi32, #tpu.memory_space<vmem_shared>>
        %dma_start3A_380 = arith.constant 0 : i32
        %dma_start3A_381 = tpu.memref_slice %arg43[%dma_start3A_380] : memref<2048xi32, #tpu.memory_space<vmem>> -> memref<1024xi32, #tpu.memory_space<vmem>>
        tpu.enqueue_dma source(%dma_start3A_381 : memref<1024xi32, #tpu.memory_space<vmem>>) target(%dma_start3A_379 : memref<1024xi32, #tpu.memory_space<vmem_shared>>) target_semaphore(%run_scoped3A : memref<!tpu.dma_semaphore, #tpu.memory_space<semaphore_mem>>)
        %dma_wait3A = arith.constant 0 : i32
        %dma_wait3A_382 = tpu.memref_slice %arg43[%dma_wait3A] : memref<2048xi32, #tpu.memory_space<vmem>> -> memref<1024xi32, #tpu.memory_space<vmem>>
        %dma_wait3A_383 = tpu.memref_slice %arg62[%mul3A_71] : memref<16384xi32, #tpu.memory_space<vmem_shared>> -> memref<1024xi32, #tpu.memory_space<vmem_shared>>
        %dma_wait3A_384 = tpu.memref_slice %arg62[%mul3A_71] : memref<16384xi32, #tpu.memory_space<vmem_shared>> -> memref<1024xi32, #tpu.memory_space<vmem_shared>>
        %dma_wait3A_385 = arith.constant 0 : i32
        %dma_wait3A_386 = tpu.memref_slice %arg43[%dma_wait3A_385] : memref<2048xi32, #tpu.memory_space<vmem>> -> memref<1024xi32, #tpu.memory_space<vmem>>
        tpu.wait_dma2 semaphore(%run_scoped3A : memref<!tpu.dma_semaphore, #tpu.memory_space<semaphore_mem>>) src(%dma_wait3A_386 : memref<1024xi32, #tpu.memory_space<vmem>>) dst(%dma_wait3A_384 : memref<1024xi32, #tpu.memory_space<vmem_shared>>)
        tpu.yield
      }) : () -> ()
      %scan3A_72 = arith.constant 0 : i32
      %scan3A_73 = arith.constant 0 : i32
      %scan3A_74 = arith.constant 3 : i32
      %scan3A_75 = arith.addi %scan3A_73, %scan3A_74 : i32
      %scan3A_76 = arith.constant 1 : i32
      %scan3A_77 = scf.for %scan3A_377 = %scan3A_73 to %scan3A_75 step %scan3A_76 iter_args(%scan3A_378 = %scan3A_72) -> (i32)  : i32 {
        %mul3A_379 = arith.constant 9 : i32
        %mul3A_380 = arith.muli %scan3A_377, %mul3A_379 : i32
        %add3A_381 = vector.broadcast %mul3A_380 : i32 to vector<16xi32>
        %add3A_382 = arith.addi %broadcast_in_dim3A_0, %add3A_381 : vector<16xi32>
        "tpu.region"() ({
          %run_scoped3A = tpu.sem_alloc : memref<!tpu.dma_semaphore, #tpu.memory_space<semaphore_mem>>
          %dma_start3A = tpu.memref_slice %arg50[%mul3A_1] : memref<32768xi32, #tpu.memory_space<vmem_shared>> -> memref<2048xi32, #tpu.memory_space<vmem_shared>>
          %dma_start3A_537 = tpu.memref_slice %arg50[%mul3A_1] : memref<32768xi32, #tpu.memory_space<vmem_shared>> -> memref<2048xi32, #tpu.memory_space<vmem_shared>>
          tpu.enqueue_dma source(%dma_start3A_537 : memref<2048xi32, #tpu.memory_space<vmem_shared>>) target(%arg13 : memref<2048xi32, #tpu.memory_space<vmem>>) target_semaphore(%run_scoped3A : memref<!tpu.dma_semaphore, #tpu.memory_space<semaphore_mem>>)
          %dma_wait3A = tpu.memref_slice %arg50[%mul3A_1] : memref<32768xi32, #tpu.memory_space<vmem_shared>> -> memref<2048xi32, #tpu.memory_space<vmem_shared>>
          %dma_wait3A_538 = tpu.memref_slice %arg50[%mul3A_1] : memref<32768xi32, #tpu.memory_space<vmem_shared>> -> memref<2048xi32, #tpu.memory_space<vmem_shared>>
          tpu.wait_dma2 semaphore(%run_scoped3A : memref<!tpu.dma_semaphore, #tpu.memory_space<semaphore_mem>>) src(%dma_wait3A_538 : memref<2048xi32, #tpu.memory_space<vmem_shared>>) dst(%arg13 : memref<2048xi32, #tpu.memory_space<vmem>>)
          tpu.yield
        }) : () -> ()
        "tpu.region"() ({
          %run_scoped3A = tpu.sem_alloc : memref<!tpu.dma_semaphore, #tpu.memory_space<semaphore_mem>>
          %dma_start3A = tpu.memref_slice %arg51[%mul3A_1] : memref<32768xi32, #tpu.memory_space<vmem_shared>> -> memref<2048xi32, #tpu.memory_space<vmem_shared>>
          %dma_start3A_537 = tpu.memref_slice %arg51[%mul3A_1] : memref<32768xi32, #tpu.memory_space<vmem_shared>> -> memref<2048xi32, #tpu.memory_space<vmem_shared>>
          tpu.enqueue_dma source(%dma_start3A_537 : memref<2048xi32, #tpu.memory_space<vmem_shared>>) target(%arg14 : memref<2048xi32, #tpu.memory_space<vmem>>) target_semaphore(%run_scoped3A : memref<!tpu.dma_semaphore, #tpu.memory_space<semaphore_mem>>)
          %dma_wait3A = tpu.memref_slice %arg51[%mul3A_1] : memref<32768xi32, #tpu.memory_space<vmem_shared>> -> memref<2048xi32, #tpu.memory_space<vmem_shared>>
          %dma_wait3A_538 = tpu.memref_slice %arg51[%mul3A_1] : memref<32768xi32, #tpu.memory_space<vmem_shared>> -> memref<2048xi32, #tpu.memory_space<vmem_shared>>
          tpu.wait_dma2 semaphore(%run_scoped3A : memref<!tpu.dma_semaphore, #tpu.memory_space<semaphore_mem>>) src(%dma_wait3A_538 : memref<2048xi32, #tpu.memory_space<vmem_shared>>) dst(%arg14 : memref<2048xi32, #tpu.memory_space<vmem>>)
          tpu.yield
        }) : () -> ()
        %swap3A_383 = arith.constant 0 : index
        %swap3A_384 = tpu.vector_load %arg19[%swap3A_383] {strides = array<i32>} : memref<512xi32, #tpu.memory_space<vmem>>, vector<16xi32>,
        tpu.vector_store %arg19[%swap3A_383], %broadcast_in_dim3A_0 {strides = array<i32>} : memref<512xi32, #tpu.memory_space<vmem>>, vector<16xi32>,
        %swap3A_385 = arith.constant 16 : index
        %swap3A_386 = tpu.vector_load %arg19[%swap3A_385] {strides = array<i32>} : memref<512xi32, #tpu.memory_space<vmem>>, vector<16xi32>,
        tpu.vector_store %arg19[%swap3A_385], %broadcast_in_dim3A_0 {strides = array<i32>} : memref<512xi32, #tpu.memory_space<vmem>>, vector<16xi32>,
        %swap3A_387 = arith.constant 32 : index
        %swap3A_388 = tpu.vector_load %arg19[%swap3A_387] {strides = array<i32>} : memref<512xi32, #tpu.memory_space<vmem>>, vector<16xi32>,
        tpu.vector_store %arg19[%swap3A_387], %broadcast_in_dim3A_0 {strides = array<i32>} : memref<512xi32, #tpu.memory_space<vmem>>, vector<16xi32>,
        %swap3A_389 = arith.constant 48 : index
        %swap3A_390 = tpu.vector_load %arg19[%swap3A_389] {strides = array<i32>} : memref<512xi32, #tpu.memory_space<vmem>>, vector<16xi32>,
        tpu.vector_store %arg19[%swap3A_389], %broadcast_in_dim3A_0 {strides = array<i32>} : memref<512xi32, #tpu.memory_space<vmem>>, vector<16xi32>,
        %swap3A_391 = arith.constant 64 : index
        %swap3A_392 = tpu.vector_load %arg19[%swap3A_391] {strides = array<i32>} : memref<512xi32, #tpu.memory_space<vmem>>, vector<16xi32>,
        tpu.vector_store %arg19[%swap3A_391], %broadcast_in_dim3A_0 {strides = array<i32>} : memref<512xi32, #tpu.memory_space<vmem>>, vector<16xi32>,
        %swap3A_393 = arith.constant 80 : index
        %swap3A_394 = tpu.vector_load %arg19[%swap3A_393] {strides = array<i32>} : memref<512xi32, #tpu.memory_space<vmem>>, vector<16xi32>,
        tpu.vector_store %arg19[%swap3A_393], %broadcast_in_dim3A_0 {strides = array<i32>} : memref<512xi32, #tpu.memory_space<vmem>>, vector<16xi32>,
        %swap3A_395 = arith.constant 96 : index
        %swap3A_396 = tpu.vector_load %arg19[%swap3A_395] {strides = array<i32>} : memref<512xi32, #tpu.memory_space<vmem>>, vector<16xi32>,
        tpu.vector_store %arg19[%swap3A_395], %broadcast_in_dim3A_0 {strides = array<i32>} : memref<512xi32, #tpu.memory_space<vmem>>, vector<16xi32>,
        %swap3A_397 = arith.constant 112 : index
        %swap3A_398 = tpu.vector_load %arg19[%swap3A_397] {strides = array<i32>} : memref<512xi32, #tpu.memory_space<vmem>>, vector<16xi32>,
        tpu.vector_store %arg19[%swap3A_397], %broadcast_in_dim3A_0 {strides = array<i32>} : memref<512xi32, #tpu.memory_space<vmem>>, vector<16xi32>,
        %swap3A_399 = arith.constant 128 : index
        %swap3A_400 = tpu.vector_load %arg19[%swap3A_399] {strides = array<i32>} : memref<512xi32, #tpu.memory_space<vmem>>, vector<16xi32>,
        tpu.vector_store %arg19[%swap3A_399], %broadcast_in_dim3A_0 {strides = array<i32>} : memref<512xi32, #tpu.memory_space<vmem>>, vector<16xi32>,
        %swap3A_401 = arith.constant 144 : index
        %swap3A_402 = tpu.vector_load %arg19[%swap3A_401] {strides = array<i32>} : memref<512xi32, #tpu.memory_space<vmem>>, vector<16xi32>,
        tpu.vector_store %arg19[%swap3A_401], %broadcast_in_dim3A_0 {strides = array<i32>} : memref<512xi32, #tpu.memory_space<vmem>>, vector<16xi32>,
        %swap3A_403 = arith.constant 160 : index
        %swap3A_404 = tpu.vector_load %arg19[%swap3A_403] {strides = array<i32>} : memref<512xi32, #tpu.memory_space<vmem>>, vector<16xi32>,
        tpu.vector_store %arg19[%swap3A_403], %broadcast_in_dim3A_0 {strides = array<i32>} : memref<512xi32, #tpu.memory_space<vmem>>, vector<16xi32>,
        %swap3A_405 = arith.constant 176 : index
        %swap3A_406 = tpu.vector_load %arg19[%swap3A_405] {strides = array<i32>} : memref<512xi32, #tpu.memory_space<vmem>>, vector<16xi32>,
        tpu.vector_store %arg19[%swap3A_405], %broadcast_in_dim3A_0 {strides = array<i32>} : memref<512xi32, #tpu.memory_space<vmem>>, vector<16xi32>,
        %swap3A_407 = arith.constant 192 : index
        %swap3A_408 = tpu.vector_load %arg19[%swap3A_407] {strides = array<i32>} : memref<512xi32, #tpu.memory_space<vmem>>, vector<16xi32>,
        tpu.vector_store %arg19[%swap3A_407], %broadcast_in_dim3A_0 {strides = array<i32>} : memref<512xi32, #tpu.memory_space<vmem>>, vector<16xi32>,
        %swap3A_409 = arith.constant 208 : index
        %swap3A_410 = tpu.vector_load %arg19[%swap3A_409] {strides = array<i32>} : memref<512xi32, #tpu.memory_space<vmem>>, vector<16xi32>,
        tpu.vector_store %arg19[%swap3A_409], %broadcast_in_dim3A_0 {strides = array<i32>} : memref<512xi32, #tpu.memory_space<vmem>>, vector<16xi32>,
        %swap3A_411 = arith.constant 224 : index
        %swap3A_412 = tpu.vector_load %arg19[%swap3A_411] {strides = array<i32>} : memref<512xi32, #tpu.memory_space<vmem>>, vector<16xi32>,
        tpu.vector_store %arg19[%swap3A_411], %broadcast_in_dim3A_0 {strides = array<i32>} : memref<512xi32, #tpu.memory_space<vmem>>, vector<16xi32>,
        %swap3A_413 = arith.constant 240 : index
        %swap3A_414 = tpu.vector_load %arg19[%swap3A_413] {strides = array<i32>} : memref<512xi32, #tpu.memory_space<vmem>>, vector<16xi32>,
        tpu.vector_store %arg19[%swap3A_413], %broadcast_in_dim3A_0 {strides = array<i32>} : memref<512xi32, #tpu.memory_space<vmem>>, vector<16xi32>,
        %swap3A_415 = arith.constant 256 : index
        %swap3A_416 = tpu.vector_load %arg19[%swap3A_415] {strides = array<i32>} : memref<512xi32, #tpu.memory_space<vmem>>, vector<16xi32>,
        tpu.vector_store %arg19[%swap3A_415], %broadcast_in_dim3A_0 {strides = array<i32>} : memref<512xi32, #tpu.memory_space<vmem>>, vector<16xi32>,
        %swap3A_417 = arith.constant 272 : index
        %swap3A_418 = tpu.vector_load %arg19[%swap3A_417] {strides = array<i32>} : memref<512xi32, #tpu.memory_space<vmem>>, vector<16xi32>,
        tpu.vector_store %arg19[%swap3A_417], %broadcast_in_dim3A_0 {strides = array<i32>} : memref<512xi32, #tpu.memory_space<vmem>>, vector<16xi32>,
        %swap3A_419 = arith.constant 288 : index
        %swap3A_420 = tpu.vector_load %arg19[%swap3A_419] {strides = array<i32>} : memref<512xi32, #tpu.memory_space<vmem>>, vector<16xi32>,
        tpu.vector_store %arg19[%swap3A_419], %broadcast_in_dim3A_0 {strides = array<i32>} : memref<512xi32, #tpu.memory_space<vmem>>, vector<16xi32>,
        %swap3A_421 = arith.constant 304 : index
        %swap3A_422 = tpu.vector_load %arg19[%swap3A_421] {strides = array<i32>} : memref<512xi32, #tpu.memory_space<vmem>>, vector<16xi32>,
        tpu.vector_store %arg19[%swap3A_421], %broadcast_in_dim3A_0 {strides = array<i32>} : memref<512xi32, #tpu.memory_space<vmem>>, vector<16xi32>,
        %swap3A_423 = arith.constant 320 : index
        %swap3A_424 = tpu.vector_load %arg19[%swap3A_423] {strides = array<i32>} : memref<512xi32, #tpu.memory_space<vmem>>, vector<16xi32>,
        tpu.vector_store %arg19[%swap3A_423], %broadcast_in_dim3A_0 {strides = array<i32>} : memref<512xi32, #tpu.memory_space<vmem>>, vector<16xi32>,
        %swap3A_425 = arith.constant 336 : index
        %swap3A_426 = tpu.vector_load %arg19[%swap3A_425] {strides = array<i32>} : memref<512xi32, #tpu.memory_space<vmem>>, vector<16xi32>,
        tpu.vector_store %arg19[%swap3A_425], %broadcast_in_dim3A_0 {strides = array<i32>} : memref<512xi32, #tpu.memory_space<vmem>>, vector<16xi32>,
        %swap3A_427 = arith.constant 352 : index
        %swap3A_428 = tpu.vector_load %arg19[%swap3A_427] {strides = array<i32>} : memref<512xi32, #tpu.memory_space<vmem>>, vector<16xi32>,
        tpu.vector_store %arg19[%swap3A_427], %broadcast_in_dim3A_0 {strides = array<i32>} : memref<512xi32, #tpu.memory_space<vmem>>, vector<16xi32>,
        %swap3A_429 = arith.constant 368 : index
        %swap3A_430 = tpu.vector_load %arg19[%swap3A_429] {strides = array<i32>} : memref<512xi32, #tpu.memory_space<vmem>>, vector<16xi32>,
        tpu.vector_store %arg19[%swap3A_429], %broadcast_in_dim3A_0 {strides = array<i32>} : memref<512xi32, #tpu.memory_space<vmem>>, vector<16xi32>,
        %swap3A_431 = arith.constant 384 : index
        %swap3A_432 = tpu.vector_load %arg19[%swap3A_431] {strides = array<i32>} : memref<512xi32, #tpu.memory_space<vmem>>, vector<16xi32>,
        tpu.vector_store %arg19[%swap3A_431], %broadcast_in_dim3A_0 {strides = array<i32>} : memref<512xi32, #tpu.memory_space<vmem>>, vector<16xi32>,
        %swap3A_433 = arith.constant 400 : index
        %swap3A_434 = tpu.vector_load %arg19[%swap3A_433] {strides = array<i32>} : memref<512xi32, #tpu.memory_space<vmem>>, vector<16xi32>,
        tpu.vector_store %arg19[%swap3A_433], %broadcast_in_dim3A_0 {strides = array<i32>} : memref<512xi32, #tpu.memory_space<vmem>>, vector<16xi32>,
        %swap3A_435 = arith.constant 416 : index
        %swap3A_436 = tpu.vector_load %arg19[%swap3A_435] {strides = array<i32>} : memref<512xi32, #tpu.memory_space<vmem>>, vector<16xi32>,
        tpu.vector_store %arg19[%swap3A_435], %broadcast_in_dim3A_0 {strides = array<i32>} : memref<512xi32, #tpu.memory_space<vmem>>, vector<16xi32>,
        %swap3A_437 = arith.constant 432 : index
        %swap3A_438 = tpu.vector_load %arg19[%swap3A_437] {strides = array<i32>} : memref<512xi32, #tpu.memory_space<vmem>>, vector<16xi32>,
        tpu.vector_store %arg19[%swap3A_437], %broadcast_in_dim3A_0 {strides = array<i32>} : memref<512xi32, #tpu.memory_space<vmem>>, vector<16xi32>,
        %swap3A_439 = arith.constant 448 : index
        %swap3A_440 = tpu.vector_load %arg19[%swap3A_439] {strides = array<i32>} : memref<512xi32, #tpu.memory_space<vmem>>, vector<16xi32>,
        tpu.vector_store %arg19[%swap3A_439], %broadcast_in_dim3A_0 {strides = array<i32>} : memref<512xi32, #tpu.memory_space<vmem>>, vector<16xi32>,
        %swap3A_441 = arith.constant 464 : index
        %swap3A_442 = tpu.vector_load %arg19[%swap3A_441] {strides = array<i32>} : memref<512xi32, #tpu.memory_space<vmem>>, vector<16xi32>,
        tpu.vector_store %arg19[%swap3A_441], %broadcast_in_dim3A_0 {strides = array<i32>} : memref<512xi32, #tpu.memory_space<vmem>>, vector<16xi32>,
        %swap3A_443 = arith.constant 480 : index
        %swap3A_444 = tpu.vector_load %arg19[%swap3A_443] {strides = array<i32>} : memref<512xi32, #tpu.memory_space<vmem>>, vector<16xi32>,
        tpu.vector_store %arg19[%swap3A_443], %broadcast_in_dim3A_0 {strides = array<i32>} : memref<512xi32, #tpu.memory_space<vmem>>, vector<16xi32>,
        %swap3A_445 = arith.constant 496 : index
        %swap3A_446 = tpu.vector_load %arg19[%swap3A_445] {strides = array<i32>} : memref<512xi32, #tpu.memory_space<vmem>>, vector<16xi32>,
        tpu.vector_store %arg19[%swap3A_445], %broadcast_in_dim3A_0 {strides = array<i32>} : memref<512xi32, #tpu.memory_space<vmem>>, vector<16xi32>,
        %scan3A_447 = arith.constant 0 : i32
        %scan3A_448 = arith.constant 0 : i32
        %scan3A_449 = arith.constant 128 : i32
        %scan3A_450 = arith.addi %scan3A_448, %scan3A_449 : i32
        %scan3A_451 = arith.constant 1 : i32
        %scan3A_452 = scf.for %scan3A_537 = %scan3A_448 to %scan3A_450 step %scan3A_451 iter_args(%scan3A_538 = %scan3A_447) -> (i32)  : i32 {
          %mul3A_539 = arith.constant 16 : i32
          %mul3A_540 = arith.muli %scan3A_537, %mul3A_539 : i32
          %add3A_541 = vector.broadcast %mul3A_540 : i32 to vector<16xi32>
          %add3A_542 = arith.addi %add3A_541, %iota3A : vector<16xi32>
          %gather3A_543 = tpu.vector_load_idx %arg13[%add3A_542] : memref<2048xi32, #tpu.memory_space<vmem>>[vector<16xi32>], vector<16xi32>,
          %shift_right_arithmetic3A = arith.shrsi %gather3A_543, %add3A_382 : vector<16xi32>
          %and3A = arith.constant 511 : i32
          %and3A_544 = vector.broadcast %and3A : i32 to vector<16xi32>
          %and3A_545 = arith.andi %shift_right_arithmetic3A, %and3A_544 : vector<16xi32>
          %sub3A_546 = arith.constant 1 : i32
          %sub3A_547 = vector.broadcast %sub3A_546 : i32 to vector<16xi32>
          %sub3A_548 = arith.subi %iota3A, %sub3A_547 : vector<16xi32>
          %max3A_549 = arith.constant 0 : i32
          %max3A_550 = vector.broadcast %max3A_549 : i32 to vector<16xi32>
          %max3A_551 = arith.maxsi %sub3A_548, %max3A_550 : vector<16xi32>
          %lt3A_552 = arith.constant 0 : i32
          %lt3A_553 = vector.broadcast %lt3A_552 : i32 to vector<16xi32>
          %lt3A_554 = arith.cmpi slt, %max3A_551, %lt3A_553 : vector<16xi32>
          %add3A_555 = arith.constant 16 : i32
          %add3A_556 = vector.broadcast %add3A_555 : i32 to vector<16xi32>
          %add3A_557 = arith.addi %max3A_551, %add3A_556 : vector<16xi32>
          %select_n3A_558 = arith.select %lt3A_554, %add3A_557, %max3A_551 : vector<16xi1>, vector<16xi32>
          %broadcast_in_dim3A_559 = vector.shape_cast %select_n3A_558 : vector<16xi32> to vector<16x1xi32>
          %gather3A_560 = vector.shape_cast %broadcast_in_dim3A_559 : vector<16x1xi32> to vector<16xi32>
          %gather3A_561 = tpu.dynamic_gather %and3A_545[%gather3A_560] in [0] : vector<16xi32>, vector<16xi32> -> vector<16xi32>
          %ge3A_562 = arith.constant 1 : i32
          %ge3A_563 = vector.broadcast %ge3A_562 : i32 to vector<16xi32>
          %ge3A_564 = arith.cmpi sge, %iota3A, %ge3A_563 : vector<16xi32>
          %jit3A_565 = arith.constant -1 : i32
          %broadcast_in_dim3A_566 = vector.broadcast %jit3A_565 : i32 to vector<16xi32>
          %select_n3A_567 = arith.select %ge3A_564, %gather3A_561, %broadcast_in_dim3A_566 : vector<16xi1>, vector<16xi32>
          %eq3A = arith.cmpi eq, %select_n3A_567, %and3A_545 : vector<16xi32>
          %jit3A_568 = arith.constant 1 : i32
          %jit3A_569 = arith.constant 0 : i32
          %broadcast_in_dim3A_570 = vector.broadcast %jit3A_568 : i32 to vector<16xi32>
          %broadcast_in_dim3A_571 = vector.broadcast %jit3A_569 : i32 to vector<16xi32>
          %select_n3A_572 = arith.select %eq3A, %broadcast_in_dim3A_570, %broadcast_in_dim3A_571 : vector<16xi1>, vector<16xi32>
          %add3A_573 = arith.addi %broadcast_in_dim3A_0, %select_n3A_572 : vector<16xi32>
          %add3A_574 = arith.constant 1 : i32
          %add3A_575 = vector.broadcast %add3A_574 : i32 to vector<16xi32>
          %add3A_576 = arith.addi %iota3A, %add3A_575 : vector<16xi32>
          %min3A = arith.constant 15 : i32
          %min3A_577 = vector.broadcast %min3A : i32 to vector<16xi32>
          %min3A_578 = arith.minsi %add3A_576, %min3A_577 : vector<16xi32>
          %lt3A_579 = arith.constant 0 : i32
          %lt3A_580 = vector.broadcast %lt3A_579 : i32 to vector<16xi32>
          %lt3A_581 = arith.cmpi slt, %min3A_578, %lt3A_580 : vector<16xi32>
          %add3A_582 = arith.constant 16 : i32
          %add3A_583 = vector.broadcast %add3A_582 : i32 to vector<16xi32>
          %add3A_584 = arith.addi %min3A_578, %add3A_583 : vector<16xi32>
          %select_n3A_585 = arith.select %lt3A_581, %add3A_584, %min3A_578 : vector<16xi1>, vector<16xi32>
          %broadcast_in_dim3A_586 = vector.shape_cast %select_n3A_585 : vector<16xi32> to vector<16x1xi32>
          %gather3A_587 = vector.shape_cast %broadcast_in_dim3A_586 : vector<16x1xi32> to vector<16xi32>
          %gather3A_588 = tpu.dynamic_gather %and3A_545[%gather3A_587] in [0] : vector<16xi32>, vector<16xi32> -> vector<16xi32>
          %add3A_589 = arith.constant 1 : i32
          %add3A_590 = vector.broadcast %add3A_589 : i32 to vector<16xi32>
          %add3A_591 = arith.addi %iota3A, %add3A_590 : vector<16xi32>
          %le3A = arith.constant 15 : i32
          %le3A_592 = vector.broadcast %le3A : i32 to vector<16xi32>
          %le3A_593 = arith.cmpi sle, %add3A_591, %le3A_592 : vector<16xi32>
          %jit3A_594 = arith.constant -2 : i32
          %broadcast_in_dim3A_595 = vector.broadcast %jit3A_594 : i32 to vector<16xi32>
          %select_n3A_596 = arith.select %le3A_593, %gather3A_588, %broadcast_in_dim3A_595 : vector<16xi1>, vector<16xi32>
          %eq3A_597 = arith.cmpi eq, %select_n3A_596, %and3A_545 : vector<16xi32>
          %jit3A_598 = arith.constant 1 : i32
          %jit3A_599 = arith.constant 0 : i32
          %broadcast_in_dim3A_600 = vector.broadcast %jit3A_598 : i32 to vector<16xi32>
          %broadcast_in_dim3A_601 = vector.broadcast %jit3A_599 : i32 to vector<16xi32>
          %select_n3A_602 = arith.select %eq3A_597, %broadcast_in_dim3A_600, %broadcast_in_dim3A_601 : vector<16xi1>, vector<16xi32>
          %add3A_603 = arith.addi %broadcast_in_dim3A_0, %select_n3A_602 : vector<16xi32>
          %sub3A_604 = arith.constant 2 : i32
          %sub3A_605 = vector.broadcast %sub3A_604 : i32 to vector<16xi32>
          %sub3A_606 = arith.subi %iota3A, %sub3A_605 : vector<16xi32>
          %max3A_607 = arith.constant 0 : i32
          %max3A_608 = vector.broadcast %max3A_607 : i32 to vector<16xi32>
          %max3A_609 = arith.maxsi %sub3A_606, %max3A_608 : vector<16xi32>
          %lt3A_610 = arith.constant 0 : i32
          %lt3A_611 = vector.broadcast %lt3A_610 : i32 to vector<16xi32>
          %lt3A_612 = arith.cmpi slt, %max3A_609, %lt3A_611 : vector<16xi32>
          %add3A_613 = arith.constant 16 : i32
          %add3A_614 = vector.broadcast %add3A_613 : i32 to vector<16xi32>
          %add3A_615 = arith.addi %max3A_609, %add3A_614 : vector<16xi32>
          %select_n3A_616 = arith.select %lt3A_612, %add3A_615, %max3A_609 : vector<16xi1>, vector<16xi32>
          %broadcast_in_dim3A_617 = vector.shape_cast %select_n3A_616 : vector<16xi32> to vector<16x1xi32>
          %gather3A_618 = vector.shape_cast %broadcast_in_dim3A_617 : vector<16x1xi32> to vector<16xi32>
          %gather3A_619 = tpu.dynamic_gather %and3A_545[%gather3A_618] in [0] : vector<16xi32>, vector<16xi32> -> vector<16xi32>
          %ge3A_620 = arith.constant 2 : i32
          %ge3A_621 = vector.broadcast %ge3A_620 : i32 to vector<16xi32>
          %ge3A_622 = arith.cmpi sge, %iota3A, %ge3A_621 : vector<16xi32>
          %jit3A_623 = arith.constant -1 : i32
          %broadcast_in_dim3A_624 = vector.broadcast %jit3A_623 : i32 to vector<16xi32>
          %select_n3A_625 = arith.select %ge3A_622, %gather3A_619, %broadcast_in_dim3A_624 : vector<16xi1>, vector<16xi32>
          %eq3A_626 = arith.cmpi eq, %select_n3A_625, %and3A_545 : vector<16xi32>
          %jit3A_627 = arith.constant 1 : i32
          %jit3A_628 = arith.constant 0 : i32
          %broadcast_in_dim3A_629 = vector.broadcast %jit3A_627 : i32 to vector<16xi32>
          %broadcast_in_dim3A_630 = vector.broadcast %jit3A_628 : i32 to vector<16xi32>
          %select_n3A_631 = arith.select %eq3A_626, %broadcast_in_dim3A_629, %broadcast_in_dim3A_630 : vector<16xi1>, vector<16xi32>
          %add3A_632 = arith.addi %add3A_573, %select_n3A_631 : vector<16xi32>
          %add3A_633 = arith.constant 2 : i32
          %add3A_634 = vector.broadcast %add3A_633 : i32 to vector<16xi32>
          %add3A_635 = arith.addi %iota3A, %add3A_634 : vector<16xi32>
          %min3A_636 = arith.constant 15 : i32
          %min3A_637 = vector.broadcast %min3A_636 : i32 to vector<16xi32>
          %min3A_638 = arith.minsi %add3A_635, %min3A_637 : vector<16xi32>
          %lt3A_639 = arith.constant 0 : i32
          %lt3A_640 = vector.broadcast %lt3A_639 : i32 to vector<16xi32>
          %lt3A_641 = arith.cmpi slt, %min3A_638, %lt3A_640 : vector<16xi32>
          %add3A_642 = arith.constant 16 : i32
          %add3A_643 = vector.broadcast %add3A_642 : i32 to vector<16xi32>
          %add3A_644 = arith.addi %min3A_638, %add3A_643 : vector<16xi32>
          %select_n3A_645 = arith.select %lt3A_641, %add3A_644, %min3A_638 : vector<16xi1>, vector<16xi32>
          %broadcast_in_dim3A_646 = vector.shape_cast %select_n3A_645 : vector<16xi32> to vector<16x1xi32>
          %gather3A_647 = vector.shape_cast %broadcast_in_dim3A_646 : vector<16x1xi32> to vector<16xi32>
          %gather3A_648 = tpu.dynamic_gather %and3A_545[%gather3A_647] in [0] : vector<16xi32>, vector<16xi32> -> vector<16xi32>
          %add3A_649 = arith.constant 2 : i32
          %add3A_650 = vector.broadcast %add3A_649 : i32 to vector<16xi32>
          %add3A_651 = arith.addi %iota3A, %add3A_650 : vector<16xi32>
          %le3A_652 = arith.constant 15 : i32
          %le3A_653 = vector.broadcast %le3A_652 : i32 to vector<16xi32>
          %le3A_654 = arith.cmpi sle, %add3A_651, %le3A_653 : vector<16xi32>
          %jit3A_655 = arith.constant -2 : i32
          %broadcast_in_dim3A_656 = vector.broadcast %jit3A_655 : i32 to vector<16xi32>
          %select_n3A_657 = arith.select %le3A_654, %gather3A_648, %broadcast_in_dim3A_656 : vector<16xi1>, vector<16xi32>
          %eq3A_658 = arith.cmpi eq, %select_n3A_657, %and3A_545 : vector<16xi32>
          %jit3A_659 = arith.constant 1 : i32
          %jit3A_660 = arith.constant 0 : i32
          %broadcast_in_dim3A_661 = vector.broadcast %jit3A_659 : i32 to vector<16xi32>
          %broadcast_in_dim3A_662 = vector.broadcast %jit3A_660 : i32 to vector<16xi32>
          %select_n3A_663 = arith.select %eq3A_658, %broadcast_in_dim3A_661, %broadcast_in_dim3A_662 : vector<16xi1>, vector<16xi32>
          %add3A_664 = arith.addi %add3A_603, %select_n3A_663 : vector<16xi32>
          %sub3A_665 = arith.constant 3 : i32
          %sub3A_666 = vector.broadcast %sub3A_665 : i32 to vector<16xi32>
          %sub3A_667 = arith.subi %iota3A, %sub3A_666 : vector<16xi32>
          %max3A_668 = arith.constant 0 : i32
          %max3A_669 = vector.broadcast %max3A_668 : i32 to vector<16xi32>
          %max3A_670 = arith.maxsi %sub3A_667, %max3A_669 : vector<16xi32>
          %lt3A_671 = arith.constant 0 : i32
          %lt3A_672 = vector.broadcast %lt3A_671 : i32 to vector<16xi32>
          %lt3A_673 = arith.cmpi slt, %max3A_670, %lt3A_672 : vector<16xi32>
          %add3A_674 = arith.constant 16 : i32
          %add3A_675 = vector.broadcast %add3A_674 : i32 to vector<16xi32>
          %add3A_676 = arith.addi %max3A_670, %add3A_675 : vector<16xi32>
          %select_n3A_677 = arith.select %lt3A_673, %add3A_676, %max3A_670 : vector<16xi1>, vector<16xi32>
          %broadcast_in_dim3A_678 = vector.shape_cast %select_n3A_677 : vector<16xi32> to vector<16x1xi32>
          %gather3A_679 = vector.shape_cast %broadcast_in_dim3A_678 : vector<16x1xi32> to vector<16xi32>
          %gather3A_680 = tpu.dynamic_gather %and3A_545[%gather3A_679] in [0] : vector<16xi32>, vector<16xi32> -> vector<16xi32>
          %ge3A_681 = arith.constant 3 : i32
          %ge3A_682 = vector.broadcast %ge3A_681 : i32 to vector<16xi32>
          %ge3A_683 = arith.cmpi sge, %iota3A, %ge3A_682 : vector<16xi32>
          %jit3A_684 = arith.constant -1 : i32
          %broadcast_in_dim3A_685 = vector.broadcast %jit3A_684 : i32 to vector<16xi32>
          %select_n3A_686 = arith.select %ge3A_683, %gather3A_680, %broadcast_in_dim3A_685 : vector<16xi1>, vector<16xi32>
          %eq3A_687 = arith.cmpi eq, %select_n3A_686, %and3A_545 : vector<16xi32>
          %jit3A_688 = arith.constant 1 : i32
          %jit3A_689 = arith.constant 0 : i32
          %broadcast_in_dim3A_690 = vector.broadcast %jit3A_688 : i32 to vector<16xi32>
          %broadcast_in_dim3A_691 = vector.broadcast %jit3A_689 : i32 to vector<16xi32>
          %select_n3A_692 = arith.select %eq3A_687, %broadcast_in_dim3A_690, %broadcast_in_dim3A_691 : vector<16xi1>, vector<16xi32>
          %add3A_693 = arith.addi %add3A_632, %select_n3A_692 : vector<16xi32>
          %add3A_694 = arith.constant 3 : i32
          %add3A_695 = vector.broadcast %add3A_694 : i32 to vector<16xi32>
          %add3A_696 = arith.addi %iota3A, %add3A_695 : vector<16xi32>
          %min3A_697 = arith.constant 15 : i32
          %min3A_698 = vector.broadcast %min3A_697 : i32 to vector<16xi32>
          %min3A_699 = arith.minsi %add3A_696, %min3A_698 : vector<16xi32>
          %lt3A_700 = arith.constant 0 : i32
          %lt3A_701 = vector.broadcast %lt3A_700 : i32 to vector<16xi32>
          %lt3A_702 = arith.cmpi slt, %min3A_699, %lt3A_701 : vector<16xi32>
          %add3A_703 = arith.constant 16 : i32
          %add3A_704 = vector.broadcast %add3A_703 : i32 to vector<16xi32>
          %add3A_705 = arith.addi %min3A_699, %add3A_704 : vector<16xi32>
          %select_n3A_706 = arith.select %lt3A_702, %add3A_705, %min3A_699 : vector<16xi1>, vector<16xi32>
          %broadcast_in_dim3A_707 = vector.shape_cast %select_n3A_706 : vector<16xi32> to vector<16x1xi32>
          %gather3A_708 = vector.shape_cast %broadcast_in_dim3A_707 : vector<16x1xi32> to vector<16xi32>
          %gather3A_709 = tpu.dynamic_gather %and3A_545[%gather3A_708] in [0] : vector<16xi32>, vector<16xi32> -> vector<16xi32>
          %add3A_710 = arith.constant 3 : i32
          %add3A_711 = vector.broadcast %add3A_710 : i32 to vector<16xi32>
          %add3A_712 = arith.addi %iota3A, %add3A_711 : vector<16xi32>
          %le3A_713 = arith.constant 15 : i32
          %le3A_714 = vector.broadcast %le3A_713 : i32 to vector<16xi32>
          %le3A_715 = arith.cmpi sle, %add3A_712, %le3A_714 : vector<16xi32>
          %jit3A_716 = arith.constant -2 : i32
          %broadcast_in_dim3A_717 = vector.broadcast %jit3A_716 : i32 to vector<16xi32>
          %select_n3A_718 = arith.select %le3A_715, %gather3A_709, %broadcast_in_dim3A_717 : vector<16xi1>, vector<16xi32>
          %eq3A_719 = arith.cmpi eq, %select_n3A_718, %and3A_545 : vector<16xi32>
          %jit3A_720 = arith.constant 1 : i32
          %jit3A_721 = arith.constant 0 : i32
          %broadcast_in_dim3A_722 = vector.broadcast %jit3A_720 : i32 to vector<16xi32>
          %broadcast_in_dim3A_723 = vector.broadcast %jit3A_721 : i32 to vector<16xi32>
          %select_n3A_724 = arith.select %eq3A_719, %broadcast_in_dim3A_722, %broadcast_in_dim3A_723 : vector<16xi1>, vector<16xi32>
          %add3A_725 = arith.addi %add3A_664, %select_n3A_724 : vector<16xi32>
          %sub3A_726 = arith.constant 4 : i32
          %sub3A_727 = vector.broadcast %sub3A_726 : i32 to vector<16xi32>
          %sub3A_728 = arith.subi %iota3A, %sub3A_727 : vector<16xi32>
          %max3A_729 = arith.constant 0 : i32
          %max3A_730 = vector.broadcast %max3A_729 : i32 to vector<16xi32>
          %max3A_731 = arith.maxsi %sub3A_728, %max3A_730 : vector<16xi32>
          %lt3A_732 = arith.constant 0 : i32
          %lt3A_733 = vector.broadcast %lt3A_732 : i32 to vector<16xi32>
          %lt3A_734 = arith.cmpi slt, %max3A_731, %lt3A_733 : vector<16xi32>
          %add3A_735 = arith.constant 16 : i32
          %add3A_736 = vector.broadcast %add3A_735 : i32 to vector<16xi32>
          %add3A_737 = arith.addi %max3A_731, %add3A_736 : vector<16xi32>
          %select_n3A_738 = arith.select %lt3A_734, %add3A_737, %max3A_731 : vector<16xi1>, vector<16xi32>
          %broadcast_in_dim3A_739 = vector.shape_cast %select_n3A_738 : vector<16xi32> to vector<16x1xi32>
          %gather3A_740 = vector.shape_cast %broadcast_in_dim3A_739 : vector<16x1xi32> to vector<16xi32>
          %gather3A_741 = tpu.dynamic_gather %and3A_545[%gather3A_740] in [0] : vector<16xi32>, vector<16xi32> -> vector<16xi32>
          %ge3A_742 = arith.constant 4 : i32
          %ge3A_743 = vector.broadcast %ge3A_742 : i32 to vector<16xi32>
          %ge3A_744 = arith.cmpi sge, %iota3A, %ge3A_743 : vector<16xi32>
          %jit3A_745 = arith.constant -1 : i32
          %broadcast_in_dim3A_746 = vector.broadcast %jit3A_745 : i32 to vector<16xi32>
          %select_n3A_747 = arith.select %ge3A_744, %gather3A_741, %broadcast_in_dim3A_746 : vector<16xi1>, vector<16xi32>
          %eq3A_748 = arith.cmpi eq, %select_n3A_747, %and3A_545 : vector<16xi32>
          %jit3A_749 = arith.constant 1 : i32
          %jit3A_750 = arith.constant 0 : i32
          %broadcast_in_dim3A_751 = vector.broadcast %jit3A_749 : i32 to vector<16xi32>
          %broadcast_in_dim3A_752 = vector.broadcast %jit3A_750 : i32 to vector<16xi32>
          %select_n3A_753 = arith.select %eq3A_748, %broadcast_in_dim3A_751, %broadcast_in_dim3A_752 : vector<16xi1>, vector<16xi32>
          %add3A_754 = arith.addi %add3A_693, %select_n3A_753 : vector<16xi32>
          %add3A_755 = arith.constant 4 : i32
          %add3A_756 = vector.broadcast %add3A_755 : i32 to vector<16xi32>
          %add3A_757 = arith.addi %iota3A, %add3A_756 : vector<16xi32>
          %min3A_758 = arith.constant 15 : i32
          %min3A_759 = vector.broadcast %min3A_758 : i32 to vector<16xi32>
          %min3A_760 = arith.minsi %add3A_757, %min3A_759 : vector<16xi32>
          %lt3A_761 = arith.constant 0 : i32
          %lt3A_762 = vector.broadcast %lt3A_761 : i32 to vector<16xi32>
          %lt3A_763 = arith.cmpi slt, %min3A_760, %lt3A_762 : vector<16xi32>
          %add3A_764 = arith.constant 16 : i32
          %add3A_765 = vector.broadcast %add3A_764 : i32 to vector<16xi32>
          %add3A_766 = arith.addi %min3A_760, %add3A_765 : vector<16xi32>
          %select_n3A_767 = arith.select %lt3A_763, %add3A_766, %min3A_760 : vector<16xi1>, vector<16xi32>
          %broadcast_in_dim3A_768 = vector.shape_cast %select_n3A_767 : vector<16xi32> to vector<16x1xi32>
          %gather3A_769 = vector.shape_cast %broadcast_in_dim3A_768 : vector<16x1xi32> to vector<16xi32>
          %gather3A_770 = tpu.dynamic_gather %and3A_545[%gather3A_769] in [0] : vector<16xi32>, vector<16xi32> -> vector<16xi32>
          %add3A_771 = arith.constant 4 : i32
          %add3A_772 = vector.broadcast %add3A_771 : i32 to vector<16xi32>
          %add3A_773 = arith.addi %iota3A, %add3A_772 : vector<16xi32>
          %le3A_774 = arith.constant 15 : i32
          %le3A_775 = vector.broadcast %le3A_774 : i32 to vector<16xi32>
          %le3A_776 = arith.cmpi sle, %add3A_773, %le3A_775 : vector<16xi32>
          %jit3A_777 = arith.constant -2 : i32
          %broadcast_in_dim3A_778 = vector.broadcast %jit3A_777 : i32 to vector<16xi32>
          %select_n3A_779 = arith.select %le3A_776, %gather3A_770, %broadcast_in_dim3A_778 : vector<16xi1>, vector<16xi32>
          %eq3A_780 = arith.cmpi eq, %select_n3A_779, %and3A_545 : vector<16xi32>
          %jit3A_781 = arith.constant 1 : i32
          %jit3A_782 = arith.constant 0 : i32
          %broadcast_in_dim3A_783 = vector.broadcast %jit3A_781 : i32 to vector<16xi32>
          %broadcast_in_dim3A_784 = vector.broadcast %jit3A_782 : i32 to vector<16xi32>
          %select_n3A_785 = arith.select %eq3A_780, %broadcast_in_dim3A_783, %broadcast_in_dim3A_784 : vector<16xi1>, vector<16xi32>
          %add3A_786 = arith.addi %add3A_725, %select_n3A_785 : vector<16xi32>
          %sub3A_787 = arith.constant 5 : i32
          %sub3A_788 = vector.broadcast %sub3A_787 : i32 to vector<16xi32>
          %sub3A_789 = arith.subi %iota3A, %sub3A_788 : vector<16xi32>
          %max3A_790 = arith.constant 0 : i32
          %max3A_791 = vector.broadcast %max3A_790 : i32 to vector<16xi32>
          %max3A_792 = arith.maxsi %sub3A_789, %max3A_791 : vector<16xi32>
          %lt3A_793 = arith.constant 0 : i32
          %lt3A_794 = vector.broadcast %lt3A_793 : i32 to vector<16xi32>
          %lt3A_795 = arith.cmpi slt, %max3A_792, %lt3A_794 : vector<16xi32>
          %add3A_796 = arith.constant 16 : i32
          %add3A_797 = vector.broadcast %add3A_796 : i32 to vector<16xi32>
          %add3A_798 = arith.addi %max3A_792, %add3A_797 : vector<16xi32>
          %select_n3A_799 = arith.select %lt3A_795, %add3A_798, %max3A_792 : vector<16xi1>, vector<16xi32>
          %broadcast_in_dim3A_800 = vector.shape_cast %select_n3A_799 : vector<16xi32> to vector<16x1xi32>
          %gather3A_801 = vector.shape_cast %broadcast_in_dim3A_800 : vector<16x1xi32> to vector<16xi32>
          %gather3A_802 = tpu.dynamic_gather %and3A_545[%gather3A_801] in [0] : vector<16xi32>, vector<16xi32> -> vector<16xi32>
          %ge3A_803 = arith.constant 5 : i32
          %ge3A_804 = vector.broadcast %ge3A_803 : i32 to vector<16xi32>
          %ge3A_805 = arith.cmpi sge, %iota3A, %ge3A_804 : vector<16xi32>
          %jit3A_806 = arith.constant -1 : i32
          %broadcast_in_dim3A_807 = vector.broadcast %jit3A_806 : i32 to vector<16xi32>
          %select_n3A_808 = arith.select %ge3A_805, %gather3A_802, %broadcast_in_dim3A_807 : vector<16xi1>, vector<16xi32>
          %eq3A_809 = arith.cmpi eq, %select_n3A_808, %and3A_545 : vector<16xi32>
          %jit3A_810 = arith.constant 1 : i32
          %jit3A_811 = arith.constant 0 : i32
          %broadcast_in_dim3A_812 = vector.broadcast %jit3A_810 : i32 to vector<16xi32>
          %broadcast_in_dim3A_813 = vector.broadcast %jit3A_811 : i32 to vector<16xi32>
          %select_n3A_814 = arith.select %eq3A_809, %broadcast_in_dim3A_812, %broadcast_in_dim3A_813 : vector<16xi1>, vector<16xi32>
          %add3A_815 = arith.addi %add3A_754, %select_n3A_814 : vector<16xi32>
          %add3A_816 = arith.constant 5 : i32
          %add3A_817 = vector.broadcast %add3A_816 : i32 to vector<16xi32>
          %add3A_818 = arith.addi %iota3A, %add3A_817 : vector<16xi32>
          %min3A_819 = arith.constant 15 : i32
          %min3A_820 = vector.broadcast %min3A_819 : i32 to vector<16xi32>
          %min3A_821 = arith.minsi %add3A_818, %min3A_820 : vector<16xi32>
          %lt3A_822 = arith.constant 0 : i32
          %lt3A_823 = vector.broadcast %lt3A_822 : i32 to vector<16xi32>
          %lt3A_824 = arith.cmpi slt, %min3A_821, %lt3A_823 : vector<16xi32>
          %add3A_825 = arith.constant 16 : i32
          %add3A_826 = vector.broadcast %add3A_825 : i32 to vector<16xi32>
          %add3A_827 = arith.addi %min3A_821, %add3A_826 : vector<16xi32>
          %select_n3A_828 = arith.select %lt3A_824, %add3A_827, %min3A_821 : vector<16xi1>, vector<16xi32>
          %broadcast_in_dim3A_829 = vector.shape_cast %select_n3A_828 : vector<16xi32> to vector<16x1xi32>
          %gather3A_830 = vector.shape_cast %broadcast_in_dim3A_829 : vector<16x1xi32> to vector<16xi32>
          %gather3A_831 = tpu.dynamic_gather %and3A_545[%gather3A_830] in [0] : vector<16xi32>, vector<16xi32> -> vector<16xi32>
          %add3A_832 = arith.constant 5 : i32
          %add3A_833 = vector.broadcast %add3A_832 : i32 to vector<16xi32>
          %add3A_834 = arith.addi %iota3A, %add3A_833 : vector<16xi32>
          %le3A_835 = arith.constant 15 : i32
          %le3A_836 = vector.broadcast %le3A_835 : i32 to vector<16xi32>
          %le3A_837 = arith.cmpi sle, %add3A_834, %le3A_836 : vector<16xi32>
          %jit3A_838 = arith.constant -2 : i32
          %broadcast_in_dim3A_839 = vector.broadcast %jit3A_838 : i32 to vector<16xi32>
          %select_n3A_840 = arith.select %le3A_837, %gather3A_831, %broadcast_in_dim3A_839 : vector<16xi1>, vector<16xi32>
          %eq3A_841 = arith.cmpi eq, %select_n3A_840, %and3A_545 : vector<16xi32>
          %jit3A_842 = arith.constant 1 : i32
          %jit3A_843 = arith.constant 0 : i32
          %broadcast_in_dim3A_844 = vector.broadcast %jit3A_842 : i32 to vector<16xi32>
          %broadcast_in_dim3A_845 = vector.broadcast %jit3A_843 : i32 to vector<16xi32>
          %select_n3A_846 = arith.select %eq3A_841, %broadcast_in_dim3A_844, %broadcast_in_dim3A_845 : vector<16xi1>, vector<16xi32>
          %add3A_847 = arith.addi %add3A_786, %select_n3A_846 : vector<16xi32>
          %sub3A_848 = arith.constant 6 : i32
          %sub3A_849 = vector.broadcast %sub3A_848 : i32 to vector<16xi32>
          %sub3A_850 = arith.subi %iota3A, %sub3A_849 : vector<16xi32>
          %max3A_851 = arith.constant 0 : i32
          %max3A_852 = vector.broadcast %max3A_851 : i32 to vector<16xi32>
          %max3A_853 = arith.maxsi %sub3A_850, %max3A_852 : vector<16xi32>
          %lt3A_854 = arith.constant 0 : i32
          %lt3A_855 = vector.broadcast %lt3A_854 : i32 to vector<16xi32>
          %lt3A_856 = arith.cmpi slt, %max3A_853, %lt3A_855 : vector<16xi32>
          %add3A_857 = arith.constant 16 : i32
          %add3A_858 = vector.broadcast %add3A_857 : i32 to vector<16xi32>
          %add3A_859 = arith.addi %max3A_853, %add3A_858 : vector<16xi32>
          %select_n3A_860 = arith.select %lt3A_856, %add3A_859, %max3A_853 : vector<16xi1>, vector<16xi32>
          %broadcast_in_dim3A_861 = vector.shape_cast %select_n3A_860 : vector<16xi32> to vector<16x1xi32>
          %gather3A_862 = vector.shape_cast %broadcast_in_dim3A_861 : vector<16x1xi32> to vector<16xi32>
          %gather3A_863 = tpu.dynamic_gather %and3A_545[%gather3A_862] in [0] : vector<16xi32>, vector<16xi32> -> vector<16xi32>
          %ge3A_864 = arith.constant 6 : i32
          %ge3A_865 = vector.broadcast %ge3A_864 : i32 to vector<16xi32>
          %ge3A_866 = arith.cmpi sge, %iota3A, %ge3A_865 : vector<16xi32>
          %jit3A_867 = arith.constant -1 : i32
          %broadcast_in_dim3A_868 = vector.broadcast %jit3A_867 : i32 to vector<16xi32>
          %select_n3A_869 = arith.select %ge3A_866, %gather3A_863, %broadcast_in_dim3A_868 : vector<16xi1>, vector<16xi32>
          %eq3A_870 = arith.cmpi eq, %select_n3A_869, %and3A_545 : vector<16xi32>
          %jit3A_871 = arith.constant 1 : i32
          %jit3A_872 = arith.constant 0 : i32
          %broadcast_in_dim3A_873 = vector.broadcast %jit3A_871 : i32 to vector<16xi32>
          %broadcast_in_dim3A_874 = vector.broadcast %jit3A_872 : i32 to vector<16xi32>
          %select_n3A_875 = arith.select %eq3A_870, %broadcast_in_dim3A_873, %broadcast_in_dim3A_874 : vector<16xi1>, vector<16xi32>
          %add3A_876 = arith.addi %add3A_815, %select_n3A_875 : vector<16xi32>
          %add3A_877 = arith.constant 6 : i32
          %add3A_878 = vector.broadcast %add3A_877 : i32 to vector<16xi32>
          %add3A_879 = arith.addi %iota3A, %add3A_878 : vector<16xi32>
          %min3A_880 = arith.constant 15 : i32
          %min3A_881 = vector.broadcast %min3A_880 : i32 to vector<16xi32>
          %min3A_882 = arith.minsi %add3A_879, %min3A_881 : vector<16xi32>
          %lt3A_883 = arith.constant 0 : i32
          %lt3A_884 = vector.broadcast %lt3A_883 : i32 to vector<16xi32>
          %lt3A_885 = arith.cmpi slt, %min3A_882, %lt3A_884 : vector<16xi32>
          %add3A_886 = arith.constant 16 : i32
          %add3A_887 = vector.broadcast %add3A_886 : i32 to vector<16xi32>
          %add3A_888 = arith.addi %min3A_882, %add3A_887 : vector<16xi32>
          %select_n3A_889 = arith.select %lt3A_885, %add3A_888, %min3A_882 : vector<16xi1>, vector<16xi32>
          %broadcast_in_dim3A_890 = vector.shape_cast %select_n3A_889 : vector<16xi32> to vector<16x1xi32>
          %gather3A_891 = vector.shape_cast %broadcast_in_dim3A_890 : vector<16x1xi32> to vector<16xi32>
          %gather3A_892 = tpu.dynamic_gather %and3A_545[%gather3A_891] in [0] : vector<16xi32>, vector<16xi32> -> vector<16xi32>
          %add3A_893 = arith.constant 6 : i32
          %add3A_894 = vector.broadcast %add3A_893 : i32 to vector<16xi32>
          %add3A_895 = arith.addi %iota3A, %add3A_894 : vector<16xi32>
          %le3A_896 = arith.constant 15 : i32
          %le3A_897 = vector.broadcast %le3A_896 : i32 to vector<16xi32>
          %le3A_898 = arith.cmpi sle, %add3A_895, %le3A_897 : vector<16xi32>
          %jit3A_899 = arith.constant -2 : i32
          %broadcast_in_dim3A_900 = vector.broadcast %jit3A_899 : i32 to vector<16xi32>
          %select_n3A_901 = arith.select %le3A_898, %gather3A_892, %broadcast_in_dim3A_900 : vector<16xi1>, vector<16xi32>
          %eq3A_902 = arith.cmpi eq, %select_n3A_901, %and3A_545 : vector<16xi32>
          %jit3A_903 = arith.constant 1 : i32
          %jit3A_904 = arith.constant 0 : i32
          %broadcast_in_dim3A_905 = vector.broadcast %jit3A_903 : i32 to vector<16xi32>
          %broadcast_in_dim3A_906 = vector.broadcast %jit3A_904 : i32 to vector<16xi32>
          %select_n3A_907 = arith.select %eq3A_902, %broadcast_in_dim3A_905, %broadcast_in_dim3A_906 : vector<16xi1>, vector<16xi32>
          %add3A_908 = arith.addi %add3A_847, %select_n3A_907 : vector<16xi32>
          %sub3A_909 = arith.constant 7 : i32
          %sub3A_910 = vector.broadcast %sub3A_909 : i32 to vector<16xi32>
          %sub3A_911 = arith.subi %iota3A, %sub3A_910 : vector<16xi32>
          %max3A_912 = arith.constant 0 : i32
          %max3A_913 = vector.broadcast %max3A_912 : i32 to vector<16xi32>
          %max3A_914 = arith.maxsi %sub3A_911, %max3A_913 : vector<16xi32>
          %lt3A_915 = arith.constant 0 : i32
          %lt3A_916 = vector.broadcast %lt3A_915 : i32 to vector<16xi32>
          %lt3A_917 = arith.cmpi slt, %max3A_914, %lt3A_916 : vector<16xi32>
          %add3A_918 = arith.constant 16 : i32
          %add3A_919 = vector.broadcast %add3A_918 : i32 to vector<16xi32>
          %add3A_920 = arith.addi %max3A_914, %add3A_919 : vector<16xi32>
          %select_n3A_921 = arith.select %lt3A_917, %add3A_920, %max3A_914 : vector<16xi1>, vector<16xi32>
          %broadcast_in_dim3A_922 = vector.shape_cast %select_n3A_921 : vector<16xi32> to vector<16x1xi32>
          %gather3A_923 = vector.shape_cast %broadcast_in_dim3A_922 : vector<16x1xi32> to vector<16xi32>
          %gather3A_924 = tpu.dynamic_gather %and3A_545[%gather3A_923] in [0] : vector<16xi32>, vector<16xi32> -> vector<16xi32>
          %ge3A_925 = arith.constant 7 : i32
          %ge3A_926 = vector.broadcast %ge3A_925 : i32 to vector<16xi32>
          %ge3A_927 = arith.cmpi sge, %iota3A, %ge3A_926 : vector<16xi32>
          %jit3A_928 = arith.constant -1 : i32
          %broadcast_in_dim3A_929 = vector.broadcast %jit3A_928 : i32 to vector<16xi32>
          %select_n3A_930 = arith.select %ge3A_927, %gather3A_924, %broadcast_in_dim3A_929 : vector<16xi1>, vector<16xi32>
          %eq3A_931 = arith.cmpi eq, %select_n3A_930, %and3A_545 : vector<16xi32>
          %jit3A_932 = arith.constant 1 : i32
          %jit3A_933 = arith.constant 0 : i32
          %broadcast_in_dim3A_934 = vector.broadcast %jit3A_932 : i32 to vector<16xi32>
          %broadcast_in_dim3A_935 = vector.broadcast %jit3A_933 : i32 to vector<16xi32>
          %select_n3A_936 = arith.select %eq3A_931, %broadcast_in_dim3A_934, %broadcast_in_dim3A_935 : vector<16xi1>, vector<16xi32>
          %add3A_937 = arith.addi %add3A_876, %select_n3A_936 : vector<16xi32>
          %add3A_938 = arith.constant 7 : i32
          %add3A_939 = vector.broadcast %add3A_938 : i32 to vector<16xi32>
          %add3A_940 = arith.addi %iota3A, %add3A_939 : vector<16xi32>
          %min3A_941 = arith.constant 15 : i32
          %min3A_942 = vector.broadcast %min3A_941 : i32 to vector<16xi32>
          %min3A_943 = arith.minsi %add3A_940, %min3A_942 : vector<16xi32>
          %lt3A_944 = arith.constant 0 : i32
          %lt3A_945 = vector.broadcast %lt3A_944 : i32 to vector<16xi32>
          %lt3A_946 = arith.cmpi slt, %min3A_943, %lt3A_945 : vector<16xi32>
          %add3A_947 = arith.constant 16 : i32
          %add3A_948 = vector.broadcast %add3A_947 : i32 to vector<16xi32>
          %add3A_949 = arith.addi %min3A_943, %add3A_948 : vector<16xi32>
          %select_n3A_950 = arith.select %lt3A_946, %add3A_949, %min3A_943 : vector<16xi1>, vector<16xi32>
          %broadcast_in_dim3A_951 = vector.shape_cast %select_n3A_950 : vector<16xi32> to vector<16x1xi32>
          %gather3A_952 = vector.shape_cast %broadcast_in_dim3A_951 : vector<16x1xi32> to vector<16xi32>
          %gather3A_953 = tpu.dynamic_gather %and3A_545[%gather3A_952] in [0] : vector<16xi32>, vector<16xi32> -> vector<16xi32>
          %add3A_954 = arith.constant 7 : i32
          %add3A_955 = vector.broadcast %add3A_954 : i32 to vector<16xi32>
          %add3A_956 = arith.addi %iota3A, %add3A_955 : vector<16xi32>
          %le3A_957 = arith.constant 15 : i32
          %le3A_958 = vector.broadcast %le3A_957 : i32 to vector<16xi32>
          %le3A_959 = arith.cmpi sle, %add3A_956, %le3A_958 : vector<16xi32>
          %jit3A_960 = arith.constant -2 : i32
          %broadcast_in_dim3A_961 = vector.broadcast %jit3A_960 : i32 to vector<16xi32>
          %select_n3A_962 = arith.select %le3A_959, %gather3A_953, %broadcast_in_dim3A_961 : vector<16xi1>, vector<16xi32>
          %eq3A_963 = arith.cmpi eq, %select_n3A_962, %and3A_545 : vector<16xi32>
          %jit3A_964 = arith.constant 1 : i32
          %jit3A_965 = arith.constant 0 : i32
          %broadcast_in_dim3A_966 = vector.broadcast %jit3A_964 : i32 to vector<16xi32>
          %broadcast_in_dim3A_967 = vector.broadcast %jit3A_965 : i32 to vector<16xi32>
          %select_n3A_968 = arith.select %eq3A_963, %broadcast_in_dim3A_966, %broadcast_in_dim3A_967 : vector<16xi1>, vector<16xi32>
          %add3A_969 = arith.addi %add3A_908, %select_n3A_968 : vector<16xi32>
          %sub3A_970 = arith.constant 8 : i32
          %sub3A_971 = vector.broadcast %sub3A_970 : i32 to vector<16xi32>
          %sub3A_972 = arith.subi %iota3A, %sub3A_971 : vector<16xi32>
          %max3A_973 = arith.constant 0 : i32
          %max3A_974 = vector.broadcast %max3A_973 : i32 to vector<16xi32>
          %max3A_975 = arith.maxsi %sub3A_972, %max3A_974 : vector<16xi32>
          %lt3A_976 = arith.constant 0 : i32
          %lt3A_977 = vector.broadcast %lt3A_976 : i32 to vector<16xi32>
          %lt3A_978 = arith.cmpi slt, %max3A_975, %lt3A_977 : vector<16xi32>
          %add3A_979 = arith.constant 16 : i32
          %add3A_980 = vector.broadcast %add3A_979 : i32 to vector<16xi32>
          %add3A_981 = arith.addi %max3A_975, %add3A_980 : vector<16xi32>
          %select_n3A_982 = arith.select %lt3A_978, %add3A_981, %max3A_975 : vector<16xi1>, vector<16xi32>
          %broadcast_in_dim3A_983 = vector.shape_cast %select_n3A_982 : vector<16xi32> to vector<16x1xi32>
          %gather3A_984 = vector.shape_cast %broadcast_in_dim3A_983 : vector<16x1xi32> to vector<16xi32>
          %gather3A_985 = tpu.dynamic_gather %and3A_545[%gather3A_984] in [0] : vector<16xi32>, vector<16xi32> -> vector<16xi32>
          %ge3A_986 = arith.constant 8 : i32
          %ge3A_987 = vector.broadcast %ge3A_986 : i32 to vector<16xi32>
          %ge3A_988 = arith.cmpi sge, %iota3A, %ge3A_987 : vector<16xi32>
          %jit3A_989 = arith.constant -1 : i32
          %broadcast_in_dim3A_990 = vector.broadcast %jit3A_989 : i32 to vector<16xi32>
          %select_n3A_991 = arith.select %ge3A_988, %gather3A_985, %broadcast_in_dim3A_990 : vector<16xi1>, vector<16xi32>
          %eq3A_992 = arith.cmpi eq, %select_n3A_991, %and3A_545 : vector<16xi32>
          %jit3A_993 = arith.constant 1 : i32
          %jit3A_994 = arith.constant 0 : i32
          %broadcast_in_dim3A_995 = vector.broadcast %jit3A_993 : i32 to vector<16xi32>
          %broadcast_in_dim3A_996 = vector.broadcast %jit3A_994 : i32 to vector<16xi32>
          %select_n3A_997 = arith.select %eq3A_992, %broadcast_in_dim3A_995, %broadcast_in_dim3A_996 : vector<16xi1>, vector<16xi32>
          %add3A_998 = arith.addi %add3A_937, %select_n3A_997 : vector<16xi32>
          %add3A_999 = arith.constant 8 : i32
          %add3A_1000 = vector.broadcast %add3A_999 : i32 to vector<16xi32>
          %add3A_1001 = arith.addi %iota3A, %add3A_1000 : vector<16xi32>
          %min3A_1002 = arith.constant 15 : i32
          %min3A_1003 = vector.broadcast %min3A_1002 : i32 to vector<16xi32>
          %min3A_1004 = arith.minsi %add3A_1001, %min3A_1003 : vector<16xi32>
          %lt3A_1005 = arith.constant 0 : i32
          %lt3A_1006 = vector.broadcast %lt3A_1005 : i32 to vector<16xi32>
          %lt3A_1007 = arith.cmpi slt, %min3A_1004, %lt3A_1006 : vector<16xi32>
          %add3A_1008 = arith.constant 16 : i32
          %add3A_1009 = vector.broadcast %add3A_1008 : i32 to vector<16xi32>
          %add3A_1010 = arith.addi %min3A_1004, %add3A_1009 : vector<16xi32>
          %select_n3A_1011 = arith.select %lt3A_1007, %add3A_1010, %min3A_1004 : vector<16xi1>, vector<16xi32>
          %broadcast_in_dim3A_1012 = vector.shape_cast %select_n3A_1011 : vector<16xi32> to vector<16x1xi32>
          %gather3A_1013 = vector.shape_cast %broadcast_in_dim3A_1012 : vector<16x1xi32> to vector<16xi32>
          %gather3A_1014 = tpu.dynamic_gather %and3A_545[%gather3A_1013] in [0] : vector<16xi32>, vector<16xi32> -> vector<16xi32>
          %add3A_1015 = arith.constant 8 : i32
          %add3A_1016 = vector.broadcast %add3A_1015 : i32 to vector<16xi32>
          %add3A_1017 = arith.addi %iota3A, %add3A_1016 : vector<16xi32>
          %le3A_1018 = arith.constant 15 : i32
          %le3A_1019 = vector.broadcast %le3A_1018 : i32 to vector<16xi32>
          %le3A_1020 = arith.cmpi sle, %add3A_1017, %le3A_1019 : vector<16xi32>
          %jit3A_1021 = arith.constant -2 : i32
          %broadcast_in_dim3A_1022 = vector.broadcast %jit3A_1021 : i32 to vector<16xi32>
          %select_n3A_1023 = arith.select %le3A_1020, %gather3A_1014, %broadcast_in_dim3A_1022 : vector<16xi1>, vector<16xi32>
          %eq3A_1024 = arith.cmpi eq, %select_n3A_1023, %and3A_545 : vector<16xi32>
          %jit3A_1025 = arith.constant 1 : i32
          %jit3A_1026 = arith.constant 0 : i32
          %broadcast_in_dim3A_1027 = vector.broadcast %jit3A_1025 : i32 to vector<16xi32>
          %broadcast_in_dim3A_1028 = vector.broadcast %jit3A_1026 : i32 to vector<16xi32>
          %select_n3A_1029 = arith.select %eq3A_1024, %broadcast_in_dim3A_1027, %broadcast_in_dim3A_1028 : vector<16xi1>, vector<16xi32>
          %add3A_1030 = arith.addi %add3A_969, %select_n3A_1029 : vector<16xi32>
          %sub3A_1031 = arith.constant 9 : i32
          %sub3A_1032 = vector.broadcast %sub3A_1031 : i32 to vector<16xi32>
          %sub3A_1033 = arith.subi %iota3A, %sub3A_1032 : vector<16xi32>
          %max3A_1034 = arith.constant 0 : i32
          %max3A_1035 = vector.broadcast %max3A_1034 : i32 to vector<16xi32>
          %max3A_1036 = arith.maxsi %sub3A_1033, %max3A_1035 : vector<16xi32>
          %lt3A_1037 = arith.constant 0 : i32
          %lt3A_1038 = vector.broadcast %lt3A_1037 : i32 to vector<16xi32>
          %lt3A_1039 = arith.cmpi slt, %max3A_1036, %lt3A_1038 : vector<16xi32>
          %add3A_1040 = arith.constant 16 : i32
          %add3A_1041 = vector.broadcast %add3A_1040 : i32 to vector<16xi32>
          %add3A_1042 = arith.addi %max3A_1036, %add3A_1041 : vector<16xi32>
          %select_n3A_1043 = arith.select %lt3A_1039, %add3A_1042, %max3A_1036 : vector<16xi1>, vector<16xi32>
          %broadcast_in_dim3A_1044 = vector.shape_cast %select_n3A_1043 : vector<16xi32> to vector<16x1xi32>
          %gather3A_1045 = vector.shape_cast %broadcast_in_dim3A_1044 : vector<16x1xi32> to vector<16xi32>
          %gather3A_1046 = tpu.dynamic_gather %and3A_545[%gather3A_1045] in [0] : vector<16xi32>, vector<16xi32> -> vector<16xi32>
          %ge3A_1047 = arith.constant 9 : i32
          %ge3A_1048 = vector.broadcast %ge3A_1047 : i32 to vector<16xi32>
          %ge3A_1049 = arith.cmpi sge, %iota3A, %ge3A_1048 : vector<16xi32>
          %jit3A_1050 = arith.constant -1 : i32
          %broadcast_in_dim3A_1051 = vector.broadcast %jit3A_1050 : i32 to vector<16xi32>
          %select_n3A_1052 = arith.select %ge3A_1049, %gather3A_1046, %broadcast_in_dim3A_1051 : vector<16xi1>, vector<16xi32>
          %eq3A_1053 = arith.cmpi eq, %select_n3A_1052, %and3A_545 : vector<16xi32>
          %jit3A_1054 = arith.constant 1 : i32
          %jit3A_1055 = arith.constant 0 : i32
          %broadcast_in_dim3A_1056 = vector.broadcast %jit3A_1054 : i32 to vector<16xi32>
          %broadcast_in_dim3A_1057 = vector.broadcast %jit3A_1055 : i32 to vector<16xi32>
          %select_n3A_1058 = arith.select %eq3A_1053, %broadcast_in_dim3A_1056, %broadcast_in_dim3A_1057 : vector<16xi1>, vector<16xi32>
          %add3A_1059 = arith.addi %add3A_998, %select_n3A_1058 : vector<16xi32>
          %add3A_1060 = arith.constant 9 : i32
          %add3A_1061 = vector.broadcast %add3A_1060 : i32 to vector<16xi32>
          %add3A_1062 = arith.addi %iota3A, %add3A_1061 : vector<16xi32>
          %min3A_1063 = arith.constant 15 : i32
          %min3A_1064 = vector.broadcast %min3A_1063 : i32 to vector<16xi32>
          %min3A_1065 = arith.minsi %add3A_1062, %min3A_1064 : vector<16xi32>
          %lt3A_1066 = arith.constant 0 : i32
          %lt3A_1067 = vector.broadcast %lt3A_1066 : i32 to vector<16xi32>
          %lt3A_1068 = arith.cmpi slt, %min3A_1065, %lt3A_1067 : vector<16xi32>
          %add3A_1069 = arith.constant 16 : i32
          %add3A_1070 = vector.broadcast %add3A_1069 : i32 to vector<16xi32>
          %add3A_1071 = arith.addi %min3A_1065, %add3A_1070 : vector<16xi32>
          %select_n3A_1072 = arith.select %lt3A_1068, %add3A_1071, %min3A_1065 : vector<16xi1>, vector<16xi32>
          %broadcast_in_dim3A_1073 = vector.shape_cast %select_n3A_1072 : vector<16xi32> to vector<16x1xi32>
          %gather3A_1074 = vector.shape_cast %broadcast_in_dim3A_1073 : vector<16x1xi32> to vector<16xi32>
          %gather3A_1075 = tpu.dynamic_gather %and3A_545[%gather3A_1074] in [0] : vector<16xi32>, vector<16xi32> -> vector<16xi32>
          %add3A_1076 = arith.constant 9 : i32
          %add3A_1077 = vector.broadcast %add3A_1076 : i32 to vector<16xi32>
          %add3A_1078 = arith.addi %iota3A, %add3A_1077 : vector<16xi32>
          %le3A_1079 = arith.constant 15 : i32
          %le3A_1080 = vector.broadcast %le3A_1079 : i32 to vector<16xi32>
          %le3A_1081 = arith.cmpi sle, %add3A_1078, %le3A_1080 : vector<16xi32>
          %jit3A_1082 = arith.constant -2 : i32
          %broadcast_in_dim3A_1083 = vector.broadcast %jit3A_1082 : i32 to vector<16xi32>
          %select_n3A_1084 = arith.select %le3A_1081, %gather3A_1075, %broadcast_in_dim3A_1083 : vector<16xi1>, vector<16xi32>
          %eq3A_1085 = arith.cmpi eq, %select_n3A_1084, %and3A_545 : vector<16xi32>
          %jit3A_1086 = arith.constant 1 : i32
          %jit3A_1087 = arith.constant 0 : i32
          %broadcast_in_dim3A_1088 = vector.broadcast %jit3A_1086 : i32 to vector<16xi32>
          %broadcast_in_dim3A_1089 = vector.broadcast %jit3A_1087 : i32 to vector<16xi32>
          %select_n3A_1090 = arith.select %eq3A_1085, %broadcast_in_dim3A_1088, %broadcast_in_dim3A_1089 : vector<16xi1>, vector<16xi32>
          %add3A_1091 = arith.addi %add3A_1030, %select_n3A_1090 : vector<16xi32>
          %sub3A_1092 = arith.constant 10 : i32
          %sub3A_1093 = vector.broadcast %sub3A_1092 : i32 to vector<16xi32>
          %sub3A_1094 = arith.subi %iota3A, %sub3A_1093 : vector<16xi32>
          %max3A_1095 = arith.constant 0 : i32
          %max3A_1096 = vector.broadcast %max3A_1095 : i32 to vector<16xi32>
          %max3A_1097 = arith.maxsi %sub3A_1094, %max3A_1096 : vector<16xi32>
          %lt3A_1098 = arith.constant 0 : i32
          %lt3A_1099 = vector.broadcast %lt3A_1098 : i32 to vector<16xi32>
          %lt3A_1100 = arith.cmpi slt, %max3A_1097, %lt3A_1099 : vector<16xi32>
          %add3A_1101 = arith.constant 16 : i32
          %add3A_1102 = vector.broadcast %add3A_1101 : i32 to vector<16xi32>
          %add3A_1103 = arith.addi %max3A_1097, %add3A_1102 : vector<16xi32>
          %select_n3A_1104 = arith.select %lt3A_1100, %add3A_1103, %max3A_1097 : vector<16xi1>, vector<16xi32>
          %broadcast_in_dim3A_1105 = vector.shape_cast %select_n3A_1104 : vector<16xi32> to vector<16x1xi32>
          %gather3A_1106 = vector.shape_cast %broadcast_in_dim3A_1105 : vector<16x1xi32> to vector<16xi32>
          %gather3A_1107 = tpu.dynamic_gather %and3A_545[%gather3A_1106] in [0] : vector<16xi32>, vector<16xi32> -> vector<16xi32>
          %ge3A_1108 = arith.constant 10 : i32
          %ge3A_1109 = vector.broadcast %ge3A_1108 : i32 to vector<16xi32>
          %ge3A_1110 = arith.cmpi sge, %iota3A, %ge3A_1109 : vector<16xi32>
          %jit3A_1111 = arith.constant -1 : i32
          %broadcast_in_dim3A_1112 = vector.broadcast %jit3A_1111 : i32 to vector<16xi32>
          %select_n3A_1113 = arith.select %ge3A_1110, %gather3A_1107, %broadcast_in_dim3A_1112 : vector<16xi1>, vector<16xi32>
          %eq3A_1114 = arith.cmpi eq, %select_n3A_1113, %and3A_545 : vector<16xi32>
          %jit3A_1115 = arith.constant 1 : i32
          %jit3A_1116 = arith.constant 0 : i32
          %broadcast_in_dim3A_1117 = vector.broadcast %jit3A_1115 : i32 to vector<16xi32>
          %broadcast_in_dim3A_1118 = vector.broadcast %jit3A_1116 : i32 to vector<16xi32>
          %select_n3A_1119 = arith.select %eq3A_1114, %broadcast_in_dim3A_1117, %broadcast_in_dim3A_1118 : vector<16xi1>, vector<16xi32>
          %add3A_1120 = arith.addi %add3A_1059, %select_n3A_1119 : vector<16xi32>
          %add3A_1121 = arith.constant 10 : i32
          %add3A_1122 = vector.broadcast %add3A_1121 : i32 to vector<16xi32>
          %add3A_1123 = arith.addi %iota3A, %add3A_1122 : vector<16xi32>
          %min3A_1124 = arith.constant 15 : i32
          %min3A_1125 = vector.broadcast %min3A_1124 : i32 to vector<16xi32>
          %min3A_1126 = arith.minsi %add3A_1123, %min3A_1125 : vector<16xi32>
          %lt3A_1127 = arith.constant 0 : i32
          %lt3A_1128 = vector.broadcast %lt3A_1127 : i32 to vector<16xi32>
          %lt3A_1129 = arith.cmpi slt, %min3A_1126, %lt3A_1128 : vector<16xi32>
          %add3A_1130 = arith.constant 16 : i32
          %add3A_1131 = vector.broadcast %add3A_1130 : i32 to vector<16xi32>
          %add3A_1132 = arith.addi %min3A_1126, %add3A_1131 : vector<16xi32>
          %select_n3A_1133 = arith.select %lt3A_1129, %add3A_1132, %min3A_1126 : vector<16xi1>, vector<16xi32>
          %broadcast_in_dim3A_1134 = vector.shape_cast %select_n3A_1133 : vector<16xi32> to vector<16x1xi32>
          %gather3A_1135 = vector.shape_cast %broadcast_in_dim3A_1134 : vector<16x1xi32> to vector<16xi32>
          %gather3A_1136 = tpu.dynamic_gather %and3A_545[%gather3A_1135] in [0] : vector<16xi32>, vector<16xi32> -> vector<16xi32>
          %add3A_1137 = arith.constant 10 : i32
          %add3A_1138 = vector.broadcast %add3A_1137 : i32 to vector<16xi32>
          %add3A_1139 = arith.addi %iota3A, %add3A_1138 : vector<16xi32>
          %le3A_1140 = arith.constant 15 : i32
          %le3A_1141 = vector.broadcast %le3A_1140 : i32 to vector<16xi32>
          %le3A_1142 = arith.cmpi sle, %add3A_1139, %le3A_1141 : vector<16xi32>
          %jit3A_1143 = arith.constant -2 : i32
          %broadcast_in_dim3A_1144 = vector.broadcast %jit3A_1143 : i32 to vector<16xi32>
          %select_n3A_1145 = arith.select %le3A_1142, %gather3A_1136, %broadcast_in_dim3A_1144 : vector<16xi1>, vector<16xi32>
          %eq3A_1146 = arith.cmpi eq, %select_n3A_1145, %and3A_545 : vector<16xi32>
          %jit3A_1147 = arith.constant 1 : i32
          %jit3A_1148 = arith.constant 0 : i32
          %broadcast_in_dim3A_1149 = vector.broadcast %jit3A_1147 : i32 to vector<16xi32>
          %broadcast_in_dim3A_1150 = vector.broadcast %jit3A_1148 : i32 to vector<16xi32>
          %select_n3A_1151 = arith.select %eq3A_1146, %broadcast_in_dim3A_1149, %broadcast_in_dim3A_1150 : vector<16xi1>, vector<16xi32>
          %add3A_1152 = arith.addi %add3A_1091, %select_n3A_1151 : vector<16xi32>
          %sub3A_1153 = arith.constant 11 : i32
          %sub3A_1154 = vector.broadcast %sub3A_1153 : i32 to vector<16xi32>
          %sub3A_1155 = arith.subi %iota3A, %sub3A_1154 : vector<16xi32>
          %max3A_1156 = arith.constant 0 : i32
          %max3A_1157 = vector.broadcast %max3A_1156 : i32 to vector<16xi32>
          %max3A_1158 = arith.maxsi %sub3A_1155, %max3A_1157 : vector<16xi32>
          %lt3A_1159 = arith.constant 0 : i32
          %lt3A_1160 = vector.broadcast %lt3A_1159 : i32 to vector<16xi32>
          %lt3A_1161 = arith.cmpi slt, %max3A_1158, %lt3A_1160 : vector<16xi32>
          %add3A_1162 = arith.constant 16 : i32
          %add3A_1163 = vector.broadcast %add3A_1162 : i32 to vector<16xi32>
          %add3A_1164 = arith.addi %max3A_1158, %add3A_1163 : vector<16xi32>
          %select_n3A_1165 = arith.select %lt3A_1161, %add3A_1164, %max3A_1158 : vector<16xi1>, vector<16xi32>
          %broadcast_in_dim3A_1166 = vector.shape_cast %select_n3A_1165 : vector<16xi32> to vector<16x1xi32>
          %gather3A_1167 = vector.shape_cast %broadcast_in_dim3A_1166 : vector<16x1xi32> to vector<16xi32>
          %gather3A_1168 = tpu.dynamic_gather %and3A_545[%gather3A_1167] in [0] : vector<16xi32>, vector<16xi32> -> vector<16xi32>
          %ge3A_1169 = arith.constant 11 : i32
          %ge3A_1170 = vector.broadcast %ge3A_1169 : i32 to vector<16xi32>
          %ge3A_1171 = arith.cmpi sge, %iota3A, %ge3A_1170 : vector<16xi32>
          %jit3A_1172 = arith.constant -1 : i32
          %broadcast_in_dim3A_1173 = vector.broadcast %jit3A_1172 : i32 to vector<16xi32>
          %select_n3A_1174 = arith.select %ge3A_1171, %gather3A_1168, %broadcast_in_dim3A_1173 : vector<16xi1>, vector<16xi32>
          %eq3A_1175 = arith.cmpi eq, %select_n3A_1174, %and3A_545 : vector<16xi32>
          %jit3A_1176 = arith.constant 1 : i32
          %jit3A_1177 = arith.constant 0 : i32
          %broadcast_in_dim3A_1178 = vector.broadcast %jit3A_1176 : i32 to vector<16xi32>
          %broadcast_in_dim3A_1179 = vector.broadcast %jit3A_1177 : i32 to vector<16xi32>
          %select_n3A_1180 = arith.select %eq3A_1175, %broadcast_in_dim3A_1178, %broadcast_in_dim3A_1179 : vector<16xi1>, vector<16xi32>
          %add3A_1181 = arith.addi %add3A_1120, %select_n3A_1180 : vector<16xi32>
          %add3A_1182 = arith.constant 11 : i32
          %add3A_1183 = vector.broadcast %add3A_1182 : i32 to vector<16xi32>
          %add3A_1184 = arith.addi %iota3A, %add3A_1183 : vector<16xi32>
          %min3A_1185 = arith.constant 15 : i32
          %min3A_1186 = vector.broadcast %min3A_1185 : i32 to vector<16xi32>
          %min3A_1187 = arith.minsi %add3A_1184, %min3A_1186 : vector<16xi32>
          %lt3A_1188 = arith.constant 0 : i32
          %lt3A_1189 = vector.broadcast %lt3A_1188 : i32 to vector<16xi32>
          %lt3A_1190 = arith.cmpi slt, %min3A_1187, %lt3A_1189 : vector<16xi32>
          %add3A_1191 = arith.constant 16 : i32
          %add3A_1192 = vector.broadcast %add3A_1191 : i32 to vector<16xi32>
          %add3A_1193 = arith.addi %min3A_1187, %add3A_1192 : vector<16xi32>
          %select_n3A_1194 = arith.select %lt3A_1190, %add3A_1193, %min3A_1187 : vector<16xi1>, vector<16xi32>
          %broadcast_in_dim3A_1195 = vector.shape_cast %select_n3A_1194 : vector<16xi32> to vector<16x1xi32>
          %gather3A_1196 = vector.shape_cast %broadcast_in_dim3A_1195 : vector<16x1xi32> to vector<16xi32>
          %gather3A_1197 = tpu.dynamic_gather %and3A_545[%gather3A_1196] in [0] : vector<16xi32>, vector<16xi32> -> vector<16xi32>
          %add3A_1198 = arith.constant 11 : i32
          %add3A_1199 = vector.broadcast %add3A_1198 : i32 to vector<16xi32>
          %add3A_1200 = arith.addi %iota3A, %add3A_1199 : vector<16xi32>
          %le3A_1201 = arith.constant 15 : i32
          %le3A_1202 = vector.broadcast %le3A_1201 : i32 to vector<16xi32>
          %le3A_1203 = arith.cmpi sle, %add3A_1200, %le3A_1202 : vector<16xi32>
          %jit3A_1204 = arith.constant -2 : i32
          %broadcast_in_dim3A_1205 = vector.broadcast %jit3A_1204 : i32 to vector<16xi32>
          %select_n3A_1206 = arith.select %le3A_1203, %gather3A_1197, %broadcast_in_dim3A_1205 : vector<16xi1>, vector<16xi32>
          %eq3A_1207 = arith.cmpi eq, %select_n3A_1206, %and3A_545 : vector<16xi32>
          %jit3A_1208 = arith.constant 1 : i32
          %jit3A_1209 = arith.constant 0 : i32
          %broadcast_in_dim3A_1210 = vector.broadcast %jit3A_1208 : i32 to vector<16xi32>
          %broadcast_in_dim3A_1211 = vector.broadcast %jit3A_1209 : i32 to vector<16xi32>
          %select_n3A_1212 = arith.select %eq3A_1207, %broadcast_in_dim3A_1210, %broadcast_in_dim3A_1211 : vector<16xi1>, vector<16xi32>
          %add3A_1213 = arith.addi %add3A_1152, %select_n3A_1212 : vector<16xi32>
          %sub3A_1214 = arith.constant 12 : i32
          %sub3A_1215 = vector.broadcast %sub3A_1214 : i32 to vector<16xi32>
          %sub3A_1216 = arith.subi %iota3A, %sub3A_1215 : vector<16xi32>
          %max3A_1217 = arith.constant 0 : i32
          %max3A_1218 = vector.broadcast %max3A_1217 : i32 to vector<16xi32>
          %max3A_1219 = arith.maxsi %sub3A_1216, %max3A_1218 : vector<16xi32>
          %lt3A_1220 = arith.constant 0 : i32
          %lt3A_1221 = vector.broadcast %lt3A_1220 : i32 to vector<16xi32>
          %lt3A_1222 = arith.cmpi slt, %max3A_1219, %lt3A_1221 : vector<16xi32>
          %add3A_1223 = arith.constant 16 : i32
          %add3A_1224 = vector.broadcast %add3A_1223 : i32 to vector<16xi32>
          %add3A_1225 = arith.addi %max3A_1219, %add3A_1224 : vector<16xi32>
          %select_n3A_1226 = arith.select %lt3A_1222, %add3A_1225, %max3A_1219 : vector<16xi1>, vector<16xi32>
          %broadcast_in_dim3A_1227 = vector.shape_cast %select_n3A_1226 : vector<16xi32> to vector<16x1xi32>
          %gather3A_1228 = vector.shape_cast %broadcast_in_dim3A_1227 : vector<16x1xi32> to vector<16xi32>
          %gather3A_1229 = tpu.dynamic_gather %and3A_545[%gather3A_1228] in [0] : vector<16xi32>, vector<16xi32> -> vector<16xi32>
          %ge3A_1230 = arith.constant 12 : i32
          %ge3A_1231 = vector.broadcast %ge3A_1230 : i32 to vector<16xi32>
          %ge3A_1232 = arith.cmpi sge, %iota3A, %ge3A_1231 : vector<16xi32>
          %jit3A_1233 = arith.constant -1 : i32
          %broadcast_in_dim3A_1234 = vector.broadcast %jit3A_1233 : i32 to vector<16xi32>
          %select_n3A_1235 = arith.select %ge3A_1232, %gather3A_1229, %broadcast_in_dim3A_1234 : vector<16xi1>, vector<16xi32>
          %eq3A_1236 = arith.cmpi eq, %select_n3A_1235, %and3A_545 : vector<16xi32>
          %jit3A_1237 = arith.constant 1 : i32
          %jit3A_1238 = arith.constant 0 : i32
          %broadcast_in_dim3A_1239 = vector.broadcast %jit3A_1237 : i32 to vector<16xi32>
          %broadcast_in_dim3A_1240 = vector.broadcast %jit3A_1238 : i32 to vector<16xi32>
          %select_n3A_1241 = arith.select %eq3A_1236, %broadcast_in_dim3A_1239, %broadcast_in_dim3A_1240 : vector<16xi1>, vector<16xi32>
          %add3A_1242 = arith.addi %add3A_1181, %select_n3A_1241 : vector<16xi32>
          %add3A_1243 = arith.constant 12 : i32
          %add3A_1244 = vector.broadcast %add3A_1243 : i32 to vector<16xi32>
          %add3A_1245 = arith.addi %iota3A, %add3A_1244 : vector<16xi32>
          %min3A_1246 = arith.constant 15 : i32
          %min3A_1247 = vector.broadcast %min3A_1246 : i32 to vector<16xi32>
          %min3A_1248 = arith.minsi %add3A_1245, %min3A_1247 : vector<16xi32>
          %lt3A_1249 = arith.constant 0 : i32
          %lt3A_1250 = vector.broadcast %lt3A_1249 : i32 to vector<16xi32>
          %lt3A_1251 = arith.cmpi slt, %min3A_1248, %lt3A_1250 : vector<16xi32>
          %add3A_1252 = arith.constant 16 : i32
          %add3A_1253 = vector.broadcast %add3A_1252 : i32 to vector<16xi32>
          %add3A_1254 = arith.addi %min3A_1248, %add3A_1253 : vector<16xi32>
          %select_n3A_1255 = arith.select %lt3A_1251, %add3A_1254, %min3A_1248 : vector<16xi1>, vector<16xi32>
          %broadcast_in_dim3A_1256 = vector.shape_cast %select_n3A_1255 : vector<16xi32> to vector<16x1xi32>
          %gather3A_1257 = vector.shape_cast %broadcast_in_dim3A_1256 : vector<16x1xi32> to vector<16xi32>
          %gather3A_1258 = tpu.dynamic_gather %and3A_545[%gather3A_1257] in [0] : vector<16xi32>, vector<16xi32> -> vector<16xi32>
          %add3A_1259 = arith.constant 12 : i32
          %add3A_1260 = vector.broadcast %add3A_1259 : i32 to vector<16xi32>
          %add3A_1261 = arith.addi %iota3A, %add3A_1260 : vector<16xi32>
          %le3A_1262 = arith.constant 15 : i32
          %le3A_1263 = vector.broadcast %le3A_1262 : i32 to vector<16xi32>
          %le3A_1264 = arith.cmpi sle, %add3A_1261, %le3A_1263 : vector<16xi32>
          %jit3A_1265 = arith.constant -2 : i32
          %broadcast_in_dim3A_1266 = vector.broadcast %jit3A_1265 : i32 to vector<16xi32>
          %select_n3A_1267 = arith.select %le3A_1264, %gather3A_1258, %broadcast_in_dim3A_1266 : vector<16xi1>, vector<16xi32>
          %eq3A_1268 = arith.cmpi eq, %select_n3A_1267, %and3A_545 : vector<16xi32>
          %jit3A_1269 = arith.constant 1 : i32
          %jit3A_1270 = arith.constant 0 : i32
          %broadcast_in_dim3A_1271 = vector.broadcast %jit3A_1269 : i32 to vector<16xi32>
          %broadcast_in_dim3A_1272 = vector.broadcast %jit3A_1270 : i32 to vector<16xi32>
          %select_n3A_1273 = arith.select %eq3A_1268, %broadcast_in_dim3A_1271, %broadcast_in_dim3A_1272 : vector<16xi1>, vector<16xi32>
          %add3A_1274 = arith.addi %add3A_1213, %select_n3A_1273 : vector<16xi32>
          %sub3A_1275 = arith.constant 13 : i32
          %sub3A_1276 = vector.broadcast %sub3A_1275 : i32 to vector<16xi32>
          %sub3A_1277 = arith.subi %iota3A, %sub3A_1276 : vector<16xi32>
          %max3A_1278 = arith.constant 0 : i32
          %max3A_1279 = vector.broadcast %max3A_1278 : i32 to vector<16xi32>
          %max3A_1280 = arith.maxsi %sub3A_1277, %max3A_1279 : vector<16xi32>
          %lt3A_1281 = arith.constant 0 : i32
          %lt3A_1282 = vector.broadcast %lt3A_1281 : i32 to vector<16xi32>
          %lt3A_1283 = arith.cmpi slt, %max3A_1280, %lt3A_1282 : vector<16xi32>
          %add3A_1284 = arith.constant 16 : i32
          %add3A_1285 = vector.broadcast %add3A_1284 : i32 to vector<16xi32>
          %add3A_1286 = arith.addi %max3A_1280, %add3A_1285 : vector<16xi32>
          %select_n3A_1287 = arith.select %lt3A_1283, %add3A_1286, %max3A_1280 : vector<16xi1>, vector<16xi32>
          %broadcast_in_dim3A_1288 = vector.shape_cast %select_n3A_1287 : vector<16xi32> to vector<16x1xi32>
          %gather3A_1289 = vector.shape_cast %broadcast_in_dim3A_1288 : vector<16x1xi32> to vector<16xi32>
          %gather3A_1290 = tpu.dynamic_gather %and3A_545[%gather3A_1289] in [0] : vector<16xi32>, vector<16xi32> -> vector<16xi32>
          %ge3A_1291 = arith.constant 13 : i32
          %ge3A_1292 = vector.broadcast %ge3A_1291 : i32 to vector<16xi32>
          %ge3A_1293 = arith.cmpi sge, %iota3A, %ge3A_1292 : vector<16xi32>
          %jit3A_1294 = arith.constant -1 : i32
          %broadcast_in_dim3A_1295 = vector.broadcast %jit3A_1294 : i32 to vector<16xi32>
          %select_n3A_1296 = arith.select %ge3A_1293, %gather3A_1290, %broadcast_in_dim3A_1295 : vector<16xi1>, vector<16xi32>
          %eq3A_1297 = arith.cmpi eq, %select_n3A_1296, %and3A_545 : vector<16xi32>
          %jit3A_1298 = arith.constant 1 : i32
          %jit3A_1299 = arith.constant 0 : i32
          %broadcast_in_dim3A_1300 = vector.broadcast %jit3A_1298 : i32 to vector<16xi32>
          %broadcast_in_dim3A_1301 = vector.broadcast %jit3A_1299 : i32 to vector<16xi32>
          %select_n3A_1302 = arith.select %eq3A_1297, %broadcast_in_dim3A_1300, %broadcast_in_dim3A_1301 : vector<16xi1>, vector<16xi32>
          %add3A_1303 = arith.addi %add3A_1242, %select_n3A_1302 : vector<16xi32>
          %add3A_1304 = arith.constant 13 : i32
          %add3A_1305 = vector.broadcast %add3A_1304 : i32 to vector<16xi32>
          %add3A_1306 = arith.addi %iota3A, %add3A_1305 : vector<16xi32>
          %min3A_1307 = arith.constant 15 : i32
          %min3A_1308 = vector.broadcast %min3A_1307 : i32 to vector<16xi32>
          %min3A_1309 = arith.minsi %add3A_1306, %min3A_1308 : vector<16xi32>
          %lt3A_1310 = arith.constant 0 : i32
          %lt3A_1311 = vector.broadcast %lt3A_1310 : i32 to vector<16xi32>
          %lt3A_1312 = arith.cmpi slt, %min3A_1309, %lt3A_1311 : vector<16xi32>
          %add3A_1313 = arith.constant 16 : i32
          %add3A_1314 = vector.broadcast %add3A_1313 : i32 to vector<16xi32>
          %add3A_1315 = arith.addi %min3A_1309, %add3A_1314 : vector<16xi32>
          %select_n3A_1316 = arith.select %lt3A_1312, %add3A_1315, %min3A_1309 : vector<16xi1>, vector<16xi32>
          %broadcast_in_dim3A_1317 = vector.shape_cast %select_n3A_1316 : vector<16xi32> to vector<16x1xi32>
          %gather3A_1318 = vector.shape_cast %broadcast_in_dim3A_1317 : vector<16x1xi32> to vector<16xi32>
          %gather3A_1319 = tpu.dynamic_gather %and3A_545[%gather3A_1318] in [0] : vector<16xi32>, vector<16xi32> -> vector<16xi32>
          %add3A_1320 = arith.constant 13 : i32
          %add3A_1321 = vector.broadcast %add3A_1320 : i32 to vector<16xi32>
          %add3A_1322 = arith.addi %iota3A, %add3A_1321 : vector<16xi32>
          %le3A_1323 = arith.constant 15 : i32
          %le3A_1324 = vector.broadcast %le3A_1323 : i32 to vector<16xi32>
          %le3A_1325 = arith.cmpi sle, %add3A_1322, %le3A_1324 : vector<16xi32>
          %jit3A_1326 = arith.constant -2 : i32
          %broadcast_in_dim3A_1327 = vector.broadcast %jit3A_1326 : i32 to vector<16xi32>
          %select_n3A_1328 = arith.select %le3A_1325, %gather3A_1319, %broadcast_in_dim3A_1327 : vector<16xi1>, vector<16xi32>
          %eq3A_1329 = arith.cmpi eq, %select_n3A_1328, %and3A_545 : vector<16xi32>
          %jit3A_1330 = arith.constant 1 : i32
          %jit3A_1331 = arith.constant 0 : i32
          %broadcast_in_dim3A_1332 = vector.broadcast %jit3A_1330 : i32 to vector<16xi32>
          %broadcast_in_dim3A_1333 = vector.broadcast %jit3A_1331 : i32 to vector<16xi32>
          %select_n3A_1334 = arith.select %eq3A_1329, %broadcast_in_dim3A_1332, %broadcast_in_dim3A_1333 : vector<16xi1>, vector<16xi32>
          %add3A_1335 = arith.addi %add3A_1274, %select_n3A_1334 : vector<16xi32>
          %sub3A_1336 = arith.constant 14 : i32
          %sub3A_1337 = vector.broadcast %sub3A_1336 : i32 to vector<16xi32>
          %sub3A_1338 = arith.subi %iota3A, %sub3A_1337 : vector<16xi32>
          %max3A_1339 = arith.constant 0 : i32
          %max3A_1340 = vector.broadcast %max3A_1339 : i32 to vector<16xi32>
          %max3A_1341 = arith.maxsi %sub3A_1338, %max3A_1340 : vector<16xi32>
          %lt3A_1342 = arith.constant 0 : i32
          %lt3A_1343 = vector.broadcast %lt3A_1342 : i32 to vector<16xi32>
          %lt3A_1344 = arith.cmpi slt, %max3A_1341, %lt3A_1343 : vector<16xi32>
          %add3A_1345 = arith.constant 16 : i32
          %add3A_1346 = vector.broadcast %add3A_1345 : i32 to vector<16xi32>
          %add3A_1347 = arith.addi %max3A_1341, %add3A_1346 : vector<16xi32>
          %select_n3A_1348 = arith.select %lt3A_1344, %add3A_1347, %max3A_1341 : vector<16xi1>, vector<16xi32>
          %broadcast_in_dim3A_1349 = vector.shape_cast %select_n3A_1348 : vector<16xi32> to vector<16x1xi32>
          %gather3A_1350 = vector.shape_cast %broadcast_in_dim3A_1349 : vector<16x1xi32> to vector<16xi32>
          %gather3A_1351 = tpu.dynamic_gather %and3A_545[%gather3A_1350] in [0] : vector<16xi32>, vector<16xi32> -> vector<16xi32>
          %ge3A_1352 = arith.constant 14 : i32
          %ge3A_1353 = vector.broadcast %ge3A_1352 : i32 to vector<16xi32>
          %ge3A_1354 = arith.cmpi sge, %iota3A, %ge3A_1353 : vector<16xi32>
          %jit3A_1355 = arith.constant -1 : i32
          %broadcast_in_dim3A_1356 = vector.broadcast %jit3A_1355 : i32 to vector<16xi32>
          %select_n3A_1357 = arith.select %ge3A_1354, %gather3A_1351, %broadcast_in_dim3A_1356 : vector<16xi1>, vector<16xi32>
          %eq3A_1358 = arith.cmpi eq, %select_n3A_1357, %and3A_545 : vector<16xi32>
          %jit3A_1359 = arith.constant 1 : i32
          %jit3A_1360 = arith.constant 0 : i32
          %broadcast_in_dim3A_1361 = vector.broadcast %jit3A_1359 : i32 to vector<16xi32>
          %broadcast_in_dim3A_1362 = vector.broadcast %jit3A_1360 : i32 to vector<16xi32>
          %select_n3A_1363 = arith.select %eq3A_1358, %broadcast_in_dim3A_1361, %broadcast_in_dim3A_1362 : vector<16xi1>, vector<16xi32>
          %add3A_1364 = arith.addi %add3A_1303, %select_n3A_1363 : vector<16xi32>
          %add3A_1365 = arith.constant 14 : i32
          %add3A_1366 = vector.broadcast %add3A_1365 : i32 to vector<16xi32>
          %add3A_1367 = arith.addi %iota3A, %add3A_1366 : vector<16xi32>
          %min3A_1368 = arith.constant 15 : i32
          %min3A_1369 = vector.broadcast %min3A_1368 : i32 to vector<16xi32>
          %min3A_1370 = arith.minsi %add3A_1367, %min3A_1369 : vector<16xi32>
          %lt3A_1371 = arith.constant 0 : i32
          %lt3A_1372 = vector.broadcast %lt3A_1371 : i32 to vector<16xi32>
          %lt3A_1373 = arith.cmpi slt, %min3A_1370, %lt3A_1372 : vector<16xi32>
          %add3A_1374 = arith.constant 16 : i32
          %add3A_1375 = vector.broadcast %add3A_1374 : i32 to vector<16xi32>
          %add3A_1376 = arith.addi %min3A_1370, %add3A_1375 : vector<16xi32>
          %select_n3A_1377 = arith.select %lt3A_1373, %add3A_1376, %min3A_1370 : vector<16xi1>, vector<16xi32>
          %broadcast_in_dim3A_1378 = vector.shape_cast %select_n3A_1377 : vector<16xi32> to vector<16x1xi32>
          %gather3A_1379 = vector.shape_cast %broadcast_in_dim3A_1378 : vector<16x1xi32> to vector<16xi32>
          %gather3A_1380 = tpu.dynamic_gather %and3A_545[%gather3A_1379] in [0] : vector<16xi32>, vector<16xi32> -> vector<16xi32>
          %add3A_1381 = arith.constant 14 : i32
          %add3A_1382 = vector.broadcast %add3A_1381 : i32 to vector<16xi32>
          %add3A_1383 = arith.addi %iota3A, %add3A_1382 : vector<16xi32>
          %le3A_1384 = arith.constant 15 : i32
          %le3A_1385 = vector.broadcast %le3A_1384 : i32 to vector<16xi32>
          %le3A_1386 = arith.cmpi sle, %add3A_1383, %le3A_1385 : vector<16xi32>
          %jit3A_1387 = arith.constant -2 : i32
          %broadcast_in_dim3A_1388 = vector.broadcast %jit3A_1387 : i32 to vector<16xi32>
          %select_n3A_1389 = arith.select %le3A_1386, %gather3A_1380, %broadcast_in_dim3A_1388 : vector<16xi1>, vector<16xi32>
          %eq3A_1390 = arith.cmpi eq, %select_n3A_1389, %and3A_545 : vector<16xi32>
          %jit3A_1391 = arith.constant 1 : i32
          %jit3A_1392 = arith.constant 0 : i32
          %broadcast_in_dim3A_1393 = vector.broadcast %jit3A_1391 : i32 to vector<16xi32>
          %broadcast_in_dim3A_1394 = vector.broadcast %jit3A_1392 : i32 to vector<16xi32>
          %select_n3A_1395 = arith.select %eq3A_1390, %broadcast_in_dim3A_1393, %broadcast_in_dim3A_1394 : vector<16xi1>, vector<16xi32>
          %add3A_1396 = arith.addi %add3A_1335, %select_n3A_1395 : vector<16xi32>
          %sub3A_1397 = arith.constant 15 : i32
          %sub3A_1398 = vector.broadcast %sub3A_1397 : i32 to vector<16xi32>
          %sub3A_1399 = arith.subi %iota3A, %sub3A_1398 : vector<16xi32>
          %max3A_1400 = arith.constant 0 : i32
          %max3A_1401 = vector.broadcast %max3A_1400 : i32 to vector<16xi32>
          %max3A_1402 = arith.maxsi %sub3A_1399, %max3A_1401 : vector<16xi32>
          %lt3A_1403 = arith.constant 0 : i32
          %lt3A_1404 = vector.broadcast %lt3A_1403 : i32 to vector<16xi32>
          %lt3A_1405 = arith.cmpi slt, %max3A_1402, %lt3A_1404 : vector<16xi32>
          %add3A_1406 = arith.constant 16 : i32
          %add3A_1407 = vector.broadcast %add3A_1406 : i32 to vector<16xi32>
          %add3A_1408 = arith.addi %max3A_1402, %add3A_1407 : vector<16xi32>
          %select_n3A_1409 = arith.select %lt3A_1405, %add3A_1408, %max3A_1402 : vector<16xi1>, vector<16xi32>
          %broadcast_in_dim3A_1410 = vector.shape_cast %select_n3A_1409 : vector<16xi32> to vector<16x1xi32>
          %gather3A_1411 = vector.shape_cast %broadcast_in_dim3A_1410 : vector<16x1xi32> to vector<16xi32>
          %gather3A_1412 = tpu.dynamic_gather %and3A_545[%gather3A_1411] in [0] : vector<16xi32>, vector<16xi32> -> vector<16xi32>
          %ge3A_1413 = arith.constant 15 : i32
          %ge3A_1414 = vector.broadcast %ge3A_1413 : i32 to vector<16xi32>
          %ge3A_1415 = arith.cmpi sge, %iota3A, %ge3A_1414 : vector<16xi32>
          %jit3A_1416 = arith.constant -1 : i32
          %broadcast_in_dim3A_1417 = vector.broadcast %jit3A_1416 : i32 to vector<16xi32>
          %select_n3A_1418 = arith.select %ge3A_1415, %gather3A_1412, %broadcast_in_dim3A_1417 : vector<16xi1>, vector<16xi32>
          %eq3A_1419 = arith.cmpi eq, %select_n3A_1418, %and3A_545 : vector<16xi32>
          %jit3A_1420 = arith.constant 1 : i32
          %jit3A_1421 = arith.constant 0 : i32
          %broadcast_in_dim3A_1422 = vector.broadcast %jit3A_1420 : i32 to vector<16xi32>
          %broadcast_in_dim3A_1423 = vector.broadcast %jit3A_1421 : i32 to vector<16xi32>
          %select_n3A_1424 = arith.select %eq3A_1419, %broadcast_in_dim3A_1422, %broadcast_in_dim3A_1423 : vector<16xi1>, vector<16xi32>
          %add3A_1425 = arith.addi %add3A_1364, %select_n3A_1424 : vector<16xi32>
          %add3A_1426 = arith.constant 15 : i32
          %add3A_1427 = vector.broadcast %add3A_1426 : i32 to vector<16xi32>
          %add3A_1428 = arith.addi %iota3A, %add3A_1427 : vector<16xi32>
          %min3A_1429 = arith.constant 15 : i32
          %min3A_1430 = vector.broadcast %min3A_1429 : i32 to vector<16xi32>
          %min3A_1431 = arith.minsi %add3A_1428, %min3A_1430 : vector<16xi32>
          %lt3A_1432 = arith.constant 0 : i32
          %lt3A_1433 = vector.broadcast %lt3A_1432 : i32 to vector<16xi32>
          %lt3A_1434 = arith.cmpi slt, %min3A_1431, %lt3A_1433 : vector<16xi32>
          %add3A_1435 = arith.constant 16 : i32
          %add3A_1436 = vector.broadcast %add3A_1435 : i32 to vector<16xi32>
          %add3A_1437 = arith.addi %min3A_1431, %add3A_1436 : vector<16xi32>
          %select_n3A_1438 = arith.select %lt3A_1434, %add3A_1437, %min3A_1431 : vector<16xi1>, vector<16xi32>
          %broadcast_in_dim3A_1439 = vector.shape_cast %select_n3A_1438 : vector<16xi32> to vector<16x1xi32>
          %gather3A_1440 = vector.shape_cast %broadcast_in_dim3A_1439 : vector<16x1xi32> to vector<16xi32>
          %gather3A_1441 = tpu.dynamic_gather %and3A_545[%gather3A_1440] in [0] : vector<16xi32>, vector<16xi32> -> vector<16xi32>
          %add3A_1442 = arith.constant 15 : i32
          %add3A_1443 = vector.broadcast %add3A_1442 : i32 to vector<16xi32>
          %add3A_1444 = arith.addi %iota3A, %add3A_1443 : vector<16xi32>
          %le3A_1445 = arith.constant 15 : i32
          %le3A_1446 = vector.broadcast %le3A_1445 : i32 to vector<16xi32>
          %le3A_1447 = arith.cmpi sle, %add3A_1444, %le3A_1446 : vector<16xi32>
          %jit3A_1448 = arith.constant -2 : i32
          %broadcast_in_dim3A_1449 = vector.broadcast %jit3A_1448 : i32 to vector<16xi32>
          %select_n3A_1450 = arith.select %le3A_1447, %gather3A_1441, %broadcast_in_dim3A_1449 : vector<16xi1>, vector<16xi32>
          %eq3A_1451 = arith.cmpi eq, %select_n3A_1450, %and3A_545 : vector<16xi32>
          %jit3A_1452 = arith.constant 1 : i32
          %jit3A_1453 = arith.constant 0 : i32
          %broadcast_in_dim3A_1454 = vector.broadcast %jit3A_1452 : i32 to vector<16xi32>
          %broadcast_in_dim3A_1455 = vector.broadcast %jit3A_1453 : i32 to vector<16xi32>
          %select_n3A_1456 = arith.select %eq3A_1451, %broadcast_in_dim3A_1454, %broadcast_in_dim3A_1455 : vector<16xi1>, vector<16xi32>
          %add3A_1457 = arith.addi %add3A_1396, %select_n3A_1456 : vector<16xi32>
          %eq3A_1458 = arith.constant 0 : i32
          %eq3A_1459 = vector.broadcast %eq3A_1458 : i32 to vector<16xi32>
          %eq3A_1460 = arith.cmpi eq, %add3A_1457, %eq3A_1459 : vector<16xi32>
          tpu.vector_store_idx %arg16[%add3A_542], %and3A_545 : memref<2048xi32, #tpu.memory_space<vmem>>[vector<16xi32>], vector<16xi32>,
          tpu.vector_store_idx %arg17[%add3A_542], %add3A_1425 : memref<2048xi32, #tpu.memory_space<vmem>>[vector<16xi32>], vector<16xi32>,
          %jit3A_1461 = arith.constant 1 : i32
          %jit3A_1462 = arith.constant 0 : i32
          %broadcast_in_dim3A_1463 = vector.broadcast %jit3A_1461 : i32 to vector<16xi32>
          %broadcast_in_dim3A_1464 = vector.broadcast %jit3A_1462 : i32 to vector<16xi32>
          %select_n3A_1465 = arith.select %eq3A_1460, %broadcast_in_dim3A_1463, %broadcast_in_dim3A_1464 : vector<16xi1>, vector<16xi32>
          tpu.vector_store_idx %arg18[%add3A_542], %select_n3A_1465 : memref<2048xi32, #tpu.memory_space<vmem>>[vector<16xi32>], vector<16xi32>,
          %gather3A_1466 = tpu.vector_load_idx %arg19[%and3A_545] : memref<512xi32, #tpu.memory_space<vmem>>[vector<16xi32>], vector<16xi32>,
          %add3A_1467 = arith.addi %gather3A_1466, %add3A_1425 : vector<16xi32>
          %add3A_1468 = arith.constant 1 : i32
          %add3A_1469 = vector.broadcast %add3A_1468 : i32 to vector<16xi32>
          %add3A_1470 = arith.addi %add3A_1467, %add3A_1469 : vector<16xi32>
          tpu.vector_store_idx %arg19[%and3A_545], %add3A_1470 masked %eq3A_1460 : memref<512xi32, #tpu.memory_space<vmem>>[vector<16xi32>], vector<16xi32>, vector<16xi1>
          %scan3A_1471 = arith.constant 0 : i32
          scf.yield %scan3A_1471 : i32
        }
        %scan3A_453 = arith.constant 128 : i32
        %mul3A_454 = arith.constant 512 : i32
        %mul3A_455 = arith.muli %arg1, %mul3A_454 : i32
        "tpu.region"() ({
          %run_scoped3A = tpu.sem_alloc : memref<!tpu.dma_semaphore, #tpu.memory_space<semaphore_mem>>
          %dma_start3A = tpu.memref_slice %arg54[%mul3A_455] : memref<8192xi32, #tpu.memory_space<vmem_shared>> -> memref<512xi32, #tpu.memory_space<vmem_shared>>
          %dma_start3A_537 = tpu.memref_slice %arg54[%mul3A_455] : memref<8192xi32, #tpu.memory_space<vmem_shared>> -> memref<512xi32, #tpu.memory_space<vmem_shared>>
          tpu.enqueue_dma source(%arg19 : memref<512xi32, #tpu.memory_space<vmem>>) target(%dma_start3A_537 : memref<512xi32, #tpu.memory_space<vmem_shared>>) target_semaphore(%run_scoped3A : memref<!tpu.dma_semaphore, #tpu.memory_space<semaphore_mem>>)
          %dma_wait3A = tpu.memref_slice %arg54[%mul3A_455] : memref<8192xi32, #tpu.memory_space<vmem_shared>> -> memref<512xi32, #tpu.memory_space<vmem_shared>>
          %dma_wait3A_538 = tpu.memref_slice %arg54[%mul3A_455] : memref<8192xi32, #tpu.memory_space<vmem_shared>> -> memref<512xi32, #tpu.memory_space<vmem_shared>>
          tpu.wait_dma2 semaphore(%run_scoped3A : memref<!tpu.dma_semaphore, #tpu.memory_space<semaphore_mem>>) src(%arg19 : memref<512xi32, #tpu.memory_space<vmem>>) dst(%dma_wait3A_538 : memref<512xi32, #tpu.memory_space<vmem_shared>>)
          tpu.yield
        }) : () -> ()
        %barrier3A_456 = arith.constant 0 : index
        tpu.barrier barrier_id(%barrier3A_456)
        "tpu.region"() ({
          %run_scoped3A = tpu.sem_alloc : memref<!tpu.dma_semaphore, #tpu.memory_space<semaphore_mem>>
          tpu.enqueue_dma source(%arg54 : memref<8192xi32, #tpu.memory_space<vmem_shared>>) target(%arg21 : memref<8192xi32, #tpu.memory_space<vmem>>) target_semaphore(%run_scoped3A : memref<!tpu.dma_semaphore, #tpu.memory_space<semaphore_mem>>)
          tpu.wait_dma2 semaphore(%run_scoped3A : memref<!tpu.dma_semaphore, #tpu.memory_space<semaphore_mem>>) src(%arg54 : memref<8192xi32, #tpu.memory_space<vmem_shared>>) dst(%arg21 : memref<8192xi32, #tpu.memory_space<vmem>>)
          tpu.yield
        }) : () -> ()
        %scan3A_457 = arith.constant 0 : i32
        %scan3A_458 = arith.constant 32 : i32
        %scan3A_459 = arith.addi %scan3A_457, %scan3A_458 : i32
        %scan3A_460 = arith.constant 1 : i32
        %scan3A_461 = scf.for %scan3A_537 = %scan3A_457 to %scan3A_459 step %scan3A_460 iter_args(%scan3A_538 = %broadcast_in_dim3A_0) -> (vector<16xi32>)  : i32 {
          %mul3A_539 = arith.constant 16 : i32
          %mul3A_540 = arith.muli %scan3A_537, %mul3A_539 : i32
          %add3A_541 = arith.constant 0 : i32
          %add3A_542 = arith.addi %add3A_541, %mul3A_540 : i32
          %add3A_543 = vector.broadcast %add3A_542 : i32 to vector<16xi32>
          %add3A_544 = arith.addi %add3A_543, %iota3A : vector<16xi32>
          %gather3A_545 = tpu.vector_load_idx %arg21[%add3A_544] : memref<8192xi32, #tpu.memory_space<vmem>>[vector<16xi32>], vector<16xi32>,
          %add3A_546 = arith.addi %broadcast_in_dim3A_0, %gather3A_545 : vector<16xi32>
          %gt3A_547 = arith.constant 0 : i32
          %gt3A_548 = arith.cmpi sgt, %arg1, %gt3A_547 : i32
          %jit3A_549 = arith.constant 0 : i32
          %broadcast_in_dim3A_550 = vector.broadcast %jit3A_549 : i32 to vector<16xi32>
          %select_n3A_551 = arith.select %gt3A_548, %gather3A_545, %broadcast_in_dim3A_550 : vector<16xi32>
          %add3A_552 = arith.addi %broadcast_in_dim3A_0, %select_n3A_551 : vector<16xi32>
          %add3A_553 = arith.constant 512 : i32
          %add3A_554 = arith.addi %add3A_553, %mul3A_540 : i32
          %add3A_555 = vector.broadcast %add3A_554 : i32 to vector<16xi32>
          %add3A_556 = arith.addi %add3A_555, %iota3A : vector<16xi32>
          %gather3A_557 = tpu.vector_load_idx %arg21[%add3A_556] : memref<8192xi32, #tpu.memory_space<vmem>>[vector<16xi32>], vector<16xi32>,
          %add3A_558 = arith.addi %add3A_546, %gather3A_557 : vector<16xi32>
          %gt3A_559 = arith.constant 1 : i32
          %gt3A_560 = arith.cmpi sgt, %arg1, %gt3A_559 : i32
          %jit3A_561 = arith.constant 0 : i32
          %broadcast_in_dim3A_562 = vector.broadcast %jit3A_561 : i32 to vector<16xi32>
          %select_n3A_563 = arith.select %gt3A_560, %gather3A_557, %broadcast_in_dim3A_562 : vector<16xi32>
          %add3A_564 = arith.addi %add3A_552, %select_n3A_563 : vector<16xi32>
          %add3A_565 = arith.constant 1024 : i32
          %add3A_566 = arith.addi %add3A_565, %mul3A_540 : i32
          %add3A_567 = vector.broadcast %add3A_566 : i32 to vector<16xi32>
          %add3A_568 = arith.addi %add3A_567, %iota3A : vector<16xi32>
          %gather3A_569 = tpu.vector_load_idx %arg21[%add3A_568] : memref<8192xi32, #tpu.memory_space<vmem>>[vector<16xi32>], vector<16xi32>,
          %add3A_570 = arith.addi %add3A_558, %gather3A_569 : vector<16xi32>
          %gt3A_571 = arith.constant 2 : i32
          %gt3A_572 = arith.cmpi sgt, %arg1, %gt3A_571 : i32
          %jit3A_573 = arith.constant 0 : i32
          %broadcast_in_dim3A_574 = vector.broadcast %jit3A_573 : i32 to vector<16xi32>
          %select_n3A_575 = arith.select %gt3A_572, %gather3A_569, %broadcast_in_dim3A_574 : vector<16xi32>
          %add3A_576 = arith.addi %add3A_564, %select_n3A_575 : vector<16xi32>
          %add3A_577 = arith.constant 1536 : i32
          %add3A_578 = arith.addi %add3A_577, %mul3A_540 : i32
          %add3A_579 = vector.broadcast %add3A_578 : i32 to vector<16xi32>
          %add3A_580 = arith.addi %add3A_579, %iota3A : vector<16xi32>
          %gather3A_581 = tpu.vector_load_idx %arg21[%add3A_580] : memref<8192xi32, #tpu.memory_space<vmem>>[vector<16xi32>], vector<16xi32>,
          %add3A_582 = arith.addi %add3A_570, %gather3A_581 : vector<16xi32>
          %gt3A_583 = arith.constant 3 : i32
          %gt3A_584 = arith.cmpi sgt, %arg1, %gt3A_583 : i32
          %jit3A_585 = arith.constant 0 : i32
          %broadcast_in_dim3A_586 = vector.broadcast %jit3A_585 : i32 to vector<16xi32>
          %select_n3A_587 = arith.select %gt3A_584, %gather3A_581, %broadcast_in_dim3A_586 : vector<16xi32>
          %add3A_588 = arith.addi %add3A_576, %select_n3A_587 : vector<16xi32>
          %add3A_589 = arith.constant 2048 : i32
          %add3A_590 = arith.addi %add3A_589, %mul3A_540 : i32
          %add3A_591 = vector.broadcast %add3A_590 : i32 to vector<16xi32>
          %add3A_592 = arith.addi %add3A_591, %iota3A : vector<16xi32>
          %gather3A_593 = tpu.vector_load_idx %arg21[%add3A_592] : memref<8192xi32, #tpu.memory_space<vmem>>[vector<16xi32>], vector<16xi32>,
          %add3A_594 = arith.addi %add3A_582, %gather3A_593 : vector<16xi32>
          %gt3A_595 = arith.constant 4 : i32
          %gt3A_596 = arith.cmpi sgt, %arg1, %gt3A_595 : i32
          %jit3A_597 = arith.constant 0 : i32
          %broadcast_in_dim3A_598 = vector.broadcast %jit3A_597 : i32 to vector<16xi32>
          %select_n3A_599 = arith.select %gt3A_596, %gather3A_593, %broadcast_in_dim3A_598 : vector<16xi32>
          %add3A_600 = arith.addi %add3A_588, %select_n3A_599 : vector<16xi32>
          %add3A_601 = arith.constant 2560 : i32
          %add3A_602 = arith.addi %add3A_601, %mul3A_540 : i32
          %add3A_603 = vector.broadcast %add3A_602 : i32 to vector<16xi32>
          %add3A_604 = arith.addi %add3A_603, %iota3A : vector<16xi32>
          %gather3A_605 = tpu.vector_load_idx %arg21[%add3A_604] : memref<8192xi32, #tpu.memory_space<vmem>>[vector<16xi32>], vector<16xi32>,
          %add3A_606 = arith.addi %add3A_594, %gather3A_605 : vector<16xi32>
          %gt3A_607 = arith.constant 5 : i32
          %gt3A_608 = arith.cmpi sgt, %arg1, %gt3A_607 : i32
          %jit3A_609 = arith.constant 0 : i32
          %broadcast_in_dim3A_610 = vector.broadcast %jit3A_609 : i32 to vector<16xi32>
          %select_n3A_611 = arith.select %gt3A_608, %gather3A_605, %broadcast_in_dim3A_610 : vector<16xi32>
          %add3A_612 = arith.addi %add3A_600, %select_n3A_611 : vector<16xi32>
          %add3A_613 = arith.constant 3072 : i32
          %add3A_614 = arith.addi %add3A_613, %mul3A_540 : i32
          %add3A_615 = vector.broadcast %add3A_614 : i32 to vector<16xi32>
          %add3A_616 = arith.addi %add3A_615, %iota3A : vector<16xi32>
          %gather3A_617 = tpu.vector_load_idx %arg21[%add3A_616] : memref<8192xi32, #tpu.memory_space<vmem>>[vector<16xi32>], vector<16xi32>,
          %add3A_618 = arith.addi %add3A_606, %gather3A_617 : vector<16xi32>
          %gt3A_619 = arith.constant 6 : i32
          %gt3A_620 = arith.cmpi sgt, %arg1, %gt3A_619 : i32
          %jit3A_621 = arith.constant 0 : i32
          %broadcast_in_dim3A_622 = vector.broadcast %jit3A_621 : i32 to vector<16xi32>
          %select_n3A_623 = arith.select %gt3A_620, %gather3A_617, %broadcast_in_dim3A_622 : vector<16xi32>
          %add3A_624 = arith.addi %add3A_612, %select_n3A_623 : vector<16xi32>
          %add3A_625 = arith.constant 3584 : i32
          %add3A_626 = arith.addi %add3A_625, %mul3A_540 : i32
          %add3A_627 = vector.broadcast %add3A_626 : i32 to vector<16xi32>
          %add3A_628 = arith.addi %add3A_627, %iota3A : vector<16xi32>
          %gather3A_629 = tpu.vector_load_idx %arg21[%add3A_628] : memref<8192xi32, #tpu.memory_space<vmem>>[vector<16xi32>], vector<16xi32>,
          %add3A_630 = arith.addi %add3A_618, %gather3A_629 : vector<16xi32>
          %gt3A_631 = arith.constant 7 : i32
          %gt3A_632 = arith.cmpi sgt, %arg1, %gt3A_631 : i32
          %jit3A_633 = arith.constant 0 : i32
          %broadcast_in_dim3A_634 = vector.broadcast %jit3A_633 : i32 to vector<16xi32>
          %select_n3A_635 = arith.select %gt3A_632, %gather3A_629, %broadcast_in_dim3A_634 : vector<16xi32>
          %add3A_636 = arith.addi %add3A_624, %select_n3A_635 : vector<16xi32>
          %add3A_637 = arith.constant 4096 : i32
          %add3A_638 = arith.addi %add3A_637, %mul3A_540 : i32
          %add3A_639 = vector.broadcast %add3A_638 : i32 to vector<16xi32>
          %add3A_640 = arith.addi %add3A_639, %iota3A : vector<16xi32>
          %gather3A_641 = tpu.vector_load_idx %arg21[%add3A_640] : memref<8192xi32, #tpu.memory_space<vmem>>[vector<16xi32>], vector<16xi32>,
          %add3A_642 = arith.addi %add3A_630, %gather3A_641 : vector<16xi32>
          %gt3A_643 = arith.constant 8 : i32
          %gt3A_644 = arith.cmpi sgt, %arg1, %gt3A_643 : i32
          %jit3A_645 = arith.constant 0 : i32
          %broadcast_in_dim3A_646 = vector.broadcast %jit3A_645 : i32 to vector<16xi32>
          %select_n3A_647 = arith.select %gt3A_644, %gather3A_641, %broadcast_in_dim3A_646 : vector<16xi32>
          %add3A_648 = arith.addi %add3A_636, %select_n3A_647 : vector<16xi32>
          %add3A_649 = arith.constant 4608 : i32
          %add3A_650 = arith.addi %add3A_649, %mul3A_540 : i32
          %add3A_651 = vector.broadcast %add3A_650 : i32 to vector<16xi32>
          %add3A_652 = arith.addi %add3A_651, %iota3A : vector<16xi32>
          %gather3A_653 = tpu.vector_load_idx %arg21[%add3A_652] : memref<8192xi32, #tpu.memory_space<vmem>>[vector<16xi32>], vector<16xi32>,
          %add3A_654 = arith.addi %add3A_642, %gather3A_653 : vector<16xi32>
          %gt3A_655 = arith.constant 9 : i32
          %gt3A_656 = arith.cmpi sgt, %arg1, %gt3A_655 : i32
          %jit3A_657 = arith.constant 0 : i32
          %broadcast_in_dim3A_658 = vector.broadcast %jit3A_657 : i32 to vector<16xi32>
          %select_n3A_659 = arith.select %gt3A_656, %gather3A_653, %broadcast_in_dim3A_658 : vector<16xi32>
          %add3A_660 = arith.addi %add3A_648, %select_n3A_659 : vector<16xi32>
          %add3A_661 = arith.constant 5120 : i32
          %add3A_662 = arith.addi %add3A_661, %mul3A_540 : i32
          %add3A_663 = vector.broadcast %add3A_662 : i32 to vector<16xi32>
          %add3A_664 = arith.addi %add3A_663, %iota3A : vector<16xi32>
          %gather3A_665 = tpu.vector_load_idx %arg21[%add3A_664] : memref<8192xi32, #tpu.memory_space<vmem>>[vector<16xi32>], vector<16xi32>,
          %add3A_666 = arith.addi %add3A_654, %gather3A_665 : vector<16xi32>
          %gt3A_667 = arith.constant 10 : i32
          %gt3A_668 = arith.cmpi sgt, %arg1, %gt3A_667 : i32
          %jit3A_669 = arith.constant 0 : i32
          %broadcast_in_dim3A_670 = vector.broadcast %jit3A_669 : i32 to vector<16xi32>
          %select_n3A_671 = arith.select %gt3A_668, %gather3A_665, %broadcast_in_dim3A_670 : vector<16xi32>
          %add3A_672 = arith.addi %add3A_660, %select_n3A_671 : vector<16xi32>
          %add3A_673 = arith.constant 5632 : i32
          %add3A_674 = arith.addi %add3A_673, %mul3A_540 : i32
          %add3A_675 = vector.broadcast %add3A_674 : i32 to vector<16xi32>
          %add3A_676 = arith.addi %add3A_675, %iota3A : vector<16xi32>
          %gather3A_677 = tpu.vector_load_idx %arg21[%add3A_676] : memref<8192xi32, #tpu.memory_space<vmem>>[vector<16xi32>], vector<16xi32>,
          %add3A_678 = arith.addi %add3A_666, %gather3A_677 : vector<16xi32>
          %gt3A_679 = arith.constant 11 : i32
          %gt3A_680 = arith.cmpi sgt, %arg1, %gt3A_679 : i32
          %jit3A_681 = arith.constant 0 : i32
          %broadcast_in_dim3A_682 = vector.broadcast %jit3A_681 : i32 to vector<16xi32>
          %select_n3A_683 = arith.select %gt3A_680, %gather3A_677, %broadcast_in_dim3A_682 : vector<16xi32>
          %add3A_684 = arith.addi %add3A_672, %select_n3A_683 : vector<16xi32>
          %add3A_685 = arith.constant 6144 : i32
          %add3A_686 = arith.addi %add3A_685, %mul3A_540 : i32
          %add3A_687 = vector.broadcast %add3A_686 : i32 to vector<16xi32>
          %add3A_688 = arith.addi %add3A_687, %iota3A : vector<16xi32>
          %gather3A_689 = tpu.vector_load_idx %arg21[%add3A_688] : memref<8192xi32, #tpu.memory_space<vmem>>[vector<16xi32>], vector<16xi32>,
          %add3A_690 = arith.addi %add3A_678, %gather3A_689 : vector<16xi32>
          %gt3A_691 = arith.constant 12 : i32
          %gt3A_692 = arith.cmpi sgt, %arg1, %gt3A_691 : i32
          %jit3A_693 = arith.constant 0 : i32
          %broadcast_in_dim3A_694 = vector.broadcast %jit3A_693 : i32 to vector<16xi32>
          %select_n3A_695 = arith.select %gt3A_692, %gather3A_689, %broadcast_in_dim3A_694 : vector<16xi32>
          %add3A_696 = arith.addi %add3A_684, %select_n3A_695 : vector<16xi32>
          %add3A_697 = arith.constant 6656 : i32
          %add3A_698 = arith.addi %add3A_697, %mul3A_540 : i32
          %add3A_699 = vector.broadcast %add3A_698 : i32 to vector<16xi32>
          %add3A_700 = arith.addi %add3A_699, %iota3A : vector<16xi32>
          %gather3A_701 = tpu.vector_load_idx %arg21[%add3A_700] : memref<8192xi32, #tpu.memory_space<vmem>>[vector<16xi32>], vector<16xi32>,
          %add3A_702 = arith.addi %add3A_690, %gather3A_701 : vector<16xi32>
          %gt3A_703 = arith.constant 13 : i32
          %gt3A_704 = arith.cmpi sgt, %arg1, %gt3A_703 : i32
          %jit3A_705 = arith.constant 0 : i32
          %broadcast_in_dim3A_706 = vector.broadcast %jit3A_705 : i32 to vector<16xi32>
          %select_n3A_707 = arith.select %gt3A_704, %gather3A_701, %broadcast_in_dim3A_706 : vector<16xi32>
          %add3A_708 = arith.addi %add3A_696, %select_n3A_707 : vector<16xi32>
          %add3A_709 = arith.constant 7168 : i32
          %add3A_710 = arith.addi %add3A_709, %mul3A_540 : i32
          %add3A_711 = vector.broadcast %add3A_710 : i32 to vector<16xi32>
          %add3A_712 = arith.addi %add3A_711, %iota3A : vector<16xi32>
          %gather3A_713 = tpu.vector_load_idx %arg21[%add3A_712] : memref<8192xi32, #tpu.memory_space<vmem>>[vector<16xi32>], vector<16xi32>,
          %add3A_714 = arith.addi %add3A_702, %gather3A_713 : vector<16xi32>
          %gt3A_715 = arith.constant 14 : i32
          %gt3A_716 = arith.cmpi sgt, %arg1, %gt3A_715 : i32
          %jit3A_717 = arith.constant 0 : i32
          %broadcast_in_dim3A_718 = vector.broadcast %jit3A_717 : i32 to vector<16xi32>
          %select_n3A_719 = arith.select %gt3A_716, %gather3A_713, %broadcast_in_dim3A_718 : vector<16xi32>
          %add3A_720 = arith.addi %add3A_708, %select_n3A_719 : vector<16xi32>
          %add3A_721 = arith.constant 7680 : i32
          %add3A_722 = arith.addi %add3A_721, %mul3A_540 : i32
          %add3A_723 = vector.broadcast %add3A_722 : i32 to vector<16xi32>
          %add3A_724 = arith.addi %add3A_723, %iota3A : vector<16xi32>
          %gather3A_725 = tpu.vector_load_idx %arg21[%add3A_724] : memref<8192xi32, #tpu.memory_space<vmem>>[vector<16xi32>], vector<16xi32>,
          %add3A_726 = arith.addi %add3A_714, %gather3A_725 : vector<16xi32>
          %gt3A_727 = arith.constant 15 : i32
          %gt3A_728 = arith.cmpi sgt, %arg1, %gt3A_727 : i32
          %jit3A_729 = arith.constant 0 : i32
          %broadcast_in_dim3A_730 = vector.broadcast %jit3A_729 : i32 to vector<16xi32>
          %select_n3A_731 = arith.select %gt3A_728, %gather3A_725, %broadcast_in_dim3A_730 : vector<16xi32>
          %add3A_732 = arith.addi %add3A_720, %select_n3A_731 : vector<16xi32>
          %sub3A_733 = arith.constant 1 : i32
          %sub3A_734 = vector.broadcast %sub3A_733 : i32 to vector<16xi32>
          %sub3A_735 = arith.subi %iota3A, %sub3A_734 : vector<16xi32>
          %max3A_736 = arith.constant 0 : i32
          %max3A_737 = vector.broadcast %max3A_736 : i32 to vector<16xi32>
          %max3A_738 = arith.maxsi %sub3A_735, %max3A_737 : vector<16xi32>
          %lt3A_739 = arith.constant 0 : i32
          %lt3A_740 = vector.broadcast %lt3A_739 : i32 to vector<16xi32>
          %lt3A_741 = arith.cmpi slt, %max3A_738, %lt3A_740 : vector<16xi32>
          %add3A_742 = arith.constant 16 : i32
          %add3A_743 = vector.broadcast %add3A_742 : i32 to vector<16xi32>
          %add3A_744 = arith.addi %max3A_738, %add3A_743 : vector<16xi32>
          %select_n3A_745 = arith.select %lt3A_741, %add3A_744, %max3A_738 : vector<16xi1>, vector<16xi32>
          %broadcast_in_dim3A_746 = vector.shape_cast %select_n3A_745 : vector<16xi32> to vector<16x1xi32>
          %gather3A_747 = vector.shape_cast %broadcast_in_dim3A_746 : vector<16x1xi32> to vector<16xi32>
          %gather3A_748 = tpu.dynamic_gather %add3A_726[%gather3A_747] in [0] : vector<16xi32>, vector<16xi32> -> vector<16xi32>
          %ge3A_749 = arith.constant 1 : i32
          %ge3A_750 = vector.broadcast %ge3A_749 : i32 to vector<16xi32>
          %ge3A_751 = arith.cmpi sge, %iota3A, %ge3A_750 : vector<16xi32>
          %jit3A_752 = arith.constant 0 : i32
          %broadcast_in_dim3A_753 = vector.broadcast %jit3A_752 : i32 to vector<16xi32>
          %select_n3A_754 = arith.select %ge3A_751, %gather3A_748, %broadcast_in_dim3A_753 : vector<16xi1>, vector<16xi32>
          %add3A_755 = arith.addi %add3A_726, %select_n3A_754 : vector<16xi32>
          %sub3A_756 = arith.constant 2 : i32
          %sub3A_757 = vector.broadcast %sub3A_756 : i32 to vector<16xi32>
          %sub3A_758 = arith.subi %iota3A, %sub3A_757 : vector<16xi32>
          %max3A_759 = arith.constant 0 : i32
          %max3A_760 = vector.broadcast %max3A_759 : i32 to vector<16xi32>
          %max3A_761 = arith.maxsi %sub3A_758, %max3A_760 : vector<16xi32>
          %lt3A_762 = arith.constant 0 : i32
          %lt3A_763 = vector.broadcast %lt3A_762 : i32 to vector<16xi32>
          %lt3A_764 = arith.cmpi slt, %max3A_761, %lt3A_763 : vector<16xi32>
          %add3A_765 = arith.constant 16 : i32
          %add3A_766 = vector.broadcast %add3A_765 : i32 to vector<16xi32>
          %add3A_767 = arith.addi %max3A_761, %add3A_766 : vector<16xi32>
          %select_n3A_768 = arith.select %lt3A_764, %add3A_767, %max3A_761 : vector<16xi1>, vector<16xi32>
          %broadcast_in_dim3A_769 = vector.shape_cast %select_n3A_768 : vector<16xi32> to vector<16x1xi32>
          %gather3A_770 = vector.shape_cast %broadcast_in_dim3A_769 : vector<16x1xi32> to vector<16xi32>
          %gather3A_771 = tpu.dynamic_gather %add3A_755[%gather3A_770] in [0] : vector<16xi32>, vector<16xi32> -> vector<16xi32>
          %ge3A_772 = arith.constant 2 : i32
          %ge3A_773 = vector.broadcast %ge3A_772 : i32 to vector<16xi32>
          %ge3A_774 = arith.cmpi sge, %iota3A, %ge3A_773 : vector<16xi32>
          %jit3A_775 = arith.constant 0 : i32
          %broadcast_in_dim3A_776 = vector.broadcast %jit3A_775 : i32 to vector<16xi32>
          %select_n3A_777 = arith.select %ge3A_774, %gather3A_771, %broadcast_in_dim3A_776 : vector<16xi1>, vector<16xi32>
          %add3A_778 = arith.addi %add3A_755, %select_n3A_777 : vector<16xi32>
          %sub3A_779 = arith.constant 4 : i32
          %sub3A_780 = vector.broadcast %sub3A_779 : i32 to vector<16xi32>
          %sub3A_781 = arith.subi %iota3A, %sub3A_780 : vector<16xi32>
          %max3A_782 = arith.constant 0 : i32
          %max3A_783 = vector.broadcast %max3A_782 : i32 to vector<16xi32>
          %max3A_784 = arith.maxsi %sub3A_781, %max3A_783 : vector<16xi32>
          %lt3A_785 = arith.constant 0 : i32
          %lt3A_786 = vector.broadcast %lt3A_785 : i32 to vector<16xi32>
          %lt3A_787 = arith.cmpi slt, %max3A_784, %lt3A_786 : vector<16xi32>
          %add3A_788 = arith.constant 16 : i32
          %add3A_789 = vector.broadcast %add3A_788 : i32 to vector<16xi32>
          %add3A_790 = arith.addi %max3A_784, %add3A_789 : vector<16xi32>
          %select_n3A_791 = arith.select %lt3A_787, %add3A_790, %max3A_784 : vector<16xi1>, vector<16xi32>
          %broadcast_in_dim3A_792 = vector.shape_cast %select_n3A_791 : vector<16xi32> to vector<16x1xi32>
          %gather3A_793 = vector.shape_cast %broadcast_in_dim3A_792 : vector<16x1xi32> to vector<16xi32>
          %gather3A_794 = tpu.dynamic_gather %add3A_778[%gather3A_793] in [0] : vector<16xi32>, vector<16xi32> -> vector<16xi32>
          %ge3A_795 = arith.constant 4 : i32
          %ge3A_796 = vector.broadcast %ge3A_795 : i32 to vector<16xi32>
          %ge3A_797 = arith.cmpi sge, %iota3A, %ge3A_796 : vector<16xi32>
          %jit3A_798 = arith.constant 0 : i32
          %broadcast_in_dim3A_799 = vector.broadcast %jit3A_798 : i32 to vector<16xi32>
          %select_n3A_800 = arith.select %ge3A_797, %gather3A_794, %broadcast_in_dim3A_799 : vector<16xi1>, vector<16xi32>
          %add3A_801 = arith.addi %add3A_778, %select_n3A_800 : vector<16xi32>
          %sub3A_802 = arith.constant 8 : i32
          %sub3A_803 = vector.broadcast %sub3A_802 : i32 to vector<16xi32>
          %sub3A_804 = arith.subi %iota3A, %sub3A_803 : vector<16xi32>
          %max3A_805 = arith.constant 0 : i32
          %max3A_806 = vector.broadcast %max3A_805 : i32 to vector<16xi32>
          %max3A_807 = arith.maxsi %sub3A_804, %max3A_806 : vector<16xi32>
          %lt3A_808 = arith.constant 0 : i32
          %lt3A_809 = vector.broadcast %lt3A_808 : i32 to vector<16xi32>
          %lt3A_810 = arith.cmpi slt, %max3A_807, %lt3A_809 : vector<16xi32>
          %add3A_811 = arith.constant 16 : i32
          %add3A_812 = vector.broadcast %add3A_811 : i32 to vector<16xi32>
          %add3A_813 = arith.addi %max3A_807, %add3A_812 : vector<16xi32>
          %select_n3A_814 = arith.select %lt3A_810, %add3A_813, %max3A_807 : vector<16xi1>, vector<16xi32>
          %broadcast_in_dim3A_815 = vector.shape_cast %select_n3A_814 : vector<16xi32> to vector<16x1xi32>
          %gather3A_816 = vector.shape_cast %broadcast_in_dim3A_815 : vector<16x1xi32> to vector<16xi32>
          %gather3A_817 = tpu.dynamic_gather %add3A_801[%gather3A_816] in [0] : vector<16xi32>, vector<16xi32> -> vector<16xi32>
          %ge3A_818 = arith.constant 8 : i32
          %ge3A_819 = vector.broadcast %ge3A_818 : i32 to vector<16xi32>
          %ge3A_820 = arith.cmpi sge, %iota3A, %ge3A_819 : vector<16xi32>
          %jit3A_821 = arith.constant 0 : i32
          %broadcast_in_dim3A_822 = vector.broadcast %jit3A_821 : i32 to vector<16xi32>
          %select_n3A_823 = arith.select %ge3A_820, %gather3A_817, %broadcast_in_dim3A_822 : vector<16xi1>, vector<16xi32>
          %add3A_824 = arith.addi %add3A_801, %select_n3A_823 : vector<16xi32>
          %sub3A_825 = arith.subi %add3A_824, %add3A_726 : vector<16xi32>
          %add3A_826 = arith.addi %scan3A_538, %sub3A_825 : vector<16xi32>
          %add3A_827 = arith.addi %add3A_826, %add3A_732 : vector<16xi32>
          %add3A_828 = vector.broadcast %mul3A_540 : i32 to vector<16xi32>
          %add3A_829 = arith.addi %add3A_828, %iota3A : vector<16xi32>
          tpu.vector_store_idx %arg20[%add3A_829], %add3A_827 : memref<512xi32, #tpu.memory_space<vmem>>[vector<16xi32>], vector<16xi32>,
          %add3A_830 = arith.constant 15 : i32
          %add3A_831 = vector.broadcast %add3A_830 : i32 to vector<16xi32>
          %add3A_832 = arith.addi %broadcast_in_dim3A_0, %add3A_831 : vector<16xi32>
          %lt3A_833 = arith.constant 0 : i32
          %lt3A_834 = vector.broadcast %lt3A_833 : i32 to vector<16xi32>
          %lt3A_835 = arith.cmpi slt, %add3A_832, %lt3A_834 : vector<16xi32>
          %add3A_836 = arith.constant 16 : i32
          %add3A_837 = vector.broadcast %add3A_836 : i32 to vector<16xi32>
          %add3A_838 = arith.addi %add3A_832, %add3A_837 : vector<16xi32>
          %select_n3A_839 = arith.select %lt3A_835, %add3A_838, %add3A_832 : vector<16xi1>, vector<16xi32>
          %broadcast_in_dim3A_840 = vector.shape_cast %select_n3A_839 : vector<16xi32> to vector<16x1xi32>
          %gather3A_841 = vector.shape_cast %broadcast_in_dim3A_840 : vector<16x1xi32> to vector<16xi32>
          %gather3A_842 = tpu.dynamic_gather %add3A_824[%gather3A_841] in [0] : vector<16xi32>, vector<16xi32> -> vector<16xi32>
          %add3A_843 = arith.addi %scan3A_538, %gather3A_842 : vector<16xi32>
          scf.yield %add3A_843 : vector<16xi32>
        }
        %scan3A_462 = arith.constant 32 : i32
        %swap3A_463 = arith.constant 0 : index
        %swap3A_464 = tpu.vector_load %arg19[%swap3A_463] {strides = array<i32>} : memref<512xi32, #tpu.memory_space<vmem>>, vector<16xi32>,
        tpu.vector_store %arg19[%swap3A_463], %broadcast_in_dim3A_0 {strides = array<i32>} : memref<512xi32, #tpu.memory_space<vmem>>, vector<16xi32>,
        %swap3A_465 = arith.constant 16 : index
        %swap3A_466 = tpu.vector_load %arg19[%swap3A_465] {strides = array<i32>} : memref<512xi32, #tpu.memory_space<vmem>>, vector<16xi32>,
        tpu.vector_store %arg19[%swap3A_465], %broadcast_in_dim3A_0 {strides = array<i32>} : memref<512xi32, #tpu.memory_space<vmem>>, vector<16xi32>,
        %swap3A_467 = arith.constant 32 : index
        %swap3A_468 = tpu.vector_load %arg19[%swap3A_467] {strides = array<i32>} : memref<512xi32, #tpu.memory_space<vmem>>, vector<16xi32>,
        tpu.vector_store %arg19[%swap3A_467], %broadcast_in_dim3A_0 {strides = array<i32>} : memref<512xi32, #tpu.memory_space<vmem>>, vector<16xi32>,
        %swap3A_469 = arith.constant 48 : index
        %swap3A_470 = tpu.vector_load %arg19[%swap3A_469] {strides = array<i32>} : memref<512xi32, #tpu.memory_space<vmem>>, vector<16xi32>,
        tpu.vector_store %arg19[%swap3A_469], %broadcast_in_dim3A_0 {strides = array<i32>} : memref<512xi32, #tpu.memory_space<vmem>>, vector<16xi32>,
        %swap3A_471 = arith.constant 64 : index
        %swap3A_472 = tpu.vector_load %arg19[%swap3A_471] {strides = array<i32>} : memref<512xi32, #tpu.memory_space<vmem>>, vector<16xi32>,
        tpu.vector_store %arg19[%swap3A_471], %broadcast_in_dim3A_0 {strides = array<i32>} : memref<512xi32, #tpu.memory_space<vmem>>, vector<16xi32>,
        %swap3A_473 = arith.constant 80 : index
        %swap3A_474 = tpu.vector_load %arg19[%swap3A_473] {strides = array<i32>} : memref<512xi32, #tpu.memory_space<vmem>>, vector<16xi32>,
        tpu.vector_store %arg19[%swap3A_473], %broadcast_in_dim3A_0 {strides = array<i32>} : memref<512xi32, #tpu.memory_space<vmem>>, vector<16xi32>,
        %swap3A_475 = arith.constant 96 : index
        %swap3A_476 = tpu.vector_load %arg19[%swap3A_475] {strides = array<i32>} : memref<512xi32, #tpu.memory_space<vmem>>, vector<16xi32>,
        tpu.vector_store %arg19[%swap3A_475], %broadcast_in_dim3A_0 {strides = array<i32>} : memref<512xi32, #tpu.memory_space<vmem>>, vector<16xi32>,
        %swap3A_477 = arith.constant 112 : index
        %swap3A_478 = tpu.vector_load %arg19[%swap3A_477] {strides = array<i32>} : memref<512xi32, #tpu.memory_space<vmem>>, vector<16xi32>,
        tpu.vector_store %arg19[%swap3A_477], %broadcast_in_dim3A_0 {strides = array<i32>} : memref<512xi32, #tpu.memory_space<vmem>>, vector<16xi32>,
        %swap3A_479 = arith.constant 128 : index
        %swap3A_480 = tpu.vector_load %arg19[%swap3A_479] {strides = array<i32>} : memref<512xi32, #tpu.memory_space<vmem>>, vector<16xi32>,
        tpu.vector_store %arg19[%swap3A_479], %broadcast_in_dim3A_0 {strides = array<i32>} : memref<512xi32, #tpu.memory_space<vmem>>, vector<16xi32>,
        %swap3A_481 = arith.constant 144 : index
        %swap3A_482 = tpu.vector_load %arg19[%swap3A_481] {strides = array<i32>} : memref<512xi32, #tpu.memory_space<vmem>>, vector<16xi32>,
        tpu.vector_store %arg19[%swap3A_481], %broadcast_in_dim3A_0 {strides = array<i32>} : memref<512xi32, #tpu.memory_space<vmem>>, vector<16xi32>,
        %swap3A_483 = arith.constant 160 : index
        %swap3A_484 = tpu.vector_load %arg19[%swap3A_483] {strides = array<i32>} : memref<512xi32, #tpu.memory_space<vmem>>, vector<16xi32>,
        tpu.vector_store %arg19[%swap3A_483], %broadcast_in_dim3A_0 {strides = array<i32>} : memref<512xi32, #tpu.memory_space<vmem>>, vector<16xi32>,
        %swap3A_485 = arith.constant 176 : index
        %swap3A_486 = tpu.vector_load %arg19[%swap3A_485] {strides = array<i32>} : memref<512xi32, #tpu.memory_space<vmem>>, vector<16xi32>,
        tpu.vector_store %arg19[%swap3A_485], %broadcast_in_dim3A_0 {strides = array<i32>} : memref<512xi32, #tpu.memory_space<vmem>>, vector<16xi32>,
        %swap3A_487 = arith.constant 192 : index
        %swap3A_488 = tpu.vector_load %arg19[%swap3A_487] {strides = array<i32>} : memref<512xi32, #tpu.memory_space<vmem>>, vector<16xi32>,
        tpu.vector_store %arg19[%swap3A_487], %broadcast_in_dim3A_0 {strides = array<i32>} : memref<512xi32, #tpu.memory_space<vmem>>, vector<16xi32>,
        %swap3A_489 = arith.constant 208 : index
        %swap3A_490 = tpu.vector_load %arg19[%swap3A_489] {strides = array<i32>} : memref<512xi32, #tpu.memory_space<vmem>>, vector<16xi32>,
        tpu.vector_store %arg19[%swap3A_489], %broadcast_in_dim3A_0 {strides = array<i32>} : memref<512xi32, #tpu.memory_space<vmem>>, vector<16xi32>,
        %swap3A_491 = arith.constant 224 : index
        %swap3A_492 = tpu.vector_load %arg19[%swap3A_491] {strides = array<i32>} : memref<512xi32, #tpu.memory_space<vmem>>, vector<16xi32>,
        tpu.vector_store %arg19[%swap3A_491], %broadcast_in_dim3A_0 {strides = array<i32>} : memref<512xi32, #tpu.memory_space<vmem>>, vector<16xi32>,
        %swap3A_493 = arith.constant 240 : index
        %swap3A_494 = tpu.vector_load %arg19[%swap3A_493] {strides = array<i32>} : memref<512xi32, #tpu.memory_space<vmem>>, vector<16xi32>,
        tpu.vector_store %arg19[%swap3A_493], %broadcast_in_dim3A_0 {strides = array<i32>} : memref<512xi32, #tpu.memory_space<vmem>>, vector<16xi32>,
        %swap3A_495 = arith.constant 256 : index
        %swap3A_496 = tpu.vector_load %arg19[%swap3A_495] {strides = array<i32>} : memref<512xi32, #tpu.memory_space<vmem>>, vector<16xi32>,
        tpu.vector_store %arg19[%swap3A_495], %broadcast_in_dim3A_0 {strides = array<i32>} : memref<512xi32, #tpu.memory_space<vmem>>, vector<16xi32>,
        %swap3A_497 = arith.constant 272 : index
        %swap3A_498 = tpu.vector_load %arg19[%swap3A_497] {strides = array<i32>} : memref<512xi32, #tpu.memory_space<vmem>>, vector<16xi32>,
        tpu.vector_store %arg19[%swap3A_497], %broadcast_in_dim3A_0 {strides = array<i32>} : memref<512xi32, #tpu.memory_space<vmem>>, vector<16xi32>,
        %swap3A_499 = arith.constant 288 : index
        %swap3A_500 = tpu.vector_load %arg19[%swap3A_499] {strides = array<i32>} : memref<512xi32, #tpu.memory_space<vmem>>, vector<16xi32>,
        tpu.vector_store %arg19[%swap3A_499], %broadcast_in_dim3A_0 {strides = array<i32>} : memref<512xi32, #tpu.memory_space<vmem>>, vector<16xi32>,
        %swap3A_501 = arith.constant 304 : index
        %swap3A_502 = tpu.vector_load %arg19[%swap3A_501] {strides = array<i32>} : memref<512xi32, #tpu.memory_space<vmem>>, vector<16xi32>,
        tpu.vector_store %arg19[%swap3A_501], %broadcast_in_dim3A_0 {strides = array<i32>} : memref<512xi32, #tpu.memory_space<vmem>>, vector<16xi32>,
        %swap3A_503 = arith.constant 320 : index
        %swap3A_504 = tpu.vector_load %arg19[%swap3A_503] {strides = array<i32>} : memref<512xi32, #tpu.memory_space<vmem>>, vector<16xi32>,
        tpu.vector_store %arg19[%swap3A_503], %broadcast_in_dim3A_0 {strides = array<i32>} : memref<512xi32, #tpu.memory_space<vmem>>, vector<16xi32>,
        %swap3A_505 = arith.constant 336 : index
        %swap3A_506 = tpu.vector_load %arg19[%swap3A_505] {strides = array<i32>} : memref<512xi32, #tpu.memory_space<vmem>>, vector<16xi32>,
        tpu.vector_store %arg19[%swap3A_505], %broadcast_in_dim3A_0 {strides = array<i32>} : memref<512xi32, #tpu.memory_space<vmem>>, vector<16xi32>,
        %swap3A_507 = arith.constant 352 : index
        %swap3A_508 = tpu.vector_load %arg19[%swap3A_507] {strides = array<i32>} : memref<512xi32, #tpu.memory_space<vmem>>, vector<16xi32>,
        tpu.vector_store %arg19[%swap3A_507], %broadcast_in_dim3A_0 {strides = array<i32>} : memref<512xi32, #tpu.memory_space<vmem>>, vector<16xi32>,
        %swap3A_509 = arith.constant 368 : index
        %swap3A_510 = tpu.vector_load %arg19[%swap3A_509] {strides = array<i32>} : memref<512xi32, #tpu.memory_space<vmem>>, vector<16xi32>,
        tpu.vector_store %arg19[%swap3A_509], %broadcast_in_dim3A_0 {strides = array<i32>} : memref<512xi32, #tpu.memory_space<vmem>>, vector<16xi32>,
        %swap3A_511 = arith.constant 384 : index
        %swap3A_512 = tpu.vector_load %arg19[%swap3A_511] {strides = array<i32>} : memref<512xi32, #tpu.memory_space<vmem>>, vector<16xi32>,
        tpu.vector_store %arg19[%swap3A_511], %broadcast_in_dim3A_0 {strides = array<i32>} : memref<512xi32, #tpu.memory_space<vmem>>, vector<16xi32>,
        %swap3A_513 = arith.constant 400 : index
        %swap3A_514 = tpu.vector_load %arg19[%swap3A_513] {strides = array<i32>} : memref<512xi32, #tpu.memory_space<vmem>>, vector<16xi32>,
        tpu.vector_store %arg19[%swap3A_513], %broadcast_in_dim3A_0 {strides = array<i32>} : memref<512xi32, #tpu.memory_space<vmem>>, vector<16xi32>,
        %swap3A_515 = arith.constant 416 : index
        %swap3A_516 = tpu.vector_load %arg19[%swap3A_515] {strides = array<i32>} : memref<512xi32, #tpu.memory_space<vmem>>, vector<16xi32>,
        tpu.vector_store %arg19[%swap3A_515], %broadcast_in_dim3A_0 {strides = array<i32>} : memref<512xi32, #tpu.memory_space<vmem>>, vector<16xi32>,
        %swap3A_517 = arith.constant 432 : index
        %swap3A_518 = tpu.vector_load %arg19[%swap3A_517] {strides = array<i32>} : memref<512xi32, #tpu.memory_space<vmem>>, vector<16xi32>,
        tpu.vector_store %arg19[%swap3A_517], %broadcast_in_dim3A_0 {strides = array<i32>} : memref<512xi32, #tpu.memory_space<vmem>>, vector<16xi32>,
        %swap3A_519 = arith.constant 448 : index
        %swap3A_520 = tpu.vector_load %arg19[%swap3A_519] {strides = array<i32>} : memref<512xi32, #tpu.memory_space<vmem>>, vector<16xi32>,
        tpu.vector_store %arg19[%swap3A_519], %broadcast_in_dim3A_0 {strides = array<i32>} : memref<512xi32, #tpu.memory_space<vmem>>, vector<16xi32>,
        %swap3A_521 = arith.constant 464 : index
        %swap3A_522 = tpu.vector_load %arg19[%swap3A_521] {strides = array<i32>} : memref<512xi32, #tpu.memory_space<vmem>>, vector<16xi32>,
        tpu.vector_store %arg19[%swap3A_521], %broadcast_in_dim3A_0 {strides = array<i32>} : memref<512xi32, #tpu.memory_space<vmem>>, vector<16xi32>,
        %swap3A_523 = arith.constant 480 : index
        %swap3A_524 = tpu.vector_load %arg19[%swap3A_523] {strides = array<i32>} : memref<512xi32, #tpu.memory_space<vmem>>, vector<16xi32>,
        tpu.vector_store %arg19[%swap3A_523], %broadcast_in_dim3A_0 {strides = array<i32>} : memref<512xi32, #tpu.memory_space<vmem>>, vector<16xi32>,
        %swap3A_525 = arith.constant 496 : index
        %swap3A_526 = tpu.vector_load %arg19[%swap3A_525] {strides = array<i32>} : memref<512xi32, #tpu.memory_space<vmem>>, vector<16xi32>,
        tpu.vector_store %arg19[%swap3A_525], %broadcast_in_dim3A_0 {strides = array<i32>} : memref<512xi32, #tpu.memory_space<vmem>>, vector<16xi32>,
        %scan3A_527 = arith.constant 0 : i32
        %scan3A_528 = arith.constant 0 : i32
        %scan3A_529 = arith.constant 128 : i32
        %scan3A_530 = arith.addi %scan3A_528, %scan3A_529 : i32
        %scan3A_531 = arith.constant 1 : i32
        %scan3A_532 = scf.for %scan3A_537 = %scan3A_528 to %scan3A_530 step %scan3A_531 iter_args(%scan3A_538 = %scan3A_527) -> (i32)  : i32 {
          %mul3A_539 = arith.constant 16 : i32
          %mul3A_540 = arith.muli %scan3A_537, %mul3A_539 : i32
          %add3A_541 = vector.broadcast %mul3A_540 : i32 to vector<16xi32>
          %add3A_542 = arith.addi %add3A_541, %iota3A : vector<16xi32>
          %gather3A_543 = tpu.vector_load_idx %arg16[%add3A_542] : memref<2048xi32, #tpu.memory_space<vmem>>[vector<16xi32>], vector<16xi32>,
          %gather3A_544 = tpu.vector_load_idx %arg17[%add3A_542] : memref<2048xi32, #tpu.memory_space<vmem>>[vector<16xi32>], vector<16xi32>,
          %gather3A_545 = tpu.vector_load_idx %arg18[%add3A_542] : memref<2048xi32, #tpu.memory_space<vmem>>[vector<16xi32>], vector<16xi32>,
          %eq3A = arith.constant 1 : i32
          %eq3A_546 = vector.broadcast %eq3A : i32 to vector<16xi32>
          %eq3A_547 = arith.cmpi eq, %gather3A_545, %eq3A_546 : vector<16xi32>
          %gather3A_548 = tpu.vector_load_idx %arg19[%gather3A_543] : memref<512xi32, #tpu.memory_space<vmem>>[vector<16xi32>], vector<16xi32>,
          %gather3A_549 = tpu.vector_load_idx %arg20[%gather3A_543] : memref<512xi32, #tpu.memory_space<vmem>>[vector<16xi32>], vector<16xi32>,
          %add3A_550 = arith.addi %gather3A_549, %gather3A_548 : vector<16xi32>
          %add3A_551 = arith.addi %add3A_550, %gather3A_544 : vector<16xi32>
          tpu.vector_store_idx %arg15[%add3A_542], %add3A_551 : memref<2048xi32, #tpu.memory_space<vmem>>[vector<16xi32>], vector<16xi32>,
          %add3A_552 = arith.addi %gather3A_548, %gather3A_544 : vector<16xi32>
          %add3A_553 = arith.constant 1 : i32
          %add3A_554 = vector.broadcast %add3A_553 : i32 to vector<16xi32>
          %add3A_555 = arith.addi %add3A_552, %add3A_554 : vector<16xi32>
          tpu.vector_store_idx %arg19[%gather3A_543], %add3A_555 masked %eq3A_547 : memref<512xi32, #tpu.memory_space<vmem>>[vector<16xi32>], vector<16xi32>, vector<16xi1>
          %scan3A_556 = arith.constant 0 : i32
          scf.yield %scan3A_556 : i32
        }
        %scan3A_533 = arith.constant 128 : i32
        "tpu.region"() ({
          %run_scoped3A = tpu.sem_alloc : memref<!tpu.dma_semaphore, #tpu.memory_space<semaphore_mem>>
          %dma_start3A = arith.constant 0 : i32
          %dma_start3A_537 = tpu.memref_slice %arg52[%dma_start3A] : memref<32768xi32, #tpu.memory_space<vmem_shared>> -> memref<32768xi32, #tpu.memory_space<vmem_shared>>
          tpu.enqueue_indirect_dma source(%arg13 : memref<2048xi32, #tpu.memory_space<vmem>>) target(%dma_start3A_537 : memref<32768xi32, #tpu.memory_space<vmem_shared>>) offsets(%arg15 : memref<2048xi32, #tpu.memory_space<vmem>>) semaphore(%run_scoped3A : memref<!tpu.dma_semaphore, #tpu.memory_space<semaphore_mem>>)
          %dma_wait3A = arith.constant 0 : i32
          %dma_wait3A_538 = tpu.memref_slice %arg52[%dma_wait3A] : memref<32768xi32, #tpu.memory_space<vmem_shared>> -> memref<32768xi32, #tpu.memory_space<vmem_shared>>
          tpu.wait_indirect_dma semaphore(%run_scoped3A : memref<!tpu.dma_semaphore, #tpu.memory_space<semaphore_mem>>) src(%arg13 : memref<2048xi32, #tpu.memory_space<vmem>>) dst(%dma_wait3A_538 : memref<32768xi32, #tpu.memory_space<vmem_shared>>)
          tpu.yield
        }) : () -> ()
        "tpu.region"() ({
          %run_scoped3A = tpu.sem_alloc : memref<!tpu.dma_semaphore, #tpu.memory_space<semaphore_mem>>
          %dma_start3A = arith.constant 0 : i32
          %dma_start3A_537 = tpu.memref_slice %arg53[%dma_start3A] : memref<32768xi32, #tpu.memory_space<vmem_shared>> -> memref<32768xi32, #tpu.memory_space<vmem_shared>>
          tpu.enqueue_indirect_dma source(%arg14 : memref<2048xi32, #tpu.memory_space<vmem>>) target(%dma_start3A_537 : memref<32768xi32, #tpu.memory_space<vmem_shared>>) offsets(%arg15 : memref<2048xi32, #tpu.memory_space<vmem>>) semaphore(%run_scoped3A : memref<!tpu.dma_semaphore, #tpu.memory_space<semaphore_mem>>)
          %dma_wait3A = arith.constant 0 : i32
          %dma_wait3A_538 = tpu.memref_slice %arg53[%dma_wait3A] : memref<32768xi32, #tpu.memory_space<vmem_shared>> -> memref<32768xi32, #tpu.memory_space<vmem_shared>>
          tpu.wait_indirect_dma semaphore(%run_scoped3A : memref<!tpu.dma_semaphore, #tpu.memory_space<semaphore_mem>>) src(%arg14 : memref<2048xi32, #tpu.memory_space<vmem>>) dst(%dma_wait3A_538 : memref<32768xi32, #tpu.memory_space<vmem_shared>>)
          tpu.yield
        }) : () -> ()
        %barrier3A_534 = arith.constant 0 : index
        tpu.barrier barrier_id(%barrier3A_534)
        "tpu.region"() ({
          %run_scoped3A = tpu.sem_alloc : memref<!tpu.dma_semaphore, #tpu.memory_space<semaphore_mem>>
          %dma_start3A = tpu.memref_slice %arg52[%mul3A_1] : memref<32768xi32, #tpu.memory_space<vmem_shared>> -> memref<2048xi32, #tpu.memory_space<vmem_shared>>
          %dma_start3A_537 = tpu.memref_slice %arg52[%mul3A_1] : memref<32768xi32, #tpu.memory_space<vmem_shared>> -> memref<2048xi32, #tpu.memory_space<vmem_shared>>
          tpu.enqueue_dma source(%dma_start3A_537 : memref<2048xi32, #tpu.memory_space<vmem_shared>>) target(%arg13 : memref<2048xi32, #tpu.memory_space<vmem>>) target_semaphore(%run_scoped3A : memref<!tpu.dma_semaphore, #tpu.memory_space<semaphore_mem>>)
          %dma_wait3A = tpu.memref_slice %arg52[%mul3A_1] : memref<32768xi32, #tpu.memory_space<vmem_shared>> -> memref<2048xi32, #tpu.memory_space<vmem_shared>>
          %dma_wait3A_538 = tpu.memref_slice %arg52[%mul3A_1] : memref<32768xi32, #tpu.memory_space<vmem_shared>> -> memref<2048xi32, #tpu.memory_space<vmem_shared>>
          tpu.wait_dma2 semaphore(%run_scoped3A : memref<!tpu.dma_semaphore, #tpu.memory_space<semaphore_mem>>) src(%dma_wait3A_538 : memref<2048xi32, #tpu.memory_space<vmem_shared>>) dst(%arg13 : memref<2048xi32, #tpu.memory_space<vmem>>)
          tpu.yield
        }) : () -> ()
        "tpu.region"() ({
          %run_scoped3A = tpu.sem_alloc : memref<!tpu.dma_semaphore, #tpu.memory_space<semaphore_mem>>
          %dma_start3A = tpu.memref_slice %arg50[%mul3A_1] : memref<32768xi32, #tpu.memory_space<vmem_shared>> -> memref<2048xi32, #tpu.memory_space<vmem_shared>>
          %dma_start3A_537 = tpu.memref_slice %arg50[%mul3A_1] : memref<32768xi32, #tpu.memory_space<vmem_shared>> -> memref<2048xi32, #tpu.memory_space<vmem_shared>>
          tpu.enqueue_dma source(%arg13 : memref<2048xi32, #tpu.memory_space<vmem>>) target(%dma_start3A_537 : memref<2048xi32, #tpu.memory_space<vmem_shared>>) target_semaphore(%run_scoped3A : memref<!tpu.dma_semaphore, #tpu.memory_space<semaphore_mem>>)
          %dma_wait3A = tpu.memref_slice %arg50[%mul3A_1] : memref<32768xi32, #tpu.memory_space<vmem_shared>> -> memref<2048xi32, #tpu.memory_space<vmem_shared>>
          %dma_wait3A_538 = tpu.memref_slice %arg50[%mul3A_1] : memref<32768xi32, #tpu.memory_space<vmem_shared>> -> memref<2048xi32, #tpu.memory_space<vmem_shared>>
          tpu.wait_dma2 semaphore(%run_scoped3A : memref<!tpu.dma_semaphore, #tpu.memory_space<semaphore_mem>>) src(%arg13 : memref<2048xi32, #tpu.memory_space<vmem>>) dst(%dma_wait3A_538 : memref<2048xi32, #tpu.memory_space<vmem_shared>>)
          tpu.yield
        }) : () -> ()
        "tpu.region"() ({
          %run_scoped3A = tpu.sem_alloc : memref<!tpu.dma_semaphore, #tpu.memory_space<semaphore_mem>>
          %dma_start3A = tpu.memref_slice %arg53[%mul3A_1] : memref<32768xi32, #tpu.memory_space<vmem_shared>> -> memref<2048xi32, #tpu.memory_space<vmem_shared>>
          %dma_start3A_537 = tpu.memref_slice %arg53[%mul3A_1] : memref<32768xi32, #tpu.memory_space<vmem_shared>> -> memref<2048xi32, #tpu.memory_space<vmem_shared>>
          tpu.enqueue_dma source(%dma_start3A_537 : memref<2048xi32, #tpu.memory_space<vmem_shared>>) target(%arg14 : memref<2048xi32, #tpu.memory_space<vmem>>) target_semaphore(%run_scoped3A : memref<!tpu.dma_semaphore, #tpu.memory_space<semaphore_mem>>)
          %dma_wait3A = tpu.memref_slice %arg53[%mul3A_1] : memref<32768xi32, #tpu.memory_space<vmem_shared>> -> memref<2048xi32, #tpu.memory_space<vmem_shared>>
          %dma_wait3A_538 = tpu.memref_slice %arg53[%mul3A_1] : memref<32768xi32, #tpu.memory_space<vmem_shared>> -> memref<2048xi32, #tpu.memory_space<vmem_shared>>
          tpu.wait_dma2 semaphore(%run_scoped3A : memref<!tpu.dma_semaphore, #tpu.memory_space<semaphore_mem>>) src(%dma_wait3A_538 : memref<2048xi32, #tpu.memory_space<vmem_shared>>) dst(%arg14 : memref<2048xi32, #tpu.memory_space<vmem>>)
          tpu.yield
        }) : () -> ()
        "tpu.region"() ({
          %run_scoped3A = tpu.sem_alloc : memref<!tpu.dma_semaphore, #tpu.memory_space<semaphore_mem>>
          %dma_start3A = tpu.memref_slice %arg51[%mul3A_1] : memref<32768xi32, #tpu.memory_space<vmem_shared>> -> memref<2048xi32, #tpu.memory_space<vmem_shared>>
          %dma_start3A_537 = tpu.memref_slice %arg51[%mul3A_1] : memref<32768xi32, #tpu.memory_space<vmem_shared>> -> memref<2048xi32, #tpu.memory_space<vmem_shared>>
          tpu.enqueue_dma source(%arg14 : memref<2048xi32, #tpu.memory_space<vmem>>) target(%dma_start3A_537 : memref<2048xi32, #tpu.memory_space<vmem_shared>>) target_semaphore(%run_scoped3A : memref<!tpu.dma_semaphore, #tpu.memory_space<semaphore_mem>>)
          %dma_wait3A = tpu.memref_slice %arg51[%mul3A_1] : memref<32768xi32, #tpu.memory_space<vmem_shared>> -> memref<2048xi32, #tpu.memory_space<vmem_shared>>
          %dma_wait3A_538 = tpu.memref_slice %arg51[%mul3A_1] : memref<32768xi32, #tpu.memory_space<vmem_shared>> -> memref<2048xi32, #tpu.memory_space<vmem_shared>>
          tpu.wait_dma2 semaphore(%run_scoped3A : memref<!tpu.dma_semaphore, #tpu.memory_space<semaphore_mem>>) src(%arg14 : memref<2048xi32, #tpu.memory_space<vmem>>) dst(%dma_wait3A_538 : memref<2048xi32, #tpu.memory_space<vmem_shared>>)
          tpu.yield
        }) : () -> ()
        %barrier3A_535 = arith.constant 0 : index
        tpu.barrier barrier_id(%barrier3A_535)
        %scan3A_536 = arith.constant 0 : i32
        scf.yield %scan3A_536 : i32
      }
      %scan3A_78 = arith.constant 3 : i32
      %gt3A = arith.constant 0 : i32
      %gt3A_79 = arith.cmpi sgt, %arg1, %gt3A : i32
      %convert_element_type3A = arith.extui %gt3A_79 : i1 to i32
      %cond3A = arith.constant 0 : i32
      %cond3A_80 = arith.cmpi ne, %convert_element_type3A, %cond3A : i32
      scf.if %cond3A_80 {
        %sub3A_377 = arith.constant 8 : i32
        %sub3A_378 = arith.subi %mul3A_1, %sub3A_377 : i32
        "tpu.region"() ({
          %run_scoped3A = tpu.sem_alloc : memref<!tpu.dma_semaphore, #tpu.memory_space<semaphore_mem>>
          %dma_start3A = tpu.memref_slice %arg50[%sub3A_378] : memref<32768xi32, #tpu.memory_space<vmem_shared>> -> memref<8xi32, #tpu.memory_space<vmem_shared>>
          %dma_start3A_379 = tpu.memref_slice %arg50[%sub3A_378] : memref<32768xi32, #tpu.memory_space<vmem_shared>> -> memref<8xi32, #tpu.memory_space<vmem_shared>>
          tpu.enqueue_dma source(%dma_start3A_379 : memref<8xi32, #tpu.memory_space<vmem_shared>>) target(%arg49 : memref<8xi32, #tpu.memory_space<vmem>>) target_semaphore(%run_scoped3A : memref<!tpu.dma_semaphore, #tpu.memory_space<semaphore_mem>>)
          %dma_wait3A = tpu.memref_slice %arg50[%sub3A_378] : memref<32768xi32, #tpu.memory_space<vmem_shared>> -> memref<8xi32, #tpu.memory_space<vmem_shared>>
          %dma_wait3A_380 = tpu.memref_slice %arg50[%sub3A_378] : memref<32768xi32, #tpu.memory_space<vmem_shared>> -> memref<8xi32, #tpu.memory_space<vmem_shared>>
          tpu.wait_dma2 semaphore(%run_scoped3A : memref<!tpu.dma_semaphore, #tpu.memory_space<semaphore_mem>>) src(%dma_wait3A_380 : memref<8xi32, #tpu.memory_space<vmem_shared>>) dst(%arg49 : memref<8xi32, #tpu.memory_space<vmem>>)
          tpu.yield
        }) : () -> ()
      } else {
      }
      %add3A_81 = arith.constant 7 : i32
      %add3A_82 = vector.broadcast %add3A_81 : i32 to vector<16xi32>
      %add3A_83 = arith.addi %broadcast_in_dim3A_0, %add3A_82 : vector<16xi32>
      %gather3A = tpu.vector_load_idx %arg49[%add3A_83] : memref<8xi32, #tpu.memory_space<vmem>>[vector<16xi32>], vector<16xi32>,
      %gt3A_84 = arith.constant 0 : i32
      %gt3A_85 = arith.cmpi sgt, %arg1, %gt3A_84 : i32
      %jit3A = arith.constant -1 : i32
      %broadcast_in_dim3A_86 = vector.broadcast %jit3A : i32 to vector<16xi32>
      %select_n3A = arith.select %gt3A_85, %gather3A, %broadcast_in_dim3A_86 : vector<16xi32>
      %sub3A = arith.constant 1 : i32
      %sub3A_87 = vector.broadcast %sub3A : i32 to vector<16xi32>
      %sub3A_88 = arith.subi %broadcast_in_dim3A_0, %sub3A_87 : vector<16xi32>
      %scan3A_89 = arith.constant 0 : i32
      %scan3A_90 = arith.constant 128 : i32
      %scan3A_91 = arith.addi %scan3A_89, %scan3A_90 : i32
      %scan3A_92 = arith.constant 1 : i32
      %scan3A_93:3 = scf.for %scan3A_377 = %scan3A_89 to %scan3A_91 step %scan3A_92 iter_args(%scan3A_378 = %broadcast_in_dim3A_0, %scan3A_379 = %select_n3A, %scan3A_380 = %sub3A_88) -> (vector<16xi32>, vector<16xi32>, vector<16xi32>)  : i32 {
        %mul3A_381 = arith.constant 16 : i32
        %mul3A_382 = arith.muli %scan3A_377, %mul3A_381 : i32
        %add3A_383 = vector.broadcast %mul3A_382 : i32 to vector<16xi32>
        %add3A_384 = arith.addi %add3A_383, %iota3A : vector<16xi32>
        %add3A_385 = vector.broadcast %mul3A_1 : i32 to vector<16xi32>
        %add3A_386 = arith.addi %add3A_385, %add3A_384 : vector<16xi32>
        %gather3A_387 = tpu.vector_load_idx %arg13[%add3A_384] : memref<2048xi32, #tpu.memory_space<vmem>>[vector<16xi32>], vector<16xi32>,
        %sub3A_388 = arith.constant 1 : i32
        %sub3A_389 = vector.broadcast %sub3A_388 : i32 to vector<16xi32>
        %sub3A_390 = arith.subi %iota3A, %sub3A_389 : vector<16xi32>
        %max3A_391 = arith.constant 0 : i32
        %max3A_392 = vector.broadcast %max3A_391 : i32 to vector<16xi32>
        %max3A_393 = arith.maxsi %sub3A_390, %max3A_392 : vector<16xi32>
        %lt3A_394 = arith.constant 0 : i32
        %lt3A_395 = vector.broadcast %lt3A_394 : i32 to vector<16xi32>
        %lt3A_396 = arith.cmpi slt, %max3A_393, %lt3A_395 : vector<16xi32>
        %add3A_397 = arith.constant 16 : i32
        %add3A_398 = vector.broadcast %add3A_397 : i32 to vector<16xi32>
        %add3A_399 = arith.addi %max3A_393, %add3A_398 : vector<16xi32>
        %select_n3A_400 = arith.select %lt3A_396, %add3A_399, %max3A_393 : vector<16xi1>, vector<16xi32>
        %broadcast_in_dim3A_401 = vector.shape_cast %select_n3A_400 : vector<16xi32> to vector<16x1xi32>
        %gather3A_402 = vector.shape_cast %broadcast_in_dim3A_401 : vector<16x1xi32> to vector<16xi32>
        %gather3A_403 = tpu.dynamic_gather %gather3A_387[%gather3A_402] in [0] : vector<16xi32>, vector<16xi32> -> vector<16xi32>
        %ge3A_404 = arith.constant 1 : i32
        %ge3A_405 = vector.broadcast %ge3A_404 : i32 to vector<16xi32>
        %ge3A_406 = arith.cmpi sge, %iota3A, %ge3A_405 : vector<16xi32>
        %jit3A_407 = arith.constant 0 : i32
        %broadcast_in_dim3A_408 = vector.broadcast %jit3A_407 : i32 to vector<16xi32>
        %select_n3A_409 = arith.select %ge3A_406, %gather3A_403, %broadcast_in_dim3A_408 : vector<16xi1>, vector<16xi32>
        %eq3A = arith.constant 0 : i32
        %eq3A_410 = vector.broadcast %eq3A : i32 to vector<16xi32>
        %eq3A_411 = arith.cmpi eq, %iota3A, %eq3A_410 : vector<16xi32>
        %select_n3A_412 = arith.select %eq3A_411, %scan3A_379, %select_n3A_409 : vector<16xi1>, vector<16xi32>
        %ne3A = arith.cmpi ne, %gather3A_387, %select_n3A_412 : vector<16xi32>
        %jit3A_413 = arith.constant 1 : i32
        %jit3A_414 = arith.constant 0 : i32
        %broadcast_in_dim3A_415 = vector.broadcast %jit3A_413 : i32 to vector<16xi32>
        %broadcast_in_dim3A_416 = vector.broadcast %jit3A_414 : i32 to vector<16xi32>
        %select_n3A_417 = arith.select %ne3A, %broadcast_in_dim3A_415, %broadcast_in_dim3A_416 : vector<16xi1>, vector<16xi32>
        %sub3A_418 = arith.constant 1 : i32
        %sub3A_419 = vector.broadcast %sub3A_418 : i32 to vector<16xi32>
        %sub3A_420 = arith.subi %iota3A, %sub3A_419 : vector<16xi32>
        %max3A_421 = arith.constant 0 : i32
        %max3A_422 = vector.broadcast %max3A_421 : i32 to vector<16xi32>
        %max3A_423 = arith.maxsi %sub3A_420, %max3A_422 : vector<16xi32>
        %lt3A_424 = arith.constant 0 : i32
        %lt3A_425 = vector.broadcast %lt3A_424 : i32 to vector<16xi32>
        %lt3A_426 = arith.cmpi slt, %max3A_423, %lt3A_425 : vector<16xi32>
        %add3A_427 = arith.constant 16 : i32
        %add3A_428 = vector.broadcast %add3A_427 : i32 to vector<16xi32>
        %add3A_429 = arith.addi %max3A_423, %add3A_428 : vector<16xi32>
        %select_n3A_430 = arith.select %lt3A_426, %add3A_429, %max3A_423 : vector<16xi1>, vector<16xi32>
        %broadcast_in_dim3A_431 = vector.shape_cast %select_n3A_430 : vector<16xi32> to vector<16x1xi32>
        %gather3A_432 = vector.shape_cast %broadcast_in_dim3A_431 : vector<16x1xi32> to vector<16xi32>
        %gather3A_433 = tpu.dynamic_gather %select_n3A_417[%gather3A_432] in [0] : vector<16xi32>, vector<16xi32> -> vector<16xi32>
        %ge3A_434 = arith.constant 1 : i32
        %ge3A_435 = vector.broadcast %ge3A_434 : i32 to vector<16xi32>
        %ge3A_436 = arith.cmpi sge, %iota3A, %ge3A_435 : vector<16xi32>
        %jit3A_437 = arith.constant 0 : i32
        %broadcast_in_dim3A_438 = vector.broadcast %jit3A_437 : i32 to vector<16xi32>
        %select_n3A_439 = arith.select %ge3A_436, %gather3A_433, %broadcast_in_dim3A_438 : vector<16xi1>, vector<16xi32>
        %add3A_440 = arith.addi %select_n3A_417, %select_n3A_439 : vector<16xi32>
        %sub3A_441 = arith.constant 2 : i32
        %sub3A_442 = vector.broadcast %sub3A_441 : i32 to vector<16xi32>
        %sub3A_443 = arith.subi %iota3A, %sub3A_442 : vector<16xi32>
        %max3A_444 = arith.constant 0 : i32
        %max3A_445 = vector.broadcast %max3A_444 : i32 to vector<16xi32>
        %max3A_446 = arith.maxsi %sub3A_443, %max3A_445 : vector<16xi32>
        %lt3A_447 = arith.constant 0 : i32
        %lt3A_448 = vector.broadcast %lt3A_447 : i32 to vector<16xi32>
        %lt3A_449 = arith.cmpi slt, %max3A_446, %lt3A_448 : vector<16xi32>
        %add3A_450 = arith.constant 16 : i32
        %add3A_451 = vector.broadcast %add3A_450 : i32 to vector<16xi32>
        %add3A_452 = arith.addi %max3A_446, %add3A_451 : vector<16xi32>
        %select_n3A_453 = arith.select %lt3A_449, %add3A_452, %max3A_446 : vector<16xi1>, vector<16xi32>
        %broadcast_in_dim3A_454 = vector.shape_cast %select_n3A_453 : vector<16xi32> to vector<16x1xi32>
        %gather3A_455 = vector.shape_cast %broadcast_in_dim3A_454 : vector<16x1xi32> to vector<16xi32>
        %gather3A_456 = tpu.dynamic_gather %add3A_440[%gather3A_455] in [0] : vector<16xi32>, vector<16xi32> -> vector<16xi32>
        %ge3A_457 = arith.constant 2 : i32
        %ge3A_458 = vector.broadcast %ge3A_457 : i32 to vector<16xi32>
        %ge3A_459 = arith.cmpi sge, %iota3A, %ge3A_458 : vector<16xi32>
        %jit3A_460 = arith.constant 0 : i32
        %broadcast_in_dim3A_461 = vector.broadcast %jit3A_460 : i32 to vector<16xi32>
        %select_n3A_462 = arith.select %ge3A_459, %gather3A_456, %broadcast_in_dim3A_461 : vector<16xi1>, vector<16xi32>
        %add3A_463 = arith.addi %add3A_440, %select_n3A_462 : vector<16xi32>
        %sub3A_464 = arith.constant 4 : i32
        %sub3A_465 = vector.broadcast %sub3A_464 : i32 to vector<16xi32>
        %sub3A_466 = arith.subi %iota3A, %sub3A_465 : vector<16xi32>
        %max3A_467 = arith.constant 0 : i32
        %max3A_468 = vector.broadcast %max3A_467 : i32 to vector<16xi32>
        %max3A_469 = arith.maxsi %sub3A_466, %max3A_468 : vector<16xi32>
        %lt3A_470 = arith.constant 0 : i32
        %lt3A_471 = vector.broadcast %lt3A_470 : i32 to vector<16xi32>
        %lt3A_472 = arith.cmpi slt, %max3A_469, %lt3A_471 : vector<16xi32>
        %add3A_473 = arith.constant 16 : i32
        %add3A_474 = vector.broadcast %add3A_473 : i32 to vector<16xi32>
        %add3A_475 = arith.addi %max3A_469, %add3A_474 : vector<16xi32>
        %select_n3A_476 = arith.select %lt3A_472, %add3A_475, %max3A_469 : vector<16xi1>, vector<16xi32>
        %broadcast_in_dim3A_477 = vector.shape_cast %select_n3A_476 : vector<16xi32> to vector<16x1xi32>
        %gather3A_478 = vector.shape_cast %broadcast_in_dim3A_477 : vector<16x1xi32> to vector<16xi32>
        %gather3A_479 = tpu.dynamic_gather %add3A_463[%gather3A_478] in [0] : vector<16xi32>, vector<16xi32> -> vector<16xi32>
        %ge3A_480 = arith.constant 4 : i32
        %ge3A_481 = vector.broadcast %ge3A_480 : i32 to vector<16xi32>
        %ge3A_482 = arith.cmpi sge, %iota3A, %ge3A_481 : vector<16xi32>
        %jit3A_483 = arith.constant 0 : i32
        %broadcast_in_dim3A_484 = vector.broadcast %jit3A_483 : i32 to vector<16xi32>
        %select_n3A_485 = arith.select %ge3A_482, %gather3A_479, %broadcast_in_dim3A_484 : vector<16xi1>, vector<16xi32>
        %add3A_486 = arith.addi %add3A_463, %select_n3A_485 : vector<16xi32>
        %sub3A_487 = arith.constant 8 : i32
        %sub3A_488 = vector.broadcast %sub3A_487 : i32 to vector<16xi32>
        %sub3A_489 = arith.subi %iota3A, %sub3A_488 : vector<16xi32>
        %max3A_490 = arith.constant 0 : i32
        %max3A_491 = vector.broadcast %max3A_490 : i32 to vector<16xi32>
        %max3A_492 = arith.maxsi %sub3A_489, %max3A_491 : vector<16xi32>
        %lt3A_493 = arith.constant 0 : i32
        %lt3A_494 = vector.broadcast %lt3A_493 : i32 to vector<16xi32>
        %lt3A_495 = arith.cmpi slt, %max3A_492, %lt3A_494 : vector<16xi32>
        %add3A_496 = arith.constant 16 : i32
        %add3A_497 = vector.broadcast %add3A_496 : i32 to vector<16xi32>
        %add3A_498 = arith.addi %max3A_492, %add3A_497 : vector<16xi32>
        %select_n3A_499 = arith.select %lt3A_495, %add3A_498, %max3A_492 : vector<16xi1>, vector<16xi32>
        %broadcast_in_dim3A_500 = vector.shape_cast %select_n3A_499 : vector<16xi32> to vector<16x1xi32>
        %gather3A_501 = vector.shape_cast %broadcast_in_dim3A_500 : vector<16x1xi32> to vector<16xi32>
        %gather3A_502 = tpu.dynamic_gather %add3A_486[%gather3A_501] in [0] : vector<16xi32>, vector<16xi32> -> vector<16xi32>
        %ge3A_503 = arith.constant 8 : i32
        %ge3A_504 = vector.broadcast %ge3A_503 : i32 to vector<16xi32>
        %ge3A_505 = arith.cmpi sge, %iota3A, %ge3A_504 : vector<16xi32>
        %jit3A_506 = arith.constant 0 : i32
        %broadcast_in_dim3A_507 = vector.broadcast %jit3A_506 : i32 to vector<16xi32>
        %select_n3A_508 = arith.select %ge3A_505, %gather3A_502, %broadcast_in_dim3A_507 : vector<16xi1>, vector<16xi32>
        %add3A_509 = arith.addi %add3A_486, %select_n3A_508 : vector<16xi32>
        %add3A_510 = arith.addi %scan3A_378, %add3A_509 : vector<16xi32>
        tpu.vector_store_idx %arg22[%add3A_384], %add3A_510 : memref<2048xi32, #tpu.memory_space<vmem>>[vector<16xi32>], vector<16xi32>,
        %eq3A_511 = arith.constant 1 : i32
        %eq3A_512 = vector.broadcast %eq3A_511 : i32 to vector<16xi32>
        %eq3A_513 = arith.cmpi eq, %select_n3A_417, %eq3A_512 : vector<16xi32>
        %jit3A_514 = arith.constant -1 : i32
        %broadcast_in_dim3A_515 = vector.broadcast %jit3A_514 : i32 to vector<16xi32>
        %select_n3A_516 = arith.select %eq3A_513, %add3A_386, %broadcast_in_dim3A_515 : vector<16xi1>, vector<16xi32>
        %sub3A_517 = arith.constant 1 : i32
        %sub3A_518 = vector.broadcast %sub3A_517 : i32 to vector<16xi32>
        %sub3A_519 = arith.subi %iota3A, %sub3A_518 : vector<16xi32>
        %max3A_520 = arith.constant 0 : i32
        %max3A_521 = vector.broadcast %max3A_520 : i32 to vector<16xi32>
        %max3A_522 = arith.maxsi %sub3A_519, %max3A_521 : vector<16xi32>
        %lt3A_523 = arith.constant 0 : i32
        %lt3A_524 = vector.broadcast %lt3A_523 : i32 to vector<16xi32>
        %lt3A_525 = arith.cmpi slt, %max3A_522, %lt3A_524 : vector<16xi32>
        %add3A_526 = arith.constant 16 : i32
        %add3A_527 = vector.broadcast %add3A_526 : i32 to vector<16xi32>
        %add3A_528 = arith.addi %max3A_522, %add3A_527 : vector<16xi32>
        %select_n3A_529 = arith.select %lt3A_525, %add3A_528, %max3A_522 : vector<16xi1>, vector<16xi32>
        %broadcast_in_dim3A_530 = vector.shape_cast %select_n3A_529 : vector<16xi32> to vector<16x1xi32>
        %gather3A_531 = vector.shape_cast %broadcast_in_dim3A_530 : vector<16x1xi32> to vector<16xi32>
        %gather3A_532 = tpu.dynamic_gather %select_n3A_516[%gather3A_531] in [0] : vector<16xi32>, vector<16xi32> -> vector<16xi32>
        %ge3A_533 = arith.constant 1 : i32
        %ge3A_534 = vector.broadcast %ge3A_533 : i32 to vector<16xi32>
        %ge3A_535 = arith.cmpi sge, %iota3A, %ge3A_534 : vector<16xi32>
        %jit3A_536 = arith.constant -1073741824 : i32
        %broadcast_in_dim3A_537 = vector.broadcast %jit3A_536 : i32 to vector<16xi32>
        %select_n3A_538 = arith.select %ge3A_535, %gather3A_532, %broadcast_in_dim3A_537 : vector<16xi1>, vector<16xi32>
        %max3A_539 = arith.maxsi %select_n3A_516, %select_n3A_538 : vector<16xi32>
        %sub3A_540 = arith.constant 2 : i32
        %sub3A_541 = vector.broadcast %sub3A_540 : i32 to vector<16xi32>
        %sub3A_542 = arith.subi %iota3A, %sub3A_541 : vector<16xi32>
        %max3A_543 = arith.constant 0 : i32
        %max3A_544 = vector.broadcast %max3A_543 : i32 to vector<16xi32>
        %max3A_545 = arith.maxsi %sub3A_542, %max3A_544 : vector<16xi32>
        %lt3A_546 = arith.constant 0 : i32
        %lt3A_547 = vector.broadcast %lt3A_546 : i32 to vector<16xi32>
        %lt3A_548 = arith.cmpi slt, %max3A_545, %lt3A_547 : vector<16xi32>
        %add3A_549 = arith.constant 16 : i32
        %add3A_550 = vector.broadcast %add3A_549 : i32 to vector<16xi32>
        %add3A_551 = arith.addi %max3A_545, %add3A_550 : vector<16xi32>
        %select_n3A_552 = arith.select %lt3A_548, %add3A_551, %max3A_545 : vector<16xi1>, vector<16xi32>
        %broadcast_in_dim3A_553 = vector.shape_cast %select_n3A_552 : vector<16xi32> to vector<16x1xi32>
        %gather3A_554 = vector.shape_cast %broadcast_in_dim3A_553 : vector<16x1xi32> to vector<16xi32>
        %gather3A_555 = tpu.dynamic_gather %max3A_539[%gather3A_554] in [0] : vector<16xi32>, vector<16xi32> -> vector<16xi32>
        %ge3A_556 = arith.constant 2 : i32
        %ge3A_557 = vector.broadcast %ge3A_556 : i32 to vector<16xi32>
        %ge3A_558 = arith.cmpi sge, %iota3A, %ge3A_557 : vector<16xi32>
        %jit3A_559 = arith.constant -1073741824 : i32
        %broadcast_in_dim3A_560 = vector.broadcast %jit3A_559 : i32 to vector<16xi32>
        %select_n3A_561 = arith.select %ge3A_558, %gather3A_555, %broadcast_in_dim3A_560 : vector<16xi1>, vector<16xi32>
        %max3A_562 = arith.maxsi %max3A_539, %select_n3A_561 : vector<16xi32>
        %sub3A_563 = arith.constant 4 : i32
        %sub3A_564 = vector.broadcast %sub3A_563 : i32 to vector<16xi32>
        %sub3A_565 = arith.subi %iota3A, %sub3A_564 : vector<16xi32>
        %max3A_566 = arith.constant 0 : i32
        %max3A_567 = vector.broadcast %max3A_566 : i32 to vector<16xi32>
        %max3A_568 = arith.maxsi %sub3A_565, %max3A_567 : vector<16xi32>
        %lt3A_569 = arith.constant 0 : i32
        %lt3A_570 = vector.broadcast %lt3A_569 : i32 to vector<16xi32>
        %lt3A_571 = arith.cmpi slt, %max3A_568, %lt3A_570 : vector<16xi32>
        %add3A_572 = arith.constant 16 : i32
        %add3A_573 = vector.broadcast %add3A_572 : i32 to vector<16xi32>
        %add3A_574 = arith.addi %max3A_568, %add3A_573 : vector<16xi32>
        %select_n3A_575 = arith.select %lt3A_571, %add3A_574, %max3A_568 : vector<16xi1>, vector<16xi32>
        %broadcast_in_dim3A_576 = vector.shape_cast %select_n3A_575 : vector<16xi32> to vector<16x1xi32>
        %gather3A_577 = vector.shape_cast %broadcast_in_dim3A_576 : vector<16x1xi32> to vector<16xi32>
        %gather3A_578 = tpu.dynamic_gather %max3A_562[%gather3A_577] in [0] : vector<16xi32>, vector<16xi32> -> vector<16xi32>
        %ge3A_579 = arith.constant 4 : i32
        %ge3A_580 = vector.broadcast %ge3A_579 : i32 to vector<16xi32>
        %ge3A_581 = arith.cmpi sge, %iota3A, %ge3A_580 : vector<16xi32>
        %jit3A_582 = arith.constant -1073741824 : i32
        %broadcast_in_dim3A_583 = vector.broadcast %jit3A_582 : i32 to vector<16xi32>
        %select_n3A_584 = arith.select %ge3A_581, %gather3A_578, %broadcast_in_dim3A_583 : vector<16xi1>, vector<16xi32>
        %max3A_585 = arith.maxsi %max3A_562, %select_n3A_584 : vector<16xi32>
        %sub3A_586 = arith.constant 8 : i32
        %sub3A_587 = vector.broadcast %sub3A_586 : i32 to vector<16xi32>
        %sub3A_588 = arith.subi %iota3A, %sub3A_587 : vector<16xi32>
        %max3A_589 = arith.constant 0 : i32
        %max3A_590 = vector.broadcast %max3A_589 : i32 to vector<16xi32>
        %max3A_591 = arith.maxsi %sub3A_588, %max3A_590 : vector<16xi32>
        %lt3A_592 = arith.constant 0 : i32
        %lt3A_593 = vector.broadcast %lt3A_592 : i32 to vector<16xi32>
        %lt3A_594 = arith.cmpi slt, %max3A_591, %lt3A_593 : vector<16xi32>
        %add3A_595 = arith.constant 16 : i32
        %add3A_596 = vector.broadcast %add3A_595 : i32 to vector<16xi32>
        %add3A_597 = arith.addi %max3A_591, %add3A_596 : vector<16xi32>
        %select_n3A_598 = arith.select %lt3A_594, %add3A_597, %max3A_591 : vector<16xi1>, vector<16xi32>
        %broadcast_in_dim3A_599 = vector.shape_cast %select_n3A_598 : vector<16xi32> to vector<16x1xi32>
        %gather3A_600 = vector.shape_cast %broadcast_in_dim3A_599 : vector<16x1xi32> to vector<16xi32>
        %gather3A_601 = tpu.dynamic_gather %max3A_585[%gather3A_600] in [0] : vector<16xi32>, vector<16xi32> -> vector<16xi32>
        %ge3A_602 = arith.constant 8 : i32
        %ge3A_603 = vector.broadcast %ge3A_602 : i32 to vector<16xi32>
        %ge3A_604 = arith.cmpi sge, %iota3A, %ge3A_603 : vector<16xi32>
        %jit3A_605 = arith.constant -1073741824 : i32
        %broadcast_in_dim3A_606 = vector.broadcast %jit3A_605 : i32 to vector<16xi32>
        %select_n3A_607 = arith.select %ge3A_604, %gather3A_601, %broadcast_in_dim3A_606 : vector<16xi1>, vector<16xi32>
        %max3A_608 = arith.maxsi %max3A_585, %select_n3A_607 : vector<16xi32>
        %max3A_609 = arith.maxsi %scan3A_380, %max3A_608 : vector<16xi32>
        tpu.vector_store_idx %arg23[%add3A_384], %max3A_609 : memref<2048xi32, #tpu.memory_space<vmem>>[vector<16xi32>], vector<16xi32>,
        %add3A_610 = arith.constant 15 : i32
        %add3A_611 = vector.broadcast %add3A_610 : i32 to vector<16xi32>
        %add3A_612 = arith.addi %broadcast_in_dim3A_0, %add3A_611 : vector<16xi32>
        %lt3A_613 = arith.constant 0 : i32
        %lt3A_614 = vector.broadcast %lt3A_613 : i32 to vector<16xi32>
        %lt3A_615 = arith.cmpi slt, %add3A_612, %lt3A_614 : vector<16xi32>
        %add3A_616 = arith.constant 16 : i32
        %add3A_617 = vector.broadcast %add3A_616 : i32 to vector<16xi32>
        %add3A_618 = arith.addi %add3A_612, %add3A_617 : vector<16xi32>
        %select_n3A_619 = arith.select %lt3A_615, %add3A_618, %add3A_612 : vector<16xi1>, vector<16xi32>
        %broadcast_in_dim3A_620 = vector.shape_cast %select_n3A_619 : vector<16xi32> to vector<16x1xi32>
        %gather3A_621 = vector.shape_cast %broadcast_in_dim3A_620 : vector<16x1xi32> to vector<16xi32>
        %gather3A_622 = tpu.dynamic_gather %add3A_510[%gather3A_621] in [0] : vector<16xi32>, vector<16xi32> -> vector<16xi32>
        %add3A_623 = arith.constant 15 : i32
        %add3A_624 = vector.broadcast %add3A_623 : i32 to vector<16xi32>
        %add3A_625 = arith.addi %broadcast_in_dim3A_0, %add3A_624 : vector<16xi32>
        %lt3A_626 = arith.constant 0 : i32
        %lt3A_627 = vector.broadcast %lt3A_626 : i32 to vector<16xi32>
        %lt3A_628 = arith.cmpi slt, %add3A_625, %lt3A_627 : vector<16xi32>
        %add3A_629 = arith.constant 16 : i32
        %add3A_630 = vector.broadcast %add3A_629 : i32 to vector<16xi32>
        %add3A_631 = arith.addi %add3A_625, %add3A_630 : vector<16xi32>
        %select_n3A_632 = arith.select %lt3A_628, %add3A_631, %add3A_625 : vector<16xi1>, vector<16xi32>
        %broadcast_in_dim3A_633 = vector.shape_cast %select_n3A_632 : vector<16xi32> to vector<16x1xi32>
        %gather3A_634 = vector.shape_cast %broadcast_in_dim3A_633 : vector<16x1xi32> to vector<16xi32>
        %gather3A_635 = tpu.dynamic_gather %gather3A_387[%gather3A_634] in [0] : vector<16xi32>, vector<16xi32> -> vector<16xi32>
        %add3A_636 = arith.constant 15 : i32
        %add3A_637 = vector.broadcast %add3A_636 : i32 to vector<16xi32>
        %add3A_638 = arith.addi %broadcast_in_dim3A_0, %add3A_637 : vector<16xi32>
        %lt3A_639 = arith.constant 0 : i32
        %lt3A_640 = vector.broadcast %lt3A_639 : i32 to vector<16xi32>
        %lt3A_641 = arith.cmpi slt, %add3A_638, %lt3A_640 : vector<16xi32>
        %add3A_642 = arith.constant 16 : i32
        %add3A_643 = vector.broadcast %add3A_642 : i32 to vector<16xi32>
        %add3A_644 = arith.addi %add3A_638, %add3A_643 : vector<16xi32>
        %select_n3A_645 = arith.select %lt3A_641, %add3A_644, %add3A_638 : vector<16xi1>, vector<16xi32>
        %broadcast_in_dim3A_646 = vector.shape_cast %select_n3A_645 : vector<16xi32> to vector<16x1xi32>
        %gather3A_647 = vector.shape_cast %broadcast_in_dim3A_646 : vector<16x1xi32> to vector<16xi32>
        %gather3A_648 = tpu.dynamic_gather %max3A_609[%gather3A_647] in [0] : vector<16xi32>, vector<16xi32> -> vector<16xi32>
        scf.yield %gather3A_622, %gather3A_635, %gather3A_648 : vector<16xi32>, vector<16xi32>, vector<16xi32>
      }
      %scan3A_94 = arith.constant 128 : i32
      %swap3A = arith.constant 0 : index
      %swap3A_95 = tpu.vector_load %arg45[%swap3A] {strides = array<i32>} : memref<16xi32, #tpu.memory_space<vmem>>, vector<16xi32>,
      tpu.vector_store %arg45[%swap3A], %scan3A_93#0 {strides = array<i32>} : memref<16xi32, #tpu.memory_space<vmem>>, vector<16xi32>,
      %swap3A_96 = arith.constant 0 : index
      %swap3A_97 = tpu.vector_load %arg46[%swap3A_96] {strides = array<i32>} : memref<16xi32, #tpu.memory_space<vmem>>, vector<16xi32>,
      tpu.vector_store %arg46[%swap3A_96], %scan3A_93#2 {strides = array<i32>} : memref<16xi32, #tpu.memory_space<vmem>>, vector<16xi32>,
      %mul3A_98 = arith.constant 16 : i32
      %mul3A_99 = arith.muli %arg1, %mul3A_98 : i32
      "tpu.region"() ({
        %run_scoped3A = tpu.sem_alloc : memref<!tpu.dma_semaphore, #tpu.memory_space<semaphore_mem>>
        %dma_start3A = tpu.memref_slice %arg55[%mul3A_99] : memref<256xi32, #tpu.memory_space<vmem_shared>> -> memref<16xi32, #tpu.memory_space<vmem_shared>>
        %dma_start3A_377 = tpu.memref_slice %arg55[%mul3A_99] : memref<256xi32, #tpu.memory_space<vmem_shared>> -> memref<16xi32, #tpu.memory_space<vmem_shared>>
        tpu.enqueue_dma source(%arg45 : memref<16xi32, #tpu.memory_space<vmem>>) target(%dma_start3A_377 : memref<16xi32, #tpu.memory_space<vmem_shared>>) target_semaphore(%run_scoped3A : memref<!tpu.dma_semaphore, #tpu.memory_space<semaphore_mem>>)
        %dma_wait3A = tpu.memref_slice %arg55[%mul3A_99] : memref<256xi32, #tpu.memory_space<vmem_shared>> -> memref<16xi32, #tpu.memory_space<vmem_shared>>
        %dma_wait3A_378 = tpu.memref_slice %arg55[%mul3A_99] : memref<256xi32, #tpu.memory_space<vmem_shared>> -> memref<16xi32, #tpu.memory_space<vmem_shared>>
        tpu.wait_dma2 semaphore(%run_scoped3A : memref<!tpu.dma_semaphore, #tpu.memory_space<semaphore_mem>>) src(%arg45 : memref<16xi32, #tpu.memory_space<vmem>>) dst(%dma_wait3A_378 : memref<16xi32, #tpu.memory_space<vmem_shared>>)
        tpu.yield
      }) : () -> ()
      %mul3A_100 = arith.constant 16 : i32
      %mul3A_101 = arith.muli %arg1, %mul3A_100 : i32
      "tpu.region"() ({
        %run_scoped3A = tpu.sem_alloc : memref<!tpu.dma_semaphore, #tpu.memory_space<semaphore_mem>>
        %dma_start3A = tpu.memref_slice %arg56[%mul3A_101] : memref<256xi32, #tpu.memory_space<vmem_shared>> -> memref<16xi32, #tpu.memory_space<vmem_shared>>
        %dma_start3A_377 = tpu.memref_slice %arg56[%mul3A_101] : memref<256xi32, #tpu.memory_space<vmem_shared>> -> memref<16xi32, #tpu.memory_space<vmem_shared>>
        tpu.enqueue_dma source(%arg46 : memref<16xi32, #tpu.memory_space<vmem>>) target(%dma_start3A_377 : memref<16xi32, #tpu.memory_space<vmem_shared>>) target_semaphore(%run_scoped3A : memref<!tpu.dma_semaphore, #tpu.memory_space<semaphore_mem>>)
        %dma_wait3A = tpu.memref_slice %arg56[%mul3A_101] : memref<256xi32, #tpu.memory_space<vmem_shared>> -> memref<16xi32, #tpu.memory_space<vmem_shared>>
        %dma_wait3A_378 = tpu.memref_slice %arg56[%mul3A_101] : memref<256xi32, #tpu.memory_space<vmem_shared>> -> memref<16xi32, #tpu.memory_space<vmem_shared>>
        tpu.wait_dma2 semaphore(%run_scoped3A : memref<!tpu.dma_semaphore, #tpu.memory_space<semaphore_mem>>) src(%arg46 : memref<16xi32, #tpu.memory_space<vmem>>) dst(%dma_wait3A_378 : memref<16xi32, #tpu.memory_space<vmem_shared>>)
        tpu.yield
      }) : () -> ()
      %barrier3A = arith.constant 0 : index
      tpu.barrier barrier_id(%barrier3A)
      "tpu.region"() ({
        %run_scoped3A = tpu.sem_alloc : memref<!tpu.dma_semaphore, #tpu.memory_space<semaphore_mem>>
        tpu.enqueue_dma source(%arg55 : memref<256xi32, #tpu.memory_space<vmem_shared>>) target(%arg47 : memref<256xi32, #tpu.memory_space<vmem>>) target_semaphore(%run_scoped3A : memref<!tpu.dma_semaphore, #tpu.memory_space<semaphore_mem>>)
        tpu.wait_dma2 semaphore(%run_scoped3A : memref<!tpu.dma_semaphore, #tpu.memory_space<semaphore_mem>>) src(%arg55 : memref<256xi32, #tpu.memory_space<vmem_shared>>) dst(%arg47 : memref<256xi32, #tpu.memory_space<vmem>>)
        tpu.yield
      }) : () -> ()
      "tpu.region"() ({
        %run_scoped3A = tpu.sem_alloc : memref<!tpu.dma_semaphore, #tpu.memory_space<semaphore_mem>>
        tpu.enqueue_dma source(%arg56 : memref<256xi32, #tpu.memory_space<vmem_shared>>) target(%arg48 : memref<256xi32, #tpu.memory_space<vmem>>) target_semaphore(%run_scoped3A : memref<!tpu.dma_semaphore, #tpu.memory_space<semaphore_mem>>)
        tpu.wait_dma2 semaphore(%run_scoped3A : memref<!tpu.dma_semaphore, #tpu.memory_space<semaphore_mem>>) src(%arg56 : memref<256xi32, #tpu.memory_space<vmem_shared>>) dst(%arg48 : memref<256xi32, #tpu.memory_space<vmem>>)
        tpu.yield
      }) : () -> ()
      %mul3A_102 = arith.constant 16 : i32
      %mul3A_103 = vector.broadcast %mul3A_102 : i32 to vector<16xi32>
      %mul3A_104 = arith.muli %iota3A, %mul3A_103 : vector<16xi32>
      %gather3A_105 = tpu.vector_load_idx %arg47[%mul3A_104] : memref<256xi32, #tpu.memory_space<vmem>>[vector<16xi32>], vector<16xi32>,
      %mul3A_106 = arith.constant 16 : i32
      %mul3A_107 = vector.broadcast %mul3A_106 : i32 to vector<16xi32>
      %mul3A_108 = arith.muli %iota3A, %mul3A_107 : vector<16xi32>
      %gather3A_109 = tpu.vector_load_idx %arg48[%mul3A_108] : memref<256xi32, #tpu.memory_space<vmem>>[vector<16xi32>], vector<16xi32>,
      %lt3A = vector.broadcast %arg1 : i32 to vector<16xi32>
      %lt3A_110 = arith.cmpi slt, %iota3A, %lt3A : vector<16xi32>
      %jit3A_111 = arith.constant 0 : i32
      %broadcast_in_dim3A_112 = vector.broadcast %jit3A_111 : i32 to vector<16xi32>
      %select_n3A_113 = arith.select %lt3A_110, %gather3A_105, %broadcast_in_dim3A_112 : vector<16xi1>, vector<16xi32>
      %sub3A_114 = arith.constant 1 : i32
      %sub3A_115 = vector.broadcast %sub3A_114 : i32 to vector<16xi32>
      %sub3A_116 = arith.subi %iota3A, %sub3A_115 : vector<16xi32>
      %max3A = arith.constant 0 : i32
      %max3A_117 = vector.broadcast %max3A : i32 to vector<16xi32>
      %max3A_118 = arith.maxsi %sub3A_116, %max3A_117 : vector<16xi32>
      %lt3A_119 = arith.constant 0 : i32
      %lt3A_120 = vector.broadcast %lt3A_119 : i32 to vector<16xi32>
      %lt3A_121 = arith.cmpi slt, %max3A_118, %lt3A_120 : vector<16xi32>
      %add3A_122 = arith.constant 16 : i32
      %add3A_123 = vector.broadcast %add3A_122 : i32 to vector<16xi32>
      %add3A_124 = arith.addi %max3A_118, %add3A_123 : vector<16xi32>
      %select_n3A_125 = arith.select %lt3A_121, %add3A_124, %max3A_118 : vector<16xi1>, vector<16xi32>
      %broadcast_in_dim3A_126 = vector.shape_cast %select_n3A_125 : vector<16xi32> to vector<16x1xi32>
      %gather3A_127 = vector.shape_cast %broadcast_in_dim3A_126 : vector<16x1xi32> to vector<16xi32>
      %gather3A_128 = tpu.dynamic_gather %select_n3A_113[%gather3A_127] in [0] : vector<16xi32>, vector<16xi32> -> vector<16xi32>
      %ge3A = arith.constant 1 : i32
      %ge3A_129 = vector.broadcast %ge3A : i32 to vector<16xi32>
      %ge3A_130 = arith.cmpi sge, %iota3A, %ge3A_129 : vector<16xi32>
      %jit3A_131 = arith.constant 0 : i32
      %broadcast_in_dim3A_132 = vector.broadcast %jit3A_131 : i32 to vector<16xi32>
      %select_n3A_133 = arith.select %ge3A_130, %gather3A_128, %broadcast_in_dim3A_132 : vector<16xi1>, vector<16xi32>
      %add3A_134 = arith.addi %select_n3A_113, %select_n3A_133 : vector<16xi32>
      %sub3A_135 = arith.constant 2 : i32
      %sub3A_136 = vector.broadcast %sub3A_135 : i32 to vector<16xi32>
      %sub3A_137 = arith.subi %iota3A, %sub3A_136 : vector<16xi32>
      %max3A_138 = arith.constant 0 : i32
      %max3A_139 = vector.broadcast %max3A_138 : i32 to vector<16xi32>
      %max3A_140 = arith.maxsi %sub3A_137, %max3A_139 : vector<16xi32>
      %lt3A_141 = arith.constant 0 : i32
      %lt3A_142 = vector.broadcast %lt3A_141 : i32 to vector<16xi32>
      %lt3A_143 = arith.cmpi slt, %max3A_140, %lt3A_142 : vector<16xi32>
      %add3A_144 = arith.constant 16 : i32
      %add3A_145 = vector.broadcast %add3A_144 : i32 to vector<16xi32>
      %add3A_146 = arith.addi %max3A_140, %add3A_145 : vector<16xi32>
      %select_n3A_147 = arith.select %lt3A_143, %add3A_146, %max3A_140 : vector<16xi1>, vector<16xi32>
      %broadcast_in_dim3A_148 = vector.shape_cast %select_n3A_147 : vector<16xi32> to vector<16x1xi32>
      %gather3A_149 = vector.shape_cast %broadcast_in_dim3A_148 : vector<16x1xi32> to vector<16xi32>
      %gather3A_150 = tpu.dynamic_gather %add3A_134[%gather3A_149] in [0] : vector<16xi32>, vector<16xi32> -> vector<16xi32>
      %ge3A_151 = arith.constant 2 : i32
      %ge3A_152 = vector.broadcast %ge3A_151 : i32 to vector<16xi32>
      %ge3A_153 = arith.cmpi sge, %iota3A, %ge3A_152 : vector<16xi32>
      %jit3A_154 = arith.constant 0 : i32
      %broadcast_in_dim3A_155 = vector.broadcast %jit3A_154 : i32 to vector<16xi32>
      %select_n3A_156 = arith.select %ge3A_153, %gather3A_150, %broadcast_in_dim3A_155 : vector<16xi1>, vector<16xi32>
      %add3A_157 = arith.addi %add3A_134, %select_n3A_156 : vector<16xi32>
      %sub3A_158 = arith.constant 4 : i32
      %sub3A_159 = vector.broadcast %sub3A_158 : i32 to vector<16xi32>
      %sub3A_160 = arith.subi %iota3A, %sub3A_159 : vector<16xi32>
      %max3A_161 = arith.constant 0 : i32
      %max3A_162 = vector.broadcast %max3A_161 : i32 to vector<16xi32>
      %max3A_163 = arith.maxsi %sub3A_160, %max3A_162 : vector<16xi32>
      %lt3A_164 = arith.constant 0 : i32
      %lt3A_165 = vector.broadcast %lt3A_164 : i32 to vector<16xi32>
      %lt3A_166 = arith.cmpi slt, %max3A_163, %lt3A_165 : vector<16xi32>
      %add3A_167 = arith.constant 16 : i32
      %add3A_168 = vector.broadcast %add3A_167 : i32 to vector<16xi32>
      %add3A_169 = arith.addi %max3A_163, %add3A_168 : vector<16xi32>
      %select_n3A_170 = arith.select %lt3A_166, %add3A_169, %max3A_163 : vector<16xi1>, vector<16xi32>
      %broadcast_in_dim3A_171 = vector.shape_cast %select_n3A_170 : vector<16xi32> to vector<16x1xi32>
      %gather3A_172 = vector.shape_cast %broadcast_in_dim3A_171 : vector<16x1xi32> to vector<16xi32>
      %gather3A_173 = tpu.dynamic_gather %add3A_157[%gather3A_172] in [0] : vector<16xi32>, vector<16xi32> -> vector<16xi32>
      %ge3A_174 = arith.constant 4 : i32
      %ge3A_175 = vector.broadcast %ge3A_174 : i32 to vector<16xi32>
      %ge3A_176 = arith.cmpi sge, %iota3A, %ge3A_175 : vector<16xi32>
      %jit3A_177 = arith.constant 0 : i32
      %broadcast_in_dim3A_178 = vector.broadcast %jit3A_177 : i32 to vector<16xi32>
      %select_n3A_179 = arith.select %ge3A_176, %gather3A_173, %broadcast_in_dim3A_178 : vector<16xi1>, vector<16xi32>
      %add3A_180 = arith.addi %add3A_157, %select_n3A_179 : vector<16xi32>
      %sub3A_181 = arith.constant 8 : i32
      %sub3A_182 = vector.broadcast %sub3A_181 : i32 to vector<16xi32>
      %sub3A_183 = arith.subi %iota3A, %sub3A_182 : vector<16xi32>
      %max3A_184 = arith.constant 0 : i32
      %max3A_185 = vector.broadcast %max3A_184 : i32 to vector<16xi32>
      %max3A_186 = arith.maxsi %sub3A_183, %max3A_185 : vector<16xi32>
      %lt3A_187 = arith.constant 0 : i32
      %lt3A_188 = vector.broadcast %lt3A_187 : i32 to vector<16xi32>
      %lt3A_189 = arith.cmpi slt, %max3A_186, %lt3A_188 : vector<16xi32>
      %add3A_190 = arith.constant 16 : i32
      %add3A_191 = vector.broadcast %add3A_190 : i32 to vector<16xi32>
      %add3A_192 = arith.addi %max3A_186, %add3A_191 : vector<16xi32>
      %select_n3A_193 = arith.select %lt3A_189, %add3A_192, %max3A_186 : vector<16xi1>, vector<16xi32>
      %broadcast_in_dim3A_194 = vector.shape_cast %select_n3A_193 : vector<16xi32> to vector<16x1xi32>
      %gather3A_195 = vector.shape_cast %broadcast_in_dim3A_194 : vector<16x1xi32> to vector<16xi32>
      %gather3A_196 = tpu.dynamic_gather %add3A_180[%gather3A_195] in [0] : vector<16xi32>, vector<16xi32> -> vector<16xi32>
      %ge3A_197 = arith.constant 8 : i32
      %ge3A_198 = vector.broadcast %ge3A_197 : i32 to vector<16xi32>
      %ge3A_199 = arith.cmpi sge, %iota3A, %ge3A_198 : vector<16xi32>
      %jit3A_200 = arith.constant 0 : i32
      %broadcast_in_dim3A_201 = vector.broadcast %jit3A_200 : i32 to vector<16xi32>
      %select_n3A_202 = arith.select %ge3A_199, %gather3A_196, %broadcast_in_dim3A_201 : vector<16xi1>, vector<16xi32>
      %add3A_203 = arith.addi %add3A_180, %select_n3A_202 : vector<16xi32>
      %add3A_204 = arith.constant 15 : i32
      %add3A_205 = vector.broadcast %add3A_204 : i32 to vector<16xi32>
      %add3A_206 = arith.addi %broadcast_in_dim3A_0, %add3A_205 : vector<16xi32>
      %lt3A_207 = arith.constant 0 : i32
      %lt3A_208 = vector.broadcast %lt3A_207 : i32 to vector<16xi32>
      %lt3A_209 = arith.cmpi slt, %add3A_206, %lt3A_208 : vector<16xi32>
      %add3A_210 = arith.constant 16 : i32
      %add3A_211 = vector.broadcast %add3A_210 : i32 to vector<16xi32>
      %add3A_212 = arith.addi %add3A_206, %add3A_211 : vector<16xi32>
      %select_n3A_213 = arith.select %lt3A_209, %add3A_212, %add3A_206 : vector<16xi1>, vector<16xi32>
      %broadcast_in_dim3A_214 = vector.shape_cast %select_n3A_213 : vector<16xi32> to vector<16x1xi32>
      %gather3A_215 = vector.shape_cast %broadcast_in_dim3A_214 : vector<16x1xi32> to vector<16xi32>
      %gather3A_216 = tpu.dynamic_gather %add3A_203[%gather3A_215] in [0] : vector<16xi32>, vector<16xi32> -> vector<16xi32>
      %lt3A_217 = vector.broadcast %arg1 : i32 to vector<16xi32>
      %lt3A_218 = arith.cmpi slt, %iota3A, %lt3A_217 : vector<16xi32>
      %jit3A_219 = arith.constant -1 : i32
      %broadcast_in_dim3A_220 = vector.broadcast %jit3A_219 : i32 to vector<16xi32>
      %select_n3A_221 = arith.select %lt3A_218, %gather3A_109, %broadcast_in_dim3A_220 : vector<16xi1>, vector<16xi32>
      %sub3A_222 = arith.constant 1 : i32
      %sub3A_223 = vector.broadcast %sub3A_222 : i32 to vector<16xi32>
      %sub3A_224 = arith.subi %iota3A, %sub3A_223 : vector<16xi32>
      %max3A_225 = arith.constant 0 : i32
      %max3A_226 = vector.broadcast %max3A_225 : i32 to vector<16xi32>
      %max3A_227 = arith.maxsi %sub3A_224, %max3A_226 : vector<16xi32>
      %lt3A_228 = arith.constant 0 : i32
      %lt3A_229 = vector.broadcast %lt3A_228 : i32 to vector<16xi32>
      %lt3A_230 = arith.cmpi slt, %max3A_227, %lt3A_229 : vector<16xi32>
      %add3A_231 = arith.constant 16 : i32
      %add3A_232 = vector.broadcast %add3A_231 : i32 to vector<16xi32>
      %add3A_233 = arith.addi %max3A_227, %add3A_232 : vector<16xi32>
      %select_n3A_234 = arith.select %lt3A_230, %add3A_233, %max3A_227 : vector<16xi1>, vector<16xi32>
      %broadcast_in_dim3A_235 = vector.shape_cast %select_n3A_234 : vector<16xi32> to vector<16x1xi32>
      %gather3A_236 = vector.shape_cast %broadcast_in_dim3A_235 : vector<16x1xi32> to vector<16xi32>
      %gather3A_237 = tpu.dynamic_gather %select_n3A_221[%gather3A_236] in [0] : vector<16xi32>, vector<16xi32> -> vector<16xi32>
      %ge3A_238 = arith.constant 1 : i32
      %ge3A_239 = vector.broadcast %ge3A_238 : i32 to vector<16xi32>
      %ge3A_240 = arith.cmpi sge, %iota3A, %ge3A_239 : vector<16xi32>
      %jit3A_241 = arith.constant -1073741824 : i32
      %broadcast_in_dim3A_242 = vector.broadcast %jit3A_241 : i32 to vector<16xi32>
      %select_n3A_243 = arith.select %ge3A_240, %gather3A_237, %broadcast_in_dim3A_242 : vector<16xi1>, vector<16xi32>
      %max3A_244 = arith.maxsi %select_n3A_221, %select_n3A_243 : vector<16xi32>
      %sub3A_245 = arith.constant 2 : i32
      %sub3A_246 = vector.broadcast %sub3A_245 : i32 to vector<16xi32>
      %sub3A_247 = arith.subi %iota3A, %sub3A_246 : vector<16xi32>
      %max3A_248 = arith.constant 0 : i32
      %max3A_249 = vector.broadcast %max3A_248 : i32 to vector<16xi32>
      %max3A_250 = arith.maxsi %sub3A_247, %max3A_249 : vector<16xi32>
      %lt3A_251 = arith.constant 0 : i32
      %lt3A_252 = vector.broadcast %lt3A_251 : i32 to vector<16xi32>
      %lt3A_253 = arith.cmpi slt, %max3A_250, %lt3A_252 : vector<16xi32>
      %add3A_254 = arith.constant 16 : i32
      %add3A_255 = vector.broadcast %add3A_254 : i32 to vector<16xi32>
      %add3A_256 = arith.addi %max3A_250, %add3A_255 : vector<16xi32>
      %select_n3A_257 = arith.select %lt3A_253, %add3A_256, %max3A_250 : vector<16xi1>, vector<16xi32>
      %broadcast_in_dim3A_258 = vector.shape_cast %select_n3A_257 : vector<16xi32> to vector<16x1xi32>
      %gather3A_259 = vector.shape_cast %broadcast_in_dim3A_258 : vector<16x1xi32> to vector<16xi32>
      %gather3A_260 = tpu.dynamic_gather %max3A_244[%gather3A_259] in [0] : vector<16xi32>, vector<16xi32> -> vector<16xi32>
      %ge3A_261 = arith.constant 2 : i32
      %ge3A_262 = vector.broadcast %ge3A_261 : i32 to vector<16xi32>
      %ge3A_263 = arith.cmpi sge, %iota3A, %ge3A_262 : vector<16xi32>
      %jit3A_264 = arith.constant -1073741824 : i32
      %broadcast_in_dim3A_265 = vector.broadcast %jit3A_264 : i32 to vector<16xi32>
      %select_n3A_266 = arith.select %ge3A_263, %gather3A_260, %broadcast_in_dim3A_265 : vector<16xi1>, vector<16xi32>
      %max3A_267 = arith.maxsi %max3A_244, %select_n3A_266 : vector<16xi32>
      %sub3A_268 = arith.constant 4 : i32
      %sub3A_269 = vector.broadcast %sub3A_268 : i32 to vector<16xi32>
      %sub3A_270 = arith.subi %iota3A, %sub3A_269 : vector<16xi32>
      %max3A_271 = arith.constant 0 : i32
      %max3A_272 = vector.broadcast %max3A_271 : i32 to vector<16xi32>
      %max3A_273 = arith.maxsi %sub3A_270, %max3A_272 : vector<16xi32>
      %lt3A_274 = arith.constant 0 : i32
      %lt3A_275 = vector.broadcast %lt3A_274 : i32 to vector<16xi32>
      %lt3A_276 = arith.cmpi slt, %max3A_273, %lt3A_275 : vector<16xi32>
      %add3A_277 = arith.constant 16 : i32
      %add3A_278 = vector.broadcast %add3A_277 : i32 to vector<16xi32>
      %add3A_279 = arith.addi %max3A_273, %add3A_278 : vector<16xi32>
      %select_n3A_280 = arith.select %lt3A_276, %add3A_279, %max3A_273 : vector<16xi1>, vector<16xi32>
      %broadcast_in_dim3A_281 = vector.shape_cast %select_n3A_280 : vector<16xi32> to vector<16x1xi32>
      %gather3A_282 = vector.shape_cast %broadcast_in_dim3A_281 : vector<16x1xi32> to vector<16xi32>
      %gather3A_283 = tpu.dynamic_gather %max3A_267[%gather3A_282] in [0] : vector<16xi32>, vector<16xi32> -> vector<16xi32>
      %ge3A_284 = arith.constant 4 : i32
      %ge3A_285 = vector.broadcast %ge3A_284 : i32 to vector<16xi32>
      %ge3A_286 = arith.cmpi sge, %iota3A, %ge3A_285 : vector<16xi32>
      %jit3A_287 = arith.constant -1073741824 : i32
      %broadcast_in_dim3A_288 = vector.broadcast %jit3A_287 : i32 to vector<16xi32>
      %select_n3A_289 = arith.select %ge3A_286, %gather3A_283, %broadcast_in_dim3A_288 : vector<16xi1>, vector<16xi32>
      %max3A_290 = arith.maxsi %max3A_267, %select_n3A_289 : vector<16xi32>
      %sub3A_291 = arith.constant 8 : i32
      %sub3A_292 = vector.broadcast %sub3A_291 : i32 to vector<16xi32>
      %sub3A_293 = arith.subi %iota3A, %sub3A_292 : vector<16xi32>
      %max3A_294 = arith.constant 0 : i32
      %max3A_295 = vector.broadcast %max3A_294 : i32 to vector<16xi32>
      %max3A_296 = arith.maxsi %sub3A_293, %max3A_295 : vector<16xi32>
      %lt3A_297 = arith.constant 0 : i32
      %lt3A_298 = vector.broadcast %lt3A_297 : i32 to vector<16xi32>
      %lt3A_299 = arith.cmpi slt, %max3A_296, %lt3A_298 : vector<16xi32>
      %add3A_300 = arith.constant 16 : i32
      %add3A_301 = vector.broadcast %add3A_300 : i32 to vector<16xi32>
      %add3A_302 = arith.addi %max3A_296, %add3A_301 : vector<16xi32>
      %select_n3A_303 = arith.select %lt3A_299, %add3A_302, %max3A_296 : vector<16xi1>, vector<16xi32>
      %broadcast_in_dim3A_304 = vector.shape_cast %select_n3A_303 : vector<16xi32> to vector<16x1xi32>
      %gather3A_305 = vector.shape_cast %broadcast_in_dim3A_304 : vector<16x1xi32> to vector<16xi32>
      %gather3A_306 = tpu.dynamic_gather %max3A_290[%gather3A_305] in [0] : vector<16xi32>, vector<16xi32> -> vector<16xi32>
      %ge3A_307 = arith.constant 8 : i32
      %ge3A_308 = vector.broadcast %ge3A_307 : i32 to vector<16xi32>
      %ge3A_309 = arith.cmpi sge, %iota3A, %ge3A_308 : vector<16xi32>
      %jit3A_310 = arith.constant -1073741824 : i32
      %broadcast_in_dim3A_311 = vector.broadcast %jit3A_310 : i32 to vector<16xi32>
      %select_n3A_312 = arith.select %ge3A_309, %gather3A_306, %broadcast_in_dim3A_311 : vector<16xi1>, vector<16xi32>
      %max3A_313 = arith.maxsi %max3A_290, %select_n3A_312 : vector<16xi32>
      %add3A_314 = arith.constant 15 : i32
      %add3A_315 = vector.broadcast %add3A_314 : i32 to vector<16xi32>
      %add3A_316 = arith.addi %broadcast_in_dim3A_0, %add3A_315 : vector<16xi32>
      %lt3A_317 = arith.constant 0 : i32
      %lt3A_318 = vector.broadcast %lt3A_317 : i32 to vector<16xi32>
      %lt3A_319 = arith.cmpi slt, %add3A_316, %lt3A_318 : vector<16xi32>
      %add3A_320 = arith.constant 16 : i32
      %add3A_321 = vector.broadcast %add3A_320 : i32 to vector<16xi32>
      %add3A_322 = arith.addi %add3A_316, %add3A_321 : vector<16xi32>
      %select_n3A_323 = arith.select %lt3A_319, %add3A_322, %add3A_316 : vector<16xi1>, vector<16xi32>
      %broadcast_in_dim3A_324 = vector.shape_cast %select_n3A_323 : vector<16xi32> to vector<16x1xi32>
      %gather3A_325 = vector.shape_cast %broadcast_in_dim3A_324 : vector<16x1xi32> to vector<16xi32>
      %gather3A_326 = tpu.dynamic_gather %max3A_313[%gather3A_325] in [0] : vector<16xi32>, vector<16xi32> -> vector<16xi32>
      %scan3A_327 = arith.constant 0 : i32
      %scan3A_328 = arith.constant 0 : i32
      %scan3A_329 = arith.constant 128 : i32
      %scan3A_330 = arith.addi %scan3A_328, %scan3A_329 : i32
      %scan3A_331 = arith.constant 1 : i32
      %scan3A_332 = scf.for %scan3A_377 = %scan3A_328 to %scan3A_330 step %scan3A_331 iter_args(%scan3A_378 = %scan3A_327) -> (i32)  : i32 {
        %mul3A_379 = arith.constant 16 : i32
        %mul3A_380 = arith.muli %scan3A_377, %mul3A_379 : i32
        %add3A_381 = vector.broadcast %mul3A_380 : i32 to vector<16xi32>
        %add3A_382 = arith.addi %add3A_381, %iota3A : vector<16xi32>
        %add3A_383 = vector.broadcast %mul3A_1 : i32 to vector<16xi32>
        %add3A_384 = arith.addi %add3A_383, %add3A_382 : vector<16xi32>
        %gather3A_385 = tpu.vector_load_idx %arg13[%add3A_382] : memref<2048xi32, #tpu.memory_space<vmem>>[vector<16xi32>], vector<16xi32>,
        %gather3A_386 = tpu.vector_load_idx %arg22[%add3A_382] : memref<2048xi32, #tpu.memory_space<vmem>>[vector<16xi32>], vector<16xi32>,
        %gather3A_387 = tpu.vector_load_idx %arg23[%add3A_382] : memref<2048xi32, #tpu.memory_space<vmem>>[vector<16xi32>], vector<16xi32>,
        %add3A_388 = arith.addi %gather3A_216, %gather3A_386 : vector<16xi32>
        %sub3A_389 = arith.constant 1 : i32
        %sub3A_390 = vector.broadcast %sub3A_389 : i32 to vector<16xi32>
        %sub3A_391 = arith.subi %add3A_388, %sub3A_390 : vector<16xi32>
        %max3A_392 = arith.maxsi %gather3A_387, %gather3A_326 : vector<16xi32>
        %sub3A_393 = arith.subi %add3A_384, %max3A_392 : vector<16xi32>
        %ne3A = arith.constant 90112000 : i32
        %ne3A_394 = vector.broadcast %ne3A : i32 to vector<16xi32>
        %ne3A_395 = arith.cmpi ne, %gather3A_385, %ne3A_394 : vector<16xi32>
        %lt3A_396 = arith.constant 16000 : i32
        %lt3A_397 = vector.broadcast %lt3A_396 : i32 to vector<16xi32>
        %lt3A_398 = arith.cmpi slt, %sub3A_391, %lt3A_397 : vector<16xi32>
        %and3A = arith.andi %ne3A_395, %lt3A_398 : vector<16xi1>
        %lt3A_399 = arith.constant 5 : i32
        %lt3A_400 = vector.broadcast %lt3A_399 : i32 to vector<16xi32>
        %lt3A_401 = arith.cmpi slt, %sub3A_393, %lt3A_400 : vector<16xi32>
        %and3A_402 = arith.andi %and3A, %lt3A_401 : vector<16xi1>
        %mul3A_403 = arith.constant 5 : i32
        %mul3A_404 = vector.broadcast %mul3A_403 : i32 to vector<16xi32>
        %mul3A_405 = arith.muli %sub3A_391, %mul3A_404 : vector<16xi32>
        %add3A_406 = arith.addi %mul3A_405, %sub3A_393 : vector<16xi32>
        %jit3A_407 = arith.constant 80000 : i32
        %broadcast_in_dim3A_408 = vector.broadcast %jit3A_407 : i32 to vector<16xi32>
        %select_n3A_409 = arith.select %and3A_402, %add3A_406, %broadcast_in_dim3A_408 : vector<16xi1>, vector<16xi32>
        %jit3A_410 = arith.constant 16000 : i32
        %broadcast_in_dim3A_411 = vector.broadcast %jit3A_410 : i32 to vector<16xi32>
        %select_n3A_412 = arith.select %and3A_402, %sub3A_391, %broadcast_in_dim3A_411 : vector<16xi1>, vector<16xi32>
        %and3A_413 = arith.andi %ne3A_395, %lt3A_398 : vector<16xi1>
        %eq3A = arith.constant 0 : i32
        %eq3A_414 = vector.broadcast %eq3A : i32 to vector<16xi32>
        %eq3A_415 = arith.cmpi eq, %sub3A_393, %eq3A_414 : vector<16xi32>
        %and3A_416 = arith.andi %and3A_413, %eq3A_415 : vector<16xi1>
        %jit3A_417 = arith.constant 16000 : i32
        %broadcast_in_dim3A_418 = vector.broadcast %jit3A_417 : i32 to vector<16xi32>
        %select_n3A_419 = arith.select %and3A_416, %sub3A_391, %broadcast_in_dim3A_418 : vector<16xi1>, vector<16xi32>
        tpu.vector_store_idx %arg24[%add3A_382], %select_n3A_409 : memref<2048xi32, #tpu.memory_space<vmem>>[vector<16xi32>], vector<16xi32>,
        tpu.vector_store_idx %arg25[%add3A_382], %select_n3A_412 : memref<2048xi32, #tpu.memory_space<vmem>>[vector<16xi32>], vector<16xi32>,
        tpu.vector_store_idx %arg26[%add3A_382], %select_n3A_419 : memref<2048xi32, #tpu.memory_space<vmem>>[vector<16xi32>], vector<16xi32>,
        %scan3A_420 = arith.constant 0 : i32
        scf.yield %scan3A_420 : i32
      }
      %scan3A_333 = arith.constant 128 : i32
      "tpu.region"() ({
        %run_scoped3A = tpu.sem_alloc : memref<!tpu.dma_semaphore, #tpu.memory_space<semaphore_mem>>
        %dma_start3A = arith.constant 0 : i32
        %dma_start3A_377 = tpu.memref_slice %arg57[%dma_start3A] : memref<32768xi32, #tpu.memory_space<vmem_shared>> -> memref<32768xi32, #tpu.memory_space<vmem_shared>>
        tpu.enqueue_indirect_dma source(%arg24 : memref<2048xi32, #tpu.memory_space<vmem>>) target(%dma_start3A_377 : memref<32768xi32, #tpu.memory_space<vmem_shared>>) offsets(%arg14 : memref<2048xi32, #tpu.memory_space<vmem>>) semaphore(%run_scoped3A : memref<!tpu.dma_semaphore, #tpu.memory_space<semaphore_mem>>)
        %dma_wait3A = arith.constant 0 : i32
        %dma_wait3A_378 = tpu.memref_slice %arg57[%dma_wait3A] : memref<32768xi32, #tpu.memory_space<vmem_shared>> -> memref<32768xi32, #tpu.memory_space<vmem_shared>>
        tpu.wait_indirect_dma semaphore(%run_scoped3A : memref<!tpu.dma_semaphore, #tpu.memory_space<semaphore_mem>>) src(%arg24 : memref<2048xi32, #tpu.memory_space<vmem>>) dst(%dma_wait3A_378 : memref<32768xi32, #tpu.memory_space<vmem_shared>>)
        tpu.yield
      }) : () -> ()
      "tpu.region"() ({
        %run_scoped3A = tpu.sem_alloc : memref<!tpu.dma_semaphore, #tpu.memory_space<semaphore_mem>>
        %dma_start3A = arith.constant 0 : i32
        %dma_start3A_377 = tpu.memref_slice %arg58[%dma_start3A] : memref<32768xi32, #tpu.memory_space<vmem_shared>> -> memref<32768xi32, #tpu.memory_space<vmem_shared>>
        tpu.enqueue_indirect_dma source(%arg25 : memref<2048xi32, #tpu.memory_space<vmem>>) target(%dma_start3A_377 : memref<32768xi32, #tpu.memory_space<vmem_shared>>) offsets(%arg14 : memref<2048xi32, #tpu.memory_space<vmem>>) semaphore(%run_scoped3A : memref<!tpu.dma_semaphore, #tpu.memory_space<semaphore_mem>>)
        %dma_wait3A = arith.constant 0 : i32
        %dma_wait3A_378 = tpu.memref_slice %arg58[%dma_wait3A] : memref<32768xi32, #tpu.memory_space<vmem_shared>> -> memref<32768xi32, #tpu.memory_space<vmem_shared>>
        tpu.wait_indirect_dma semaphore(%run_scoped3A : memref<!tpu.dma_semaphore, #tpu.memory_space<semaphore_mem>>) src(%arg25 : memref<2048xi32, #tpu.memory_space<vmem>>) dst(%dma_wait3A_378 : memref<32768xi32, #tpu.memory_space<vmem_shared>>)
        tpu.yield
      }) : () -> ()
      "tpu.region"() ({
        %run_scoped3A = tpu.sem_alloc : memref<!tpu.dma_semaphore, #tpu.memory_space<semaphore_mem>>
        %dma_start3A = arith.constant 0 : i32
        %dma_start3A_377 = tpu.memref_slice %arg59[%dma_start3A] : memref<32768xi32, #tpu.memory_space<vmem_shared>> -> memref<32768xi32, #tpu.memory_space<vmem_shared>>
        tpu.enqueue_indirect_dma source(%arg26 : memref<2048xi32, #tpu.memory_space<vmem>>) target(%dma_start3A_377 : memref<32768xi32, #tpu.memory_space<vmem_shared>>) offsets(%arg14 : memref<2048xi32, #tpu.memory_space<vmem>>) semaphore(%run_scoped3A : memref<!tpu.dma_semaphore, #tpu.memory_space<semaphore_mem>>)
        %dma_wait3A = arith.constant 0 : i32
        %dma_wait3A_378 = tpu.memref_slice %arg59[%dma_wait3A] : memref<32768xi32, #tpu.memory_space<vmem_shared>> -> memref<32768xi32, #tpu.memory_space<vmem_shared>>
        tpu.wait_indirect_dma semaphore(%run_scoped3A : memref<!tpu.dma_semaphore, #tpu.memory_space<semaphore_mem>>) src(%arg26 : memref<2048xi32, #tpu.memory_space<vmem>>) dst(%dma_wait3A_378 : memref<32768xi32, #tpu.memory_space<vmem_shared>>)
        tpu.yield
      }) : () -> ()
      %barrier3A_334 = arith.constant 0 : index
      tpu.barrier barrier_id(%barrier3A_334)
      "tpu.region"() ({
        %run_scoped3A = tpu.sem_alloc : memref<!tpu.dma_semaphore, #tpu.memory_space<semaphore_mem>>
        %dma_start3A = tpu.memref_slice %arg57[%mul3A_1] : memref<32768xi32, #tpu.memory_space<vmem_shared>> -> memref<2048xi32, #tpu.memory_space<vmem_shared>>
        %dma_start3A_377 = tpu.memref_slice %arg57[%mul3A_1] : memref<32768xi32, #tpu.memory_space<vmem_shared>> -> memref<2048xi32, #tpu.memory_space<vmem_shared>>
        tpu.enqueue_dma source(%dma_start3A_377 : memref<2048xi32, #tpu.memory_space<vmem_shared>>) target(%arg24 : memref<2048xi32, #tpu.memory_space<vmem>>) target_semaphore(%run_scoped3A : memref<!tpu.dma_semaphore, #tpu.memory_space<semaphore_mem>>)
        %dma_wait3A = tpu.memref_slice %arg57[%mul3A_1] : memref<32768xi32, #tpu.memory_space<vmem_shared>> -> memref<2048xi32, #tpu.memory_space<vmem_shared>>
        %dma_wait3A_378 = tpu.memref_slice %arg57[%mul3A_1] : memref<32768xi32, #tpu.memory_space<vmem_shared>> -> memref<2048xi32, #tpu.memory_space<vmem_shared>>
        tpu.wait_dma2 semaphore(%run_scoped3A : memref<!tpu.dma_semaphore, #tpu.memory_space<semaphore_mem>>) src(%dma_wait3A_378 : memref<2048xi32, #tpu.memory_space<vmem_shared>>) dst(%arg24 : memref<2048xi32, #tpu.memory_space<vmem>>)
        tpu.yield
      }) : () -> ()
      "tpu.region"() ({
        %run_scoped3A = tpu.sem_alloc : memref<!tpu.dma_semaphore, #tpu.memory_space<semaphore_mem>>
        %dma_start3A = tpu.memref_slice %arg58[%mul3A_1] : memref<32768xi32, #tpu.memory_space<vmem_shared>> -> memref<2048xi32, #tpu.memory_space<vmem_shared>>
        %dma_start3A_377 = tpu.memref_slice %arg58[%mul3A_1] : memref<32768xi32, #tpu.memory_space<vmem_shared>> -> memref<2048xi32, #tpu.memory_space<vmem_shared>>
        tpu.enqueue_dma source(%dma_start3A_377 : memref<2048xi32, #tpu.memory_space<vmem_shared>>) target(%arg25 : memref<2048xi32, #tpu.memory_space<vmem>>) target_semaphore(%run_scoped3A : memref<!tpu.dma_semaphore, #tpu.memory_space<semaphore_mem>>)
        %dma_wait3A = tpu.memref_slice %arg58[%mul3A_1] : memref<32768xi32, #tpu.memory_space<vmem_shared>> -> memref<2048xi32, #tpu.memory_space<vmem_shared>>
        %dma_wait3A_378 = tpu.memref_slice %arg58[%mul3A_1] : memref<32768xi32, #tpu.memory_space<vmem_shared>> -> memref<2048xi32, #tpu.memory_space<vmem_shared>>
        tpu.wait_dma2 semaphore(%run_scoped3A : memref<!tpu.dma_semaphore, #tpu.memory_space<semaphore_mem>>) src(%dma_wait3A_378 : memref<2048xi32, #tpu.memory_space<vmem_shared>>) dst(%arg25 : memref<2048xi32, #tpu.memory_space<vmem>>)
        tpu.yield
      }) : () -> ()
      "tpu.region"() ({
        %run_scoped3A = tpu.sem_alloc : memref<!tpu.dma_semaphore, #tpu.memory_space<semaphore_mem>>
        %dma_start3A = tpu.memref_slice %arg59[%mul3A_1] : memref<32768xi32, #tpu.memory_space<vmem_shared>> -> memref<2048xi32, #tpu.memory_space<vmem_shared>>
        %dma_start3A_377 = tpu.memref_slice %arg59[%mul3A_1] : memref<32768xi32, #tpu.memory_space<vmem_shared>> -> memref<2048xi32, #tpu.memory_space<vmem_shared>>
        tpu.enqueue_dma source(%dma_start3A_377 : memref<2048xi32, #tpu.memory_space<vmem_shared>>) target(%arg26 : memref<2048xi32, #tpu.memory_space<vmem>>) target_semaphore(%run_scoped3A : memref<!tpu.dma_semaphore, #tpu.memory_space<semaphore_mem>>)
        %dma_wait3A = tpu.memref_slice %arg59[%mul3A_1] : memref<32768xi32, #tpu.memory_space<vmem_shared>> -> memref<2048xi32, #tpu.memory_space<vmem_shared>>
        %dma_wait3A_378 = tpu.memref_slice %arg59[%mul3A_1] : memref<32768xi32, #tpu.memory_space<vmem_shared>> -> memref<2048xi32, #tpu.memory_space<vmem_shared>>
        tpu.wait_dma2 semaphore(%run_scoped3A : memref<!tpu.dma_semaphore, #tpu.memory_space<semaphore_mem>>) src(%dma_wait3A_378 : memref<2048xi32, #tpu.memory_space<vmem_shared>>) dst(%arg26 : memref<2048xi32, #tpu.memory_space<vmem>>)
        tpu.yield
      }) : () -> ()
      %add3A_335 = arith.addi %mul3A_13, %mul3A_1 : i32
      "tpu.region"() ({
        %run_scoped3A = tpu.sem_alloc : memref<!tpu.dma_semaphore, #tpu.memory_space<semaphore_mem>>
        %dma_start3A = tpu.memref_slice %arg6[%add3A_335] : memref<131072xf32, #tpu.memory_space<hbm>> -> memref<2048xf32, #tpu.memory_space<hbm>>
        %dma_start3A_377 = tpu.memref_slice %arg6[%add3A_335] : memref<131072xf32, #tpu.memory_space<hbm>> -> memref<2048xf32, #tpu.memory_space<hbm>>
        tpu.enqueue_dma source(%dma_start3A_377 : memref<2048xf32, #tpu.memory_space<hbm>>) target(%arg34 : memref<2048xf32, #tpu.memory_space<vmem>>) target_semaphore(%run_scoped3A : memref<!tpu.dma_semaphore, #tpu.memory_space<semaphore_mem>>)
        %dma_wait3A = tpu.memref_slice %arg6[%add3A_335] : memref<131072xf32, #tpu.memory_space<hbm>> -> memref<2048xf32, #tpu.memory_space<hbm>>
        %dma_wait3A_378 = tpu.memref_slice %arg6[%add3A_335] : memref<131072xf32, #tpu.memory_space<hbm>> -> memref<2048xf32, #tpu.memory_space<hbm>>
        tpu.wait_dma2 semaphore(%run_scoped3A : memref<!tpu.dma_semaphore, #tpu.memory_space<semaphore_mem>>) src(%dma_wait3A_378 : memref<2048xf32, #tpu.memory_space<hbm>>) dst(%arg34 : memref<2048xf32, #tpu.memory_space<vmem>>)
        tpu.yield
      }) : () -> ()
      %add3A_336 = arith.addi %mul3A_13, %mul3A_1 : i32
      "tpu.region"() ({
        %run_scoped3A = tpu.sem_alloc : memref<!tpu.dma_semaphore, #tpu.memory_space<semaphore_mem>>
        %dma_start3A = tpu.memref_slice %arg7[%add3A_336] : memref<131072xf32, #tpu.memory_space<hbm>> -> memref<2048xf32, #tpu.memory_space<hbm>>
        %dma_start3A_377 = tpu.memref_slice %arg7[%add3A_336] : memref<131072xf32, #tpu.memory_space<hbm>> -> memref<2048xf32, #tpu.memory_space<hbm>>
        tpu.enqueue_dma source(%dma_start3A_377 : memref<2048xf32, #tpu.memory_space<hbm>>) target(%arg35 : memref<2048xf32, #tpu.memory_space<vmem>>) target_semaphore(%run_scoped3A : memref<!tpu.dma_semaphore, #tpu.memory_space<semaphore_mem>>)
        %dma_wait3A = tpu.memref_slice %arg7[%add3A_336] : memref<131072xf32, #tpu.memory_space<hbm>> -> memref<2048xf32, #tpu.memory_space<hbm>>
        %dma_wait3A_378 = tpu.memref_slice %arg7[%add3A_336] : memref<131072xf32, #tpu.memory_space<hbm>> -> memref<2048xf32, #tpu.memory_space<hbm>>
        tpu.wait_dma2 semaphore(%run_scoped3A : memref<!tpu.dma_semaphore, #tpu.memory_space<semaphore_mem>>) src(%dma_wait3A_378 : memref<2048xf32, #tpu.memory_space<hbm>>) dst(%arg35 : memref<2048xf32, #tpu.memory_space<vmem>>)
        tpu.yield
      }) : () -> ()
      %add3A_337 = arith.addi %mul3A_13, %mul3A_1 : i32
      "tpu.region"() ({
        %run_scoped3A = tpu.sem_alloc : memref<!tpu.dma_semaphore, #tpu.memory_space<semaphore_mem>>
        %dma_start3A = tpu.memref_slice %arg8[%add3A_337] : memref<131072xf32, #tpu.memory_space<hbm>> -> memref<2048xf32, #tpu.memory_space<hbm>>
        %dma_start3A_377 = tpu.memref_slice %arg8[%add3A_337] : memref<131072xf32, #tpu.memory_space<hbm>> -> memref<2048xf32, #tpu.memory_space<hbm>>
        tpu.enqueue_dma source(%dma_start3A_377 : memref<2048xf32, #tpu.memory_space<hbm>>) target(%arg36 : memref<2048xf32, #tpu.memory_space<vmem>>) target_semaphore(%run_scoped3A : memref<!tpu.dma_semaphore, #tpu.memory_space<semaphore_mem>>)
        %dma_wait3A = tpu.memref_slice %arg8[%add3A_337] : memref<131072xf32, #tpu.memory_space<hbm>> -> memref<2048xf32, #tpu.memory_space<hbm>>
        %dma_wait3A_378 = tpu.memref_slice %arg8[%add3A_337] : memref<131072xf32, #tpu.memory_space<hbm>> -> memref<2048xf32, #tpu.memory_space<hbm>>
        tpu.wait_dma2 semaphore(%run_scoped3A : memref<!tpu.dma_semaphore, #tpu.memory_space<semaphore_mem>>) src(%dma_wait3A_378 : memref<2048xf32, #tpu.memory_space<hbm>>) dst(%arg36 : memref<2048xf32, #tpu.memory_space<vmem>>)
        tpu.yield
      }) : () -> ()
      %add3A_338 = arith.addi %mul3A_13, %mul3A_1 : i32
      "tpu.region"() ({
        %run_scoped3A = tpu.sem_alloc : memref<!tpu.dma_semaphore, #tpu.memory_space<semaphore_mem>>
        %dma_start3A = tpu.memref_slice %arg9[%add3A_338] : memref<131072xf32, #tpu.memory_space<hbm>> -> memref<2048xf32, #tpu.memory_space<hbm>>
        %dma_start3A_377 = tpu.memref_slice %arg9[%add3A_338] : memref<131072xf32, #tpu.memory_space<hbm>> -> memref<2048xf32, #tpu.memory_space<hbm>>
        tpu.enqueue_dma source(%dma_start3A_377 : memref<2048xf32, #tpu.memory_space<hbm>>) target(%arg37 : memref<2048xf32, #tpu.memory_space<vmem>>) target_semaphore(%run_scoped3A : memref<!tpu.dma_semaphore, #tpu.memory_space<semaphore_mem>>)
        %dma_wait3A = tpu.memref_slice %arg9[%add3A_338] : memref<131072xf32, #tpu.memory_space<hbm>> -> memref<2048xf32, #tpu.memory_space<hbm>>
        %dma_wait3A_378 = tpu.memref_slice %arg9[%add3A_338] : memref<131072xf32, #tpu.memory_space<hbm>> -> memref<2048xf32, #tpu.memory_space<hbm>>
        tpu.wait_dma2 semaphore(%run_scoped3A : memref<!tpu.dma_semaphore, #tpu.memory_space<semaphore_mem>>) src(%dma_wait3A_378 : memref<2048xf32, #tpu.memory_space<hbm>>) dst(%arg37 : memref<2048xf32, #tpu.memory_space<vmem>>)
        tpu.yield
      }) : () -> ()
      %add3A_339 = arith.addi %mul3A_13, %mul3A_1 : i32
      "tpu.region"() ({
        %run_scoped3A = tpu.sem_alloc : memref<!tpu.dma_semaphore, #tpu.memory_space<semaphore_mem>>
        %dma_start3A = tpu.memref_slice %arg3[%add3A_339] : memref<131072xi32, #tpu.memory_space<hbm>> -> memref<2048xi32, #tpu.memory_space<hbm>>
        %dma_start3A_377 = tpu.memref_slice %arg3[%add3A_339] : memref<131072xi32, #tpu.memory_space<hbm>> -> memref<2048xi32, #tpu.memory_space<hbm>>
        tpu.enqueue_dma source(%dma_start3A_377 : memref<2048xi32, #tpu.memory_space<hbm>>) target(%arg38 : memref<2048xi32, #tpu.memory_space<vmem>>) target_semaphore(%run_scoped3A : memref<!tpu.dma_semaphore, #tpu.memory_space<semaphore_mem>>)
        %dma_wait3A = tpu.memref_slice %arg3[%add3A_339] : memref<131072xi32, #tpu.memory_space<hbm>> -> memref<2048xi32, #tpu.memory_space<hbm>>
        %dma_wait3A_378 = tpu.memref_slice %arg3[%add3A_339] : memref<131072xi32, #tpu.memory_space<hbm>> -> memref<2048xi32, #tpu.memory_space<hbm>>
        tpu.wait_dma2 semaphore(%run_scoped3A : memref<!tpu.dma_semaphore, #tpu.memory_space<semaphore_mem>>) src(%dma_wait3A_378 : memref<2048xi32, #tpu.memory_space<hbm>>) dst(%arg38 : memref<2048xi32, #tpu.memory_space<vmem>>)
        tpu.yield
      }) : () -> ()
      %add3A_340 = arith.addi %mul3A_13, %mul3A_1 : i32
      "tpu.region"() ({
        %run_scoped3A = tpu.sem_alloc : memref<!tpu.dma_semaphore, #tpu.memory_space<semaphore_mem>>
        %dma_start3A = tpu.memref_slice %arg4[%add3A_340] : memref<131072xi32, #tpu.memory_space<hbm>> -> memref<2048xi32, #tpu.memory_space<hbm>>
        %dma_start3A_377 = tpu.memref_slice %arg4[%add3A_340] : memref<131072xi32, #tpu.memory_space<hbm>> -> memref<2048xi32, #tpu.memory_space<hbm>>
        tpu.enqueue_dma source(%dma_start3A_377 : memref<2048xi32, #tpu.memory_space<hbm>>) target(%arg39 : memref<2048xi32, #tpu.memory_space<vmem>>) target_semaphore(%run_scoped3A : memref<!tpu.dma_semaphore, #tpu.memory_space<semaphore_mem>>)
        %dma_wait3A = tpu.memref_slice %arg4[%add3A_340] : memref<131072xi32, #tpu.memory_space<hbm>> -> memref<2048xi32, #tpu.memory_space<hbm>>
        %dma_wait3A_378 = tpu.memref_slice %arg4[%add3A_340] : memref<131072xi32, #tpu.memory_space<hbm>> -> memref<2048xi32, #tpu.memory_space<hbm>>
        tpu.wait_dma2 semaphore(%run_scoped3A : memref<!tpu.dma_semaphore, #tpu.memory_space<semaphore_mem>>) src(%dma_wait3A_378 : memref<2048xi32, #tpu.memory_space<hbm>>) dst(%arg39 : memref<2048xi32, #tpu.memory_space<vmem>>)
        tpu.yield
      }) : () -> ()
      %add3A_341 = arith.addi %mul3A_13, %mul3A_1 : i32
      "tpu.region"() ({
        %run_scoped3A = tpu.sem_alloc : memref<!tpu.dma_semaphore, #tpu.memory_space<semaphore_mem>>
        %dma_start3A = tpu.memref_slice %arg5[%add3A_341] : memref<131072xi32, #tpu.memory_space<hbm>> -> memref<2048xi32, #tpu.memory_space<hbm>>
        %dma_start3A_377 = tpu.memref_slice %arg5[%add3A_341] : memref<131072xi32, #tpu.memory_space<hbm>> -> memref<2048xi32, #tpu.memory_space<hbm>>
        tpu.enqueue_dma source(%dma_start3A_377 : memref<2048xi32, #tpu.memory_space<hbm>>) target(%arg40 : memref<2048xi32, #tpu.memory_space<vmem>>) target_semaphore(%run_scoped3A : memref<!tpu.dma_semaphore, #tpu.memory_space<semaphore_mem>>)
        %dma_wait3A = tpu.memref_slice %arg5[%add3A_341] : memref<131072xi32, #tpu.memory_space<hbm>> -> memref<2048xi32, #tpu.memory_space<hbm>>
        %dma_wait3A_378 = tpu.memref_slice %arg5[%add3A_341] : memref<131072xi32, #tpu.memory_space<hbm>> -> memref<2048xi32, #tpu.memory_space<hbm>>
        tpu.wait_dma2 semaphore(%run_scoped3A : memref<!tpu.dma_semaphore, #tpu.memory_space<semaphore_mem>>) src(%dma_wait3A_378 : memref<2048xi32, #tpu.memory_space<hbm>>) dst(%arg40 : memref<2048xi32, #tpu.memory_space<vmem>>)
        tpu.yield
      }) : () -> ()
      %scan3A_342 = arith.constant 0 : i32
      %scan3A_343 = arith.constant 0 : i32
      %scan3A_344 = arith.constant 128 : i32
      %scan3A_345 = arith.addi %scan3A_343, %scan3A_344 : i32
      %scan3A_346 = arith.constant 1 : i32
      %scan3A_347 = scf.for %scan3A_377 = %scan3A_343 to %scan3A_345 step %scan3A_346 iter_args(%scan3A_378 = %scan3A_342) -> (i32)  : i32 {
        %mul3A_379 = arith.constant 16 : i32
        %mul3A_380 = arith.muli %scan3A_377, %mul3A_379 : i32
        %add3A_381 = vector.broadcast %mul3A_380 : i32 to vector<16xi32>
        %add3A_382 = arith.addi %add3A_381, %iota3A : vector<16xi32>
        %gather3A_383 = tpu.vector_load_idx %arg24[%add3A_382] : memref<2048xi32, #tpu.memory_space<vmem>>[vector<16xi32>], vector<16xi32>,
        %gather3A_384 = tpu.vector_load_idx %arg26[%add3A_382] : memref<2048xi32, #tpu.memory_space<vmem>>[vector<16xi32>], vector<16xi32>,
        %mul3A_385 = arith.constant 4 : i32
        %mul3A_386 = vector.broadcast %mul3A_385 : i32 to vector<16xi32>
        %mul3A_387 = arith.muli %gather3A_383, %mul3A_386 : vector<16xi32>
        tpu.vector_store_idx %arg27[%add3A_382], %mul3A_387 : memref<2048xi32, #tpu.memory_space<vmem>>[vector<16xi32>], vector<16xi32>,
        %mul3A_388 = arith.constant 4 : i32
        %mul3A_389 = vector.broadcast %mul3A_388 : i32 to vector<16xi32>
        %mul3A_390 = arith.muli %gather3A_383, %mul3A_389 : vector<16xi32>
        %add3A_391 = arith.constant 1 : i32
        %add3A_392 = vector.broadcast %add3A_391 : i32 to vector<16xi32>
        %add3A_393 = arith.addi %mul3A_390, %add3A_392 : vector<16xi32>
        tpu.vector_store_idx %arg28[%add3A_382], %add3A_393 : memref<2048xi32, #tpu.memory_space<vmem>>[vector<16xi32>], vector<16xi32>,
        %mul3A_394 = arith.constant 4 : i32
        %mul3A_395 = vector.broadcast %mul3A_394 : i32 to vector<16xi32>
        %mul3A_396 = arith.muli %gather3A_383, %mul3A_395 : vector<16xi32>
        %add3A_397 = arith.constant 2 : i32
        %add3A_398 = vector.broadcast %add3A_397 : i32 to vector<16xi32>
        %add3A_399 = arith.addi %mul3A_396, %add3A_398 : vector<16xi32>
        tpu.vector_store_idx %arg29[%add3A_382], %add3A_399 : memref<2048xi32, #tpu.memory_space<vmem>>[vector<16xi32>], vector<16xi32>,
        %mul3A_400 = arith.constant 4 : i32
        %mul3A_401 = vector.broadcast %mul3A_400 : i32 to vector<16xi32>
        %mul3A_402 = arith.muli %gather3A_383, %mul3A_401 : vector<16xi32>
        %add3A_403 = arith.constant 3 : i32
        %add3A_404 = vector.broadcast %add3A_403 : i32 to vector<16xi32>
        %add3A_405 = arith.addi %mul3A_402, %add3A_404 : vector<16xi32>
        tpu.vector_store_idx %arg30[%add3A_382], %add3A_405 : memref<2048xi32, #tpu.memory_space<vmem>>[vector<16xi32>], vector<16xi32>,
        %mul3A_406 = arith.constant 4 : i32
        %mul3A_407 = vector.broadcast %mul3A_406 : i32 to vector<16xi32>
        %mul3A_408 = arith.muli %gather3A_384, %mul3A_407 : vector<16xi32>
        %add3A_409 = arith.constant 1 : i32
        %add3A_410 = vector.broadcast %add3A_409 : i32 to vector<16xi32>
        %add3A_411 = arith.addi %mul3A_408, %add3A_410 : vector<16xi32>
        tpu.vector_store_idx %arg31[%add3A_382], %add3A_411 : memref<2048xi32, #tpu.memory_space<vmem>>[vector<16xi32>], vector<16xi32>,
        %mul3A_412 = arith.constant 4 : i32
        %mul3A_413 = vector.broadcast %mul3A_412 : i32 to vector<16xi32>
        %mul3A_414 = arith.muli %gather3A_384, %mul3A_413 : vector<16xi32>
        %add3A_415 = arith.constant 2 : i32
        %add3A_416 = vector.broadcast %add3A_415 : i32 to vector<16xi32>
        %add3A_417 = arith.addi %mul3A_414, %add3A_416 : vector<16xi32>
        tpu.vector_store_idx %arg32[%add3A_382], %add3A_417 : memref<2048xi32, #tpu.memory_space<vmem>>[vector<16xi32>], vector<16xi32>,
        %mul3A_418 = arith.constant 4 : i32
        %mul3A_419 = vector.broadcast %mul3A_418 : i32 to vector<16xi32>
        %mul3A_420 = arith.muli %gather3A_384, %mul3A_419 : vector<16xi32>
        %add3A_421 = arith.constant 3 : i32
        %add3A_422 = vector.broadcast %add3A_421 : i32 to vector<16xi32>
        %add3A_423 = arith.addi %mul3A_420, %add3A_422 : vector<16xi32>
        tpu.vector_store_idx %arg33[%add3A_382], %add3A_423 : memref<2048xi32, #tpu.memory_space<vmem>>[vector<16xi32>], vector<16xi32>,
        %scan3A_424 = arith.constant 0 : i32
        scf.yield %scan3A_424 : i32
      }
      %scan3A_348 = arith.constant 128 : i32
      "tpu.region"() ({
        %run_scoped3A = tpu.sem_alloc : memref<!tpu.dma_semaphore, #tpu.memory_space<semaphore_mem>>
        %dma_start3A = arith.constant 0 : i32
        %dma_start3A_377 = tpu.memref_slice %arg60[%dma_start3A] : memref<327680xf32, #tpu.memory_space<vmem_shared>> -> memref<327680xf32, #tpu.memory_space<vmem_shared>>
        tpu.enqueue_indirect_dma source(%arg34 : memref<2048xf32, #tpu.memory_space<vmem>>) target(%dma_start3A_377 : memref<327680xf32, #tpu.memory_space<vmem_shared>>) offsets(%arg27 : memref<2048xi32, #tpu.memory_space<vmem>>) semaphore(%run_scoped3A : memref<!tpu.dma_semaphore, #tpu.memory_space<semaphore_mem>>)
        %dma_wait3A = arith.constant 0 : i32
        %dma_wait3A_378 = tpu.memref_slice %arg60[%dma_wait3A] : memref<327680xf32, #tpu.memory_space<vmem_shared>> -> memref<327680xf32, #tpu.memory_space<vmem_shared>>
        tpu.wait_indirect_dma semaphore(%run_scoped3A : memref<!tpu.dma_semaphore, #tpu.memory_space<semaphore_mem>>) src(%arg34 : memref<2048xf32, #tpu.memory_space<vmem>>) dst(%dma_wait3A_378 : memref<327680xf32, #tpu.memory_space<vmem_shared>>)
        tpu.yield
      }) : () -> ()
      "tpu.region"() ({
        %run_scoped3A = tpu.sem_alloc : memref<!tpu.dma_semaphore, #tpu.memory_space<semaphore_mem>>
        %dma_start3A = arith.constant 0 : i32
        %dma_start3A_377 = tpu.memref_slice %arg60[%dma_start3A] : memref<327680xf32, #tpu.memory_space<vmem_shared>> -> memref<327680xf32, #tpu.memory_space<vmem_shared>>
        tpu.enqueue_indirect_dma source(%arg35 : memref<2048xf32, #tpu.memory_space<vmem>>) target(%dma_start3A_377 : memref<327680xf32, #tpu.memory_space<vmem_shared>>) offsets(%arg28 : memref<2048xi32, #tpu.memory_space<vmem>>) semaphore(%run_scoped3A : memref<!tpu.dma_semaphore, #tpu.memory_space<semaphore_mem>>)
        %dma_wait3A = arith.constant 0 : i32
        %dma_wait3A_378 = tpu.memref_slice %arg60[%dma_wait3A] : memref<327680xf32, #tpu.memory_space<vmem_shared>> -> memref<327680xf32, #tpu.memory_space<vmem_shared>>
        tpu.wait_indirect_dma semaphore(%run_scoped3A : memref<!tpu.dma_semaphore, #tpu.memory_space<semaphore_mem>>) src(%arg35 : memref<2048xf32, #tpu.memory_space<vmem>>) dst(%dma_wait3A_378 : memref<327680xf32, #tpu.memory_space<vmem_shared>>)
        tpu.yield
      }) : () -> ()
      "tpu.region"() ({
        %run_scoped3A = tpu.sem_alloc : memref<!tpu.dma_semaphore, #tpu.memory_space<semaphore_mem>>
        %dma_start3A = arith.constant 0 : i32
        %dma_start3A_377 = tpu.memref_slice %arg60[%dma_start3A] : memref<327680xf32, #tpu.memory_space<vmem_shared>> -> memref<327680xf32, #tpu.memory_space<vmem_shared>>
        tpu.enqueue_indirect_dma source(%arg36 : memref<2048xf32, #tpu.memory_space<vmem>>) target(%dma_start3A_377 : memref<327680xf32, #tpu.memory_space<vmem_shared>>) offsets(%arg29 : memref<2048xi32, #tpu.memory_space<vmem>>) semaphore(%run_scoped3A : memref<!tpu.dma_semaphore, #tpu.memory_space<semaphore_mem>>)
        %dma_wait3A = arith.constant 0 : i32
        %dma_wait3A_378 = tpu.memref_slice %arg60[%dma_wait3A] : memref<327680xf32, #tpu.memory_space<vmem_shared>> -> memref<327680xf32, #tpu.memory_space<vmem_shared>>
        tpu.wait_indirect_dma semaphore(%run_scoped3A : memref<!tpu.dma_semaphore, #tpu.memory_space<semaphore_mem>>) src(%arg36 : memref<2048xf32, #tpu.memory_space<vmem>>) dst(%dma_wait3A_378 : memref<327680xf32, #tpu.memory_space<vmem_shared>>)
        tpu.yield
      }) : () -> ()
      "tpu.region"() ({
        %run_scoped3A = tpu.sem_alloc : memref<!tpu.dma_semaphore, #tpu.memory_space<semaphore_mem>>
        %dma_start3A = arith.constant 0 : i32
        %dma_start3A_377 = tpu.memref_slice %arg60[%dma_start3A] : memref<327680xf32, #tpu.memory_space<vmem_shared>> -> memref<327680xf32, #tpu.memory_space<vmem_shared>>
        tpu.enqueue_indirect_dma source(%arg37 : memref<2048xf32, #tpu.memory_space<vmem>>) target(%dma_start3A_377 : memref<327680xf32, #tpu.memory_space<vmem_shared>>) offsets(%arg30 : memref<2048xi32, #tpu.memory_space<vmem>>) semaphore(%run_scoped3A : memref<!tpu.dma_semaphore, #tpu.memory_space<semaphore_mem>>)
        %dma_wait3A = arith.constant 0 : i32
        %dma_wait3A_378 = tpu.memref_slice %arg60[%dma_wait3A] : memref<327680xf32, #tpu.memory_space<vmem_shared>> -> memref<327680xf32, #tpu.memory_space<vmem_shared>>
        tpu.wait_indirect_dma semaphore(%run_scoped3A : memref<!tpu.dma_semaphore, #tpu.memory_space<semaphore_mem>>) src(%arg37 : memref<2048xf32, #tpu.memory_space<vmem>>) dst(%dma_wait3A_378 : memref<327680xf32, #tpu.memory_space<vmem_shared>>)
        tpu.yield
      }) : () -> ()
      "tpu.region"() ({
        %run_scoped3A = tpu.sem_alloc : memref<!tpu.dma_semaphore, #tpu.memory_space<semaphore_mem>>
        %dma_start3A = arith.constant 0 : i32
        %dma_start3A_377 = tpu.memref_slice %arg61[%dma_start3A] : memref<65536xi32, #tpu.memory_space<vmem_shared>> -> memref<65536xi32, #tpu.memory_space<vmem_shared>>
        tpu.enqueue_indirect_dma source(%arg38 : memref<2048xi32, #tpu.memory_space<vmem>>) target(%dma_start3A_377 : memref<65536xi32, #tpu.memory_space<vmem_shared>>) offsets(%arg31 : memref<2048xi32, #tpu.memory_space<vmem>>) semaphore(%run_scoped3A : memref<!tpu.dma_semaphore, #tpu.memory_space<semaphore_mem>>)
        %dma_wait3A = arith.constant 0 : i32
        %dma_wait3A_378 = tpu.memref_slice %arg61[%dma_wait3A] : memref<65536xi32, #tpu.memory_space<vmem_shared>> -> memref<65536xi32, #tpu.memory_space<vmem_shared>>
        tpu.wait_indirect_dma semaphore(%run_scoped3A : memref<!tpu.dma_semaphore, #tpu.memory_space<semaphore_mem>>) src(%arg38 : memref<2048xi32, #tpu.memory_space<vmem>>) dst(%dma_wait3A_378 : memref<65536xi32, #tpu.memory_space<vmem_shared>>)
        tpu.yield
      }) : () -> ()
      "tpu.region"() ({
        %run_scoped3A = tpu.sem_alloc : memref<!tpu.dma_semaphore, #tpu.memory_space<semaphore_mem>>
        %dma_start3A = arith.constant 0 : i32
        %dma_start3A_377 = tpu.memref_slice %arg61[%dma_start3A] : memref<65536xi32, #tpu.memory_space<vmem_shared>> -> memref<65536xi32, #tpu.memory_space<vmem_shared>>
        tpu.enqueue_indirect_dma source(%arg39 : memref<2048xi32, #tpu.memory_space<vmem>>) target(%dma_start3A_377 : memref<65536xi32, #tpu.memory_space<vmem_shared>>) offsets(%arg32 : memref<2048xi32, #tpu.memory_space<vmem>>) semaphore(%run_scoped3A : memref<!tpu.dma_semaphore, #tpu.memory_space<semaphore_mem>>)
        %dma_wait3A = arith.constant 0 : i32
        %dma_wait3A_378 = tpu.memref_slice %arg61[%dma_wait3A] : memref<65536xi32, #tpu.memory_space<vmem_shared>> -> memref<65536xi32, #tpu.memory_space<vmem_shared>>
        tpu.wait_indirect_dma semaphore(%run_scoped3A : memref<!tpu.dma_semaphore, #tpu.memory_space<semaphore_mem>>) src(%arg39 : memref<2048xi32, #tpu.memory_space<vmem>>) dst(%dma_wait3A_378 : memref<65536xi32, #tpu.memory_space<vmem_shared>>)
        tpu.yield
      }) : () -> ()
      "tpu.region"() ({
        %run_scoped3A = tpu.sem_alloc : memref<!tpu.dma_semaphore, #tpu.memory_space<semaphore_mem>>
        %dma_start3A = arith.constant 0 : i32
        %dma_start3A_377 = tpu.memref_slice %arg61[%dma_start3A] : memref<65536xi32, #tpu.memory_space<vmem_shared>> -> memref<65536xi32, #tpu.memory_space<vmem_shared>>
        tpu.enqueue_indirect_dma source(%arg40 : memref<2048xi32, #tpu.memory_space<vmem>>) target(%dma_start3A_377 : memref<65536xi32, #tpu.memory_space<vmem_shared>>) offsets(%arg33 : memref<2048xi32, #tpu.memory_space<vmem>>) semaphore(%run_scoped3A : memref<!tpu.dma_semaphore, #tpu.memory_space<semaphore_mem>>)
        %dma_wait3A = arith.constant 0 : i32
        %dma_wait3A_378 = tpu.memref_slice %arg61[%dma_wait3A] : memref<65536xi32, #tpu.memory_space<vmem_shared>> -> memref<65536xi32, #tpu.memory_space<vmem_shared>>
        tpu.wait_indirect_dma semaphore(%run_scoped3A : memref<!tpu.dma_semaphore, #tpu.memory_space<semaphore_mem>>) src(%arg40 : memref<2048xi32, #tpu.memory_space<vmem>>) dst(%dma_wait3A_378 : memref<65536xi32, #tpu.memory_space<vmem_shared>>)
        tpu.yield
      }) : () -> ()
      "tpu.region"() ({
        %run_scoped3A = tpu.sem_alloc : memref<!tpu.dma_semaphore, #tpu.memory_space<semaphore_mem>>
        %dma_start3A = arith.constant 0 : i32
        %dma_start3A_377 = tpu.memref_slice %arg62[%dma_start3A] : memref<16384xi32, #tpu.memory_space<vmem_shared>> -> memref<16384xi32, #tpu.memory_space<vmem_shared>>
        tpu.enqueue_indirect_dma source(%arg41 : memref<2048xi32, #tpu.memory_space<vmem>>) target(%dma_start3A_377 : memref<16384xi32, #tpu.memory_space<vmem_shared>>) offsets(%arg25 : memref<2048xi32, #tpu.memory_space<vmem>>) semaphore(%run_scoped3A : memref<!tpu.dma_semaphore, #tpu.memory_space<semaphore_mem>>) {add = true}
        %dma_wait3A = arith.constant 0 : i32
        %dma_wait3A_378 = tpu.memref_slice %arg62[%dma_wait3A] : memref<16384xi32, #tpu.memory_space<vmem_shared>> -> memref<16384xi32, #tpu.memory_space<vmem_shared>>
        tpu.wait_indirect_dma semaphore(%run_scoped3A : memref<!tpu.dma_semaphore, #tpu.memory_space<semaphore_mem>>) src(%arg41 : memref<2048xi32, #tpu.memory_space<vmem>>) dst(%dma_wait3A_378 : memref<16384xi32, #tpu.memory_space<vmem_shared>>)
        tpu.yield
      }) : () -> ()
      %barrier3A_349 = arith.constant 0 : index
      tpu.barrier barrier_id(%barrier3A_349)
      %mul3A_350 = arith.constant 20000 : i32
      %mul3A_351 = arith.muli %arg1, %mul3A_350 : i32
      %mul3A_352 = arith.constant 80000 : i32
      %mul3A_353 = arith.muli %add3A, %mul3A_352 : i32
      %mul3A_354 = arith.constant 4 : i32
      %mul3A_355 = arith.muli %mul3A_353, %mul3A_354 : i32
      %mul3A_356 = arith.constant 20000 : i32
      %mul3A_357 = arith.muli %arg1, %mul3A_356 : i32
      %add3A_358 = arith.addi %mul3A_355, %mul3A_357 : i32
      "tpu.region"() ({
        %run_scoped3A = tpu.sem_alloc : memref<!tpu.dma_semaphore, #tpu.memory_space<semaphore_mem>>
        %dma_start3A = tpu.memref_slice %arg10[%add3A_358] : memref<1280000xf32, #tpu.memory_space<hbm>> -> memref<20000xf32, #tpu.memory_space<hbm>>
        %dma_start3A_377 = tpu.memref_slice %arg60[%mul3A_351] : memref<327680xf32, #tpu.memory_space<vmem_shared>> -> memref<20000xf32, #tpu.memory_space<vmem_shared>>
        tpu.enqueue_dma source(%dma_start3A_377 : memref<20000xf32, #tpu.memory_space<vmem_shared>>) target(%dma_start3A : memref<20000xf32, #tpu.memory_space<hbm>>) target_semaphore(%run_scoped3A : memref<!tpu.dma_semaphore, #tpu.memory_space<semaphore_mem>>)
        %dma_wait3A = tpu.memref_slice %arg10[%add3A_358] : memref<1280000xf32, #tpu.memory_space<hbm>> -> memref<20000xf32, #tpu.memory_space<hbm>>
        %dma_wait3A_378 = tpu.memref_slice %arg60[%mul3A_351] : memref<327680xf32, #tpu.memory_space<vmem_shared>> -> memref<20000xf32, #tpu.memory_space<vmem_shared>>
        tpu.wait_dma2 semaphore(%run_scoped3A : memref<!tpu.dma_semaphore, #tpu.memory_space<semaphore_mem>>) src(%dma_wait3A_378 : memref<20000xf32, #tpu.memory_space<vmem_shared>>) dst(%dma_wait3A : memref<20000xf32, #tpu.memory_space<hbm>>)
        tpu.yield
      }) : () -> ()
      %mul3A_359 = arith.constant 4000 : i32
      %mul3A_360 = arith.muli %arg1, %mul3A_359 : i32
      %mul3A_361 = arith.constant 16000 : i32
      %mul3A_362 = arith.muli %add3A, %mul3A_361 : i32
      %mul3A_363 = arith.constant 4 : i32
      %mul3A_364 = arith.muli %mul3A_362, %mul3A_363 : i32
      %mul3A_365 = arith.constant 4000 : i32
      %mul3A_366 = arith.muli %arg1, %mul3A_365 : i32
      %add3A_367 = arith.addi %mul3A_364, %mul3A_366 : i32
      "tpu.region"() ({
        %run_scoped3A = tpu.sem_alloc : memref<!tpu.dma_semaphore, #tpu.memory_space<semaphore_mem>>
        %dma_start3A = tpu.memref_slice %arg11[%add3A_367] : memref<256000xi32, #tpu.memory_space<hbm>> -> memref<4000xi32, #tpu.memory_space<hbm>>
        %dma_start3A_377 = tpu.memref_slice %arg61[%mul3A_360] : memref<65536xi32, #tpu.memory_space<vmem_shared>> -> memref<4000xi32, #tpu.memory_space<vmem_shared>>
        tpu.enqueue_dma source(%dma_start3A_377 : memref<4000xi32, #tpu.memory_space<vmem_shared>>) target(%dma_start3A : memref<4000xi32, #tpu.memory_space<hbm>>) target_semaphore(%run_scoped3A : memref<!tpu.dma_semaphore, #tpu.memory_space<semaphore_mem>>)
        %dma_wait3A = tpu.memref_slice %arg11[%add3A_367] : memref<256000xi32, #tpu.memory_space<hbm>> -> memref<4000xi32, #tpu.memory_space<hbm>>
        %dma_wait3A_378 = tpu.memref_slice %arg61[%mul3A_360] : memref<65536xi32, #tpu.memory_space<vmem_shared>> -> memref<4000xi32, #tpu.memory_space<vmem_shared>>
        tpu.wait_dma2 semaphore(%run_scoped3A : memref<!tpu.dma_semaphore, #tpu.memory_space<semaphore_mem>>) src(%dma_wait3A_378 : memref<4000xi32, #tpu.memory_space<vmem_shared>>) dst(%dma_wait3A : memref<4000xi32, #tpu.memory_space<hbm>>)
        tpu.yield
      }) : () -> ()
      %mul3A_368 = arith.constant 1000 : i32
      %mul3A_369 = arith.muli %arg1, %mul3A_368 : i32
      %mul3A_370 = arith.constant 16000 : i32
      %mul3A_371 = arith.muli %add3A, %mul3A_370 : i32
      %mul3A_372 = arith.constant 1000 : i32
      %mul3A_373 = arith.muli %arg1, %mul3A_372 : i32
      %add3A_374 = arith.addi %mul3A_371, %mul3A_373 : i32
      "tpu.region"() ({
        %run_scoped3A = tpu.sem_alloc : memref<!tpu.dma_semaphore, #tpu.memory_space<semaphore_mem>>
        %dma_start3A = tpu.memref_slice %arg12[%add3A_374] : memref<64000xi32, #tpu.memory_space<hbm>> -> memref<1000xi32, #tpu.memory_space<hbm>>
        %dma_start3A_377 = tpu.memref_slice %arg62[%mul3A_369] : memref<16384xi32, #tpu.memory_space<vmem_shared>> -> memref<1000xi32, #tpu.memory_space<vmem_shared>>
        tpu.enqueue_dma source(%dma_start3A_377 : memref<1000xi32, #tpu.memory_space<vmem_shared>>) target(%dma_start3A : memref<1000xi32, #tpu.memory_space<hbm>>) target_semaphore(%run_scoped3A : memref<!tpu.dma_semaphore, #tpu.memory_space<semaphore_mem>>)
        %dma_wait3A = tpu.memref_slice %arg12[%add3A_374] : memref<64000xi32, #tpu.memory_space<hbm>> -> memref<1000xi32, #tpu.memory_space<hbm>>
        %dma_wait3A_378 = tpu.memref_slice %arg62[%mul3A_369] : memref<16384xi32, #tpu.memory_space<vmem_shared>> -> memref<1000xi32, #tpu.memory_space<vmem_shared>>
        tpu.wait_dma2 semaphore(%run_scoped3A : memref<!tpu.dma_semaphore, #tpu.memory_space<semaphore_mem>>) src(%dma_wait3A_378 : memref<1000xi32, #tpu.memory_space<vmem_shared>>) dst(%dma_wait3A : memref<1000xi32, #tpu.memory_space<hbm>>)
        tpu.yield
      }) : () -> ()
      %barrier3A_375 = arith.constant 0 : index
      tpu.barrier barrier_id(%barrier3A_375)
      %scan3A_376 = arith.constant 0 : i32
      scf.yield %scan3A_376 : i32
    }
    %scan3A_7 = arith.constant 2 : i32
    return
  }
}

module attributes {stable_mosaic.version = 14 : i64} {
  func.func @_keys_body(%arg0: memref<1024x128xf32, #tpu.memory_space<vmem>>, %arg1: memref<1024x128xf32, #tpu.memory_space<vmem>>, %arg2: memref<1024x128xf32, #tpu.memory_space<vmem>>, %arg3: memref<1024x128xi32, #tpu.memory_space<vmem>>, %arg4: memref<1024x128xi32, #tpu.memory_space<vmem>>, %arg5: memref<1024x128xi32, #tpu.memory_space<vmem>>, %arg6: memref<1024x128xi32, #tpu.memory_space<vmem>>) attributes {dimension_semantics = [], scalar_prefetch = 0 : i64, scratch_operands = 0 : i64, tpu.core_type = #tpu.core_type<tc>} {
    %get3A = arith.constant 0 : index
    %get3A_0 = arith.constant 0 : index
    %get3A_1 = vector.load %arg0[%get3A, %get3A_0] : memref<1024x128xf32, #tpu.memory_space<vmem>>, vector<1024x128xf32>
    %get3A_2 = arith.constant 0 : index
    %get3A_3 = arith.constant 0 : index
    %get3A_4 = vector.load %arg1[%get3A_2, %get3A_3] : memref<1024x128xf32, #tpu.memory_space<vmem>>, vector<1024x128xf32>
    %get3A_5 = arith.constant 0 : index
    %get3A_6 = arith.constant 0 : index
    %get3A_7 = vector.load %arg2[%get3A_5, %get3A_6] : memref<1024x128xf32, #tpu.memory_space<vmem>>, vector<1024x128xf32>
    %sub3A = arith.constant 0.000000e+00 : f32
    %sub3A_8 = vector.broadcast %sub3A : f32 to vector<1024x128xf32>
    %sub3A_9 = arith.subf %get3A_1, %sub3A_8 : vector<1024x128xf32>
    %div3A = arith.constant 5.000000e-02 : f32
    %div3A_10 = vector.broadcast %div3A : f32 to vector<1024x128xf32>
    %div3A_11 = arith.divf %sub3A_9, %div3A_10 : vector<1024x128xf32>
    %floor3A = math.floor %div3A_11 : vector<1024x128xf32>
    %convert_element_type3A = arith.fptosi %floor3A : vector<1024x128xf32> to vector<1024x128xi32>
    %sub3A_12 = arith.constant -4.000000e+01 : f32
    %sub3A_13 = vector.broadcast %sub3A_12 : f32 to vector<1024x128xf32>
    %sub3A_14 = arith.subf %get3A_4, %sub3A_13 : vector<1024x128xf32>
    %div3A_15 = arith.constant 5.000000e-02 : f32
    %div3A_16 = vector.broadcast %div3A_15 : f32 to vector<1024x128xf32>
    %div3A_17 = arith.divf %sub3A_14, %div3A_16 : vector<1024x128xf32>
    %floor3A_18 = math.floor %div3A_17 : vector<1024x128xf32>
    %convert_element_type3A_19 = arith.fptosi %floor3A_18 : vector<1024x128xf32> to vector<1024x128xi32>
    %sub3A_20 = arith.constant -3.000000e+00 : f32
    %sub3A_21 = vector.broadcast %sub3A_20 : f32 to vector<1024x128xf32>
    %sub3A_22 = arith.subf %get3A_7, %sub3A_21 : vector<1024x128xf32>
    %div3A_23 = arith.constant 1.000000e-01 : f32
    %div3A_24 = vector.broadcast %div3A_23 : f32 to vector<1024x128xf32>
    %div3A_25 = arith.divf %sub3A_22, %div3A_24 : vector<1024x128xf32>
    %floor3A_26 = math.floor %div3A_25 : vector<1024x128xf32>
    %convert_element_type3A_27 = arith.fptosi %floor3A_26 : vector<1024x128xf32> to vector<1024x128xi32>
    %ge3A = arith.constant 0 : i32
    %ge3A_28 = vector.broadcast %ge3A : i32 to vector<1024x128xi32>
    %ge3A_29 = arith.cmpi sge, %convert_element_type3A, %ge3A_28 : vector<1024x128xi32>
    %lt3A = arith.constant 1408 : i32
    %lt3A_30 = vector.broadcast %lt3A : i32 to vector<1024x128xi32>
    %lt3A_31 = arith.cmpi slt, %convert_element_type3A, %lt3A_30 : vector<1024x128xi32>
    %and3A = arith.andi %ge3A_29, %lt3A_31 : vector<1024x128xi1>
    %ge3A_32 = arith.constant 0 : i32
    %ge3A_33 = vector.broadcast %ge3A_32 : i32 to vector<1024x128xi32>
    %ge3A_34 = arith.cmpi sge, %convert_element_type3A_19, %ge3A_33 : vector<1024x128xi32>
    %and3A_35 = arith.andi %and3A, %ge3A_34 : vector<1024x128xi1>
    %lt3A_36 = arith.constant 1600 : i32
    %lt3A_37 = vector.broadcast %lt3A_36 : i32 to vector<1024x128xi32>
    %lt3A_38 = arith.cmpi slt, %convert_element_type3A_19, %lt3A_37 : vector<1024x128xi32>
    %and3A_39 = arith.andi %and3A_35, %lt3A_38 : vector<1024x128xi1>
    %ge3A_40 = arith.constant 0 : i32
    %ge3A_41 = vector.broadcast %ge3A_40 : i32 to vector<1024x128xi32>
    %ge3A_42 = arith.cmpi sge, %convert_element_type3A_27, %ge3A_41 : vector<1024x128xi32>
    %and3A_43 = arith.andi %and3A_39, %ge3A_42 : vector<1024x128xi1>
    %lt3A_44 = arith.constant 40 : i32
    %lt3A_45 = vector.broadcast %lt3A_44 : i32 to vector<1024x128xi32>
    %lt3A_46 = arith.cmpi slt, %convert_element_type3A_27, %lt3A_45 : vector<1024x128xi32>
    %and3A_47 = arith.andi %and3A_43, %lt3A_46 : vector<1024x128xi1>
    %mul3A = arith.constant 2252800 : i32
    %mul3A_48 = vector.broadcast %mul3A : i32 to vector<1024x128xi32>
    %mul3A_49 = arith.muli %convert_element_type3A_27, %mul3A_48 : vector<1024x128xi32>
    %mul3A_50 = arith.constant 1408 : i32
    %mul3A_51 = vector.broadcast %mul3A_50 : i32 to vector<1024x128xi32>
    %mul3A_52 = arith.muli %convert_element_type3A_19, %mul3A_51 : vector<1024x128xi32>
    %add3A = arith.addi %mul3A_49, %mul3A_52 : vector<1024x128xi32>
    %add3A_53 = arith.addi %add3A, %convert_element_type3A : vector<1024x128xi32>
    %jit3A = arith.constant 90112000 : i32
    %broadcast_in_dim3A = vector.broadcast %jit3A : i32 to vector<1024x128xi32>
    %select_n3A = arith.select %and3A_47, %add3A_53, %broadcast_in_dim3A : vector<1024x128xi1>, vector<1024x128xi32>
    %swap3A = arith.constant 0 : index
    %swap3A_54 = arith.constant 0 : index
    %swap3A_55 = vector.load %arg3[%swap3A, %swap3A_54] : memref<1024x128xi32, #tpu.memory_space<vmem>>, vector<1024x128xi32>
    tpu.vector_store %arg3[%swap3A, %swap3A_54], %select_n3A {strides = array<i32>} : memref<1024x128xi32, #tpu.memory_space<vmem>>, vector<1024x128xi32>,
    %swap3A_56 = arith.constant 0 : index
    %swap3A_57 = arith.constant 0 : index
    %swap3A_58 = vector.load %arg4[%swap3A_56, %swap3A_57] : memref<1024x128xi32, #tpu.memory_space<vmem>>, vector<1024x128xi32>
    tpu.vector_store %arg4[%swap3A_56, %swap3A_57], %convert_element_type3A_27 {strides = array<i32>} : memref<1024x128xi32, #tpu.memory_space<vmem>>, vector<1024x128xi32>,
    %swap3A_59 = arith.constant 0 : index
    %swap3A_60 = arith.constant 0 : index
    %swap3A_61 = vector.load %arg5[%swap3A_59, %swap3A_60] : memref<1024x128xi32, #tpu.memory_space<vmem>>, vector<1024x128xi32>
    tpu.vector_store %arg5[%swap3A_59, %swap3A_60], %convert_element_type3A_19 {strides = array<i32>} : memref<1024x128xi32, #tpu.memory_space<vmem>>, vector<1024x128xi32>,
    %swap3A_62 = arith.constant 0 : index
    %swap3A_63 = arith.constant 0 : index
    %swap3A_64 = vector.load %arg6[%swap3A_62, %swap3A_63] : memref<1024x128xi32, #tpu.memory_space<vmem>>, vector<1024x128xi32>
    tpu.vector_store %arg6[%swap3A_62, %swap3A_63], %convert_element_type3A {strides = array<i32>} : memref<1024x128xi32, #tpu.memory_space<vmem>>, vector<1024x128xi32>,
    return
  }
}

module attributes {stable_mosaic.version = 14 : i64} {
  func.func @_fps_body(%arg0: memref<4x256x128xf32, #tpu.memory_space<vmem>>, %arg1: memref<4x256x128xf32, #tpu.memory_space<vmem>>, %arg2: memref<4x256x128xf32, #tpu.memory_space<vmem>>, %arg3: memref<4x2048x3xf32, #tpu.memory_space<vmem>>, %arg4: memref<4x256x128xf32, #tpu.memory_space<vmem>>) attributes {dimension_semantics = [], scalar_prefetch = 0 : i64, scratch_operands = 1 : i64, tpu.core_type = #tpu.core_type<tc>} {
    %iota3A = tpu.iota {dimensions = array<i32: 1>} : vector<256x128xi32>
    %iota3A_0 = tpu.iota {dimensions = array<i32: 0>} : vector<256x128xi32>
    %mul3A = arith.constant 128 : i32
    %mul3A_1 = vector.broadcast %mul3A : i32 to vector<256x128xi32>
    %mul3A_2 = arith.muli %iota3A_0, %mul3A_1 : vector<256x128xi32>
    %add3A = arith.addi %mul3A_2, %iota3A : vector<256x128xi32>
    %get3A = arith.constant 0 : index
    %get3A_3 = arith.constant 0 : index
    %get3A_4 = arith.constant 0 : index
    %get3A_5 = vector.load %arg0[%get3A, %get3A_3, %get3A_4] : memref<4x256x128xf32, #tpu.memory_space<vmem>>, vector<1x256x128xf32>
    %get3A_6 = vector.shape_cast %get3A_5 : vector<1x256x128xf32> to vector<256x128xf32>
    %get3A_7 = arith.constant 1 : index
    %get3A_8 = arith.constant 0 : index
    %get3A_9 = arith.constant 0 : index
    %get3A_10 = vector.load %arg0[%get3A_7, %get3A_8, %get3A_9] : memref<4x256x128xf32, #tpu.memory_space<vmem>>, vector<1x256x128xf32>
    %get3A_11 = vector.shape_cast %get3A_10 : vector<1x256x128xf32> to vector<256x128xf32>
    %get3A_12 = arith.constant 2 : index
    %get3A_13 = arith.constant 0 : index
    %get3A_14 = arith.constant 0 : index
    %get3A_15 = vector.load %arg0[%get3A_12, %get3A_13, %get3A_14] : memref<4x256x128xf32, #tpu.memory_space<vmem>>, vector<1x256x128xf32>
    %get3A_16 = vector.shape_cast %get3A_15 : vector<1x256x128xf32> to vector<256x128xf32>
    %get3A_17 = arith.constant 3 : index
    %get3A_18 = arith.constant 0 : index
    %get3A_19 = arith.constant 0 : index
    %get3A_20 = vector.load %arg0[%get3A_17, %get3A_18, %get3A_19] : memref<4x256x128xf32, #tpu.memory_space<vmem>>, vector<1x256x128xf32>
    %get3A_21 = vector.shape_cast %get3A_20 : vector<1x256x128xf32> to vector<256x128xf32>
    %get3A_22 = arith.constant 0 : index
    %get3A_23 = arith.constant 0 : index
    %get3A_24 = arith.constant 0 : index
    %get3A_25 = vector.load %arg1[%get3A_22, %get3A_23, %get3A_24] : memref<4x256x128xf32, #tpu.memory_space<vmem>>, vector<1x256x128xf32>
    %get3A_26 = vector.shape_cast %get3A_25 : vector<1x256x128xf32> to vector<256x128xf32>
    %get3A_27 = arith.constant 1 : index
    %get3A_28 = arith.constant 0 : index
    %get3A_29 = arith.constant 0 : index
    %get3A_30 = vector.load %arg1[%get3A_27, %get3A_28, %get3A_29] : memref<4x256x128xf32, #tpu.memory_space<vmem>>, vector<1x256x128xf32>
    %get3A_31 = vector.shape_cast %get3A_30 : vector<1x256x128xf32> to vector<256x128xf32>
    %get3A_32 = arith.constant 2 : index
    %get3A_33 = arith.constant 0 : index
    %get3A_34 = arith.constant 0 : index
    %get3A_35 = vector.load %arg1[%get3A_32, %get3A_33, %get3A_34] : memref<4x256x128xf32, #tpu.memory_space<vmem>>, vector<1x256x128xf32>
    %get3A_36 = vector.shape_cast %get3A_35 : vector<1x256x128xf32> to vector<256x128xf32>
    %get3A_37 = arith.constant 3 : index
    %get3A_38 = arith.constant 0 : index
    %get3A_39 = arith.constant 0 : index
    %get3A_40 = vector.load %arg1[%get3A_37, %get3A_38, %get3A_39] : memref<4x256x128xf32, #tpu.memory_space<vmem>>, vector<1x256x128xf32>
    %get3A_41 = vector.shape_cast %get3A_40 : vector<1x256x128xf32> to vector<256x128xf32>
    %get3A_42 = arith.constant 0 : index
    %get3A_43 = arith.constant 0 : index
    %get3A_44 = arith.constant 0 : index
    %get3A_45 = vector.load %arg2[%get3A_42, %get3A_43, %get3A_44] : memref<4x256x128xf32, #tpu.memory_space<vmem>>, vector<1x256x128xf32>
    %get3A_46 = vector.shape_cast %get3A_45 : vector<1x256x128xf32> to vector<256x128xf32>
    %get3A_47 = arith.constant 1 : index
    %get3A_48 = arith.constant 0 : index
    %get3A_49 = arith.constant 0 : index
    %get3A_50 = vector.load %arg2[%get3A_47, %get3A_48, %get3A_49] : memref<4x256x128xf32, #tpu.memory_space<vmem>>, vector<1x256x128xf32>
    %get3A_51 = vector.shape_cast %get3A_50 : vector<1x256x128xf32> to vector<256x128xf32>
    %get3A_52 = arith.constant 2 : index
    %get3A_53 = arith.constant 0 : index
    %get3A_54 = arith.constant 0 : index
    %get3A_55 = vector.load %arg2[%get3A_52, %get3A_53, %get3A_54] : memref<4x256x128xf32, #tpu.memory_space<vmem>>, vector<1x256x128xf32>
    %get3A_56 = vector.shape_cast %get3A_55 : vector<1x256x128xf32> to vector<256x128xf32>
    %get3A_57 = arith.constant 3 : index
    %get3A_58 = arith.constant 0 : index
    %get3A_59 = arith.constant 0 : index
    %get3A_60 = vector.load %arg2[%get3A_57, %get3A_58, %get3A_59] : memref<4x256x128xf32, #tpu.memory_space<vmem>>, vector<1x256x128xf32>
    %get3A_61 = vector.shape_cast %get3A_60 : vector<1x256x128xf32> to vector<256x128xf32>
    %slice3A = vector.extract_strided_slice %get3A_6 {offsets = [0, 0], sizes = [1, 1], strides = [1, 1]} : vector<256x128xf32> to vector<1x1xf32>
    %squeeze3A = vector.extract %slice3A[0, 0] : f32 from vector<1x1xf32>
    %slice3A_62 = vector.extract_strided_slice %get3A_26 {offsets = [0, 0], sizes = [1, 1], strides = [1, 1]} : vector<256x128xf32> to vector<1x1xf32>
    %squeeze3A_63 = vector.extract %slice3A_62[0, 0] : f32 from vector<1x1xf32>
    %slice3A_64 = vector.extract_strided_slice %get3A_46 {offsets = [0, 0], sizes = [1, 1], strides = [1, 1]} : vector<256x128xf32> to vector<1x1xf32>
    %squeeze3A_65 = vector.extract %slice3A_64[0, 0] : f32 from vector<1x1xf32>
    %stack3A = vector.broadcast %squeeze3A : f32 to vector<1xf32>
    %stack3A_66 = vector.broadcast %squeeze3A_63 : f32 to vector<1xf32>
    %stack3A_67 = vector.broadcast %squeeze3A_65 : f32 to vector<1xf32>
    %stack3A_68 = tpu.concatenate %stack3A, %stack3A_66, %stack3A_67 in 0 : vector<1xf32>, vector<1xf32>, vector<1xf32> -> vector<3xf32>
    %swap3A = arith.constant 0 : index
    %swap3A_69 = arith.constant 0 : index
    %swap3A_70 = arith.constant 0 : index
    %swap3A_71 = vector.load %arg3[%swap3A, %swap3A_69, %swap3A_70] : memref<4x2048x3xf32, #tpu.memory_space<vmem>>, vector<1x1x3xf32>
    %swap3A_72 = vector.shape_cast %swap3A_71 : vector<1x1x3xf32> to vector<3xf32>
    %swap3A_73 = vector.shape_cast %stack3A_68 : vector<3xf32> to vector<1x1x3xf32>
    tpu.vector_store %arg3[%swap3A, %swap3A_69, %swap3A_70], %swap3A_73 {strides = array<i32>} : memref<4x2048x3xf32, #tpu.memory_space<vmem>>, vector<1x1x3xf32>,
    %broadcast_in_dim3A = arith.constant 1.000000e+10 : f32
    %broadcast_in_dim3A_74 = vector.broadcast %broadcast_in_dim3A : f32 to vector<256x128xf32>
    %swap3A_75 = arith.constant 0 : index
    %swap3A_76 = arith.constant 0 : index
    %swap3A_77 = arith.constant 0 : index
    %swap3A_78 = vector.load %arg4[%swap3A_75, %swap3A_76, %swap3A_77] : memref<4x256x128xf32, #tpu.memory_space<vmem>>, vector<1x256x128xf32>
    %swap3A_79 = vector.shape_cast %swap3A_78 : vector<1x256x128xf32> to vector<256x128xf32>
    %swap3A_80 = vector.shape_cast %broadcast_in_dim3A_74 : vector<256x128xf32> to vector<1x256x128xf32>
    tpu.vector_store %arg4[%swap3A_75, %swap3A_76, %swap3A_77], %swap3A_80 {strides = array<i32>} : memref<4x256x128xf32, #tpu.memory_space<vmem>>, vector<1x256x128xf32>,
    %slice3A_81 = vector.extract_strided_slice %get3A_11 {offsets = [0, 0], sizes = [1, 1], strides = [1, 1]} : vector<256x128xf32> to vector<1x1xf32>
    %squeeze3A_82 = vector.extract %slice3A_81[0, 0] : f32 from vector<1x1xf32>
    %slice3A_83 = vector.extract_strided_slice %get3A_31 {offsets = [0, 0], sizes = [1, 1], strides = [1, 1]} : vector<256x128xf32> to vector<1x1xf32>
    %squeeze3A_84 = vector.extract %slice3A_83[0, 0] : f32 from vector<1x1xf32>
    %slice3A_85 = vector.extract_strided_slice %get3A_51 {offsets = [0, 0], sizes = [1, 1], strides = [1, 1]} : vector<256x128xf32> to vector<1x1xf32>
    %squeeze3A_86 = vector.extract %slice3A_85[0, 0] : f32 from vector<1x1xf32>
    %stack3A_87 = vector.broadcast %squeeze3A_82 : f32 to vector<1xf32>
    %stack3A_88 = vector.broadcast %squeeze3A_84 : f32 to vector<1xf32>
    %stack3A_89 = vector.broadcast %squeeze3A_86 : f32 to vector<1xf32>
    %stack3A_90 = tpu.concatenate %stack3A_87, %stack3A_88, %stack3A_89 in 0 : vector<1xf32>, vector<1xf32>, vector<1xf32> -> vector<3xf32>
    %swap3A_91 = arith.constant 1 : index
    %swap3A_92 = arith.constant 0 : index
    %swap3A_93 = arith.constant 0 : index
    %swap3A_94 = vector.load %arg3[%swap3A_91, %swap3A_92, %swap3A_93] : memref<4x2048x3xf32, #tpu.memory_space<vmem>>, vector<1x1x3xf32>
    %swap3A_95 = vector.shape_cast %swap3A_94 : vector<1x1x3xf32> to vector<3xf32>
    %swap3A_96 = vector.shape_cast %stack3A_90 : vector<3xf32> to vector<1x1x3xf32>
    tpu.vector_store %arg3[%swap3A_91, %swap3A_92, %swap3A_93], %swap3A_96 {strides = array<i32>} : memref<4x2048x3xf32, #tpu.memory_space<vmem>>, vector<1x1x3xf32>,
    %broadcast_in_dim3A_97 = arith.constant 1.000000e+10 : f32
    %broadcast_in_dim3A_98 = vector.broadcast %broadcast_in_dim3A_97 : f32 to vector<256x128xf32>
    %swap3A_99 = arith.constant 1 : index
    %swap3A_100 = arith.constant 0 : index
    %swap3A_101 = arith.constant 0 : index
    %swap3A_102 = vector.load %arg4[%swap3A_99, %swap3A_100, %swap3A_101] : memref<4x256x128xf32, #tpu.memory_space<vmem>>, vector<1x256x128xf32>
    %swap3A_103 = vector.shape_cast %swap3A_102 : vector<1x256x128xf32> to vector<256x128xf32>
    %swap3A_104 = vector.shape_cast %broadcast_in_dim3A_98 : vector<256x128xf32> to vector<1x256x128xf32>
    tpu.vector_store %arg4[%swap3A_99, %swap3A_100, %swap3A_101], %swap3A_104 {strides = array<i32>} : memref<4x256x128xf32, #tpu.memory_space<vmem>>, vector<1x256x128xf32>,
    %slice3A_105 = vector.extract_strided_slice %get3A_16 {offsets = [0, 0], sizes = [1, 1], strides = [1, 1]} : vector<256x128xf32> to vector<1x1xf32>
    %squeeze3A_106 = vector.extract %slice3A_105[0, 0] : f32 from vector<1x1xf32>
    %slice3A_107 = vector.extract_strided_slice %get3A_36 {offsets = [0, 0], sizes = [1, 1], strides = [1, 1]} : vector<256x128xf32> to vector<1x1xf32>
    %squeeze3A_108 = vector.extract %slice3A_107[0, 0] : f32 from vector<1x1xf32>
    %slice3A_109 = vector.extract_strided_slice %get3A_56 {offsets = [0, 0], sizes = [1, 1], strides = [1, 1]} : vector<256x128xf32> to vector<1x1xf32>
    %squeeze3A_110 = vector.extract %slice3A_109[0, 0] : f32 from vector<1x1xf32>
    %stack3A_111 = vector.broadcast %squeeze3A_106 : f32 to vector<1xf32>
    %stack3A_112 = vector.broadcast %squeeze3A_108 : f32 to vector<1xf32>
    %stack3A_113 = vector.broadcast %squeeze3A_110 : f32 to vector<1xf32>
    %stack3A_114 = tpu.concatenate %stack3A_111, %stack3A_112, %stack3A_113 in 0 : vector<1xf32>, vector<1xf32>, vector<1xf32> -> vector<3xf32>
    %swap3A_115 = arith.constant 2 : index
    %swap3A_116 = arith.constant 0 : index
    %swap3A_117 = arith.constant 0 : index
    %swap3A_118 = vector.load %arg3[%swap3A_115, %swap3A_116, %swap3A_117] : memref<4x2048x3xf32, #tpu.memory_space<vmem>>, vector<1x1x3xf32>
    %swap3A_119 = vector.shape_cast %swap3A_118 : vector<1x1x3xf32> to vector<3xf32>
    %swap3A_120 = vector.shape_cast %stack3A_114 : vector<3xf32> to vector<1x1x3xf32>
    tpu.vector_store %arg3[%swap3A_115, %swap3A_116, %swap3A_117], %swap3A_120 {strides = array<i32>} : memref<4x2048x3xf32, #tpu.memory_space<vmem>>, vector<1x1x3xf32>,
    %broadcast_in_dim3A_121 = arith.constant 1.000000e+10 : f32
    %broadcast_in_dim3A_122 = vector.broadcast %broadcast_in_dim3A_121 : f32 to vector<256x128xf32>
    %swap3A_123 = arith.constant 2 : index
    %swap3A_124 = arith.constant 0 : index
    %swap3A_125 = arith.constant 0 : index
    %swap3A_126 = vector.load %arg4[%swap3A_123, %swap3A_124, %swap3A_125] : memref<4x256x128xf32, #tpu.memory_space<vmem>>, vector<1x256x128xf32>
    %swap3A_127 = vector.shape_cast %swap3A_126 : vector<1x256x128xf32> to vector<256x128xf32>
    %swap3A_128 = vector.shape_cast %broadcast_in_dim3A_122 : vector<256x128xf32> to vector<1x256x128xf32>
    tpu.vector_store %arg4[%swap3A_123, %swap3A_124, %swap3A_125], %swap3A_128 {strides = array<i32>} : memref<4x256x128xf32, #tpu.memory_space<vmem>>, vector<1x256x128xf32>,
    %slice3A_129 = vector.extract_strided_slice %get3A_21 {offsets = [0, 0], sizes = [1, 1], strides = [1, 1]} : vector<256x128xf32> to vector<1x1xf32>
    %squeeze3A_130 = vector.extract %slice3A_129[0, 0] : f32 from vector<1x1xf32>
    %slice3A_131 = vector.extract_strided_slice %get3A_41 {offsets = [0, 0], sizes = [1, 1], strides = [1, 1]} : vector<256x128xf32> to vector<1x1xf32>
    %squeeze3A_132 = vector.extract %slice3A_131[0, 0] : f32 from vector<1x1xf32>
    %slice3A_133 = vector.extract_strided_slice %get3A_61 {offsets = [0, 0], sizes = [1, 1], strides = [1, 1]} : vector<256x128xf32> to vector<1x1xf32>
    %squeeze3A_134 = vector.extract %slice3A_133[0, 0] : f32 from vector<1x1xf32>
    %stack3A_135 = vector.broadcast %squeeze3A_130 : f32 to vector<1xf32>
    %stack3A_136 = vector.broadcast %squeeze3A_132 : f32 to vector<1xf32>
    %stack3A_137 = vector.broadcast %squeeze3A_134 : f32 to vector<1xf32>
    %stack3A_138 = tpu.concatenate %stack3A_135, %stack3A_136, %stack3A_137 in 0 : vector<1xf32>, vector<1xf32>, vector<1xf32> -> vector<3xf32>
    %swap3A_139 = arith.constant 3 : index
    %swap3A_140 = arith.constant 0 : index
    %swap3A_141 = arith.constant 0 : index
    %swap3A_142 = vector.load %arg3[%swap3A_139, %swap3A_140, %swap3A_141] : memref<4x2048x3xf32, #tpu.memory_space<vmem>>, vector<1x1x3xf32>
    %swap3A_143 = vector.shape_cast %swap3A_142 : vector<1x1x3xf32> to vector<3xf32>
    %swap3A_144 = vector.shape_cast %stack3A_138 : vector<3xf32> to vector<1x1x3xf32>
    tpu.vector_store %arg3[%swap3A_139, %swap3A_140, %swap3A_141], %swap3A_144 {strides = array<i32>} : memref<4x2048x3xf32, #tpu.memory_space<vmem>>, vector<1x1x3xf32>,
    %broadcast_in_dim3A_145 = arith.constant 1.000000e+10 : f32
    %broadcast_in_dim3A_146 = vector.broadcast %broadcast_in_dim3A_145 : f32 to vector<256x128xf32>
    %swap3A_147 = arith.constant 3 : index
    %swap3A_148 = arith.constant 0 : index
    %swap3A_149 = arith.constant 0 : index
    %swap3A_150 = vector.load %arg4[%swap3A_147, %swap3A_148, %swap3A_149] : memref<4x256x128xf32, #tpu.memory_space<vmem>>, vector<1x256x128xf32>
    %swap3A_151 = vector.shape_cast %swap3A_150 : vector<1x256x128xf32> to vector<256x128xf32>
    %swap3A_152 = vector.shape_cast %broadcast_in_dim3A_146 : vector<256x128xf32> to vector<1x256x128xf32>
    tpu.vector_store %arg4[%swap3A_147, %swap3A_148, %swap3A_149], %swap3A_152 {strides = array<i32>} : memref<4x256x128xf32, #tpu.memory_space<vmem>>, vector<1x256x128xf32>,
    %scan3A = arith.constant 1 : i32
    %scan3A_153 = arith.constant 2047 : i32
    %scan3A_154 = arith.addi %scan3A, %scan3A_153 : i32
    %scan3A_155 = arith.constant 1 : i32
    %scan3A_156:12 = scf.for %scan3A_158 = %scan3A to %scan3A_154 step %scan3A_155 iter_args(%scan3A_159 = %squeeze3A, %scan3A_160 = %squeeze3A_63, %scan3A_161 = %squeeze3A_65, %scan3A_162 = %squeeze3A_82, %scan3A_163 = %squeeze3A_84, %scan3A_164 = %squeeze3A_86, %scan3A_165 = %squeeze3A_106, %scan3A_166 = %squeeze3A_108, %scan3A_167 = %squeeze3A_110, %scan3A_168 = %squeeze3A_130, %scan3A_169 = %squeeze3A_132, %scan3A_170 = %squeeze3A_134) -> (f32, f32, f32, f32, f32, f32, f32, f32, f32, f32, f32, f32)  : i32 {
      %sub3A = vector.broadcast %scan3A_159 : f32 to vector<256x128xf32>
      %sub3A_171 = arith.subf %get3A_6, %sub3A : vector<256x128xf32>
      %sub3A_172 = vector.broadcast %scan3A_160 : f32 to vector<256x128xf32>
      %sub3A_173 = arith.subf %get3A_26, %sub3A_172 : vector<256x128xf32>
      %sub3A_174 = vector.broadcast %scan3A_161 : f32 to vector<256x128xf32>
      %sub3A_175 = arith.subf %get3A_46, %sub3A_174 : vector<256x128xf32>
      %mul3A_176 = arith.mulf %sub3A_171, %sub3A_171 : vector<256x128xf32>
      %mul3A_177 = arith.mulf %sub3A_173, %sub3A_173 : vector<256x128xf32>
      %add3A_178 = arith.addf %mul3A_176, %mul3A_177 : vector<256x128xf32>
      %mul3A_179 = arith.mulf %sub3A_175, %sub3A_175 : vector<256x128xf32>
      %add3A_180 = arith.addf %add3A_178, %mul3A_179 : vector<256x128xf32>
      %get3A_181 = arith.constant 0 : index
      %get3A_182 = arith.constant 0 : index
      %get3A_183 = arith.constant 0 : index
      %get3A_184 = vector.load %arg4[%get3A_181, %get3A_182, %get3A_183] : memref<4x256x128xf32, #tpu.memory_space<vmem>>, vector<1x256x128xf32>
      %get3A_185 = vector.shape_cast %get3A_184 : vector<1x256x128xf32> to vector<256x128xf32>
      %min3A = arith.minimumf %get3A_185, %add3A_180 : vector<256x128xf32>
      %swap3A_186 = arith.constant 0 : index
      %swap3A_187 = arith.constant 0 : index
      %swap3A_188 = arith.constant 0 : index
      %swap3A_189 = vector.load %arg4[%swap3A_186, %swap3A_187, %swap3A_188] : memref<4x256x128xf32, #tpu.memory_space<vmem>>, vector<1x256x128xf32>
      %swap3A_190 = vector.shape_cast %swap3A_189 : vector<1x256x128xf32> to vector<256x128xf32>
      %swap3A_191 = vector.shape_cast %min3A : vector<256x128xf32> to vector<1x256x128xf32>
      tpu.vector_store %arg4[%swap3A_186, %swap3A_187, %swap3A_188], %swap3A_191 {strides = array<i32>} : memref<4x256x128xf32, #tpu.memory_space<vmem>>, vector<1x256x128xf32>,
      %reduce_max3A = vector.shape_cast %min3A : vector<256x128xf32> to vector<1x256x128xf32>
      %reduce_max3A_192 = arith.constant dense<0xFF800000> : vector<1xf32>
      %reduce_max3A_193 = vector.multi_reduction <maximumf>, %reduce_max3A, %reduce_max3A_192 [1, 2] : vector<1x256x128xf32> to vector<1xf32>
      %reduce_max3A_194 = vector.shape_cast %reduce_max3A_193 : vector<1xf32> to vector<1x1x1xf32>
      %reduce_max3A_195 = vector.extract %reduce_max3A_194[0, 0, 0] : f32 from vector<1x1x1xf32>
      %eq3A = vector.broadcast %reduce_max3A_195 : f32 to vector<256x128xf32>
      %eq3A_196 = arith.cmpf oeq, %min3A, %eq3A : vector<256x128xf32>
      %jit3A = arith.constant 1073741824 : i32
      %broadcast_in_dim3A_197 = vector.broadcast %jit3A : i32 to vector<256x128xi32>
      %select_n3A = arith.select %eq3A_196, %add3A, %broadcast_in_dim3A_197 : vector<256x128xi1>, vector<256x128xi32>
      %reduce_min3A = vector.shape_cast %select_n3A : vector<256x128xi32> to vector<1x256x128xi32>
      %reduce_min3A_198 = arith.constant dense<2147483647> : vector<1xi32>
      %reduce_min3A_199 = vector.multi_reduction <minsi>, %reduce_min3A, %reduce_min3A_198 [1, 2] : vector<1x256x128xi32> to vector<1xi32>
      %reduce_min3A_200 = vector.shape_cast %reduce_min3A_199 : vector<1xi32> to vector<1x1x1xi32>
      %reduce_min3A_201 = vector.extract %reduce_min3A_200[0, 0, 0] : i32 from vector<1x1x1xi32>
      %jit3A_202 = arith.constant 128 : i32
      %div3A = arith.divsi %reduce_min3A_201, %jit3A_202 : i32
      %sign3A = arith.constant 0 : i32
      %sign3A_203 = arith.cmpi sgt, %reduce_min3A_201, %sign3A : i32
      %sign3A_204 = arith.extui %sign3A_203 : i1 to i32
      %sign3A_205 = arith.constant 0 : i32
      %sign3A_206 = arith.cmpi slt, %reduce_min3A_201, %sign3A_205 : i32
      %sign3A_207 = arith.extui %sign3A_206 : i1 to i32
      %sign3A_208 = arith.subi %sign3A_204, %sign3A_207 : i32
      %sign3A_209 = arith.constant 0 : i32
      %sign3A_210 = arith.cmpi sgt, %jit3A_202, %sign3A_209 : i32
      %sign3A_211 = arith.extui %sign3A_210 : i1 to i32
      %sign3A_212 = arith.constant 0 : i32
      %sign3A_213 = arith.cmpi slt, %jit3A_202, %sign3A_212 : i32
      %sign3A_214 = arith.extui %sign3A_213 : i1 to i32
      %sign3A_215 = arith.subi %sign3A_211, %sign3A_214 : i32
      %ne3A = arith.cmpi ne, %sign3A_208, %sign3A_215 : i32
      %rem3A = arith.remsi %reduce_min3A_201, %jit3A_202 : i32
      %ne3A_216 = arith.constant 0 : i32
      %ne3A_217 = arith.cmpi ne, %rem3A, %ne3A_216 : i32
      %and3A = arith.andi %ne3A, %ne3A_217 : i1
      %sub3A_218 = arith.constant 1 : i32
      %sub3A_219 = arith.subi %div3A, %sub3A_218 : i32
      %select_n3A_220 = arith.select %and3A, %sub3A_219, %div3A : i32
      %mul3A_221 = arith.constant 128 : i32
      %mul3A_222 = arith.muli %select_n3A_220, %mul3A_221 : i32
      %sub3A_223 = arith.subi %reduce_min3A_201, %mul3A_222 : i32
      %iota3A_224 = tpu.iota {dimensions = array<i32: 1>} : vector<1x128xi32>
      %eq3A_225 = vector.broadcast %sub3A_223 : i32 to vector<1x128xi32>
      %eq3A_226 = arith.cmpi eq, %iota3A_224, %eq3A_225 : vector<1x128xi32>
      %get3A_227 = arith.constant 0 : index
      %get3A_228 = arith.index_cast %select_n3A_220 : i32 to index
      %get3A_229 = arith.constant 0 : index
      %get3A_230 = vector.load %arg0[%get3A_227, %get3A_228, %get3A_229] : memref<4x256x128xf32, #tpu.memory_space<vmem>>, vector<1x1x128xf32>
      %get3A_231 = vector.shape_cast %get3A_230 : vector<1x1x128xf32> to vector<1x128xf32>
      %jit3A_232 = arith.constant 0.000000e+00 : f32
      %broadcast_in_dim3A_233 = vector.broadcast %jit3A_232 : f32 to vector<1x128xf32>
      %select_n3A_234 = arith.select %eq3A_226, %get3A_231, %broadcast_in_dim3A_233 : vector<1x128xi1>, vector<1x128xf32>
      %reduce_sum3A = vector.shape_cast %select_n3A_234 : vector<1x128xf32> to vector<1x1x128xf32>
      %reduce_sum3A_235 = arith.constant dense<0.000000e+00> : vector<1xf32>
      %reduce_sum3A_236 = vector.multi_reduction <add>, %reduce_sum3A, %reduce_sum3A_235 [1, 2] : vector<1x1x128xf32> to vector<1xf32>
      %reduce_sum3A_237 = vector.shape_cast %reduce_sum3A_236 : vector<1xf32> to vector<1x1x1xf32>
      %reduce_sum3A_238 = vector.extract %reduce_sum3A_237[0, 0, 0] : f32 from vector<1x1x1xf32>
      %get3A_239 = arith.constant 0 : index
      %get3A_240 = arith.index_cast %select_n3A_220 : i32 to index
      %get3A_241 = arith.constant 0 : index
      %get3A_242 = vector.load %arg1[%get3A_239, %get3A_240, %get3A_241] : memref<4x256x128xf32, #tpu.memory_space<vmem>>, vector<1x1x128xf32>
      %get3A_243 = vector.shape_cast %get3A_242 : vector<1x1x128xf32> to vector<1x128xf32>
      %jit3A_244 = arith.constant 0.000000e+00 : f32
      %broadcast_in_dim3A_245 = vector.broadcast %jit3A_244 : f32 to vector<1x128xf32>
      %select_n3A_246 = arith.select %eq3A_226, %get3A_243, %broadcast_in_dim3A_245 : vector<1x128xi1>, vector<1x128xf32>
      %reduce_sum3A_247 = vector.shape_cast %select_n3A_246 : vector<1x128xf32> to vector<1x1x128xf32>
      %reduce_sum3A_248 = arith.constant dense<0.000000e+00> : vector<1xf32>
      %reduce_sum3A_249 = vector.multi_reduction <add>, %reduce_sum3A_247, %reduce_sum3A_248 [1, 2] : vector<1x1x128xf32> to vector<1xf32>
      %reduce_sum3A_250 = vector.shape_cast %reduce_sum3A_249 : vector<1xf32> to vector<1x1x1xf32>
      %reduce_sum3A_251 = vector.extract %reduce_sum3A_250[0, 0, 0] : f32 from vector<1x1x1xf32>
      %get3A_252 = arith.constant 0 : index
      %get3A_253 = arith.index_cast %select_n3A_220 : i32 to index
      %get3A_254 = arith.constant 0 : index
      %get3A_255 = vector.load %arg2[%get3A_252, %get3A_253, %get3A_254] : memref<4x256x128xf32, #tpu.memory_space<vmem>>, vector<1x1x128xf32>
      %get3A_256 = vector.shape_cast %get3A_255 : vector<1x1x128xf32> to vector<1x128xf32>
      %jit3A_257 = arith.constant 0.000000e+00 : f32
      %broadcast_in_dim3A_258 = vector.broadcast %jit3A_257 : f32 to vector<1x128xf32>
      %select_n3A_259 = arith.select %eq3A_226, %get3A_256, %broadcast_in_dim3A_258 : vector<1x128xi1>, vector<1x128xf32>
      %reduce_sum3A_260 = vector.shape_cast %select_n3A_259 : vector<1x128xf32> to vector<1x1x128xf32>
      %reduce_sum3A_261 = arith.constant dense<0.000000e+00> : vector<1xf32>
      %reduce_sum3A_262 = vector.multi_reduction <add>, %reduce_sum3A_260, %reduce_sum3A_261 [1, 2] : vector<1x1x128xf32> to vector<1xf32>
      %reduce_sum3A_263 = vector.shape_cast %reduce_sum3A_262 : vector<1xf32> to vector<1x1x1xf32>
      %reduce_sum3A_264 = vector.extract %reduce_sum3A_263[0, 0, 0] : f32 from vector<1x1x1xf32>
      %stack3A_265 = vector.broadcast %reduce_sum3A_238 : f32 to vector<1xf32>
      %stack3A_266 = vector.broadcast %reduce_sum3A_251 : f32 to vector<1xf32>
      %stack3A_267 = vector.broadcast %reduce_sum3A_264 : f32 to vector<1xf32>
      %stack3A_268 = tpu.concatenate %stack3A_265, %stack3A_266, %stack3A_267 in 0 : vector<1xf32>, vector<1xf32>, vector<1xf32> -> vector<3xf32>
      %reshape3A = vector.shape_cast %stack3A_268 : vector<3xf32> to vector<1x3xf32>
      %swap3A_269 = arith.constant 0 : index
      %swap3A_270 = arith.index_cast %scan3A_158 : i32 to index
      %swap3A_271 = arith.constant 0 : index
      %swap3A_272 = vector.load %arg3[%swap3A_269, %swap3A_270, %swap3A_271] : memref<4x2048x3xf32, #tpu.memory_space<vmem>>, vector<1x1x3xf32>
      %swap3A_273 = vector.shape_cast %swap3A_272 : vector<1x1x3xf32> to vector<1x3xf32>
      %swap3A_274 = vector.shape_cast %reshape3A : vector<1x3xf32> to vector<1x1x3xf32>
      tpu.vector_store %arg3[%swap3A_269, %swap3A_270, %swap3A_271], %swap3A_274 {strides = array<i32>} : memref<4x2048x3xf32, #tpu.memory_space<vmem>>, vector<1x1x3xf32>,
      %sub3A_275 = vector.broadcast %scan3A_162 : f32 to vector<256x128xf32>
      %sub3A_276 = arith.subf %get3A_11, %sub3A_275 : vector<256x128xf32>
      %sub3A_277 = vector.broadcast %scan3A_163 : f32 to vector<256x128xf32>
      %sub3A_278 = arith.subf %get3A_31, %sub3A_277 : vector<256x128xf32>
      %sub3A_279 = vector.broadcast %scan3A_164 : f32 to vector<256x128xf32>
      %sub3A_280 = arith.subf %get3A_51, %sub3A_279 : vector<256x128xf32>
      %mul3A_281 = arith.mulf %sub3A_276, %sub3A_276 : vector<256x128xf32>
      %mul3A_282 = arith.mulf %sub3A_278, %sub3A_278 : vector<256x128xf32>
      %add3A_283 = arith.addf %mul3A_281, %mul3A_282 : vector<256x128xf32>
      %mul3A_284 = arith.mulf %sub3A_280, %sub3A_280 : vector<256x128xf32>
      %add3A_285 = arith.addf %add3A_283, %mul3A_284 : vector<256x128xf32>
      %get3A_286 = arith.constant 1 : index
      %get3A_287 = arith.constant 0 : index
      %get3A_288 = arith.constant 0 : index
      %get3A_289 = vector.load %arg4[%get3A_286, %get3A_287, %get3A_288] : memref<4x256x128xf32, #tpu.memory_space<vmem>>, vector<1x256x128xf32>
      %get3A_290 = vector.shape_cast %get3A_289 : vector<1x256x128xf32> to vector<256x128xf32>
      %min3A_291 = arith.minimumf %get3A_290, %add3A_285 : vector<256x128xf32>
      %swap3A_292 = arith.constant 1 : index
      %swap3A_293 = arith.constant 0 : index
      %swap3A_294 = arith.constant 0 : index
      %swap3A_295 = vector.load %arg4[%swap3A_292, %swap3A_293, %swap3A_294] : memref<4x256x128xf32, #tpu.memory_space<vmem>>, vector<1x256x128xf32>
      %swap3A_296 = vector.shape_cast %swap3A_295 : vector<1x256x128xf32> to vector<256x128xf32>
      %swap3A_297 = vector.shape_cast %min3A_291 : vector<256x128xf32> to vector<1x256x128xf32>
      tpu.vector_store %arg4[%swap3A_292, %swap3A_293, %swap3A_294], %swap3A_297 {strides = array<i32>} : memref<4x256x128xf32, #tpu.memory_space<vmem>>, vector<1x256x128xf32>,
      %reduce_max3A_298 = vector.shape_cast %min3A_291 : vector<256x128xf32> to vector<1x256x128xf32>
      %reduce_max3A_299 = arith.constant dense<0xFF800000> : vector<1xf32>
      %reduce_max3A_300 = vector.multi_reduction <maximumf>, %reduce_max3A_298, %reduce_max3A_299 [1, 2] : vector<1x256x128xf32> to vector<1xf32>
      %reduce_max3A_301 = vector.shape_cast %reduce_max3A_300 : vector<1xf32> to vector<1x1x1xf32>
      %reduce_max3A_302 = vector.extract %reduce_max3A_301[0, 0, 0] : f32 from vector<1x1x1xf32>
      %eq3A_303 = vector.broadcast %reduce_max3A_302 : f32 to vector<256x128xf32>
      %eq3A_304 = arith.cmpf oeq, %min3A_291, %eq3A_303 : vector<256x128xf32>
      %jit3A_305 = arith.constant 1073741824 : i32
      %broadcast_in_dim3A_306 = vector.broadcast %jit3A_305 : i32 to vector<256x128xi32>
      %select_n3A_307 = arith.select %eq3A_304, %add3A, %broadcast_in_dim3A_306 : vector<256x128xi1>, vector<256x128xi32>
      %reduce_min3A_308 = vector.shape_cast %select_n3A_307 : vector<256x128xi32> to vector<1x256x128xi32>
      %reduce_min3A_309 = arith.constant dense<2147483647> : vector<1xi32>
      %reduce_min3A_310 = vector.multi_reduction <minsi>, %reduce_min3A_308, %reduce_min3A_309 [1, 2] : vector<1x256x128xi32> to vector<1xi32>
      %reduce_min3A_311 = vector.shape_cast %reduce_min3A_310 : vector<1xi32> to vector<1x1x1xi32>
      %reduce_min3A_312 = vector.extract %reduce_min3A_311[0, 0, 0] : i32 from vector<1x1x1xi32>
      %jit3A_313 = arith.constant 128 : i32
      %div3A_314 = arith.divsi %reduce_min3A_312, %jit3A_313 : i32
      %sign3A_315 = arith.constant 0 : i32
      %sign3A_316 = arith.cmpi sgt, %reduce_min3A_312, %sign3A_315 : i32
      %sign3A_317 = arith.extui %sign3A_316 : i1 to i32
      %sign3A_318 = arith.constant 0 : i32
      %sign3A_319 = arith.cmpi slt, %reduce_min3A_312, %sign3A_318 : i32
      %sign3A_320 = arith.extui %sign3A_319 : i1 to i32
      %sign3A_321 = arith.subi %sign3A_317, %sign3A_320 : i32
      %sign3A_322 = arith.constant 0 : i32
      %sign3A_323 = arith.cmpi sgt, %jit3A_313, %sign3A_322 : i32
      %sign3A_324 = arith.extui %sign3A_323 : i1 to i32
      %sign3A_325 = arith.constant 0 : i32
      %sign3A_326 = arith.cmpi slt, %jit3A_313, %sign3A_325 : i32
      %sign3A_327 = arith.extui %sign3A_326 : i1 to i32
      %sign3A_328 = arith.subi %sign3A_324, %sign3A_327 : i32
      %ne3A_329 = arith.cmpi ne, %sign3A_321, %sign3A_328 : i32
      %rem3A_330 = arith.remsi %reduce_min3A_312, %jit3A_313 : i32
      %ne3A_331 = arith.constant 0 : i32
      %ne3A_332 = arith.cmpi ne, %rem3A_330, %ne3A_331 : i32
      %and3A_333 = arith.andi %ne3A_329, %ne3A_332 : i1
      %sub3A_334 = arith.constant 1 : i32
      %sub3A_335 = arith.subi %div3A_314, %sub3A_334 : i32
      %select_n3A_336 = arith.select %and3A_333, %sub3A_335, %div3A_314 : i32
      %mul3A_337 = arith.constant 128 : i32
      %mul3A_338 = arith.muli %select_n3A_336, %mul3A_337 : i32
      %sub3A_339 = arith.subi %reduce_min3A_312, %mul3A_338 : i32
      %iota3A_340 = tpu.iota {dimensions = array<i32: 1>} : vector<1x128xi32>
      %eq3A_341 = vector.broadcast %sub3A_339 : i32 to vector<1x128xi32>
      %eq3A_342 = arith.cmpi eq, %iota3A_340, %eq3A_341 : vector<1x128xi32>
      %get3A_343 = arith.constant 1 : index
      %get3A_344 = arith.index_cast %select_n3A_336 : i32 to index
      %get3A_345 = arith.constant 0 : index
      %get3A_346 = vector.load %arg0[%get3A_343, %get3A_344, %get3A_345] : memref<4x256x128xf32, #tpu.memory_space<vmem>>, vector<1x1x128xf32>
      %get3A_347 = vector.shape_cast %get3A_346 : vector<1x1x128xf32> to vector<1x128xf32>
      %jit3A_348 = arith.constant 0.000000e+00 : f32
      %broadcast_in_dim3A_349 = vector.broadcast %jit3A_348 : f32 to vector<1x128xf32>
      %select_n3A_350 = arith.select %eq3A_342, %get3A_347, %broadcast_in_dim3A_349 : vector<1x128xi1>, vector<1x128xf32>
      %reduce_sum3A_351 = vector.shape_cast %select_n3A_350 : vector<1x128xf32> to vector<1x1x128xf32>
      %reduce_sum3A_352 = arith.constant dense<0.000000e+00> : vector<1xf32>
      %reduce_sum3A_353 = vector.multi_reduction <add>, %reduce_sum3A_351, %reduce_sum3A_352 [1, 2] : vector<1x1x128xf32> to vector<1xf32>
      %reduce_sum3A_354 = vector.shape_cast %reduce_sum3A_353 : vector<1xf32> to vector<1x1x1xf32>
      %reduce_sum3A_355 = vector.extract %reduce_sum3A_354[0, 0, 0] : f32 from vector<1x1x1xf32>
      %get3A_356 = arith.constant 1 : index
      %get3A_357 = arith.index_cast %select_n3A_336 : i32 to index
      %get3A_358 = arith.constant 0 : index
      %get3A_359 = vector.load %arg1[%get3A_356, %get3A_357, %get3A_358] : memref<4x256x128xf32, #tpu.memory_space<vmem>>, vector<1x1x128xf32>
      %get3A_360 = vector.shape_cast %get3A_359 : vector<1x1x128xf32> to vector<1x128xf32>
      %jit3A_361 = arith.constant 0.000000e+00 : f32
      %broadcast_in_dim3A_362 = vector.broadcast %jit3A_361 : f32 to vector<1x128xf32>
      %select_n3A_363 = arith.select %eq3A_342, %get3A_360, %broadcast_in_dim3A_362 : vector<1x128xi1>, vector<1x128xf32>
      %reduce_sum3A_364 = vector.shape_cast %select_n3A_363 : vector<1x128xf32> to vector<1x1x128xf32>
      %reduce_sum3A_365 = arith.constant dense<0.000000e+00> : vector<1xf32>
      %reduce_sum3A_366 = vector.multi_reduction <add>, %reduce_sum3A_364, %reduce_sum3A_365 [1, 2] : vector<1x1x128xf32> to vector<1xf32>
      %reduce_sum3A_367 = vector.shape_cast %reduce_sum3A_366 : vector<1xf32> to vector<1x1x1xf32>
      %reduce_sum3A_368 = vector.extract %reduce_sum3A_367[0, 0, 0] : f32 from vector<1x1x1xf32>
      %get3A_369 = arith.constant 1 : index
      %get3A_370 = arith.index_cast %select_n3A_336 : i32 to index
      %get3A_371 = arith.constant 0 : index
      %get3A_372 = vector.load %arg2[%get3A_369, %get3A_370, %get3A_371] : memref<4x256x128xf32, #tpu.memory_space<vmem>>, vector<1x1x128xf32>
      %get3A_373 = vector.shape_cast %get3A_372 : vector<1x1x128xf32> to vector<1x128xf32>
      %jit3A_374 = arith.constant 0.000000e+00 : f32
      %broadcast_in_dim3A_375 = vector.broadcast %jit3A_374 : f32 to vector<1x128xf32>
      %select_n3A_376 = arith.select %eq3A_342, %get3A_373, %broadcast_in_dim3A_375 : vector<1x128xi1>, vector<1x128xf32>
      %reduce_sum3A_377 = vector.shape_cast %select_n3A_376 : vector<1x128xf32> to vector<1x1x128xf32>
      %reduce_sum3A_378 = arith.constant dense<0.000000e+00> : vector<1xf32>
      %reduce_sum3A_379 = vector.multi_reduction <add>, %reduce_sum3A_377, %reduce_sum3A_378 [1, 2] : vector<1x1x128xf32> to vector<1xf32>
      %reduce_sum3A_380 = vector.shape_cast %reduce_sum3A_379 : vector<1xf32> to vector<1x1x1xf32>
      %reduce_sum3A_381 = vector.extract %reduce_sum3A_380[0, 0, 0] : f32 from vector<1x1x1xf32>
      %stack3A_382 = vector.broadcast %reduce_sum3A_355 : f32 to vector<1xf32>
      %stack3A_383 = vector.broadcast %reduce_sum3A_368 : f32 to vector<1xf32>
      %stack3A_384 = vector.broadcast %reduce_sum3A_381 : f32 to vector<1xf32>
      %stack3A_385 = tpu.concatenate %stack3A_382, %stack3A_383, %stack3A_384 in 0 : vector<1xf32>, vector<1xf32>, vector<1xf32> -> vector<3xf32>
      %reshape3A_386 = vector.shape_cast %stack3A_385 : vector<3xf32> to vector<1x3xf32>
      %swap3A_387 = arith.constant 1 : index
      %swap3A_388 = arith.index_cast %scan3A_158 : i32 to index
      %swap3A_389 = arith.constant 0 : index
      %swap3A_390 = vector.load %arg3[%swap3A_387, %swap3A_388, %swap3A_389] : memref<4x2048x3xf32, #tpu.memory_space<vmem>>, vector<1x1x3xf32>
      %swap3A_391 = vector.shape_cast %swap3A_390 : vector<1x1x3xf32> to vector<1x3xf32>
      %swap3A_392 = vector.shape_cast %reshape3A_386 : vector<1x3xf32> to vector<1x1x3xf32>
      tpu.vector_store %arg3[%swap3A_387, %swap3A_388, %swap3A_389], %swap3A_392 {strides = array<i32>} : memref<4x2048x3xf32, #tpu.memory_space<vmem>>, vector<1x1x3xf32>,
      %sub3A_393 = vector.broadcast %scan3A_165 : f32 to vector<256x128xf32>
      %sub3A_394 = arith.subf %get3A_16, %sub3A_393 : vector<256x128xf32>
      %sub3A_395 = vector.broadcast %scan3A_166 : f32 to vector<256x128xf32>
      %sub3A_396 = arith.subf %get3A_36, %sub3A_395 : vector<256x128xf32>
      %sub3A_397 = vector.broadcast %scan3A_167 : f32 to vector<256x128xf32>
      %sub3A_398 = arith.subf %get3A_56, %sub3A_397 : vector<256x128xf32>
      %mul3A_399 = arith.mulf %sub3A_394, %sub3A_394 : vector<256x128xf32>
      %mul3A_400 = arith.mulf %sub3A_396, %sub3A_396 : vector<256x128xf32>
      %add3A_401 = arith.addf %mul3A_399, %mul3A_400 : vector<256x128xf32>
      %mul3A_402 = arith.mulf %sub3A_398, %sub3A_398 : vector<256x128xf32>
      %add3A_403 = arith.addf %add3A_401, %mul3A_402 : vector<256x128xf32>
      %get3A_404 = arith.constant 2 : index
      %get3A_405 = arith.constant 0 : index
      %get3A_406 = arith.constant 0 : index
      %get3A_407 = vector.load %arg4[%get3A_404, %get3A_405, %get3A_406] : memref<4x256x128xf32, #tpu.memory_space<vmem>>, vector<1x256x128xf32>
      %get3A_408 = vector.shape_cast %get3A_407 : vector<1x256x128xf32> to vector<256x128xf32>
      %min3A_409 = arith.minimumf %get3A_408, %add3A_403 : vector<256x128xf32>
      %swap3A_410 = arith.constant 2 : index
      %swap3A_411 = arith.constant 0 : index
      %swap3A_412 = arith.constant 0 : index
      %swap3A_413 = vector.load %arg4[%swap3A_410, %swap3A_411, %swap3A_412] : memref<4x256x128xf32, #tpu.memory_space<vmem>>, vector<1x256x128xf32>
      %swap3A_414 = vector.shape_cast %swap3A_413 : vector<1x256x128xf32> to vector<256x128xf32>
      %swap3A_415 = vector.shape_cast %min3A_409 : vector<256x128xf32> to vector<1x256x128xf32>
      tpu.vector_store %arg4[%swap3A_410, %swap3A_411, %swap3A_412], %swap3A_415 {strides = array<i32>} : memref<4x256x128xf32, #tpu.memory_space<vmem>>, vector<1x256x128xf32>,
      %reduce_max3A_416 = vector.shape_cast %min3A_409 : vector<256x128xf32> to vector<1x256x128xf32>
      %reduce_max3A_417 = arith.constant dense<0xFF800000> : vector<1xf32>
      %reduce_max3A_418 = vector.multi_reduction <maximumf>, %reduce_max3A_416, %reduce_max3A_417 [1, 2] : vector<1x256x128xf32> to vector<1xf32>
      %reduce_max3A_419 = vector.shape_cast %reduce_max3A_418 : vector<1xf32> to vector<1x1x1xf32>
      %reduce_max3A_420 = vector.extract %reduce_max3A_419[0, 0, 0] : f32 from vector<1x1x1xf32>
      %eq3A_421 = vector.broadcast %reduce_max3A_420 : f32 to vector<256x128xf32>
      %eq3A_422 = arith.cmpf oeq, %min3A_409, %eq3A_421 : vector<256x128xf32>
      %jit3A_423 = arith.constant 1073741824 : i32
      %broadcast_in_dim3A_424 = vector.broadcast %jit3A_423 : i32 to vector<256x128xi32>
      %select_n3A_425 = arith.select %eq3A_422, %add3A, %broadcast_in_dim3A_424 : vector<256x128xi1>, vector<256x128xi32>
      %reduce_min3A_426 = vector.shape_cast %select_n3A_425 : vector<256x128xi32> to vector<1x256x128xi32>
      %reduce_min3A_427 = arith.constant dense<2147483647> : vector<1xi32>
      %reduce_min3A_428 = vector.multi_reduction <minsi>, %reduce_min3A_426, %reduce_min3A_427 [1, 2] : vector<1x256x128xi32> to vector<1xi32>
      %reduce_min3A_429 = vector.shape_cast %reduce_min3A_428 : vector<1xi32> to vector<1x1x1xi32>
      %reduce_min3A_430 = vector.extract %reduce_min3A_429[0, 0, 0] : i32 from vector<1x1x1xi32>
      %jit3A_431 = arith.constant 128 : i32
      %div3A_432 = arith.divsi %reduce_min3A_430, %jit3A_431 : i32
      %sign3A_433 = arith.constant 0 : i32
      %sign3A_434 = arith.cmpi sgt, %reduce_min3A_430, %sign3A_433 : i32
      %sign3A_435 = arith.extui %sign3A_434 : i1 to i32
      %sign3A_436 = arith.constant 0 : i32
      %sign3A_437 = arith.cmpi slt, %reduce_min3A_430, %sign3A_436 : i32
      %sign3A_438 = arith.extui %sign3A_437 : i1 to i32
      %sign3A_439 = arith.subi %sign3A_435, %sign3A_438 : i32
      %sign3A_440 = arith.constant 0 : i32
      %sign3A_441 = arith.cmpi sgt, %jit3A_431, %sign3A_440 : i32
      %sign3A_442 = arith.extui %sign3A_441 : i1 to i32
      %sign3A_443 = arith.constant 0 : i32
      %sign3A_444 = arith.cmpi slt, %jit3A_431, %sign3A_443 : i32
      %sign3A_445 = arith.extui %sign3A_444 : i1 to i32
      %sign3A_446 = arith.subi %sign3A_442, %sign3A_445 : i32
      %ne3A_447 = arith.cmpi ne, %sign3A_439, %sign3A_446 : i32
      %rem3A_448 = arith.remsi %reduce_min3A_430, %jit3A_431 : i32
      %ne3A_449 = arith.constant 0 : i32
      %ne3A_450 = arith.cmpi ne, %rem3A_448, %ne3A_449 : i32
      %and3A_451 = arith.andi %ne3A_447, %ne3A_450 : i1
      %sub3A_452 = arith.constant 1 : i32
      %sub3A_453 = arith.subi %div3A_432, %sub3A_452 : i32
      %select_n3A_454 = arith.select %and3A_451, %sub3A_453, %div3A_432 : i32
      %mul3A_455 = arith.constant 128 : i32
      %mul3A_456 = arith.muli %select_n3A_454, %mul3A_455 : i32
      %sub3A_457 = arith.subi %reduce_min3A_430, %mul3A_456 : i32
      %iota3A_458 = tpu.iota {dimensions = array<i32: 1>} : vector<1x128xi32>
      %eq3A_459 = vector.broadcast %sub3A_457 : i32 to vector<1x128xi32>
      %eq3A_460 = arith.cmpi eq, %iota3A_458, %eq3A_459 : vector<1x128xi32>
      %get3A_461 = arith.constant 2 : index
      %get3A_462 = arith.index_cast %select_n3A_454 : i32 to index
      %get3A_463 = arith.constant 0 : index
      %get3A_464 = vector.load %arg0[%get3A_461, %get3A_462, %get3A_463] : memref<4x256x128xf32, #tpu.memory_space<vmem>>, vector<1x1x128xf32>
      %get3A_465 = vector.shape_cast %get3A_464 : vector<1x1x128xf32> to vector<1x128xf32>
      %jit3A_466 = arith.constant 0.000000e+00 : f32
      %broadcast_in_dim3A_467 = vector.broadcast %jit3A_466 : f32 to vector<1x128xf32>
      %select_n3A_468 = arith.select %eq3A_460, %get3A_465, %broadcast_in_dim3A_467 : vector<1x128xi1>, vector<1x128xf32>
      %reduce_sum3A_469 = vector.shape_cast %select_n3A_468 : vector<1x128xf32> to vector<1x1x128xf32>
      %reduce_sum3A_470 = arith.constant dense<0.000000e+00> : vector<1xf32>
      %reduce_sum3A_471 = vector.multi_reduction <add>, %reduce_sum3A_469, %reduce_sum3A_470 [1, 2] : vector<1x1x128xf32> to vector<1xf32>
      %reduce_sum3A_472 = vector.shape_cast %reduce_sum3A_471 : vector<1xf32> to vector<1x1x1xf32>
      %reduce_sum3A_473 = vector.extract %reduce_sum3A_472[0, 0, 0] : f32 from vector<1x1x1xf32>
      %get3A_474 = arith.constant 2 : index
      %get3A_475 = arith.index_cast %select_n3A_454 : i32 to index
      %get3A_476 = arith.constant 0 : index
      %get3A_477 = vector.load %arg1[%get3A_474, %get3A_475, %get3A_476] : memref<4x256x128xf32, #tpu.memory_space<vmem>>, vector<1x1x128xf32>
      %get3A_478 = vector.shape_cast %get3A_477 : vector<1x1x128xf32> to vector<1x128xf32>
      %jit3A_479 = arith.constant 0.000000e+00 : f32
      %broadcast_in_dim3A_480 = vector.broadcast %jit3A_479 : f32 to vector<1x128xf32>
      %select_n3A_481 = arith.select %eq3A_460, %get3A_478, %broadcast_in_dim3A_480 : vector<1x128xi1>, vector<1x128xf32>
      %reduce_sum3A_482 = vector.shape_cast %select_n3A_481 : vector<1x128xf32> to vector<1x1x128xf32>
      %reduce_sum3A_483 = arith.constant dense<0.000000e+00> : vector<1xf32>
      %reduce_sum3A_484 = vector.multi_reduction <add>, %reduce_sum3A_482, %reduce_sum3A_483 [1, 2] : vector<1x1x128xf32> to vector<1xf32>
      %reduce_sum3A_485 = vector.shape_cast %reduce_sum3A_484 : vector<1xf32> to vector<1x1x1xf32>
      %reduce_sum3A_486 = vector.extract %reduce_sum3A_485[0, 0, 0] : f32 from vector<1x1x1xf32>
      %get3A_487 = arith.constant 2 : index
      %get3A_488 = arith.index_cast %select_n3A_454 : i32 to index
      %get3A_489 = arith.constant 0 : index
      %get3A_490 = vector.load %arg2[%get3A_487, %get3A_488, %get3A_489] : memref<4x256x128xf32, #tpu.memory_space<vmem>>, vector<1x1x128xf32>
      %get3A_491 = vector.shape_cast %get3A_490 : vector<1x1x128xf32> to vector<1x128xf32>
      %jit3A_492 = arith.constant 0.000000e+00 : f32
      %broadcast_in_dim3A_493 = vector.broadcast %jit3A_492 : f32 to vector<1x128xf32>
      %select_n3A_494 = arith.select %eq3A_460, %get3A_491, %broadcast_in_dim3A_493 : vector<1x128xi1>, vector<1x128xf32>
      %reduce_sum3A_495 = vector.shape_cast %select_n3A_494 : vector<1x128xf32> to vector<1x1x128xf32>
      %reduce_sum3A_496 = arith.constant dense<0.000000e+00> : vector<1xf32>
      %reduce_sum3A_497 = vector.multi_reduction <add>, %reduce_sum3A_495, %reduce_sum3A_496 [1, 2] : vector<1x1x128xf32> to vector<1xf32>
      %reduce_sum3A_498 = vector.shape_cast %reduce_sum3A_497 : vector<1xf32> to vector<1x1x1xf32>
      %reduce_sum3A_499 = vector.extract %reduce_sum3A_498[0, 0, 0] : f32 from vector<1x1x1xf32>
      %stack3A_500 = vector.broadcast %reduce_sum3A_473 : f32 to vector<1xf32>
      %stack3A_501 = vector.broadcast %reduce_sum3A_486 : f32 to vector<1xf32>
      %stack3A_502 = vector.broadcast %reduce_sum3A_499 : f32 to vector<1xf32>
      %stack3A_503 = tpu.concatenate %stack3A_500, %stack3A_501, %stack3A_502 in 0 : vector<1xf32>, vector<1xf32>, vector<1xf32> -> vector<3xf32>
      %reshape3A_504 = vector.shape_cast %stack3A_503 : vector<3xf32> to vector<1x3xf32>
      %swap3A_505 = arith.constant 2 : index
      %swap3A_506 = arith.index_cast %scan3A_158 : i32 to index
      %swap3A_507 = arith.constant 0 : index
      %swap3A_508 = vector.load %arg3[%swap3A_505, %swap3A_506, %swap3A_507] : memref<4x2048x3xf32, #tpu.memory_space<vmem>>, vector<1x1x3xf32>
      %swap3A_509 = vector.shape_cast %swap3A_508 : vector<1x1x3xf32> to vector<1x3xf32>
      %swap3A_510 = vector.shape_cast %reshape3A_504 : vector<1x3xf32> to vector<1x1x3xf32>
      tpu.vector_store %arg3[%swap3A_505, %swap3A_506, %swap3A_507], %swap3A_510 {strides = array<i32>} : memref<4x2048x3xf32, #tpu.memory_space<vmem>>, vector<1x1x3xf32>,
      %sub3A_511 = vector.broadcast %scan3A_168 : f32 to vector<256x128xf32>
      %sub3A_512 = arith.subf %get3A_21, %sub3A_511 : vector<256x128xf32>
      %sub3A_513 = vector.broadcast %scan3A_169 : f32 to vector<256x128xf32>
      %sub3A_514 = arith.subf %get3A_41, %sub3A_513 : vector<256x128xf32>
      %sub3A_515 = vector.broadcast %scan3A_170 : f32 to vector<256x128xf32>
      %sub3A_516 = arith.subf %get3A_61, %sub3A_515 : vector<256x128xf32>
      %mul3A_517 = arith.mulf %sub3A_512, %sub3A_512 : vector<256x128xf32>
      %mul3A_518 = arith.mulf %sub3A_514, %sub3A_514 : vector<256x128xf32>
      %add3A_519 = arith.addf %mul3A_517, %mul3A_518 : vector<256x128xf32>
      %mul3A_520 = arith.mulf %sub3A_516, %sub3A_516 : vector<256x128xf32>
      %add3A_521 = arith.addf %add3A_519, %mul3A_520 : vector<256x128xf32>
      %get3A_522 = arith.constant 3 : index
      %get3A_523 = arith.constant 0 : index
      %get3A_524 = arith.constant 0 : index
      %get3A_525 = vector.load %arg4[%get3A_522, %get3A_523, %get3A_524] : memref<4x256x128xf32, #tpu.memory_space<vmem>>, vector<1x256x128xf32>
      %get3A_526 = vector.shape_cast %get3A_525 : vector<1x256x128xf32> to vector<256x128xf32>
      %min3A_527 = arith.minimumf %get3A_526, %add3A_521 : vector<256x128xf32>
      %swap3A_528 = arith.constant 3 : index
      %swap3A_529 = arith.constant 0 : index
      %swap3A_530 = arith.constant 0 : index
      %swap3A_531 = vector.load %arg4[%swap3A_528, %swap3A_529, %swap3A_530] : memref<4x256x128xf32, #tpu.memory_space<vmem>>, vector<1x256x128xf32>
      %swap3A_532 = vector.shape_cast %swap3A_531 : vector<1x256x128xf32> to vector<256x128xf32>
      %swap3A_533 = vector.shape_cast %min3A_527 : vector<256x128xf32> to vector<1x256x128xf32>
      tpu.vector_store %arg4[%swap3A_528, %swap3A_529, %swap3A_530], %swap3A_533 {strides = array<i32>} : memref<4x256x128xf32, #tpu.memory_space<vmem>>, vector<1x256x128xf32>,
      %reduce_max3A_534 = vector.shape_cast %min3A_527 : vector<256x128xf32> to vector<1x256x128xf32>
      %reduce_max3A_535 = arith.constant dense<0xFF800000> : vector<1xf32>
      %reduce_max3A_536 = vector.multi_reduction <maximumf>, %reduce_max3A_534, %reduce_max3A_535 [1, 2] : vector<1x256x128xf32> to vector<1xf32>
      %reduce_max3A_537 = vector.shape_cast %reduce_max3A_536 : vector<1xf32> to vector<1x1x1xf32>
      %reduce_max3A_538 = vector.extract %reduce_max3A_537[0, 0, 0] : f32 from vector<1x1x1xf32>
      %eq3A_539 = vector.broadcast %reduce_max3A_538 : f32 to vector<256x128xf32>
      %eq3A_540 = arith.cmpf oeq, %min3A_527, %eq3A_539 : vector<256x128xf32>
      %jit3A_541 = arith.constant 1073741824 : i32
      %broadcast_in_dim3A_542 = vector.broadcast %jit3A_541 : i32 to vector<256x128xi32>
      %select_n3A_543 = arith.select %eq3A_540, %add3A, %broadcast_in_dim3A_542 : vector<256x128xi1>, vector<256x128xi32>
      %reduce_min3A_544 = vector.shape_cast %select_n3A_543 : vector<256x128xi32> to vector<1x256x128xi32>
      %reduce_min3A_545 = arith.constant dense<2147483647> : vector<1xi32>
      %reduce_min3A_546 = vector.multi_reduction <minsi>, %reduce_min3A_544, %reduce_min3A_545 [1, 2] : vector<1x256x128xi32> to vector<1xi32>
      %reduce_min3A_547 = vector.shape_cast %reduce_min3A_546 : vector<1xi32> to vector<1x1x1xi32>
      %reduce_min3A_548 = vector.extract %reduce_min3A_547[0, 0, 0] : i32 from vector<1x1x1xi32>
      %jit3A_549 = arith.constant 128 : i32
      %div3A_550 = arith.divsi %reduce_min3A_548, %jit3A_549 : i32
      %sign3A_551 = arith.constant 0 : i32
      %sign3A_552 = arith.cmpi sgt, %reduce_min3A_548, %sign3A_551 : i32
      %sign3A_553 = arith.extui %sign3A_552 : i1 to i32
      %sign3A_554 = arith.constant 0 : i32
      %sign3A_555 = arith.cmpi slt, %reduce_min3A_548, %sign3A_554 : i32
      %sign3A_556 = arith.extui %sign3A_555 : i1 to i32
      %sign3A_557 = arith.subi %sign3A_553, %sign3A_556 : i32
      %sign3A_558 = arith.constant 0 : i32
      %sign3A_559 = arith.cmpi sgt, %jit3A_549, %sign3A_558 : i32
      %sign3A_560 = arith.extui %sign3A_559 : i1 to i32
      %sign3A_561 = arith.constant 0 : i32
      %sign3A_562 = arith.cmpi slt, %jit3A_549, %sign3A_561 : i32
      %sign3A_563 = arith.extui %sign3A_562 : i1 to i32
      %sign3A_564 = arith.subi %sign3A_560, %sign3A_563 : i32
      %ne3A_565 = arith.cmpi ne, %sign3A_557, %sign3A_564 : i32
      %rem3A_566 = arith.remsi %reduce_min3A_548, %jit3A_549 : i32
      %ne3A_567 = arith.constant 0 : i32
      %ne3A_568 = arith.cmpi ne, %rem3A_566, %ne3A_567 : i32
      %and3A_569 = arith.andi %ne3A_565, %ne3A_568 : i1
      %sub3A_570 = arith.constant 1 : i32
      %sub3A_571 = arith.subi %div3A_550, %sub3A_570 : i32
      %select_n3A_572 = arith.select %and3A_569, %sub3A_571, %div3A_550 : i32
      %mul3A_573 = arith.constant 128 : i32
      %mul3A_574 = arith.muli %select_n3A_572, %mul3A_573 : i32
      %sub3A_575 = arith.subi %reduce_min3A_548, %mul3A_574 : i32
      %iota3A_576 = tpu.iota {dimensions = array<i32: 1>} : vector<1x128xi32>
      %eq3A_577 = vector.broadcast %sub3A_575 : i32 to vector<1x128xi32>
      %eq3A_578 = arith.cmpi eq, %iota3A_576, %eq3A_577 : vector<1x128xi32>
      %get3A_579 = arith.constant 3 : index
      %get3A_580 = arith.index_cast %select_n3A_572 : i32 to index
      %get3A_581 = arith.constant 0 : index
      %get3A_582 = vector.load %arg0[%get3A_579, %get3A_580, %get3A_581] : memref<4x256x128xf32, #tpu.memory_space<vmem>>, vector<1x1x128xf32>
      %get3A_583 = vector.shape_cast %get3A_582 : vector<1x1x128xf32> to vector<1x128xf32>
      %jit3A_584 = arith.constant 0.000000e+00 : f32
      %broadcast_in_dim3A_585 = vector.broadcast %jit3A_584 : f32 to vector<1x128xf32>
      %select_n3A_586 = arith.select %eq3A_578, %get3A_583, %broadcast_in_dim3A_585 : vector<1x128xi1>, vector<1x128xf32>
      %reduce_sum3A_587 = vector.shape_cast %select_n3A_586 : vector<1x128xf32> to vector<1x1x128xf32>
      %reduce_sum3A_588 = arith.constant dense<0.000000e+00> : vector<1xf32>
      %reduce_sum3A_589 = vector.multi_reduction <add>, %reduce_sum3A_587, %reduce_sum3A_588 [1, 2] : vector<1x1x128xf32> to vector<1xf32>
      %reduce_sum3A_590 = vector.shape_cast %reduce_sum3A_589 : vector<1xf32> to vector<1x1x1xf32>
      %reduce_sum3A_591 = vector.extract %reduce_sum3A_590[0, 0, 0] : f32 from vector<1x1x1xf32>
      %get3A_592 = arith.constant 3 : index
      %get3A_593 = arith.index_cast %select_n3A_572 : i32 to index
      %get3A_594 = arith.constant 0 : index
      %get3A_595 = vector.load %arg1[%get3A_592, %get3A_593, %get3A_594] : memref<4x256x128xf32, #tpu.memory_space<vmem>>, vector<1x1x128xf32>
      %get3A_596 = vector.shape_cast %get3A_595 : vector<1x1x128xf32> to vector<1x128xf32>
      %jit3A_597 = arith.constant 0.000000e+00 : f32
      %broadcast_in_dim3A_598 = vector.broadcast %jit3A_597 : f32 to vector<1x128xf32>
      %select_n3A_599 = arith.select %eq3A_578, %get3A_596, %broadcast_in_dim3A_598 : vector<1x128xi1>, vector<1x128xf32>
      %reduce_sum3A_600 = vector.shape_cast %select_n3A_599 : vector<1x128xf32> to vector<1x1x128xf32>
      %reduce_sum3A_601 = arith.constant dense<0.000000e+00> : vector<1xf32>
      %reduce_sum3A_602 = vector.multi_reduction <add>, %reduce_sum3A_600, %reduce_sum3A_601 [1, 2] : vector<1x1x128xf32> to vector<1xf32>
      %reduce_sum3A_603 = vector.shape_cast %reduce_sum3A_602 : vector<1xf32> to vector<1x1x1xf32>
      %reduce_sum3A_604 = vector.extract %reduce_sum3A_603[0, 0, 0] : f32 from vector<1x1x1xf32>
      %get3A_605 = arith.constant 3 : index
      %get3A_606 = arith.index_cast %select_n3A_572 : i32 to index
      %get3A_607 = arith.constant 0 : index
      %get3A_608 = vector.load %arg2[%get3A_605, %get3A_606, %get3A_607] : memref<4x256x128xf32, #tpu.memory_space<vmem>>, vector<1x1x128xf32>
      %get3A_609 = vector.shape_cast %get3A_608 : vector<1x1x128xf32> to vector<1x128xf32>
      %jit3A_610 = arith.constant 0.000000e+00 : f32
      %broadcast_in_dim3A_611 = vector.broadcast %jit3A_610 : f32 to vector<1x128xf32>
      %select_n3A_612 = arith.select %eq3A_578, %get3A_609, %broadcast_in_dim3A_611 : vector<1x128xi1>, vector<1x128xf32>
      %reduce_sum3A_613 = vector.shape_cast %select_n3A_612 : vector<1x128xf32> to vector<1x1x128xf32>
      %reduce_sum3A_614 = arith.constant dense<0.000000e+00> : vector<1xf32>
      %reduce_sum3A_615 = vector.multi_reduction <add>, %reduce_sum3A_613, %reduce_sum3A_614 [1, 2] : vector<1x1x128xf32> to vector<1xf32>
      %reduce_sum3A_616 = vector.shape_cast %reduce_sum3A_615 : vector<1xf32> to vector<1x1x1xf32>
      %reduce_sum3A_617 = vector.extract %reduce_sum3A_616[0, 0, 0] : f32 from vector<1x1x1xf32>
      %stack3A_618 = vector.broadcast %reduce_sum3A_591 : f32 to vector<1xf32>
      %stack3A_619 = vector.broadcast %reduce_sum3A_604 : f32 to vector<1xf32>
      %stack3A_620 = vector.broadcast %reduce_sum3A_617 : f32 to vector<1xf32>
      %stack3A_621 = tpu.concatenate %stack3A_618, %stack3A_619, %stack3A_620 in 0 : vector<1xf32>, vector<1xf32>, vector<1xf32> -> vector<3xf32>
      %reshape3A_622 = vector.shape_cast %stack3A_621 : vector<3xf32> to vector<1x3xf32>
      %swap3A_623 = arith.constant 3 : index
      %swap3A_624 = arith.index_cast %scan3A_158 : i32 to index
      %swap3A_625 = arith.constant 0 : index
      %swap3A_626 = vector.load %arg3[%swap3A_623, %swap3A_624, %swap3A_625] : memref<4x2048x3xf32, #tpu.memory_space<vmem>>, vector<1x1x3xf32>
      %swap3A_627 = vector.shape_cast %swap3A_626 : vector<1x1x3xf32> to vector<1x3xf32>
      %swap3A_628 = vector.shape_cast %reshape3A_622 : vector<1x3xf32> to vector<1x1x3xf32>
      tpu.vector_store %arg3[%swap3A_623, %swap3A_624, %swap3A_625], %swap3A_628 {strides = array<i32>} : memref<4x2048x3xf32, #tpu.memory_space<vmem>>, vector<1x1x3xf32>,
      scf.yield %reduce_sum3A_238, %reduce_sum3A_251, %reduce_sum3A_264, %reduce_sum3A_355, %reduce_sum3A_368, %reduce_sum3A_381, %reduce_sum3A_473, %reduce_sum3A_486, %reduce_sum3A_499, %reduce_sum3A_591, %reduce_sum3A_604, %reduce_sum3A_617 : f32, f32, f32, f32, f32, f32, f32, f32, f32, f32, f32, f32
    }
    %scan3A_157 = arith.constant 2047 : i32
    return
  }
}

</mosaic_0001>

<sc_bundles>
// kernel: kernel.5.cloned.1.call-start
scs
__scs_entry_jumppad:
0x0: {  	(pc) =	sbr.rel $0x88, $3  }
0x1: {  	(tag) =	ssettag $0x0;
	lr =	simm.s32 $0x1  }
0x2: {  	[smem:$0x3FA0] =	sst lr;
	_ =	strace $0xD0000000  }
0x3: {  	_ = 	snop  }
0x4: {  	_ = 	snop  }
0x5: {  	_ = 	snop  }
0x6: {  	_ = 	snop  }
0x7: {  	_ = 	snop  }
__scs_overlays_trampoline_lowered:
0x8: {  	[smem:$0x3FAF] =	sst s0  }
0x9: {  	[smem:$0x3FB0] =	sst s1  }
0xa: {  	[smem:$0x3FB1] =	sst s2  }
0xb: {  	[smem:$0x3FB2] =	sst s3  }
0xc: {  	[smem:$0x3FB3] =	sst s4  }
0xd: {  	[smem:$0x3FB4] =	sst s5  }
0xe: {  	[smem:$0x3FB5] =	sst s6  }
0xf: {  	[smem:$0x3FB6] =	sst s7  }
0x10: {  	[smem:$0x3FB7] =	sst s8  }
0x11: {  	[smem:$0x3FB8] =	sst s9;
	s0 =	simm.s32 @!p0 $0x0  }
0x12: {  	s1 =	sld [smem:$0x3F9E];
	s0 =	simm.s32 @p0 $0x1  }
0x13: {  	[smem:$0x3FB9] =	sst s0;
	s0 =	simm.s32 @!p1 $0x0  }
0x14: {  	s2 =	sld [smem:$0x3F9D];
	s0 =	simm.s32 @p1 $0x1  }
0x15: {  	[smem:$0x3FBA] =	sst s0;
	s0 =	simm.s32 @!p2 $0x0  }
0x16: {  	s3 =	sld [smem:$0x3FDB];
	s0 =	simm.s32 @p2 $0x1  }
0x17: {  	s4 =	simm.s32 $0x1BF5;
	[smem:$0x3FBC] =	sst s0  }
0x18: {  	s0 =	sld [smem:$0x3F9F];
	_ =	swait.ge [sflag:s4], $0x0  }
0x19: {  	s7 =	sld [smem:$0x3FA0]  }
0x1a: {  	s8 =	sadd.s32 $0xFFFFE003, lr  }
0x1b: {  	s9 =	sadd.s32 $0xFFFFFEF7, lr;
	s5 =	simm.s32 $0xFFFFFFFF;
	p2 =	slt.u32 s8, $0xFFFFF086  }
0x1c: {  	p1 =	slt.u32 s9, $0xF7A;
	s5 =	simm.s32 @!p2 $0x0  }
0x1d: {  	s5 =	simm.s32 @p1 $0x1;
	p0 =	seq.s32 s7, s2  }
0x1e: {  	s7 =	smul.u32 @!p0 $0xF7A, s2;
	p2 =	seq.s32 @!p0 s5, $0x0  }
0x1f: {  	s9 =	smul.u32 $0xF7A, s1;
	s8 =	simm.s32 @!p0 $0x1BF5;
	p2 =	por !p2, p0  }
0x20: {  	[sflag:s8] =	ssyncset.s32 @!p0 $0xFFFFF086;
	s6 =	sadd.s32 @!p0 s3, s7;
	s7 =	simm.s32 @!p0 $0x108  }
0x21: {  	s3 =	sadd.s32 s3, s9;
	s6 =	sadd.s32 @!p0 $0x88, s6;
	s7 =	simm.s32 @p2 $0x1082  }
0x22: {  	[simem:s7], [sflag:s8] =	dma.local @!p0 [hbm:s6], $0xF7A  }
0x23: {  	s9 =	sor.u32 $0xD0000000, s2;
	s6 =	simm.s32 $0x108;
	_ =	swait.ge @!p0 [sflag:s8], $0x0  }
0x24: {  	s3 =	sadd.s32 $0x88, s3;
	s6 =	simm.s32 @!p1 $0x1082;
	[sflag:s4] =	ssyncset.s32 $0xFFFFF086  }
0x25: {  	[simem:s6], [sflag:s4] =	dma.local [hbm:s3], $0xF7A  }
0x26: {  	[smem:$0x3FA0] =	sst s1;
	(tag) =	ssettag s2;
	_ =	strace s9  }
0x27: {  	s1 =	sld [smem:$0x3FB0]  }
0x28: {  	s2 =	sld [smem:$0x3FB1]  }
0x29: {  	s4 =	sld [smem:$0x3FB3]  }
0x2a: {  	p0 =	seq.s32 s5, $0x0;
	s5 =	sld [smem:$0x3FB4]  }
0x2b: {  	s6 =	sld [smem:$0x3FB5]  }
0x2c: {  	s7 =	sld [smem:$0x3FB6]  }
0x2d: {  	s3 =	simm.s32 $0x108;
	s8 =	sld [smem:$0x3FB7]  }
0x2e: {  	s3 =	simm.s32 @!p0 $0x1082;
	s9 =	sld [smem:$0x3FB8]  }
0x2f: {  	lr =	sadd.s32 s0, s3;
	s0 =	sld [smem:$0x3FAF]  }
0x30: {  	s3 =	sld [smem:$0x3FB2]  }
0x31: {  	[smem:$0x3FBB] =	sst s10  }
0x32: {  	s10 =	sld [smem:$0x3FB9];
	_ =	sdelay $0x3  }
0x33: {  	p0 =	seq.s32 s10, $0x1;
	s10 =	sld [smem:$0x3FBB];
	_ =	sdelay $0x3  }
0x34: {  	[smem:$0x3FBB] =	sst s10  }
0x35: {  	s10 =	sld [smem:$0x3FBA];
	_ =	sdelay $0x3  }
0x36: {  	p1 =	seq.s32 s10, $0x1;
	s10 =	sld [smem:$0x3FBB];
	_ =	sdelay $0x3  }
0x37: {  	[smem:$0x3FBB] =	sst s10  }
0x38: {  	s10 =	sld [smem:$0x3FBC]  }
0x39: {  	_ = 	snop;
	(pc) =	sbr.ind lr, $3  }
0x3a: {  	_ = 	snop  }
0x3b: {  	_ = 	snop  }
0x3c: {  	p2 =	seq.s32 s10, $0x1;
	s10 =	sld [smem:$0x3FBB]  }
0x3d: {  	_ =	shalt  }
0x3e: {  	_ =	shalt  }
0x3f: {  	_ =	shalt  }
0x40: {  	_ =	shalt  }
0x41: {  	_ =	shalt  }
0x42: {  	_ =	shalt  }
0x43: {  	_ =	shalt  }
0x44: {  	_ =	shalt  }
0x45: {  	_ =	shalt  }
0x46: {  	_ =	shalt  }
0x47: {  	_ =	shalt  }
0x48: {  	_ =	shalt  }
0x49: {  	_ =	shalt  }
0x4a: {  	_ =	shalt  }
0x4b: {  	_ =	shalt  }
0x4c: {  	_ =	shalt  }
0x4d: {  	_ =	shalt  }
0x4e: {  	_ =	shalt  }
0x4f: {  	_ =	shalt  }
0x50: {  	_ =	shalt  }
0x51: {  	_ =	shalt  }
0x52: {  	_ =	shalt  }
0x53: {  	_ =	shalt  }
0x54: {  	_ =	shalt  }
0x55: {  	_ =	shalt  }
0x56: {  	_ =	shalt  }
0x57: {  	_ =	shalt  }
0x58: {  	_ =	shalt  }
0x59: {  	_ =	shalt  }
0x5a: {  	_ =	shalt  }
0x5b: {  	_ =	shalt  }
0x5c: {  	_ =	shalt  }
0x5d: {  	_ =	shalt  }
0x5e: {  	_ =	shalt  }
0x5f: {  	_ =	shalt  }
0x60: {  	_ =	shalt  }
0x61: {  	_ =	shalt  }
0x62: {  	_ =	shalt  }
0x63: {  	_ =	shalt  }
0x64: {  	_ =	shalt  }
0x65: {  	_ =	shalt  }
0x66: {  	_ =	shalt  }
0x67: {  	_ =	shalt  }
0x68: {  	_ =	shalt  }
0x69: {  	_ =	shalt  }
0x6a: {  	_ =	shalt  }
0x6b: {  	_ =	shalt  }
0x6c: {  	_ =	shalt  }
0x6d: {  	_ =	shalt  }
0x6e: {  	_ =	shalt  }
0x6f: {  	_ =	shalt  }
0x70: {  	_ =	shalt  }
0x71: {  	_ =	shalt  }
0x72: {  	_ =	shalt  }
0x73: {  	_ =	shalt  }
0x74: {  	_ =	shalt  }
0x75: {  	_ =	shalt  }
0x76: {  	_ =	shalt  }
0x77: {  	_ =	shalt  }
0x78: {  	_ =	shalt  }
0x79: {  	_ =	shalt  }
0x7a: {  	_ =	shalt  }
0x7b: {  	_ =	shalt  }
0x7c: {  	_ =	shalt  }
0x7d: {  	_ =	shalt  }
0x7e: {  	_ =	shalt  }
0x7f: {  	_ =	shalt  }
0x80: {  	_ =	shalt  }
0x81: {  	_ =	shalt  }
0x82: {  	_ =	shalt  }
0x83: {  	_ =	shalt  }
0x84: {  	_ =	shalt  }
0x85: {  	_ =	shalt  }
0x86: {  	_ =	shalt  }
0x87: {  	_ =	shalt  }
.Lfunc_end0:
.L_simem_size_0:
called_computation_lowered:
.L_overlay_start_0:
0x88: {  	s2 =	sld [smem:$0x3FD9]  }
0x89: {  	s3 =	sld [smem:$0x3FFE];
	_ =	sdelay $0x1  }
0x8a: {  	s1 =	srdreg.scid  }
0x8b: {  	s0 =	sand.u32 $0x1, s1  }
0x8c: {  	s9 =	sshll.u32 s0, $0xA;
	s2 =	sadd.s32 s3, s2  }
0x8d: {  	s2 =	sadd.s32 s2, s9  }
0x8e: {  	[smem:$0x3FC7] =	sst s2  }
0x8f: {  	_ = 	snop  }
0x90: {  	s2 =	sld [smem:$0x3FD0];
	_ =	sdelay $0x2  }
0x91: {  	s4 =	simm.s32 $0xA;
	s10 =	simm.s32 $0x10  }
0x92: {  	[smem:s10], [sflag:s4] =	dma.local [hbm:s2], $0x1  }
0x93: {  	_ =	swait.eq [sflag:s4], $0x1  }
0x94: {  	s11 =	sld [smem:$0x10]  }
0x95: {  	s12 =	sld [smem:$0x11];
	[sflag:s4] =	ssyncset.done $0x0  }
0x96: {  	s5 =	sld [smem:$0x12];
	[sflag:s4] =	ssyncadd.s32 $0xFFFFFFFF  }
0x97: {  	s6 =	sld [smem:$0x13];
	(tm) =	ssettm $0x1  }
0x98: {  	s13 =	sld [smem:$0x3FFB];
	_ =	sdelay $0x3  }
0x99: {  	_ =	strace s13  }
0x9a: {  	s4 =	sld [smem:$0x3FFC];
	_ =	sdelay $0x3  }
0x9b: {  	_ =	strace s4  }
0x9c: {  	s4 =	sld [smem:$0x3FFD];
	_ =	sdelay $0x3  }
0x9d: {  	_ =	strace s4  }
0x9e: {  	_ =	strace $0x8FFFFFFF  }
0x9f: {  	s14 =	sld [smem:$0x3FDB];
	_ =	sdelay $0x1  }
0xa0: {  	s7 =	simm.s32 $_scs_section_size  }
0xa1: {  	s8 =	simm.s32 $_size__tile_task_arg_handler_lowered;
	s9 =	simm.s32 $_tile_task_arg_handler_lowered  }
0xa2: {  	s17 =	simm.s32 $0x1BFF;
	s16 =	sshll.u32 s9, $0x1;
	s7 =	sadd.s32 s7, s14  }
0xa3: {  	s15 =	sshll.u32 s8, $0x1;
	s10 =	simm.s32 $0x60;
	s8 =	sadd.s32 s16, s7  }
0xa4: {  	[timem:s10], [sflag:s17] =	dma.local [hbm:s8], s15  }
0xa5: {  	_ =	swait.ge [sflag:s17], s15  }
0xa6: {  	s18 =	simm.s32 $_tile_overlayer_lowered;
	s4 =	ssub.s32 $0x0, s15;
	[sflag:s17] =	ssyncset.done $0x0  }
0xa7: {  	s19 =	simm.s32 $_size__tile_overlayer_lowered;
	s8 =	sshll.u32 s18, $0x1;
	[sflag:s17] =	ssyncadd.s32 s4  }
0xa8: {  	s21 =	simm.s32 $0x0;
	s20 =	sshll.u32 s19, $0x1;
	s8 =	sadd.s32 s8, s7  }
0xa9: {  	[timem:s21], [sflag:s17] =	dma.local [hbm:s8], s20  }
0xaa: {  	_ =	swait.ge [sflag:s17], s20  }
0xab: {  	s22 =	ssub.s32 $0x0, s20;
	[sflag:s17] =	ssyncset.done $0x0  }
0xac: {  	[sflag:s17] =	ssyncadd.s32 s22;
	_ =	sdelay $0x1  }
0xad: {  	s23 =	simm.s32 $0x1B8B  }
0xae: {  	_ =	swait.ge [sflag:s23], $0x1  }
0xaf: {  	[sflag:s23] =	ssyncset.done $0x0  }
0xb0: {  	s25 =	simm.s32 $0x1B8E;
	s24 =	sld [smem:$0x3FFE];
	[sflag:s23] =	ssyncadd.s32 $0xFFFFFFFF  }
0xb1: {  	s26 =	simm.s32 $execute0_lowered;
	[smem:$0x3FD2] =	sst s25  }
0xb2: {  	s9 =	sshll.u32 s26, $0x1;
	_ =	strace $0x80000046;
	[dreg:$0x1] =	wrdreg $0xFFFFFFFF  }
0xb3: {  	s28 =	simm.s32 $_size_execute0_lowered;
	s7 =	sadd.s32 s7, s9;
	[dreg:$0x0] =	wrdreg $0x0  }
0xb4: {  	s9 =	sshll.u32 s28, $0x1;
	[dreg:$0x2] =	wrdreg s7  }
0xb5: {  	[dreg:$0x3] =	wrdreg s9  }
0xb6: {  	[dreg:$0x4] =	wrdreg $0xC0  }
0xb7: {  	_ =	task [dreg:s21], $0x5FFFF  }
0xb8: {  	[dreg:$0x1] =	wrdreg $0xFFFFFFFF  }
0xb9: {  	[dreg:$0x0] =	wrdreg $0x30  }
0xba: {  	[dreg:$0x2] =	wrdreg $0x0  }
0xbb: {  	[dreg:$0x3] =	wrdreg $0x130380  }
0xbc: {  	[dreg:$0x4] =	wrdreg $0x130480  }
0xbd: {  	[dreg:$0x5] =	wrdreg $0x138480  }
0xbe: {  	[dreg:$0x6] =	wrdreg $0x140480  }
0xbf: {  	[dreg:$0x7] =	wrdreg $0x9  }
0xc0: {  	_ =	task [dreg:s21], $0x8FFFF  }
0xc1: {  	[dreg:$0x1] =	wrdreg $0xFFFFFFFF  }
0xc2: {  	[dreg:$0x0] =	wrdreg $0x60  }
0xc3: {  	[dreg:$0x2] =	wrdreg s24  }
0xc4: {  	[dreg:$0x3] =	wrdreg s11  }
0xc5: {  	[dreg:$0x4] =	wrdreg s12  }
0xc6: {  	[dreg:$0x5] =	wrdreg s5  }
0xc7: {  	[dreg:$0x6] =	wrdreg s6  }
0xc8: {  	[dreg:$0x7] =	wrdreg $0x10E280  }
0xc9: {  	[dreg:$0x8] =	wrdreg $0x116280  }
0xca: {  	[dreg:$0x9] =	wrdreg $0x148480  }
0xcb: {  	[dreg:$0xa] =	wrdreg $0x198480  }
0xcc: {  	[dreg:$0xb] =	wrdreg $0x1A8480  }
0xcd: {  	[dreg:$0xc] =	wrdreg $0x12E280  }
0xce: {  	[dreg:$0xd] =	wrdreg $0x11E280  }
0xcf: {  	[dreg:$0xe] =	wrdreg $0x126280  }
0xd0: {  	[dreg:$0xf] =	wrdreg $0x130280  }
0xd1: {  	_ =	task.clear_ibuf [dreg:s21], $0x10FFFF;
	_ =	strace $0x90000046  }
0xd2: {  	s29 =	simm.s32 $0x9;
	_ =	strace $0x80000048  }
0xd3: {  	_ =	swait.ge [sflag:s29], $0x1  }
0xd4: {  	[sflag:s29] =	ssyncadd.s32 $0xFFFFFFFF  }
0xd5: {  	_ =	strace $0x90000048  }
0xd6: {  	_ =	sfence  }
0xd7: {  	s30 =	sld [smem:$0x0];
	_ =	sdelay $0x2  }
0xd8: {  	s31 =	sshll.u32 s1, $0xD;
	s1 =	sshrl.u32 s1, $0x2  }
0xd9: {  	s3 =	sand.u32 $0x4000, s31;
	s1 =	sadd.s32 s1, s30  }
0xda: {  	s0 =	sor.u32 s3, s0;
	s1 =	sshll.u32 s1, $0x11  }
0xdb: {  	s0 =	sor.u32 s1, s0  }
0xdc: {  	s0 =	sadd.s32 $0x8F2B, s0  }
0xdd: {  	[sflag:s0] =	ssyncadd.remote.s32 $0x1  }
0xde: {  	_ =	sfence.sel $0xFFFF  }
0xdf: {  	[dreg:$0x0] =	wrdreg $0xFFFFFFFF;
	(pc) =	sbr.abs _section_cstart, $3  }
0xe0: {  	[dreg:$0x1] =	wrdreg $0xFFFFFFFF  }
0xe1: {  	_ =	task.clear_ibuf [dreg:s21], $0x2FFFF;
	_ =	strace $0x9FFFFFFF  }
0xe2: {  	(tm) =	ssettm $0x7FFFFFFF  }
0xe3: {  	_ =	shalt  }
tec
_tile_task_arg_handler_lowered:
.L_overlay_start_1:
0x0: {  	(tag) =	ssettag $0x1  }
0x1: {  	s0 =	rddreg [dreg:$0x0]  }
0x2: {  	s1 =	rddreg [dreg:$0x1]  }
0x3: {  	s2 =	rddreg [dreg:$0x2]  }
0x4: {  	s3 =	rddreg [dreg:$0x3]  }
0x5: {  	s4 =	rddreg [dreg:$0x4]  }
0x6: {  	s5 =	rddreg [dreg:$0x5]  }
0x7: {  	s6 =	rddreg [dreg:$0x6]  }
0x8: {  	s7 =	rddreg [dreg:$0x7]  }
0x9: {  	s8 =	rddreg [dreg:$0x8]  }
0xa: {  	s9 =	rddreg [dreg:$0x9]  }
0xb: {  	s10 =	rddreg [dreg:$0xa]  }
0xc: {  	s11 =	rddreg [dreg:$0xb]  }
0xd: {  	s12 =	rddreg [dreg:$0xc]  }
0xe: {  	s13 =	rddreg [dreg:$0xd]  }
0xf: {  	[smem:s0] =	sst s1  }
0x10: {  	[smem:s0+$0x1] =	sst s2  }
0x11: {  	[smem:s0+$0x2] =	sst s3  }
0x12: {  	[smem:s0+$0x3] =	sst s4  }
0x13: {  	[smem:s0+$0x4] =	sst s5  }
0x14: {  	[smem:s0+$0x5] =	sst s6  }
0x15: {  	[smem:s0+$0x6] =	sst s7  }
0x16: {  	[smem:s0+$0x7] =	sst s8  }
0x17: {  	[smem:s0+$0x8] =	sst s9  }
0x18: {  	[smem:s0+$0x9] =	sst s10  }
0x19: {  	[smem:s0+$0xA] =	sst s11  }
0x1a: {  	[smem:s0+$0xB] =	sst s12  }
0x1b: {  	[smem:s0+$0xC] =	sst s13;
	_ =	shalt  }
.Lfunc_end2:
execute0_lowered:
.L_overlay_start_2:
0x1c: {  	(tag) =	ssettag $0x2  }
0x1d: {  	s0 =	rddreg [dreg:$0x0]  }
0x1e: {  	s2 =	rddreg [dreg:$0x5]  }
0x1f: {  	s1 =	rddreg [dreg:$0x6]  }
0x20: {  	s8 =	rddreg [dreg:$0x7]  }
0x21: {  	v3 =	vimm.s32 $0x65432100;
	s9 =	rddreg [dreg:$0x8]  }
0x22: {  	s10 =	rddreg [dreg:$0x9];
	v5 =	vunpack.c.l.s4.s8 v3;
	v3 =	vimm.s32 $0xEDCBA987  }
0x23: {  	vm1 =	vcmask $0x1310;
	vm0 =	vcmask $0x300;
	s11 =	rddreg [dreg:$0xa];
	v6 =	vunpack.c.l.s4.s8 v3  }
0x24: {  	vm5 =	vcmask $0x2320;
	vm2 =	vcmask $0x3330;
	v8 =	vimm.s32 $0xFFEDCBA9;
	s12 =	rddreg [dreg:$0xb]  }
0x25: {  	s14 =	rddreg [dreg:$0xc];
	v8 =	vunpack.c.l.s4.s8 v8;
	v19 =	vunpack.c.0.s8.s32 v6;
	v6 =	vimm.s32 $0xDCBA9876  }
0x26: {  	s15 =	rddreg [dreg:$0xd];
	s13 =	simm.s32 $0x0;
	v9 =	vunpack.c.0.s8.s32 v5;
	v5 =	vimm.s32 $0x54321000;
	v11 =	vunpack.c.l.s4.s8 v6  }
0x27: {  	v2 =	vimm.s32 $0x0;
	vm1 =	vmor vm0, vm1;
	[smem:$0x7FF] =	sst s13;
	v10 =	vunpack.c.l.s4.s8 v5  }
0x28: {  	s16 =	sld [smem:$0x0];
	v23 =	vunpack.c.0.s8.s32 v8;
	v8 =	vand.u32 $0xF, v19;
	v17 =	vunpack.c.0.s8.s32 v11  }
0x29: {  	vm1 =	vmor vm1, vm5;
	s17 =	sld [smem:$0x1];
	v6 =	vcombine.low v9, v8;
	v8 =	vunpack.c.0.s8.s32 v10  }
0x2a: {  	s4 =	sld [smem:$0x4];
	vm1 =	vmor vm1, vm2;
	vm2 =	vmmov $0x3fff;
	v13 =	vand.u32 $0xF, v17  }
0x2b: {  	s18 =	sld [smem:$0x2];
	v2 =	vsel vm1, $0xFFFFFFFF, v2;
	v8 =	vcombine.low v8, v13;
	v13 =	vimm.s32 $0x0  }
0x2c: {  	s6 =	stileid.u32;
	s19 =	sld [smem:$0x3];
	[tilespmem:$0x1FF40] =	vst v2;
	v13 =	vsel vm2, $0xFFFFFFFF, v13  }
0x2d: {  	s3 =	srdreg.scid;
	s20 =	sadd.s32 $0xE000, s0;
	[dreg:$0x12] =	wrdreg s4;
	[tilespmem:$0x1FF50] =	vst v13  }
0x2e: {  	s21 =	sadd.s32 $0x12000, s0;
	_ =	strace $0x80000047;
	[dreg:$0x14] =	wrdreg s20  }
0x2f: {  	s7 =	sshll.u32 s6, $0xB;
	s22 =	sadd.s32 $0x16000, s0;
	[dreg:$0x15] =	wrdreg s21  }
0x30: {  	s3 =	sand.u32 $0x1, s3;
	s23 =	sadd.s32 $0x1A000, s0;
	[dreg:$0x16] =	wrdreg s22  }
0x31: {  	s24 =	smul.u32 $0x14000, s6;
	s25 =	sadd.s32 $0xA000, s0;
	[dreg:$0x17] =	wrdreg s23  }
0x32: {  	v0 =	vlaneseq.u32;
	v4 =	vimm.s32 $0x87654321;
	v12 =	vimm.s32 $0x43210000;
	s26 =	sadd.s32 $0x6000, s0;
	s28 =	ssub.s32 $0x2, s3;
	[dreg:$0x18] =	wrdreg s25  }
0x33: {  	vm7 =	vmmov $0x7;
	vm13 =	vcmask $0x1F00;
	vm6 =	vcmask $0x2F20;
	s0 =	sadd.s32 $0x2000, s0;
	s5 =	sshrl.u32 s28, $0x1;
	[dreg:$0x19] =	wrdreg s26  }
0x34: {  	vm8 =	vmmov $0x1fff;
	v18 =	vimm.s32 $0xF0E0D0C;
	vm15 =	vmmov $0xf;
	s4 =	ssub.s32 s28, s5;
	s28 =	sshll.u32 s3, $0x1;
	[dreg:$0x1a] =	wrdreg s0  }
0x35: {  	vm11 =	vmmov $0xfff;
	v21 =	vimm.s32 $0x98765400;
	vm10 =	vmmov $0x1f;
	s31 =	sadd.s32 s7, s2;
	[dreg:$0x1b] =	wrdreg s28  }
0x36: {  	vm12 =	vmmov $0x7f;
	v22 =	vimm.s32 $0x7060504;
	v25 =	vimm.s32 $0xE400000;
	s3 =	sshrl.u32 s24, $0x2;
	s24 =	smax.u32 s4, $0x1;
	[dreg:$0xf] =	wrdreg s16  }
0x37: {  	vm3 =	vmmov $0x1ff;
	v26 =	vimm.s32 $0xFEDCBA98;
	v30 =	vimm.s32 $0x6050400;
	s5 =	sshll.u32 s6, $0xC;
	s2 =	sadd.s32 s3, s8;
	[smem:$0x7D8] =	sst s24  }
0x38: {  	v31 =	vimm.s32 $0x2;
	v54 =	vimm.s32 $0x0;
	v55 =	vimm.s32 $0x0;
	s3 =	sadd.s32 s5, s9;
	[dreg:$0x1e] =	wrdreg s2  }
0x39: {  	v56 =	vimm.s32 $0x0;
	v57 =	vimm.s32 $0x0;
	v58 =	vimm.s32 $0x0;
	[dreg:$0x1f] =	wrdreg s3  }
0x3a: {  	v59 =	vimm.s32 $0x0;
	v10 =	vimm.s32 $0xFFFEDCBA;
	v11 =	vimm.s32 $0xCBA98765;
	[dreg:$0x10] =	wrdreg s17  }
0x3b: {  	s30 =	simm.s32 $0x6400;
	v36 =	vmov s6;
	p0 =	seq.s32 s6, $0xF;
	v10 =	vunpack.c.l.s4.s8 v10;
	v11 =	vunpack.c.l.s4.s8 v11;
	[dreg:$0x11] =	wrdreg s18  }
0x3c: {  	v7 =	vunpack.c.l.s4.s8 v4;
	v12 =	vunpack.c.l.s4.s8 v12;
	v28 =	vunpack.c.0.s8.s32 v18;
	p2 =	sgt.u32 s6, $0xD;
	p3 =	sgt.u32 s6, $0xC;
	[dreg:$0xe] =	wrdreg s7  }
0x3d: {  	p4 =	sgt.u32 s6, $0xB;
	p5 =	sgt.u32 s6, $0xA;
	v24 =	vunpack.c.0.s8.s32 v10;
	v15 =	vunpack.c.0.s8.s32 v11;
	v10 =	vimm.s32 $0xA9876543;
	[dreg:$0x13] =	wrdreg s19  }
0x3e: {  	v18 =	vimm.s32 $0xA9876540;
	p6 =	sgt.u32 s6, $0x9;
	s29 =	sadd.s32 s7, s1;
	v11 =	vunpack.c.0.s8.s32 v12;
	v12 =	vunpack.c.l.s4.s8 v10;
	[dreg:$0x1c] =	wrdreg s31  }
0x3f: {  	v22 =	vunpack.c.0.s8.s32 v22;
	v25 =	vunpack.c.l.s2.s4 v25;
	v10 =	vand.u32 $0xF, v15;
	s0 =	sshrl.u32 s5, $0x2;
	s5 =	sadd.s32 $0x800, s2;
	[dreg:$0x1d] =	wrdreg s29  }
0x40: {  	v10 =	vcombine.low v11, v10;
	v11 =	vunpack.c.0.s8.s32 v12;
	v12 =	vimm.s32 $0xBA987654;
	s20 =	sshrl.u32 s7, $0x2;
	s24 =	sadd.s32 $0xFFFFFFF8, s31;
	[smem:$0x7E8] =	sst s5  }
0x41: {  	v7 =	vunpack.c.0.s8.s32 v7;
	v13 =	vimm.s32 $0xE0D0C0B;
	s22 =	sshll.u32 s6, $0x4;
	v12 =	vunpack.c.l.s4.s8 v12;
	s0 =	sadd.s32 s0, s10;
	[smem:$0x7F4] =	sst s24  }
0x42: {  	v25 =	vunpack.c.l.s4.s8 v25;
	v27 =	vunpack.c.0.s8.s32 v13;
	v13 =	vimm.s32 $0x32100000;
	s25 =	smul.u32 $0x4E20, s6;
	s21 =	sadd.s32 s20, s11;
	[smem:$0x7D4] =	sst s0  }
0x43: {  	s26 =	smul.u32 $0xFA0, s6;
	v13 =	vunpack.c.l.s4.s8 v13;
	s23 =	sadd.s32 s22, s15;
	[smem:$0x7D5] =	sst s21;
	v14 =	vunpack.c.0.s8.s32 v12;
	v12 =	vimm.s32 $0x39000  }
0x44: {  	p1 =	sgt.u32 s6, $0x7;
	v26 =	vunpack.c.l.s4.s8 v26;
	v5 =	vimm.s32 $0x1;
	s28 =	smul.u32 $0x3E8, s6;
	[smem:$0x7D6] =	sst s23;
	v12 =	vunpack.c.l.s2.s4 v12  }
0x45: {  	v7 =	vcombine.low v7, v23;
	v25 =	vunpack.c.0.s8.s32 v25;
	s11 =	sadd.s32 $0x3000, s2;
	s15 =	sadd.s32 $0x3800, s2;
	[smem:$0x7DA] =	sst s25;
	v13 =	vunpack.c.0.s8.s32 v13  }
0x46: {  	v23 =	vnsel vm13, $0xF, v23;
	s20 =	sadd.s32 $0x4800, s2;
	s5 =	simm.s32 $0xF400;
	[smem:$0x7DB] =	sst s26;
	v16 =	vand.u32 $0xF, v14;
	v20 =	vunpack.c.l.s4.s8 v12  }
0x47: {  	s24 =	simm.s32 $0x5C00;
	s0 =	sadd.s32 s22, s16;
	[smem:$0x7DE] =	sst s28;
	v12 =	vcombine.low v13, v16;
	v13 =	vnsel vm13, $0xF, v14;
	v14 =	vunpack.c.l.s4.s8 v18  }
0x48: {  	v19 =	vnsel vm13, $0xF, v19;
	s1 =	sadd.s32 s26, s9;
	s4 =	sadd.s32 s28, s10;
	[smem:$0x7ED] =	sst s11;
	v18 =	vimm.s32 $0xE4000;
	v16 =	vunpack.c.0.s8.s32 v20  }
0x49: {  	s9 =	sadd.s32 $0x2000, s2;
	s10 =	sadd.s32 $0x2800, s2;
	[smem:$0x7EE] =	sst s15;
	v18 =	vunpack.c.l.s2.s4 v18;
	v14 =	vunpack.c.0.s8.s32 v14;
	v20 =	vimm.s32 $0x390000  }
0x4a: {  	vm2 =	vcmask $0x3F24;
	s16 =	sadd.s32 $0x4000, s2;
	[smem:$0x7F0] =	sst s20;
	s21 =	sadd.s32 $0x800, s3;
	v20 =	vunpack.c.l.s2.s4 v20;
	v16 =	vand.u32 $0x3, v16  }
0x4b: {  	s22 =	sadd.s32 s7, s12;
	s23 =	sadd.s32 s7, s14;
	[smem:$0x7D7] =	sst s0;
	v18 =	vunpack.c.l.s4.s8 v18;
	v14 =	vsel vm2, v14, v16;
	v16 =	vimm.s32 $0xF0F0E0D  }
0x4c: {  	s26 =	sadd.s32 s7, s18;
	s28 =	sadd.s32 s7, s19;
	[smem:$0x7EB] =	sst s9;
	v20 =	vunpack.c.l.s4.s8 v20;
	v29 =	vunpack.c.0.s8.s32 v16;
	v16 =	vunpack.c.l.s4.s8 v21  }
0x4d: {  	v9 =	vimm.s32 $0x98765432;
	v25 =	vand.u32 $0x3, v25;
	s12 =	simm.s32 $0x10400;
	s0 =	simm.s32 @!p0 $0x0;
	[smem:$0x7EC] =	sst s10;
	v18 =	vunpack.c.0.s8.s32 v18  }
0x4e: {  	v9 =	vunpack.c.l.s4.s8 v9;
	s14 =	simm.s32 $0x1;
	[smem:$0x7EF] =	sst s16;
	s0 =	simm.s32 @p0 $0x1;
	v20 =	vunpack.c.0.s8.s32 v20;
	v16 =	vunpack.c.0.s8.s32 v16  }
0x4f: {  	s15 =	simm.s32 $0x1800;
	[smem:$0x7D9] =	sst s0;
	s0 =	sadd.s32 s25, s8;
	vm2 =	vcmask $0x3F28;
	v21 =	vimm.s32 $0xE40000;
	v18 =	vand.u32 $0x3, v18  }
0x50: {  	s18 =	simm.s32 $0x2800;
	[smem:$0x7F1] =	sst s21;
	s0 =	sshrl.u32 s0, $0x3;
	v16 =	vsel vm2, v16, v18;
	v18 =	vand.u32 $0x3, v20;
	v20 =	vimm.s32 $0x4070605  }
0x51: {  	s19 =	simm.s32 $0x3000;
	[smem:$0x7DC] =	sst s0;
	s0 =	sshrl.u32 s4, $0x3;
	v21 =	vunpack.c.l.s2.s4 v21;
	vm2 =	vcmask $0x2B00;
	v20 =	vunpack.c.0.s8.s32 v20  }
0x52: {  	v9 =	vunpack.c.0.s8.s32 v9;
	s20 =	simm.s32 $0x3400;
	[smem:$0x7DF] =	sst s0;
	s0 =	simm.s32 @!p1 $0x0;
	v18 =	vnsel vm2, $0x8, v18;
	vm2 =	vcmask $0x3B2C  }
0x53: {  	[smem:$0x7F2] =	sst s22;
	s0 =	simm.s32 @p1 $0x1;
	p1 =	sgt.u32 s6, $0x6;
	v18 =	vsel vm2, v20, v18;
	v20 =	vunpack.c.l.s4.s8 v21;
	v21 =	vimm.s32 $0x3900000  }
0x54: {  	v17 =	vnsel vm13, $0xF, v17;
	v9 =	vcombine.low v9, v24;
	s3 =	simm.s32 $0x6C00;
	[smem:$0x7E0] =	sst s0;
	s0 =	simm.s32 @!p1 $0x0;
	v21 =	vunpack.c.l.s2.s4 v21  }
0x55: {  	v15 =	vnsel vm13, $0xF, v15;
	v11 =	vnsel vm13, $0xF, v11;
	[smem:$0x7F3] =	sst s23;
	s0 =	simm.s32 @p1 $0x1;
	p1 =	sgt.u32 s6, $0x5;
	v20 =	vunpack.c.0.s8.s32 v20  }
0x56: {  	v24 =	vnsel vm13, $0xF, v24;
	s11 =	simm.s32 $0xAC00;
	v11 =	vsel vm6, v27, v11;
	[smem:$0x7E1] =	sst s0;
	s0 =	simm.s32 @!p1 $0x0;
	v21 =	vunpack.c.l.s4.s8 v21  }
0x57: {  	[smem:$0x7F6] =	sst s26;
	v13 =	vsel vm6, v28, v13;
	s0 =	simm.s32 @p1 $0x1;
	p1 =	sgt.u32 s6, $0x4;
	vm2 =	vcmask $0x3F30;
	v20 =	vand.u32 $0x3, v20  }
0x58: {  	s1 =	sshrl.u32 s1, $0x3;
	[smem:$0x7E2] =	sst s0;
	s0 =	simm.s32 @!p1 $0x0;
	v21 =	vunpack.c.0.s8.s32 v21;
	v20 =	vsel vm2, v22, v20;
	v22 =	vunpack.c.0.s8.s32 v26  }
0x59: {  	[smem:$0x7F7] =	sst s28;
	v15 =	vsel vm6, v29, v15;
	vm6 =	vmmov $0x3f;
	s0 =	simm.s32 @p1 $0x1;
	p1 =	sgt.u32 s6, $0x3;
	v26 =	vunpack.c.0.s8.s32 v30  }
0x5a: {  	s16 =	simm.s32 $0x2000;
	[smem:$0x7E3] =	sst s0;
	s0 =	simm.s32 @!p1 $0x0;
	vm2 =	vcmask $0x3F34;
	v30 =	vand.u32 $0x3, v21;
	v21 =	vnsel vm13, $0xF, v22  }
0x5b: {  	s21 =	simm.s32 $0x3200;
	s0 =	simm.s32 @p1 $0x1;
	p1 =	sgt.u32 s6, $0x2;
	vm13 =	vmmov vm3;
	v22 =	vsel vm2, v26, v30;
	v26 =	vimm.s32 $0x39000000  }
0x5c: {  	s22 =	simm.s32 $0x1000;
	[smem:$0x7E4] =	sst s0;
	s0 =	simm.s32 @!p1 $0x0;
	vm3 =	vgt.u32 v36, v0;
	v30 =	vimm.s32 $0xE4000000;
	v26 =	vunpack.c.l.s2.s4 v26  }
0x5d: {  	s23 =	simm.s32 $0x5400;
	s0 =	simm.s32 @p1 $0x1;
	p1 =	sgt.u32 s6, $0x1;
	vm2 =	vcmask $0x3700;
	v36 =	vsel vm3, $0xFFFFFFFF, v54;
	v30 =	vunpack.c.l.s2.s4 v30  }
0x5e: {  	s9 =	simm.s32 $0x9C00;
	[smem:$0x7E5] =	sst s0;
	s0 =	simm.s32 @!p1 $0x0;
	v25 =	vnsel vm2, $0x5, v25;
	v31 =	vsel vm2, $0x0, v31;
	v26 =	vunpack.c.l.s4.s8 v26  }
0x5f: {  	p0 =	sgt.u32 s6, $0x8;
	s8 =	sadd.s32 $0x1800, s2;
	s0 =	simm.s32 @p1 $0x1;
	vm2 =	vcmask $0x3B38;
	[tilespmem:$0x1FF60] =	vst v36;
	v36 =	vsel vm6, $0xFFFFFFFF, v55;
	v30 =	vunpack.c.l.s4.s8 v30  }
0x60: {  	p1 =	seq.s32 s6, $0x0;
	s6 =	sadd.s32 $0x1000, s2;
	s2 =	simm.s32 @!p2 $0x0;
	v25 =	vsel vm2, $0x4, v25;
	[tilespmem:$0x1FF70] =	vst v36;
	v36 =	vsel vm12, $0xFFFFFFFF, v56;
	v32 =	vunpack.c.0.s8.s32 v26  }
0x61: {  	s10 =	simm.s32 $0xA400;
	[smem:$0x7DD] =	sst s1;
	s2 =	simm.s32 @p2 $0x1;
	v26 =	vsel vm2, $0x1, v31;
	vm2 =	vcmask $0xF00;
	v53 =	vunpack.c.0.s8.s32 v30  }
0x62: {  	s26 =	simm.s32 $0x0;
	[smem:$0x7F8] =	sst s2;
	s2 =	simm.s32 @!p3 $0x0;
	v27 =	vnsel vm2, $0xF, v27;
	v28 =	vnsel vm2, $0xF, v28;
	v29 =	vnsel vm2, $0xF, v29  }
0x63: {  	s1 =	simm.s32 $0x800;
	[smem:$0x7EA] =	sst s8;
	s2 =	simm.s32 @p3 $0x1;
	vm2 =	vcmask $0x3B00;
	v31 =	vand.u32 $0x3, v32;
	v32 =	vimm.s32 $0xF  }
0x64: {  	s25 =	sadd.s32 s7, s17;
	[smem:$0x7F9] =	sst s2;
	s2 =	simm.s32 @!p4 $0x0;
	v33 =	vsel vm2, $0x0, v5;
	v34 =	vsel vm0, $0xE, v32;
	vm0 =	vmmov $0x7fff  }
0x65: {  	s17 =	simm.s32 $0x7C00;
	[smem:$0x7F5] =	sst s25;
	s2 =	simm.s32 @p4 $0x1;
	[tilespmem:$0x1FF80] =	vst v36;
	v30 =	vnsel vm2, $0x4, v31;
	vm2 =	vmmov $0x1;
	v36 =	vsel vm0, $0xFFFFFFFF, v57  }
0x66: {  	v60 =	vimm.s32 $0x0;
	v1 =	vor.u32 s7, v0;
	s7 =	simm.s32 $0x8C00;
	[smem:$0x7FA] =	sst s2;
	s2 =	simm.s32 @!p5 $0x0;
	[tilespmem:$0x1FF90] =	vst v36;
	v36 =	vsel vm2, $0xFFFFFFFF, v58  }
0x67: {  	v61 =	vimm.s32 $0x0;
	vm1 =	vmmov $0x3;
	s8 =	simm.s32 $0xEC00;
	[smem:$0x7E6] =	sst s0;
	s2 =	simm.s32 @p5 $0x1;
	[tilespmem:$0x1FFA0] =	vst v36;
	v36 =	vsel vm15, $0xFFFFFFFF, v59  }
0x68: {  	v17 =	vsel vm5, $0xE, v17;
	vm5 =	vmmov $0xff;
	s25 =	simm.s32 $0x8400;
	[smem:$0x7FB] =	sst s2;
	s2 =	simm.s32 @!p6 $0x0;
	[tilespmem:$0x1FFB0] =	vst v36;
	v36 =	vsel vm1, $0xFFFFFFFF, v60  }
0x69: {  	vm9 =	vmmov $0x7ff;
	v62 =	vimm.s32 $0x0;
	s0 =	simm.s32 @!p1 $0x0;
	[smem:$0x7E9] =	sst s6;
	s2 =	simm.s32 @p6 $0x1;
	[tilespmem:$0x1FFC0] =	vst v36;
	v36 =	vsel vm5, $0xFFFFFFFF, v61  }
0x6a: {  	vm14 =	vmmov $0x3ff;
	v63 =	vimm.s32 $0x0;
	s0 =	simm.s32 @p1 $0x1;
	[smem:$0x7FC] =	sst s2;
	s2 =	simm.s32 @!p0 $0x0;
	[tilespmem:$0x1FFD0] =	vst v36;
	v36 =	vsel vm13, $0xFFFFFFFF, v62  }
0x6b: {  	v35 =	vimm.s32 $0x7;
	v4 =	vimm.s32 $0x0;
	s4 =	simm.s32 $0x7400;
	[smem:$0x7E7] =	sst s0;
	s2 =	simm.s32 @p0 $0x1;
	[tilespmem:$0x1FFE0] =	vst v36;
	v36 =	vsel vm14, $0xFFFFFFFF, v63  }
0x6c: {  	v3 =	vimm.f32 $0.0e+00;
	v2 =	vor.u32 $0xFFFFFFF8, v0;
	s6 =	simm.s32 $0x9400;
	s0 =	simm.s32 $0xFC00;
	[smem:$0x7FD] =	sst s2;
	v31 =	vand.u32 $0x3, v53;
	[tilespmem:$0x1FFF0] =	vst v36  }
.LBB3_1:
0x6d: {  	p1 =	por $0x1, $0x1  }
0x6e: {  	s2 =	simm.s32 @!p1 $0x0  }
0x6f: {  	[smem:$0x7D2] =	sst s26;
	s2 =	simm.s32 @p1 $0x1  }
0x70: {  	[smem:$0x7D3] =	sst s2;
	s2 =	simm.s32 $0x0  }
.LBB3_2:
0x71: {  	s28 =	rddreg [dreg:$0x1b]  }
0x72: {  	s26 =	simm.s32 $0x0;
	v63 =	vld [tilespmem:$0x1FF40];
	s28 =	sor.u32 s28, s2;
	s2 =	sld [smem:$0x7D3]  }
0x73: {  	v36 =	vor.u32 s26, v0  }
0x74: {  	v38 =	vand.u32 v2, v36  }
0x75: {  	v37 =	vmov s28;
	p1 =	seq.s32 s2, $0x1  }
0x76: {  	v40 =	vmov v38;
	s2 =	simm.s32 @!p1 $0x0  }
0x77: {  	v39 =	vmov v38;
	vm0 =	vnez.u8 v63;
	s2 =	simm.s32 @p1 $0x1  }
0x78: {  	v36 =	vnsel vm0, $0xFFFFFFFF, v37;
	v37 =	vmov v38;
	[smem:$0x7D1] =	sst s2;
	s2 =	simm.s32 $0x10  }
.LBB3_3:
0x79: {  	v41 =	vor.u32 s2, v0;
	[tilespmem:v38+s5+$0x0] =	vst.idx.msk $0xffff, v3;
	p1 =	sne.s32 s2, $0x7F0  }
.Ltmp0:
0x7a: {  	v38 =	vand.u32 v2, v41;
	(pc) =	sbr.rel @p1 .LBB3_3-.Ltmp0, $4  }
0x7b: {  	[tilespmem:v40+s0+$0x0] =	vst.idx.msk $0xffff, v4;
	v40 =	vmov v38  }
0x7c: {  	[tilespmem:v39+s8+$0x0] =	vst.idx.msk $0xffff, v5;
	v39 =	vmov v38  }
0x7d: {  	v41 =	vor.u32 s26, v1;
	s26 =	smov.u32 s2;
	[tilespmem:v37+s12+$0x0] =	vst.idx.msk $0xffff, v36  }
0x7e: {  	s2 =	sadd.s32 $0x10, s2;
	[tilespmem:v37+s1+$0x0] =	vst.idx.msk $0xffff, v41;
	v37 =	vmov v38  }
0x7f: {  	_ =	sdelay $0x3  }
0x80: {  	[tilespmem:v38+s5+$0x0] =	vst.idx.msk $0xffff, v3;
	[smem:$0x7CF] =	sst s28  }
0x81: {  	s2 =	sshll.u32 s28, $0xF;
	s28 =	rddreg [dreg:$0xe];
	[tilespmem:v40+s0+$0x0] =	vst.idx.msk $0xffff, v4  }
0x82: {  	s2 =	sor.u32 s28, s2;
	[tilespmem:v39+s8+$0x0] =	vst.idx.msk $0xffff, v5  }
0x83: {  	v63 =	vor.u32 s26, v1;
	s28 =	rddreg [dreg:$0x14];
	s2 =	sshrl.u32 s2, $0x3;
	[tilespmem:v37+s12+$0x0] =	vst.idx.msk $0xffff, v36  }
0x84: {  	[smem:$0x7D0] =	sst s2;
	s2 =	sadd.s32 s28, s2;
	s28 =	simm.s32 $0x0;
	[tilespmem:v37+s1+$0x0] =	vst.idx.msk $0xffff, v63  }
0x85: {  	[tilespmem:s28], [sflag:$0x1] =	stream.linear.gather [hbm4b:s2+s28], $0x800, $0x38;
	[tilespmem:$0x1AC48] =	vst v63  }
0x86: {  	_ =	swait.ge [sflag:s14], $0x800  }
0x87: {  	[sflag:s14] =	ssyncset.done $0x0  }
0x88: {  	[sflag:s14] =	ssyncadd.s32 $0xFFFFF800  }
0x89: {  	[spmem:s31] =	stream.linear.scatter [tilespmem:s28], [sflag:$0x1], $0x800, $0x38;
	[tilespmem:$0x1AC48] =	vst v63  }
0x8a: {  	_ =	swait.ge [sflag:s14], $0x800  }
0x8b: {  	[sflag:s14] =	ssyncset.done $0x0  }
0x8c: {  	[sflag:s14] =	ssyncadd.s32 $0xFFFFF800  }
0x8d: {  	[spmem:s29] =	stream.linear.scatter [tilespmem:s1], [sflag:$0x1], $0x800, $0x38;
	[tilespmem:$0x1AC48] =	vst v63  }
0x8e: {  	_ =	swait.ge [sflag:s14], $0x800  }
0x8f: {  	[sflag:s14] =	ssyncset.done $0x0  }
0x90: {  	s28 =	rddreg [dreg:$0x1e];
	[sflag:s14] =	ssyncadd.s32 $0xFFFFF800  }
0x91: {  	[spmem:s28] =	stream.linear.scatter [tilespmem:s5], [sflag:$0x1], $0x800, $0x38;
	[tilespmem:$0x1AC48] =	vst v63  }
0x92: {  	_ =	swait.ge [sflag:s14], $0x800  }
0x93: {  	s26 =	sld [smem:$0x7E8]  }
0x94: {  	[sflag:s14] =	ssyncset.done $0x0  }
0x95: {  	[sflag:s14] =	ssyncadd.s32 $0xFFFFF800  }
0x96: {  	[spmem:s26] =	stream.linear.scatter [tilespmem:s5], [sflag:$0x1], $0x800, $0x38;
	[tilespmem:$0x1AC48] =	vst v63  }
0x97: {  	_ =	swait.ge [sflag:s14], $0x800  }
0x98: {  	s28 =	sld [smem:$0x7E9]  }
0x99: {  	[sflag:s14] =	ssyncset.done $0x0  }
0x9a: {  	[sflag:s14] =	ssyncadd.s32 $0xFFFFF800  }
0x9b: {  	[spmem:s28] =	stream.linear.scatter [tilespmem:s5], [sflag:$0x1], $0x800, $0x38;
	[tilespmem:$0x1AC48] =	vst v63  }
0x9c: {  	_ =	swait.ge [sflag:s14], $0x800  }
0x9d: {  	s26 =	sld [smem:$0x7EA]  }
0x9e: {  	[sflag:s14] =	ssyncset.done $0x0  }
0x9f: {  	[sflag:s14] =	ssyncadd.s32 $0xFFFFF800  }
0xa0: {  	[spmem:s26] =	stream.linear.scatter [tilespmem:s5], [sflag:$0x1], $0x800, $0x38;
	[tilespmem:$0x1AC48] =	vst v63  }
0xa1: {  	_ =	swait.ge [sflag:s14], $0x800  }
0xa2: {  	s28 =	sld [smem:$0x7EB]  }
0xa3: {  	[sflag:s14] =	ssyncset.done $0x0  }
0xa4: {  	[sflag:s14] =	ssyncadd.s32 $0xFFFFF800  }
0xa5: {  	[spmem:s28] =	stream.linear.scatter [tilespmem:s5], [sflag:$0x1], $0x800, $0x38;
	[tilespmem:$0x1AC48] =	vst v63  }
0xa6: {  	_ =	swait.ge [sflag:s14], $0x800  }
0xa7: {  	s26 =	sld [smem:$0x7EC]  }
0xa8: {  	[sflag:s14] =	ssyncset.done $0x0  }
0xa9: {  	[sflag:s14] =	ssyncadd.s32 $0xFFFFF800  }
0xaa: {  	[spmem:s26] =	stream.linear.scatter [tilespmem:s5], [sflag:$0x1], $0x800, $0x38;
	[tilespmem:$0x1AC48] =	vst v63  }
0xab: {  	_ =	swait.ge [sflag:s14], $0x800  }
0xac: {  	s28 =	sld [smem:$0x7ED]  }
0xad: {  	[sflag:s14] =	ssyncset.done $0x0  }
0xae: {  	[sflag:s14] =	ssyncadd.s32 $0xFFFFF800  }
0xaf: {  	[spmem:s28] =	stream.linear.scatter [tilespmem:s5], [sflag:$0x1], $0x800, $0x38;
	[tilespmem:$0x1AC48] =	vst v63  }
0xb0: {  	_ =	swait.ge [sflag:s14], $0x800  }
0xb1: {  	s26 =	sld [smem:$0x7EE]  }
0xb2: {  	[sflag:s14] =	ssyncset.done $0x0  }
0xb3: {  	[sflag:s14] =	ssyncadd.s32 $0xFFFFF800  }
0xb4: {  	[spmem:s26] =	stream.linear.scatter [tilespmem:s5], [sflag:$0x1], $0x800, $0x38;
	[tilespmem:$0x1AC48] =	vst v63  }
0xb5: {  	_ =	swait.ge [sflag:s14], $0x800  }
0xb6: {  	s28 =	sld [smem:$0x7EF]  }
0xb7: {  	[sflag:s14] =	ssyncset.done $0x0  }
0xb8: {  	[sflag:s14] =	ssyncadd.s32 $0xFFFFF800  }
0xb9: {  	[spmem:s28] =	stream.linear.scatter [tilespmem:s5], [sflag:$0x1], $0x800, $0x38;
	[tilespmem:$0x1AC48] =	vst v63  }
0xba: {  	_ =	swait.ge [sflag:s14], $0x800  }
0xbb: {  	s26 =	sld [smem:$0x7F0]  }
0xbc: {  	[sflag:s14] =	ssyncset.done $0x0  }
0xbd: {  	[sflag:s14] =	ssyncadd.s32 $0xFFFFF800  }
0xbe: {  	[spmem:s26] =	stream.linear.scatter [tilespmem:s5], [sflag:$0x1], $0x800, $0x38;
	[tilespmem:$0x1AC48] =	vst v63  }
0xbf: {  	_ =	swait.ge [sflag:s14], $0x800  }
0xc0: {  	[sflag:s14] =	ssyncset.done $0x0  }
0xc1: {  	s28 =	rddreg [dreg:$0x1f];
	[sflag:s14] =	ssyncadd.s32 $0xFFFFF800  }
0xc2: {  	[spmem:s28] =	stream.linear.scatter [tilespmem:s12], [sflag:$0x1], $0x800, $0x38;
	[tilespmem:$0x1AC48] =	vst v63  }
0xc3: {  	_ =	swait.ge [sflag:s14], $0x800  }
0xc4: {  	s26 =	sld [smem:$0x7F1]  }
0xc5: {  	[sflag:s14] =	ssyncset.done $0x0  }
0xc6: {  	[sflag:s14] =	ssyncadd.s32 $0xFFFFF800  }
0xc7: {  	[spmem:s26] =	stream.linear.scatter [tilespmem:s12], [sflag:$0x1], $0x800, $0x38;
	[tilespmem:$0x1AC48] =	vst v63  }
0xc8: {  	_ =	swait.ge [sflag:s14], $0x800  }
0xc9: {  	s28 =	sld [smem:$0x7D4]  }
0xca: {  	[sflag:s14] =	ssyncset.done $0x0  }
0xcb: {  	[sflag:s14] =	ssyncadd.s32 $0xFFFFF800  }
0xcc: {  	[spmem:s28] =	stream.linear.scatter [tilespmem:s0], [sflag:$0x1], $0x400, $0x38;
	[tilespmem:$0x1AC48] =	vst v63  }
0xcd: {  	_ =	swait.ge [sflag:s14], $0x400  }
0xce: {  	[sflag:s14] =	ssyncset.done $0x0  }
0xcf: {  	s26 =	simm.s32 $0x0;
	[sflag:s14] =	ssyncadd.s32 $0xFFFFFC00  }
.LBB3_5:
0xd0: {  	s2 =	simm.s32 $0x0  }
0xd1: {  	[tilespmem:s2], [sflag:$0x1] =	stream.linear.gather [spmem:s31], $0x800, $0x38;
	[tilespmem:$0x1AC48] =	vst v63  }
0xd2: {  	_ =	swait.ge [sflag:s14], $0x800  }
0xd3: {  	[sflag:s14] =	ssyncset.done $0x0  }
0xd4: {  	[sflag:s14] =	ssyncadd.s32 $0xFFFFF800  }
0xd5: {  	[tilespmem:s1], [sflag:$0x1] =	stream.linear.gather [spmem:s29], $0x800, $0x38;
	[tilespmem:$0x1AC48] =	vst v63  }
0xd6: {  	_ =	swait.ge [sflag:s14], $0x800  }
0xd7: {  	[sflag:s14] =	ssyncset.done $0x0  }
0xd8: {  	[sflag:s14] =	ssyncadd.s32 $0xFFFFF800  }
0xd9: {  	[tilespmem:$0x3000] =	vst v4  }
0xda: {  	[tilespmem:$0x3010] =	vst v4  }
0xdb: {  	[tilespmem:$0x3020] =	vst v4  }
0xdc: {  	[tilespmem:$0x3030] =	vst v4  }
0xdd: {  	[tilespmem:$0x3040] =	vst v4  }
0xde: {  	[tilespmem:$0x3050] =	vst v4  }
0xdf: {  	[tilespmem:$0x3060] =	vst v4  }
0xe0: {  	[tilespmem:$0x3070] =	vst v4  }
0xe1: {  	[tilespmem:$0x3080] =	vst v4  }
0xe2: {  	[tilespmem:$0x3090] =	vst v4  }
0xe3: {  	[tilespmem:$0x30A0] =	vst v4  }
0xe4: {  	[tilespmem:$0x30B0] =	vst v4  }
0xe5: {  	[tilespmem:$0x30C0] =	vst v4  }
0xe6: {  	[tilespmem:$0x30D0] =	vst v4  }
0xe7: {  	[tilespmem:$0x30E0] =	vst v4  }
0xe8: {  	[tilespmem:$0x30F0] =	vst v4  }
0xe9: {  	[tilespmem:$0x3100] =	vst v4  }
0xea: {  	[tilespmem:$0x3110] =	vst v4  }
0xeb: {  	[tilespmem:$0x3120] =	vst v4  }
0xec: {  	[tilespmem:$0x3130] =	vst v4  }
0xed: {  	[tilespmem:$0x3140] =	vst v4  }
0xee: {  	[tilespmem:$0x3150] =	vst v4  }
0xef: {  	[tilespmem:$0x3160] =	vst v4  }
0xf0: {  	[tilespmem:$0x3170] =	vst v4  }
0xf1: {  	[tilespmem:$0x3180] =	vst v4  }
0xf2: {  	[tilespmem:$0x3190] =	vst v4  }
0xf3: {  	[tilespmem:$0x31A0] =	vst v4  }
0xf4: {  	v36 =	vor.u32 s2, v0;
	[tilespmem:$0x31B0] =	vst v4  }
0xf5: {  	[tilespmem:$0x31C0] =	vst v4  }
0xf6: {  	[tilespmem:$0x31D0] =	vst v4  }
0xf7: {  	[tilespmem:$0x31E0] =	vst v4  }
0xf8: {  	[tilespmem:$0x31F0] =	vst v4  }
0xf9: {  	v37 =	vld.idx.msk [tilespmem:v36+s13+$0x0], $0xffff;
	_ =	sdelay $0x1  }
0xfa: {  	s29 =	smul.u32 $0x9, s26;
	_ =	sdelay $0x1  }
0xfb: {  	v38 =	vmov s29  }
0xfc: {  	v37 =	vshra.s32 v37, v38  }
0xfd: {  	v37 =	vand.u32 $0x1FF, v37  }
0xfe: {  	v39 =	vperm.xlane v37, v6  }
0xff: {  	v40 =	vperm.xlane v37, v8;
	v41 =	vperm.xlane v37, v7  }
0x100: {  	v42 =	vperm.xlane v37, v4;
	v43 =	vperm.xlane v37, v9  }
0x101: {  	v57 =	vld [tilespmem:$0x1FF90];
	v45 =	vperm.xlane v37, v32;
	v56 =	vperm.xlane v37, v33  }
0x102: {  	v47 =	vperm.xlane v37, v24;
	v60 =	vperm.xlane v37, v11  }
0x103: {  	vm0 =	veq.s32 v0, $0x0;
	v48 =	vperm.xlane v37, v12;
	v49 =	vperm.xlane v37, v14  }
0x104: {  	vm2 =	veq.s32 v0, $0xF;
	v59 =	vld [tilespmem:$0x1FF50];
	v63 =	vperm.xlane v37, v10;
	v52 =	vperm.xlane v37, v30  }
0x105: {  	v53 =	vperm.xlane v37, v18;
	v51 =	vperm.xlane v37, v22;
	v44 =	vsel vm0, $0xFFFFFFFF, v39  }
0x106: {  	v55 =	vsel vm1, $0xFFFFFFFF, v40;
	v41 =	vsel vm2, $0xFFFFFFFE, v41;
	vm0 =	vnez.u8 v57  }
0x107: {  	v62 =	vld [tilespmem:$0x1FFA0];
	v49 =	vsel vm10, $0xFFFFFFFF, v49;
	v54 =	vsel vm15, $0xFFFFFFFF, v48;
	v48 =	vperm.xlane v37, v25  }
0x108: {  	v57 =	vperm.xlane v37, v23;
	vm2 =	veq.s32 v55, v37;
	v39 =	vsel vm0, $0xFFFFFFFF, v42  }
0x109: {  	vm3 =	veq.s32 v41, v37;
	vm0 =	vnez.u8 v59;
	v42 =	vperm.xlane v37, v26  }
0x10a: {  	v55 =	vperm.xlane v37, v20;
	v58 =	vsel vm2, $0x1, v4;
	v40 =	vsel vm0, $0xFFFFFFFF, v56  }
0x10b: {  	vm2 =	veq.s32 v44, v37;
	v46 =	vsel vm3, $0x1, v4;
	v43 =	vnsel vm0, $0xFFFFFFFE, v43  }
0x10c: {  	vm0 =	vnez.u8 v62;
	vm3 =	veq.s32 v54, v37;
	v54 =	vsel vm13, $0xFFFFFFFF, v51  }
0x10d: {  	v51 =	vperm.xlane v37, v21;
	v57 =	vnsel vm12, $0xFFFFFFFE, v57;
	v44 =	vsel vm2, $0x1, v4  }
0x10e: {  	vm2 =	veq.s32 v43, v37;
	v41 =	vnsel vm0, $0xFFFFFFFE, v45;
	v43 =	vnsel vm8, $0xFFFFFFFE, v60  }
0x10f: {  	v56 =	vsel vm3, $0x1, v4;
	vm3 =	veq.s32 v49, v37;
	v60 =	vsel vm9, $0xFFFFFFFF, v52  }
0x110: {  	v55 =	vsel vm5, $0xFFFFFFFF, v55;
	v52 =	vperm.xlane v37, v19;
	vm4 =	veq.s32 v57, v37  }
0x111: {  	v50 =	vadd.s32 v44, v58;
	v61 =	vsel vm2, $0x1, v4;
	v44 =	vperm.xlane v37, v31  }
0x112: {  	vm2 =	veq.s32 v43, v37;
	v58 =	vsel vm7, $0xFFFFFFFF, v63;
	v45 =	vsel vm3, $0x1, v4  }
0x113: {  	vm3 =	veq.s32 v60, v37;
	v63 =	vsel vm12, $0xFFFFFFFF, v53;
	v53 =	vnsel vm6, $0xFFFFFFFE, v47  }
0x114: {  	vm15 =	veq.s32 v55, v37;
	v47 =	vperm.xlane v37, v34;
	v46 =	vadd.s32 v46, v61  }
0x115: {  	v59 =	vsel vm2, $0x1, v4;
	vm2 =	veq.s32 v58, v37;
	v61 =	vperm.xlane v37, v13  }
0x116: {  	v43 =	vsel vm3, $0x1, v4;
	vm3 =	veq.s32 v54, v37;
	v49 =	vadd.s32 v59, v46  }
0x117: {  	v62 =	vsel vm2, $0x1, v4;
	vm2 =	veq.s32 v63, v37;
	v63 =	vperm.xlane v37, v17  }
0x118: {  	v58 =	vnsel vm11, $0xFFFFFFFE, v61;
	v50 =	vadd.s32 v62, v50;
	v46 =	vsel vm2, $0x1, v4  }
0x119: {  	v61 =	vperm.xlane v37, v15;
	v62 =	vperm.xlane v37, v16;
	v60 =	vadd.s32 v56, v50  }
0x11a: {  	vm2 =	veq.s32 v58, v37;
	v55 =	vnsel vm14, $0xFFFFFFFE, v63;
	vm14 =	vmmov vm6  }
0x11b: {  	v50 =	vadd.s32 v45, v60;
	v59 =	vnsel vm9, $0xFFFFFFFE, v61;
	v56 =	vsel vm6, $0xFFFFFFFF, v62  }
0x11c: {  	s31 =	simm.s32 $0x10;
	v45 =	vsel vm3, $0x1, v4;
	v54 =	vsel vm2, $0x1, v4;
	vm3 =	veq.s32 v59, v37  }
.LBB3_6:
0x11d: {  	vm2 =	veq.s32 v56, v37;
	v56 =	vsel vm4, $0x1, v4;
	v57 =	vsel vm3, $0x1, v4  }
0x11e: {  	v60 =	vld [tilespmem:$0x1FFD0];
	vm4 =	veq.s32 v55, v37;
	vm1 =	vmmov vm9;
	vm12 =	vmmov vm10  }
0x11f: {  	vm10 =	vmmov vm8;
	vm9 =	vmmov vm7;
	vm7 =	veq.s32 v53, v37  }
0x120: {  	v61 =	vld [tilespmem:$0x1FFF0];
	v49 =	vadd.s32 v54, v49;
	v63 =	vperm.xlane v37, v27;
	v58 =	vperm.xlane v37, v29  }
0x121: {  	v62 =	vld [tilespmem:$0x1FF50];
	v53 =	vsel vm7, $0x1, v4;
	v49 =	vadd.s32 v57, v49;
	v44 =	vsel vm11, $0xFFFFFFFF, v44  }
0x122: {  	v42 =	vsel vm10, $0xFFFFFFFF, v42;
	v59 =	vsel vm2, $0x1, v4;
	v55 =	vnsel vm12, $0xFFFFFFFE, v63;
	v63 =	vld [tilespmem:$0x1FFB0]  }
0x123: {  	v50 =	vadd.s32 v59, v50;
	v58 =	vnsel vm9, $0xFFFFFFFE, v58;
	vm5 =	vnez.u8 v60;
	v60 =	vld [tilespmem:$0x1FFE0]  }
0x124: {  	vm2 =	veq.s32 v55, v37;
	v46 =	vadd.s32 v46, v50;
	v50 =	vsel vm15, $0x1, v4  }
0x125: {  	v55 =	vsel vm2, $0x1, v4;
	v46 =	vadd.s32 v50, v46;
	vm13 =	vnez.u8 v61  }
0x126: {  	vm8 =	vnez.u8 v62;
	v51 =	vnsel vm5, $0xFFFFFFFE, v51;
	v48 =	vsel vm13, $0xFFFFFFFF, v48  }
0x127: {  	v61 =	vperm.xlane v37, v28;
	vm3 =	veq.s32 v51, v37;
	vm6 =	veq.s32 v48, v37  }
0x128: {  	v48 =	vsel vm4, $0x1, v4;
	vm0 =	vnez.u8 v63;
	vm7 =	vnez.u8 v60  }
0x129: {  	vm4 =	veq.s32 v44, v37;
	v51 =	vsel vm6, $0x1, v4;
	v60 =	vld [tilespmem:$0x1FFC0];
	v52 =	vnsel vm7, $0xFFFFFFFE, v52  }
0x12a: {  	v54 =	vsel vm3, $0x1, v4;
	vm3 =	veq.s32 v52, v37;
	v52 =	vnsel vm0, $0xFFFFFFFE, v61  }
0x12b: {  	v48 =	vadd.s32 v48, v49;
	v63 =	vsel vm4, $0x1, v4;
	vm2 =	veq.s32 v52, v37  }
0x12c: {  	v62 =	vsel vm3, $0x1, v4;
	vm3 =	veq.s32 v58, v37;
	v49 =	vsel vm2, $0x1, v4  }
0x12d: {  	vm2 =	veq.s32 v42, v37;
	v59 =	vadd.s32 v62, v48;
	v62 =	vsel vm3, $0x1, v4  }
0x12e: {  	vm6 =	vnez.u8 v60;
	v61 =	vsel vm2, $0x1, v4;
	v42 =	vadd.s32 v54, v59  }
0x12f: {  	vm2 =	veq.s32 v40, v37;
	v40 =	vadd.s32 v45, v46;
	v47 =	vnsel vm6, $0xFFFFFFFE, v47  }
0x130: {  	v42 =	vadd.s32 v56, v42;
	v40 =	vadd.s32 v51, v40;
	vm3 =	veq.s32 v47, v37  }
0x131: {  	v42 =	vadd.s32 v53, v42;
	v51 =	vadd.s32 v43, v40;
	v53 =	vsel vm2, $0x1, v4  }
0x132: {  	vm2 =	veq.s32 v41, v37;
	v50 =	vsel vm3, $0x1, v4;
	v42 =	vadd.s32 v55, v42  }
0x133: {  	vm3 =	veq.s32 v39, v37;
	v39 =	vadd.s32 v63, v51;
	v42 =	vadd.s32 v49, v42  }
0x134: {  	v57 =	vsel vm2, $0xFFFFFFFF, v4;
	v39 =	vadd.s32 v61, v39;
	v55 =	vadd.s32 v62, v42  }
0x135: {  	v54 =	vsel vm3, $0x1, v4;
	v39 =	vadd.s32 v53, v39;
	v56 =	vadd.s32 v50, v55  }
0x136: {  	[tilespmem:v36+s15+$0x0] =	vst.idx.msk $0xffff, v37;
	v39 =	vadd.s32 v54, v39;
	vm2 =	veq.s32 v56, v57  }
0x137: {  	[tilespmem:v36+s16+$0x0] =	vst.idx.msk $0xffff, v39;
	v40 =	vsel vm2, $0x1, v4  }
0x138: {  	[tilespmem:v36+s18+$0x0] =	vst.idx.msk $0xffff, v40  }
0x139: {  	v40 =	vld.idx.msk [tilespmem:v37+s19+$0x0], $0xffff;
	_ =	sdelay $0x1  }
0x13a: {  	s2 =	smov.u32 s31  }
0x13b: {  	v36 =	vor.u32 s2, v0;
	_ =	sdelay $0x1  }
0x13c: {  	v39 =	vadd.s32 v40, v39  }
0x13d: {  	v39 =	vadd.s32 $0x1, v39  }
0x13e: {  	[tilespmem:v37+s19+$0x0] =	vst.idx.msk vm2, v39  }
0x13f: {  	v37 =	vld.idx.msk [tilespmem:v36+s13+$0x0], $0xffff;
	_ =	sdelay $0x4  }
0x140: {  	v54 =	vld [tilespmem:$0x1FF90];
	v37 =	vshra.s32 v37, v38  }
0x141: {  	v37 =	vand.u32 $0x1FF, v37  }
0x142: {  	v58 =	vperm.xlane v37, v6;
	v59 =	vperm.xlane v37, v8  }
0x143: {  	v60 =	vperm.xlane v37, v7;
	v61 =	vperm.xlane v37, v4  }
0x144: {  	v62 =	vperm.xlane v37, v9;
	v63 =	vperm.xlane v37, v32  }
0x145: {  	vm3 =	vnez.u8 v54;
	v53 =	vperm.xlane v37, v33;
	v42 =	vperm.xlane v37, v26  }
0x146: {  	vm2 =	veq.s32 v0, $0x0;
	v47 =	vperm.xlane v37, v24;
	v57 =	vperm.xlane v37, v11  }
0x147: {  	v48 =	vperm.xlane v37, v25;
	v51 =	vsel vm2, $0xFFFFFFFF, v58;
	v52 =	vsel vm6, $0xFFFFFFFF, v59  }
0x148: {  	vm2 =	veq.s32 v0, $0xF;
	v39 =	vsel vm3, $0xFFFFFFFF, v61;
	v40 =	vsel vm8, $0xFFFFFFFF, v53  }
0x149: {  	v43 =	vnsel vm8, $0xFFFFFFFE, v62;
	v59 =	vperm.xlane v37, v12;
	v61 =	vperm.xlane v37, v14  }
0x14a: {  	vm8 =	vmmov vm10;
	v53 =	vperm.xlane v37, v18;
	v41 =	vsel vm2, $0xFFFFFFFE, v60  }
0x14b: {  	vm2 =	veq.s32 v52, v37;
	v60 =	vperm.xlane v37, v30;
	vm3 =	veq.s32 v41, v37  }
0x14c: {  	v55 =	vsel vm2, $0x1, v4;
	vm2 =	veq.s32 v51, v37;
	v49 =	vsel vm12, $0xFFFFFFFF, v61  }
0x14d: {  	v62 =	vld [tilespmem:$0x1FFA0];
	v61 =	vperm.xlane v37, v22;
	v51 =	vperm.xlane v37, v21;
	v56 =	vsel vm3, $0x1, v4  }
0x14e: {  	v44 =	vsel vm2, $0x1, v4;
	vm2 =	veq.s32 v43, v37;
	v43 =	vnsel vm10, $0xFFFFFFFE, v57  }
0x14f: {  	vm10 =	vmmov vm12;
	v57 =	vperm.xlane v37, v23;
	v50 =	vadd.s32 v44, v55  }
0x150: {  	v58 =	vsel vm2, $0x1, v4;
	v44 =	vperm.xlane v37, v31;
	v55 =	vperm.xlane v37, v20  }
0x151: {  	v54 =	vsel vm7, $0xFFFFFFFF, v61;
	vm7 =	vmmov vm9;
	v46 =	vadd.s32 v56, v58  }
0x152: {  	vm2 =	vnez.u8 v62;
	v62 =	vsel vm0, $0xFFFFFFFF, v59;
	v59 =	vsel vm1, $0xFFFFFFFF, v60  }
0x153: {  	v60 =	vperm.xlane v37, v13;
	v41 =	vnsel vm2, $0xFFFFFFFE, v63;
	v63 =	vperm.xlane v37, v10  }
0x154: {  	vm2 =	veq.s32 v43, v37;
	vm3 =	veq.s32 v62, v37;
	v55 =	vsel vm5, $0xFFFFFFFF, v55  }
0x155: {  	v62 =	vld [tilespmem:$0x1FF80];
	v56 =	vsel vm3, $0x1, v4;
	vm3 =	veq.s32 v49, v37;
	v58 =	vsel vm2, $0x1, v4  }
0x156: {  	vm15 =	veq.s32 v55, v37;
	v63 =	vsel vm9, $0xFFFFFFFF, v63;
	v49 =	vadd.s32 v58, v46  }
0x157: {  	v45 =	vsel vm3, $0x1, v4;
	vm3 =	veq.s32 v59, v37;
	vm9 =	vmmov vm1  }
0x158: {  	vm2 =	veq.s32 v63, v37;
	v63 =	vnsel vm11, $0xFFFFFFFE, v60;
	v43 =	vsel vm3, $0x1, v4  }
0x159: {  	v60 =	vperm.xlane v37, v15;
	vm3 =	veq.s32 v54, v37;
	v61 =	vsel vm2, $0x1, v4  }
0x15a: {  	vm0 =	vnez.u8 v62;
	v50 =	vadd.s32 v61, v50;
	v61 =	vperm.xlane v37, v16  }
0x15b: {  	p1 =	sne.s32 s31, $0x7F0;
	v62 =	vperm.xlane v37, v17;
	v52 =	vsel vm0, $0xFFFFFFFF, v53;
	v53 =	vnsel vm14, $0xFFFFFFFE, v47  }
.Ltmp1:
0x15c: {  	v59 =	vadd.s32 v56, v50;
	v47 =	vperm.xlane v37, v34;
	v57 =	vnsel vm0, $0xFFFFFFFE, v57;
	(pc) =	sbr.rel @p1 .LBB3_6-.Ltmp1, $4  }
0x15d: {  	vm2 =	veq.s32 v52, v37;
	v52 =	vperm.xlane v37, v19;
	v50 =	vadd.s32 v45, v59  }
0x15e: {  	v56 =	vsel vm14, $0xFFFFFFFF, v61;
	v55 =	vnsel vm13, $0xFFFFFFFE, v62;
	v45 =	vsel vm3, $0x1, v4  }
0x15f: {  	v46 =	vsel vm2, $0x1, v4;
	vm2 =	veq.s32 v63, v37;
	v63 =	vnsel vm1, $0xFFFFFFFE, v60  }
0x160: {  	s31 =	sadd.s32 $0x10, s31;
	vm4 =	veq.s32 v57, v37;
	v54 =	vsel vm2, $0x1, v4;
	vm3 =	veq.s32 v63, v37  }
0x161: {  	vm0 =	veq.s32 v56, v37;
	v38 =	vld [tilespmem:$0x1FFD0];
	v60 =	vsel vm3, $0x1, v4  }
0x162: {  	v57 =	vld [tilespmem:$0x1FFF0];
	vm3 =	veq.s32 v55, v37;
	vm6 =	veq.s32 v53, v37;
	v49 =	vadd.s32 v54, v49  }
0x163: {  	v61 =	vperm.xlane v37, v27;
	v62 =	vld [tilespmem:$0x1FFE0];
	v44 =	vsel vm11, $0xFFFFFFFF, v44;
	v63 =	vperm.xlane v37, v28  }
0x164: {  	v42 =	vsel vm8, $0xFFFFFFFF, v42;
	v53 =	vsel vm6, $0x1, v4;
	v58 =	vsel vm0, $0x1, v4  }
0x165: {  	v49 =	vadd.s32 v60, v49;
	v55 =	vnsel vm10, $0xFFFFFFFE, v61;
	v50 =	vadd.s32 v58, v50  }
0x166: {  	v61 =	vperm.xlane v37, v29;
	v58 =	vld [tilespmem:$0x1FFC0];
	vm0 =	veq.s32 v55, v37;
	v46 =	vadd.s32 v46, v50  }
0x167: {  	v55 =	vsel vm0, $0x1, v4;
	vm13 =	vnez.u8 v38;
	vm1 =	vnez.u8 v57  }
0x168: {  	vm5 =	vnez.u8 v62;
	v57 =	vnsel vm7, $0xFFFFFFFE, v61;
	v38 =	vnsel vm13, $0xFFFFFFFE, v51  }
0x169: {  	v62 =	vld [tilespmem:$0x1FFB0];
	v51 =	vsel vm4, $0x1, v4;
	vm14 =	vmmov vm1;
	v48 =	vsel vm1, $0xFFFFFFFF, v48  }
0x16a: {  	v52 =	vnsel vm5, $0xFFFFFFFE, v52;
	vm2 =	veq.s32 v38, v37;
	vm4 =	veq.s32 v48, v37  }
0x16b: {  	v38 =	vsel vm3, $0x1, v4;
	vm1 =	vnez.u8 v58;
	vm3 =	veq.s32 v44, v37  }
0x16c: {  	v48 =	vsel vm4, $0x1, v4;
	v54 =	vsel vm2, $0x1, v4;
	vm2 =	veq.s32 v52, v37  }
0x16d: {  	v38 =	vadd.s32 v38, v49;
	v61 =	vsel vm3, $0x1, v4;
	v60 =	vsel vm2, $0x1, v4  }
0x16e: {  	vm2 =	veq.s32 v57, v37;
	vm4 =	vnez.u8 v62;
	v38 =	vadd.s32 v60, v38  }
0x16f: {  	v60 =	vsel vm2, $0x1, v4;
	v52 =	vnsel vm4, $0xFFFFFFFE, v63;
	v63 =	vsel vm15, $0x1, v4  }
0x170: {  	v38 =	vadd.s32 v54, v38;
	vm0 =	veq.s32 v52, v37;
	v62 =	vadd.s32 v63, v46  }
0x171: {  	v38 =	vadd.s32 v51, v38;
	v49 =	vsel vm0, $0x1, v4;
	vm0 =	veq.s32 v42, v37  }
0x172: {  	v42 =	vnsel vm1, $0xFFFFFFFE, v47;
	v38 =	vadd.s32 v53, v38;
	v59 =	vsel vm0, $0x1, v4  }
0x173: {  	vm0 =	veq.s32 v40, v37;
	vm2 =	veq.s32 v42, v37;
	v40 =	vadd.s32 v45, v62  }
0x174: {  	v38 =	vadd.s32 v55, v38;
	v42 =	vsel vm2, $0x1, v4;
	v40 =	vadd.s32 v48, v40  }
0x175: {  	vm2 =	veq.s32 v39, v37;
	v45 =	vsel vm0, $0x1, v4;
	v63 =	vadd.s32 v43, v40  }
0x176: {  	v38 =	vadd.s32 v49, v38;
	vm0 =	veq.s32 v41, v37;
	v39 =	vadd.s32 v61, v63  }
0x177: {  	v46 =	vsel vm2, $0x1, v4;
	v38 =	vadd.s32 v60, v38;
	v39 =	vadd.s32 v59, v39  }
0x178: {  	v47 =	vsel vm0, $0xFFFFFFFF, v4;
	v38 =	vadd.s32 v42, v38;
	v39 =	vadd.s32 v45, v39  }
0x179: {  	[tilespmem:v36+s15+$0x0] =	vst.idx.msk $0xffff, v37;
	vm0 =	veq.s32 v38, v47;
	v39 =	vadd.s32 v46, v39  }
0x17a: {  	v38 =	vsel vm0, $0x1, v4;
	[tilespmem:v36+s16+$0x0] =	vst.idx.msk $0xffff, v39  }
0x17b: {  	[tilespmem:v36+s18+$0x0] =	vst.idx.msk $0xffff, v38  }
0x17c: {  	v36 =	vld.idx.msk [tilespmem:v37+s19+$0x0], $0xffff;
	_ =	sdelay $0x4  }
0x17d: {  	s2 =	sld [smem:$0x7D5];
	v36 =	vadd.s32 v36, v39  }
0x17e: {  	v36 =	vadd.s32 $0x1, v36  }
0x17f: {  	[smem:$0x7CE] =	sst s26;
	[tilespmem:v37+s19+$0x0] =	vst.idx.msk vm0, v36  }
0x180: {  	[spmem:s2] =	stream.linear.scatter [tilespmem:s19], [sflag:$0x1], $0x200, $0x38;
	[tilespmem:$0x1AC48] =	vst v63  }
0x181: {  	_ =	swait.ge [sflag:s14], $0x200  }
0x182: {  	[sflag:s14] =	ssyncset.done $0x0  }
0x183: {  	[sflag:s14] =	ssyncadd.s32 $0xFFFFFE00  }
0x184: {  	[bflag:$0x0] =	sbarrier.arrive $0xFFFF  }
0x185: {  	s29 =	simm.s32 $0x0;
	s26 =	rddreg [dreg:$0xa]  }
0x186: {  	[tilespmem:s20], [sflag:$0x1] =	stream.linear.gather [spmem:s26], $0x2000, $0x38;
	[tilespmem:$0x1AC48] =	vst v63  }
0x187: {  	v36 =	vor.u32 s29, v0;
	s26 =	simm.s32 $0x200  }
0x188: {  	s29 =	simm.s32 $0x400;
	v48 =	vor.u32 s26, v0  }
0x189: {  	v49 =	vor.u32 s29, v0;
	_ =	swait.ge [sflag:s14], $0x2000;
	s26 =	simm.s32 $0x600  }
0x18a: {  	s29 =	simm.s32 $0x800;
	[sflag:s14] =	ssyncset.done $0x0;
	v50 =	vor.u32 s26, v0  }
0x18b: {  	v51 =	vor.u32 s29, v0;
	s26 =	simm.s32 $0xA00;
	[sflag:s14] =	ssyncadd.s32 $0xFFFFE000  }
0x18c: {  	s29 =	simm.s32 $0xC00;
	v52 =	vor.u32 s26, v0;
	v41 =	vld.idx.msk [tilespmem:v36+s20+$0x0], $0xffff  }
0x18d: {  	v53 =	vor.u32 s29, v0;
	s26 =	simm.s32 $0xE00;
	v43 =	vld.idx.msk [tilespmem:v48+s20+$0x0], $0xffff  }
0x18e: {  	s29 =	simm.s32 $0x1000;
	v38 =	vld.idx.msk [tilespmem:v49+s20+$0x0], $0xffff;
	v54 =	vor.u32 s26, v0  }
0x18f: {  	v55 =	vor.u32 s29, v0;
	s26 =	simm.s32 $0x1200;
	v39 =	vld.idx.msk [tilespmem:v50+s20+$0x0], $0xffff  }
0x190: {  	s29 =	simm.s32 $0x1400;
	v40 =	vld.idx.msk [tilespmem:v51+s20+$0x0], $0xffff;
	v56 =	vor.u32 s26, v0  }
0x191: {  	v57 =	vor.u32 s29, v0;
	s26 =	simm.s32 $0x1600;
	v42 =	vld.idx.msk [tilespmem:v52+s20+$0x0], $0xffff  }
0x192: {  	s29 =	simm.s32 $0x1800;
	v48 =	vld.idx.msk [tilespmem:v53+s20+$0x0], $0xffff;
	v58 =	vor.u32 s26, v0;
	v59 =	vadd.s32 v41, v43  }
0x193: {  	s28 =	simm.s32 $0x1A00;
	v60 =	vor.u32 s29, v0;
	v44 =	vld.idx.msk [tilespmem:v54+s20+$0x0], $0xffff;
	v49 =	vadd.s32 v38, v59  }
0x194: {  	v61 =	vor.u32 s28, v0;
	v45 =	vld.idx.msk [tilespmem:v55+s20+$0x0], $0xffff;
	s26 =	simm.s32 $0x1C00;
	v49 =	vadd.s32 v39, v49  }
0x195: {  	s28 =	simm.s32 $0x1E00;
	v62 =	vor.u32 s26, v0;
	v46 =	vld.idx.msk [tilespmem:v56+s20+$0x0], $0xffff;
	v49 =	vadd.s32 v40, v49  }
0x196: {  	v63 =	vor.u32 s28, v0;
	v47 =	vld.idx.msk [tilespmem:v57+s20+$0x0], $0xffff;
	v49 =	vadd.s32 v42, v49  }
0x197: {  	s29 =	sld [smem:$0x7E7];
	v54 =	vld.idx.msk [tilespmem:v58+s20+$0x0], $0xffff;
	v57 =	vadd.s32 v48, v49  }
0x198: {  	s26 =	sld [smem:$0x7E6];
	v49 =	vld.idx.msk [tilespmem:v60+s20+$0x0], $0xffff;
	v37 =	vadd.s32 v44, v57  }
0x199: {  	v50 =	vld.idx.msk [tilespmem:v61+s20+$0x0], $0xffff;
	v37 =	vadd.s32 v45, v37  }
0x19a: {  	p1 =	seq.s32 s29, $0x1;
	s29 =	sld [smem:$0x7E5];
	v51 =	vld.idx.msk [tilespmem:v62+s20+$0x0], $0xffff;
	v37 =	vadd.s32 v46, v37  }
0x19b: {  	v58 =	vld.idx.msk [tilespmem:v63+s20+$0x0], $0xffff;
	v41 =	vpsel p1, $0x0, v41;
	p1 =	seq.s32 s26, $0x1;
	s26 =	sld [smem:$0x7E4];
	v37 =	vadd.s32 v47, v37  }
0x19c: {  	v37 =	vadd.s32 v54, v37  }
0x19d: {  	v43 =	vpsel !p1, $0x0, v43;
	p1 =	seq.s32 s29, $0x1;
	s29 =	sld [smem:$0x7E3];
	v37 =	vadd.s32 v49, v37  }
0x19e: {  	v38 =	vpsel !p1, $0x0, v38;
	p1 =	seq.s32 s26, $0x1;
	s26 =	sld [smem:$0x7E2];
	v59 =	vadd.s32 v50, v37;
	v37 =	vimm.s32 $0x0  }
0x19f: {  	v53 =	vadd.s32 v51, v59;
	v41 =	vadd.s32 v37, v41  }
0x1a0: {  	v39 =	vpsel !p1, $0x0, v39;
	p1 =	seq.s32 s29, $0x1;
	s29 =	sld [smem:$0x7E1];
	v52 =	vadd.s32 v58, v53;
	v41 =	vadd.s32 v43, v41  }
0x1a1: {  	v40 =	vpsel !p1, $0x0, v40;
	p1 =	seq.s32 s26, $0x1;
	s26 =	sld [smem:$0x7E0];
	v60 =	vperm.xlane v52, v6;
	v38 =	vadd.s32 v38, v41  }
0x1a2: {  	vm0 =	veq.s32 v0, $0x0;
	v38 =	vadd.s32 v39, v38  }
0x1a3: {  	v62 =	vpsel !p1, $0x0, v42;
	p1 =	seq.s32 s29, $0x1;
	v61 =	vsel vm0, $0x0, v60;
	v38 =	vadd.s32 v40, v38  }
0x1a4: {  	v63 =	vpsel !p1, $0x0, v48;
	p1 =	seq.s32 s26, $0x1;
	v39 =	vadd.s32 v52, v61;
	v38 =	vadd.s32 v62, v38  }
0x1a5: {  	v53 =	vpsel !p1, $0x0, v44;
	v48 =	vperm.xlane v39, v8;
	v38 =	vadd.s32 v63, v38  }
0x1a6: {  	v55 =	vpsel !p0, $0x0, v45;
	v38 =	vadd.s32 v53, v38  }
0x1a7: {  	v56 =	vpsel !p6, $0x0, v46;
	v41 =	vsel vm1, $0x0, v48;
	v38 =	vadd.s32 v55, v38  }
0x1a8: {  	v57 =	vpsel !p5, $0x0, v47;
	s29 =	sld [smem:$0x7D9];
	v39 =	vadd.s32 v41, v39;
	v38 =	vadd.s32 v56, v38  }
0x1a9: {  	v58 =	vpsel !p4, $0x0, v54;
	v41 =	vperm.xlane v39, v12;
	v38 =	vadd.s32 v57, v38  }
0x1aa: {  	v59 =	vpsel !p3, $0x0, v49;
	v38 =	vadd.s32 v58, v38  }
0x1ab: {  	v60 =	vpsel !p2, $0x0, v50;
	p2 =	seq.s32 s29, $0x1;
	v41 =	vsel vm4, $0x0, v41;
	v38 =	vadd.s32 v59, v38  }
0x1ac: {  	v61 =	vpsel !p2, $0x0, v51;
	v39 =	vadd.s32 v41, v39;
	v38 =	vadd.s32 v60, v38  }
0x1ad: {  	s26 =	simm.s32 $0x10;
	v41 =	vperm.xlane v39, v20;
	v38 =	vadd.s32 v61, v38  }
0x1ae: {  	vm15 =	vmmov vm4;
	s29 =	simm.s32 $0x210;
	v62 =	vsub.s32 v38, v52;
	v38 =	vor.u32 s26, v0  }
0x1af: {  	vm2 =	vmmov vm5;
	s28 =	simm.s32 $0x410;
	v63 =	vsel vm13, $0x0, v41;
	v41 =	vor.u32 s29, v0  }
0x1b0: {  	vm5 =	vmmov vm13;
	v40 =	vor.u32 s28, v0;
	s28 =	simm.s32 $0x610;
	v39 =	vadd.s32 v63, v39  }
0x1b1: {  	s31 =	simm.s32 $0x1E10;
	s2 =	simm.s32 $0x1E20;
	v42 =	vor.u32 s28, v0;
	s28 =	simm.s32 $0x810;
	v43 =	vadd.s32 v39, v62;
	v39 =	vperm.xlane v39, v32  }
.LBB3_8:
0x1b2: {  	v44 =	vor.u32 s28, v0;
	s28 =	sadd.s32 $0xFFFFEC00, s31;
	[tilespmem:v36+s21+$0x0] =	vst.idx.msk $0xffff, v43  }
0x1b3: {  	v58 =	vld.idx.msk [tilespmem:v38+s20+$0x0], $0xffff;
	v59 =	vor.u32 s28, v0;
	s28 =	sadd.s32 $0xFFFFEE00, s31  }
0x1b4: {  	v60 =	vld.idx.msk [tilespmem:v41+s20+$0x0], $0xffff;
	v61 =	vor.u32 s28, v0  }
0x1b5: {  	v40 =	vld.idx.msk [tilespmem:v40+s20+$0x0], $0xffff  }
0x1b6: {  	v42 =	vld.idx.msk [tilespmem:v42+s20+$0x0], $0xffff  }
0x1b7: {  	v44 =	vld.idx.msk [tilespmem:v44+s20+$0x0], $0xffff  }
0x1b8: {  	s26 =	sld [smem:$0x7E7];
	s28 =	sadd.s32 $0xFFFFF000, s31;
	v43 =	vld.idx.msk [tilespmem:v59+s20+$0x0], $0xffff  }
0x1b9: {  	v45 =	vor.u32 s28, v0;
	s28 =	sadd.s32 $0xFFFFF200, s31;
	v41 =	vld.idx.msk [tilespmem:v61+s20+$0x0], $0xffff;
	[smem:$0x7CD] =	sst s0  }
0x1ba: {  	v46 =	vor.u32 s28, v0;
	s28 =	sadd.s32 $0xFFFFF400, s31;
	s0 =	sld [smem:$0x7E6]  }
0x1bb: {  	v47 =	vor.u32 s28, v0;
	s28 =	sadd.s32 $0xFFFFF600, s31  }
0x1bc: {  	p2 =	seq.s32 s26, $0x1;
	v48 =	vor.u32 s28, v0;
	s28 =	sadd.s32 $0xFFFFF800, s31  }
0x1bd: {  	v49 =	vpsel p2, $0x0, v58;
	v50 =	vor.u32 s28, v0;
	s28 =	sadd.s32 $0xFFFFFA00, s31;
	p2 =	seq.s32 s0, $0x1;
	s0 =	sld [smem:$0x7CD]  }
0x1be: {  	v62 =	vor.u32 s28, v0;
	s28 =	sld [smem:$0x7E5];
	_ =	sdelay $0x2  }
0x1bf: {  	v52 =	vpsel !p2, $0x0, v60;
	p2 =	seq.s32 s28, $0x1;
	s28 =	sld [smem:$0x7E4];
	_ =	sdelay $0x1  }
0x1c0: {  	v36 =	vmov v38;
	s29 =	smov.u32 s2;
	v38 =	vadd.s32 v58, v60  }
0x1c1: {  	s26 =	sadd.s32 $0xFFFFFC00, s31;
	v38 =	vadd.s32 v40, v38;
	v40 =	vpsel !p2, $0x0, v40;
	p2 =	seq.s32 s28, $0x1;
	s28 =	sld [smem:$0x7E3]  }
0x1c2: {  	v51 =	vor.u32 s31, v0;
	v53 =	vor.u32 s26, v0;
	s26 =	sadd.s32 $0xFFFFFE00, s31;
	s31 =	smov.u32 s29;
	s29 =	sld [smem:$0x7E2]  }
0x1c3: {  	_ = 	snop  }
0x1c4: {  	v45 =	vld.idx.msk [tilespmem:v45+s20+$0x0], $0xffff;
	v63 =	vpsel !p2, $0x0, v42;
	p2 =	seq.s32 s28, $0x1  }
0x1c5: {  	v37 =	vadd.s32 v37, v39;
	v38 =	vadd.s32 v42, v38;
	v39 =	vld.idx.msk [tilespmem:v46+s20+$0x0], $0xffff;
	v57 =	vpsel !p2, $0x0, v44;
	p2 =	seq.s32 s29, $0x1;
	s29 =	sld [smem:$0x7E1]  }
0x1c6: {  	v54 =	vor.u32 s26, v0;
	v49 =	vadd.s32 v37, v49;
	v38 =	vadd.s32 v44, v38;
	v47 =	vld.idx.msk [tilespmem:v47+s20+$0x0], $0xffff  }
0x1c7: {  	v48 =	vld.idx.msk [tilespmem:v48+s20+$0x0], $0xffff;
	v38 =	vadd.s32 v43, v38;
	v49 =	vadd.s32 v52, v49  }
0x1c8: {  	v50 =	vld.idx.msk [tilespmem:v50+s20+$0x0], $0xffff;
	v38 =	vadd.s32 v41, v38;
	v40 =	vadd.s32 v40, v49;
	v58 =	vpsel !p2, $0x0, v43;
	p2 =	seq.s32 s29, $0x1;
	s29 =	sld [smem:$0x7E0]  }
0x1c9: {  	v46 =	vld.idx.msk [tilespmem:v62+s20+$0x0], $0xffff;
	v38 =	vadd.s32 v45, v38;
	v40 =	vadd.s32 v63, v40  }
0x1ca: {  	v60 =	vld.idx.msk [tilespmem:v53+s20+$0x0], $0xffff;
	v38 =	vadd.s32 v39, v38;
	v40 =	vadd.s32 v57, v40  }
0x1cb: {  	v52 =	vld.idx.msk [tilespmem:v54+s20+$0x0], $0xffff;
	v38 =	vadd.s32 v47, v38;
	v40 =	vadd.s32 v58, v40;
	v59 =	vpsel !p2, $0x0, v41;
	p2 =	seq.s32 s29, $0x1  }
0x1cc: {  	v54 =	vld.idx.msk [tilespmem:v51+s20+$0x0], $0xffff;
	v38 =	vadd.s32 v48, v38;
	v40 =	vadd.s32 v59, v40;
	s29 =	sld [smem:$0x7F8];
	v61 =	vpsel !p2, $0x0, v45  }
0x1cd: {  	v62 =	vpsel !p0, $0x0, v39;
	v38 =	vadd.s32 v50, v38;
	v40 =	vadd.s32 v61, v40  }
0x1ce: {  	v63 =	vpsel !p6, $0x0, v47;
	v38 =	vadd.s32 v46, v38;
	v40 =	vadd.s32 v62, v40  }
0x1cf: {  	v53 =	vpsel !p5, $0x0, v48;
	v38 =	vadd.s32 v60, v38;
	p2 =	seq.s32 s29, $0x1;
	s29 =	sld [smem:$0x7D9];
	v39 =	vadd.s32 v63, v40  }
0x1d0: {  	v55 =	vpsel !p4, $0x0, v50;
	v38 =	vadd.s32 v52, v38;
	v39 =	vadd.s32 v53, v39  }
0x1d1: {  	v56 =	vpsel !p3, $0x0, v46;
	v38 =	vadd.s32 v54, v38;
	v39 =	vadd.s32 v55, v39  }
0x1d2: {  	v59 =	vperm.xlane v38, v6;
	v57 =	vpsel !p2, $0x0, v60;
	p2 =	seq.s32 s29, $0x1;
	v39 =	vadd.s32 v56, v39  }
0x1d3: {  	v58 =	vpsel !p2, $0x0, v52;
	v39 =	vadd.s32 v57, v39  }
0x1d4: {  	v60 =	vsel vm0, $0x0, v59;
	v39 =	vadd.s32 v58, v39  }
0x1d5: {  	v39 =	vsub.s32 v39, v38;
	v38 =	vadd.s32 v38, v60  }
0x1d6: {  	v40 =	vperm.xlane v38, v8;
	_ =	sdelay $0x1  }
0x1d7: {  	v40 =	vsel vm1, $0x0, v40  }
0x1d8: {  	v38 =	vadd.s32 v40, v38  }
0x1d9: {  	v40 =	vperm.xlane v38, v12;
	_ =	sdelay $0x1  }
0x1da: {  	v40 =	vsel vm15, $0x0, v40  }
0x1db: {  	p1 =	sne.s32 s2, $0x1FF0;
	v61 =	vadd.s32 v40, v38  }
.Ltmp2:
0x1dc: {  	s29 =	sadd.s32 $0xFFFFE200, s31;
	v40 =	vperm.xlane v61, v20;
	(pc) =	sbr.rel @p1 .LBB3_8-.Ltmp2, $4  }
0x1dd: {  	v38 =	vor.u32 s29, v0;
	s29 =	sadd.s32 $0xFFFFE400, s31  }
0x1de: {  	v41 =	vor.u32 s29, v0;
	s29 =	sadd.s32 $0xFFFFE600, s31;
	v62 =	vsel vm5, $0x0, v40  }
0x1df: {  	v40 =	vor.u32 s29, v0;
	s29 =	sadd.s32 $0xFFFFE800, s31;
	v63 =	vadd.s32 v62, v61  }
0x1e0: {  	s2 =	sadd.s32 $0x10, s2;
	s28 =	sadd.s32 $0xFFFFEA00, s31;
	v42 =	vor.u32 s29, v0;
	v43 =	vadd.s32 v63, v39;
	v39 =	vperm.xlane v63, v32  }
0x1e1: {  	_ =	sdelay $0x3  }
0x1e2: {  	v44 =	vor.u32 s28, v0;
	s2 =	sadd.s32 $0xFFFFEC00, s31;
	[tilespmem:v36+s21+$0x0] =	vst.idx.msk $0xffff, v43  }
0x1e3: {  	s28 =	sadd.s32 $0xFFFFEE00, s31;
	v36 =	vld.idx.msk [tilespmem:v38+s20+$0x0], $0xffff;
	v58 =	vor.u32 s2, v0  }
0x1e4: {  	s29 =	sadd.s32 $0xFFFFF000, s31;
	v41 =	vld.idx.msk [tilespmem:v41+s20+$0x0], $0xffff;
	v45 =	vor.u32 s28, v0  }
0x1e5: {  	s26 =	sadd.s32 $0xFFFFF200, s31;
	v40 =	vld.idx.msk [tilespmem:v40+s20+$0x0], $0xffff;
	v46 =	vor.u32 s29, v0  }
0x1e6: {  	v42 =	vld.idx.msk [tilespmem:v42+s20+$0x0], $0xffff;
	v47 =	vor.u32 s26, v0;
	s28 =	sadd.s32 $0xFFFFF400, s31  }
0x1e7: {  	s29 =	sadd.s32 $0xFFFFF600, s31;
	v48 =	vor.u32 s28, v0;
	v44 =	vld.idx.msk [tilespmem:v44+s20+$0x0], $0xffff  }
0x1e8: {  	s26 =	sadd.s32 $0xFFFFF800, s31;
	v49 =	vor.u32 s29, v0;
	v43 =	vld.idx.msk [tilespmem:v58+s20+$0x0], $0xffff  }
0x1e9: {  	v50 =	vor.u32 s26, v0;
	s28 =	sadd.s32 $0xFFFFFA00, s31;
	v45 =	vld.idx.msk [tilespmem:v45+s20+$0x0], $0xffff;
	v51 =	vadd.s32 v36, v41  }
0x1ea: {  	s26 =	sadd.s32 $0xFFFFFC00, s31;
	v52 =	vor.u32 s28, v0;
	v46 =	vld.idx.msk [tilespmem:v46+s20+$0x0], $0xffff;
	v51 =	vadd.s32 v40, v51  }
0x1eb: {  	s29 =	sadd.s32 $0xFFFFFE00, s31;
	v53 =	vor.u32 s26, v0;
	v47 =	vld.idx.msk [tilespmem:v47+s20+$0x0], $0xffff;
	v51 =	vadd.s32 v42, v51  }
0x1ec: {  	v54 =	vor.u32 s29, v0;
	v48 =	vld.idx.msk [tilespmem:v48+s20+$0x0], $0xffff;
	v51 =	vadd.s32 v44, v51  }
0x1ed: {  	v55 =	vor.u32 s31, v0;
	v49 =	vld.idx.msk [tilespmem:v49+s20+$0x0], $0xffff;
	v51 =	vadd.s32 v43, v51  }
0x1ee: {  	v50 =	vld.idx.msk [tilespmem:v50+s20+$0x0], $0xffff;
	v51 =	vadd.s32 v45, v51  }
0x1ef: {  	v52 =	vld.idx.msk [tilespmem:v52+s20+$0x0], $0xffff;
	v51 =	vadd.s32 v46, v51  }
0x1f0: {  	v53 =	vld.idx.msk [tilespmem:v53+s20+$0x0], $0xffff;
	v51 =	vadd.s32 v47, v51  }
0x1f1: {  	v54 =	vld.idx.msk [tilespmem:v54+s20+$0x0], $0xffff;
	v51 =	vadd.s32 v48, v51  }
0x1f2: {  	v55 =	vld.idx.msk [tilespmem:v55+s20+$0x0], $0xffff;
	v51 =	vadd.s32 v49, v51  }
0x1f3: {  	s26 =	sld [smem:$0x7E7];
	v51 =	vadd.s32 v50, v51  }
0x1f4: {  	s28 =	sld [smem:$0x7E6];
	v51 =	vadd.s32 v52, v51  }
0x1f5: {  	s29 =	sld [smem:$0x7E5];
	v51 =	vadd.s32 v53, v51  }
0x1f6: {  	s31 =	sld [smem:$0x7E4];
	p1 =	seq.s32 s26, $0x1;
	v51 =	vadd.s32 v54, v51  }
0x1f7: {  	v37 =	vadd.s32 v37, v39;
	p2 =	seq.s32 s28, $0x1;
	s26 =	sld [smem:$0x7E3];
	v36 =	vpsel p1, $0x0, v36;
	v39 =	vadd.s32 v55, v51  }
0x1f8: {  	s28 =	sld [smem:$0x7E2];
	v41 =	vpsel !p2, $0x0, v41;
	p2 =	seq.s32 s29, $0x1;
	v36 =	vadd.s32 v37, v36;
	v59 =	vperm.xlane v39, v6  }
0x1f9: {  	vm0 =	veq.s32 v0, $0x0;
	s29 =	sld [smem:$0x7E1];
	v40 =	vpsel !p2, $0x0, v40;
	p2 =	seq.s32 s31, $0x1;
	v36 =	vadd.s32 v41, v36  }
0x1fa: {  	s31 =	sld [smem:$0x7E0];
	v60 =	vpsel !p2, $0x0, v42;
	p2 =	seq.s32 s26, $0x1;
	v36 =	vadd.s32 v40, v36;
	v37 =	vsel vm0, $0x0, v59  }
0x1fb: {  	v61 =	vpsel !p2, $0x0, v44;
	p2 =	seq.s32 s28, $0x1;
	v36 =	vadd.s32 v60, v36;
	v37 =	vadd.s32 v39, v37  }
0x1fc: {  	v62 =	vpsel !p2, $0x0, v43;
	p2 =	seq.s32 s29, $0x1;
	v36 =	vadd.s32 v61, v36;
	v63 =	vperm.xlane v37, v8  }
0x1fd: {  	v45 =	vpsel !p2, $0x0, v45;
	p2 =	seq.s32 s31, $0x1;
	v36 =	vadd.s32 v62, v36  }
0x1fe: {  	v46 =	vpsel !p2, $0x0, v46;
	v36 =	vadd.s32 v45, v36;
	v40 =	vsel vm1, $0x0, v63  }
0x1ff: {  	v47 =	vpsel !p0, $0x0, v47;
	v36 =	vadd.s32 v46, v36;
	v37 =	vadd.s32 v40, v37  }
0x200: {  	s26 =	sld [smem:$0x7F8];
	v36 =	vadd.s32 v47, v36;
	v51 =	vpsel !p6, $0x0, v48;
	v55 =	vperm.xlane v37, v12  }
0x201: {  	s28 =	sld [smem:$0x7D9];
	v56 =	vpsel !p5, $0x0, v49;
	v36 =	vadd.s32 v51, v36  }
0x202: {  	v57 =	vpsel !p4, $0x0, v50;
	v36 =	vadd.s32 v56, v36;
	v41 =	vsel vm15, $0x0, v55  }
0x203: {  	p5 =	seq.s32 s26, $0x1;
	v58 =	vpsel !p3, $0x0, v52;
	v36 =	vadd.s32 v57, v36;
	v37 =	vadd.s32 v41, v37  }
0x204: {  	p6 =	seq.s32 s28, $0x1;
	v59 =	vpsel !p5, $0x0, v53;
	v36 =	vadd.s32 v58, v36;
	v41 =	vperm.xlane v37, v20  }
0x205: {  	v60 =	vpsel !p6, $0x0, v54;
	v36 =	vadd.s32 v59, v36  }
0x206: {  	v36 =	vadd.s32 v60, v36;
	v61 =	vsel vm5, $0x0, v41  }
0x207: {  	v36 =	vsub.s32 v36, v39;
	v37 =	vadd.s32 v61, v37  }
0x208: {  	v36 =	vadd.s32 v37, v36  }
0x209: {  	[tilespmem:v38+s21+$0x0] =	vst.idx.msk $0xffff, v36  }
0x20a: {  	[tilespmem:$0x3000] =	vst v4  }
0x20b: {  	[tilespmem:$0x3010] =	vst v4  }
0x20c: {  	[tilespmem:$0x3020] =	vst v4  }
0x20d: {  	[tilespmem:$0x3030] =	vst v4  }
0x20e: {  	[tilespmem:$0x3040] =	vst v4  }
0x20f: {  	[tilespmem:$0x3050] =	vst v4  }
0x210: {  	[tilespmem:$0x3060] =	vst v4  }
0x211: {  	[tilespmem:$0x3070] =	vst v4  }
0x212: {  	[tilespmem:$0x3080] =	vst v4  }
0x213: {  	[tilespmem:$0x3090] =	vst v4  }
0x214: {  	[tilespmem:$0x30A0] =	vst v4  }
0x215: {  	[tilespmem:$0x30B0] =	vst v4  }
0x216: {  	[tilespmem:$0x30C0] =	vst v4  }
0x217: {  	[tilespmem:$0x30D0] =	vst v4  }
0x218: {  	[tilespmem:$0x30E0] =	vst v4  }
0x219: {  	[tilespmem:$0x30F0] =	vst v4  }
0x21a: {  	[tilespmem:$0x3100] =	vst v4  }
0x21b: {  	[tilespmem:$0x3110] =	vst v4  }
0x21c: {  	[tilespmem:$0x3120] =	vst v4  }
0x21d: {  	[tilespmem:$0x3130] =	vst v4  }
0x21e: {  	[tilespmem:$0x3140] =	vst v4  }
0x21f: {  	[tilespmem:$0x3150] =	vst v4  }
0x220: {  	[tilespmem:$0x3160] =	vst v4  }
0x221: {  	[tilespmem:$0x3170] =	vst v4  }
0x222: {  	[tilespmem:$0x3180] =	vst v4  }
0x223: {  	[tilespmem:$0x3190] =	vst v4  }
0x224: {  	s29 =	simm.s32 $0x0;
	[tilespmem:$0x31A0] =	vst v4  }
0x225: {  	v36 =	vor.u32 s29, v0;
	[tilespmem:$0x31B0] =	vst v4  }
0x226: {  	[tilespmem:$0x31C0] =	vst v4  }
0x227: {  	[tilespmem:$0x31D0] =	vst v4  }
0x228: {  	[tilespmem:$0x31E0] =	vst v4  }
0x229: {  	[tilespmem:$0x31F0] =	vst v4  }
0x22a: {  	v37 =	vld.idx.msk [tilespmem:v36+s15+$0x0], $0xffff;
	_ =	sdelay $0x4  }
0x22b: {  	v38 =	vld.idx.msk [tilespmem:v36+s18+$0x0], $0xffff;
	_ =	sdelay $0x1  }
0x22c: {  	v62 =	vld.idx.msk [tilespmem:v36+s16+$0x0], $0xffff  }
0x22d: {  	v63 =	vld.idx.msk [tilespmem:v37+s19+$0x0], $0xffff  }
0x22e: {  	v39 =	vld.idx.msk [tilespmem:v37+s21+$0x0], $0xffff  }
0x22f: {  	vm0 =	veq.s32 v38, $0x1;
	_ =	sdelay $0x1  }
0x230: {  	s31 =	simm.s32 $0x10  }
0x231: {  	s2 =	simm.s32 $0x20;
	v38 =	vor.u32 s31, v0;
	v40 =	vadd.s32 v62, v63  }
.LBB3_10:
0x232: {  	p1 =	sne.s32 s2, $0x7F0;
	v39 =	vadd.s32 v39, v40  }
0x233: {  	[tilespmem:v36+s22+$0x0] =	vst.idx.msk $0xffff, v39;
	v39 =	vadd.s32 $0x1, v40;
	v36 =	vmov v38  }
0x234: {  	[tilespmem:v37+s19+$0x0] =	vst.idx.msk vm0, v39  }
0x235: {  	v37 =	vld.idx.msk [tilespmem:v38+s15+$0x0], $0xffff;
	_ =	sdelay $0x4  }
0x236: {  	v38 =	vld.idx.msk [tilespmem:v38+s18+$0x0], $0xffff;
	_ =	sdelay $0x1  }
0x237: {  	v40 =	vld.idx.msk [tilespmem:v36+s16+$0x0], $0xffff  }
0x238: {  	v41 =	vld.idx.msk [tilespmem:v37+s19+$0x0], $0xffff  }
0x239: {  	v39 =	vld.idx.msk [tilespmem:v37+s21+$0x0], $0xffff  }
.Ltmp3:
0x23a: {  	(pc) =	sbr.rel @p1 .LBB3_10-.Ltmp3, $3  }
0x23b: {  	vm0 =	veq.s32 v38, $0x1;
	_ =	sdelay $0x1  }
0x23c: {  	v38 =	vor.u32 s2, v0  }
0x23d: {  	s2 =	sadd.s32 $0x10, s2;
	v40 =	vadd.s32 v40, v41  }
0x23e: {  	_ =	sdelay $0x2  }
0x23f: {  	v39 =	vadd.s32 v39, v40  }
0x240: {  	v59 =	vadd.s32 $0x1, v40;
	[tilespmem:v36+s22+$0x0] =	vst.idx.msk $0xffff, v39  }
0x241: {  	[tilespmem:v37+s19+$0x0] =	vst.idx.msk vm0, v59  }
0x242: {  	v36 =	vld.idx.msk [tilespmem:v38+s15+$0x0], $0xffff;
	_ =	sdelay $0x4  }
0x243: {  	v37 =	vld.idx.msk [tilespmem:v38+s18+$0x0], $0xffff;
	_ =	sdelay $0x1  }
0x244: {  	v39 =	vld.idx.msk [tilespmem:v38+s16+$0x0], $0xffff  }
0x245: {  	v60 =	vld.idx.msk [tilespmem:v36+s19+$0x0], $0xffff  }
0x246: {  	v41 =	vld.idx.msk [tilespmem:v36+s21+$0x0], $0xffff  }
0x247: {  	vm0 =	veq.s32 v37, $0x1;
	_ =	sdelay $0x2  }
0x248: {  	v61 =	vadd.s32 v39, v60  }
0x249: {  	v39 =	vadd.s32 v41, v61  }
0x24a: {  	v37 =	vadd.s32 $0x1, v61;
	[tilespmem:v38+s22+$0x0] =	vst.idx.msk $0xffff, v39  }
0x24b: {  	s2 =	rddreg [dreg:$0xb];
	[tilespmem:v36+s19+$0x0] =	vst.idx.msk vm0, v37  }
0x24c: {  	[spmem:s2] =	stream.indirect.scatter [tilespmem:s13], [sflag:$0x1], $0x1, s22, s1, $0xb8;
	[tilespmem:$0x1AC48] =	vst v63  }
0x24d: {  	_ =	swait.ge [sflag:s14], $0x800  }
0x24e: {  	[sflag:s14] =	ssyncset.done $0x0  }
0x24f: {  	[sflag:s14] =	ssyncadd.s32 $0xFFFFF800  }
0x250: {  	s26 =	rddreg [dreg:$0xc]  }
0x251: {  	[spmem:s26] =	stream.indirect.scatter [tilespmem:s1], [sflag:$0x1], $0x1, s22, s1, $0xb8;
	[tilespmem:$0x1AC48] =	vst v63  }
0x252: {  	_ =	swait.ge [sflag:s14], $0x800  }
0x253: {  	[sflag:s14] =	ssyncset.done $0x0  }
0x254: {  	[sflag:s14] =	ssyncadd.s32 $0xFFFFF800  }
0x255: {  	[bflag:$0x0] =	sbarrier.arrive $0xFFFF  }
0x256: {  	s28 =	sld [smem:$0x7F2];
	_ =	sdelay $0x2  }
0x257: {  	[tilespmem:s13], [sflag:$0x1] =	stream.linear.gather [spmem:s28], $0x800, $0x38;
	[tilespmem:$0x1AC48] =	vst v63  }
0x258: {  	_ =	swait.ge [sflag:s14], $0x800  }
0x259: {  	[sflag:s14] =	ssyncset.done $0x0  }
0x25a: {  	s31 =	rddreg [dreg:$0x1c];
	[sflag:s14] =	ssyncadd.s32 $0xFFFFF800  }
0x25b: {  	[spmem:s31] =	stream.linear.scatter [tilespmem:s13], [sflag:$0x1], $0x800, $0x38;
	[tilespmem:$0x1AC48] =	vst v63  }
0x25c: {  	_ =	swait.ge [sflag:s14], $0x800  }
0x25d: {  	s26 =	sld [smem:$0x7F3]  }
0x25e: {  	[sflag:s14] =	ssyncset.done $0x0  }
0x25f: {  	[sflag:s14] =	ssyncadd.s32 $0xFFFFF800  }
0x260: {  	[tilespmem:s1], [sflag:$0x1] =	stream.linear.gather [spmem:s26], $0x800, $0x38;
	[tilespmem:$0x1AC48] =	vst v63  }
0x261: {  	_ =	swait.ge [sflag:s14], $0x800  }
0x262: {  	[sflag:s14] =	ssyncset.done $0x0  }
0x263: {  	s29 =	rddreg [dreg:$0x1d];
	[sflag:s14] =	ssyncadd.s32 $0xFFFFF800  }
0x264: {  	[spmem:s29] =	stream.linear.scatter [tilespmem:s1], [sflag:$0x1], $0x800, $0x38;
	[tilespmem:$0x1AC48] =	vst v63  }
0x265: {  	_ =	swait.ge [sflag:s14], $0x800  }
0x266: {  	[sflag:s14] =	ssyncset.done $0x0  }
0x267: {  	[sflag:s14] =	ssyncadd.s32 $0xFFFFF800  }
0x268: {  	s26 =	sld [smem:$0x7CE];
	[bflag:$0x0] =	sbarrier.arrive $0xFFFF  }
0x269: {  	s28 =	sld [smem:$0x7F8];
	_ =	sdelay $0x2  }
0x26a: {  	p2 =	seq.s32 s28, $0x1;
	s28 =	sld [smem:$0x7F9];
	_ =	sdelay $0x2  }
0x26b: {  	p3 =	seq.s32 s28, $0x1;
	s28 =	sld [smem:$0x7FA];
	_ =	sdelay $0x2  }
0x26c: {  	p4 =	seq.s32 s28, $0x1;
	s28 =	sld [smem:$0x7FB];
	_ =	sdelay $0x2  }
0x26d: {  	s26 =	sadd.s32 $0x1, s26;
	v62 =	vld [tilespmem:$0x1FF70];
	p5 =	seq.s32 s28, $0x1;
	s28 =	sld [smem:$0x7FC]  }
0x26e: {  	v63 =	vld [tilespmem:$0x1FF80];
	p1 =	sne.s32 s26, $0x3  }
.Ltmp4:
0x26f: {  	_ = 	snop;
	(pc) =	sbr.rel @p1 .LBB3_5-.Ltmp4, $2  }
0x270: {  	p6 =	seq.s32 s28, $0x1;
	s28 =	sld [smem:$0x7FD];
	_ =	sdelay $0x2  }
0x271: {  	vm13 =	vmmov vm2;
	vm6 =	vnez.u8 v62;
	vm12 =	vnez.u8 v63;
	p0 =	seq.s32 s28, $0x1  }
0x272: {  	s26 =	sld [smem:$0x7E7];
	_ =	sdelay $0x1  }
0x273: {  	s28 =	sld [smem:$0x7F4]  }
0x274: {  	s2 =	simm.s32 $0x0;
	p1 =	seq.s32 s26, $0x1  }
0x275: {  	v36 =	vor.u32 s2, v0;
	s26 =	simm.s32 @!p1 $0x10E20  }
0x276: {  	v36 =	vand.u32 v2, v36;
	[tilespmem:s26], [sflag:$0x1] =	stream.linear.gather @!p1 [spmem:s28], $0x8, $0x38;
	[tilespmem:$0x1AC48] =	vst v63  }
0x277: {  	s26 =	simm.s32 @!p1 $0x1  }
0x278: {  	_ =	swait.ge @!p1 [sflag:s26], $0x8  }
0x279: {  	[sflag:s26] =	ssyncset.done @!p1 $0x0  }
0x27a: {  	v40 =	vld [tilespmem:$0x1FFA0];
	[sflag:s26] =	ssyncadd.s32 @!p1 $0xFFFFFFF8  }
0x27b: {  	s29 =	simm.s32 $0x10E20;
	v37 =	vld.idx.msk [tilespmem:v36+s13+$0x0], $0xffff  }
0x27c: {  	v38 =	vld.idx.msk [tilespmem:v35+s29+$0x0], $0xffff;
	_ =	sdelay $0x3  }
0x27d: {  	v39 =	vperm.xlane v37, v6  }
0x27e: {  	vm3 =	vnez.u8 v40;
	v38 =	vpsel p1, $0xFFFFFFFF, v38  }
0x27f: {  	v38 =	vsel vm3, v38, v39  }
0x280: {  	v53 =	vor.u32 s2, v1;
	vm2 =	vne.s32 v37, v38  }
0x281: {  	v38 =	vnsel vm2, $0xFFFFFFFF, v53  }
0x282: {  	v39 =	vperm.xlane v38, v6  }
0x283: {  	vm0 =	veq.s32 v0, $0x0  }
0x284: {  	v54 =	vsel vm2, $0x1, v4;
	v39 =	vsel vm0, $0xC0000000, v39  }
0x285: {  	v41 =	vperm.xlane v54, v6;
	vm2 =	vgt.s32 v38, v39  }
0x286: {  	v38 =	vsel vm2, v38, v39  }
0x287: {  	v55 =	vsel vm0, $0x0, v41;
	v56 =	vperm.xlane v38, v8  }
0x288: {  	v39 =	vadd.s32 v54, v55  }
0x289: {  	v40 =	vperm.xlane v39, v8;
	v41 =	vsel vm1, $0xC0000000, v56  }
0x28a: {  	vm2 =	vgt.s32 v38, v41  }
0x28b: {  	v40 =	vsel vm1, $0x0, v40;
	v38 =	vsel vm2, v38, v41  }
0x28c: {  	v39 =	vadd.s32 v40, v39;
	v57 =	vperm.xlane v38, v12  }
0x28d: {  	v58 =	vperm.xlane v39, v12  }
0x28e: {  	v40 =	vsel vm15, $0xC0000000, v57  }
0x28f: {  	v41 =	vsel vm15, $0x0, v58;
	vm2 =	vgt.s32 v38, v40  }
0x290: {  	v39 =	vadd.s32 v41, v39;
	v38 =	vsel vm2, v38, v40  }
0x291: {  	v59 =	vperm.xlane v39, v20;
	v60 =	vperm.xlane v38, v20;
	_ =	sdelay $0x1  }
0x292: {  	v42 =	vimm.s32 $0x0;
	v40 =	vsel vm5, $0x0, v59;
	v41 =	vsel vm5, $0xC0000000, v60  }
0x293: {  	v40 =	vadd.s32 v42, v40;
	vm2 =	vgt.s32 v38, v41  }
0x294: {  	v61 =	vimm.s32 $0xFFFFFFFF;
	s2 =	simm.s32 $0x10;
	v39 =	vadd.s32 v39, v40;
	v62 =	vsel vm2, v38, v41  }
0x295: {  	v63 =	vor.u32 s2, v0;
	[tilespmem:v36+s23+$0x0] =	vst.idx.msk $0xffff, v39;
	v38 =	vperm.xlane v37, v32;
	vm2 =	vgt.s32 v61, v62  }
0x296: {  	s26 =	simm.s32 $0x20;
	v37 =	vperm.xlane v39, v32;
	v39 =	vand.u32 v2, v63;
	v40 =	vsel vm2, v61, v62  }
.LBB3_13:
0x297: {  	p1 =	sne.s32 s26, $0x7F0;
	[tilespmem:v36+s24+$0x0] =	vst.idx.msk $0xffff, v40;
	v40 =	vperm.xlane v40, v32;
	v36 =	vmov v39;
	s28 =	smov.u32 s26;
	s26 =	sadd.s32 $0x10, s26  }
0x298: {  	v39 =	vld.idx.msk [tilespmem:v39+s13+$0x0], $0xffff;
	_ =	sdelay $0x5  }
0x299: {  	v41 =	vperm.xlane v39, v6;
	v42 =	vperm.xlane v39, v32;
	_ =	sdelay $0x1  }
0x29a: {  	v41 =	vsel vm3, v38, v41;
	v38 =	vmov v42  }
0x29b: {  	v42 =	vor.u32 s2, v1;
	s2 =	smov.u32 s28;
	vm2 =	vne.s32 v39, v41  }
0x29c: {  	v39 =	vsel vm2, $0x1, v4;
	v41 =	vnsel vm2, $0xFFFFFFFF, v42  }
0x29d: {  	v42 =	vperm.xlane v39, v6;
	v43 =	vperm.xlane v41, v6;
	_ =	sdelay $0x1  }
0x29e: {  	v42 =	vsel vm0, $0x0, v42;
	v43 =	vsel vm0, $0xC0000000, v43  }
0x29f: {  	v39 =	vadd.s32 v39, v42;
	vm2 =	vgt.s32 v41, v43  }
0x2a0: {  	v42 =	vperm.xlane v39, v8;
	v41 =	vsel vm2, v41, v43  }
0x2a1: {  	v43 =	vperm.xlane v41, v8  }
0x2a2: {  	v42 =	vsel vm1, $0x0, v42  }
0x2a3: {  	v39 =	vadd.s32 v42, v39;
	v42 =	vsel vm1, $0xC0000000, v43  }
0x2a4: {  	v43 =	vperm.xlane v39, v12;
	vm2 =	vgt.s32 v41, v42  }
0x2a5: {  	v41 =	vsel vm2, v41, v42  }
0x2a6: {  	v42 =	vsel vm15, $0x0, v43;
	v43 =	vperm.xlane v41, v12  }
0x2a7: {  	v39 =	vadd.s32 v42, v39  }
0x2a8: {  	v42 =	vperm.xlane v39, v20;
	v43 =	vsel vm15, $0xC0000000, v43  }
0x2a9: {  	vm2 =	vgt.s32 v41, v43  }
0x2aa: {  	v42 =	vsel vm5, $0x0, v42;
	v41 =	vsel vm2, v41, v43  }
0x2ab: {  	v37 =	vadd.s32 v37, v42;
	v42 =	vperm.xlane v41, v20  }
0x2ac: {  	v37 =	vadd.s32 v39, v37  }
.Ltmp5:
0x2ad: {  	v39 =	vor.u32 s2, v0;
	v42 =	vsel vm5, $0xC0000000, v42;
	[tilespmem:v36+s23+$0x0] =	vst.idx.msk $0xffff, v37;
	v37 =	vperm.xlane v37, v32;
	(pc) =	sbr.rel @p1 .LBB3_13-.Ltmp5, $4  }
0x2ae: {  	v39 =	vand.u32 v2, v39;
	vm2 =	vgt.s32 v41, v42  }
0x2af: {  	v41 =	vsel vm2, v41, v42  }
0x2b0: {  	vm2 =	vgt.s32 v40, v41  }
0x2b1: {  	v40 =	vsel vm2, v40, v41  }
0x2b2: {  	_ =	sdelay $0x3  }
0x2b3: {  	[tilespmem:v36+s24+$0x0] =	vst.idx.msk $0xffff, v40  }
0x2b4: {  	v36 =	vld.idx.msk [tilespmem:v39+s13+$0x0], $0xffff;
	_ =	sdelay $0x4  }
0x2b5: {  	v41 =	vperm.xlane v36, v6;
	_ =	sdelay $0x1  }
0x2b6: {  	v38 =	vsel vm3, v38, v41  }
0x2b7: {  	v60 =	vor.u32 s2, v1;
	vm2 =	vne.s32 v36, v38  }
0x2b8: {  	v36 =	vnsel vm2, $0xFFFFFFFF, v60  }
0x2b9: {  	v61 =	vperm.xlane v36, v6  }
0x2ba: {  	vm0 =	veq.s32 v0, $0x0  }
0x2bb: {  	v38 =	vsel vm0, $0xC0000000, v61  }
0x2bc: {  	v62 =	vsel vm2, $0x1, v4;
	vm2 =	vgt.s32 v36, v38  }
0x2bd: {  	v42 =	vperm.xlane v62, v6;
	v36 =	vsel vm2, v36, v38  }
0x2be: {  	v38 =	vperm.xlane v36, v8  }
0x2bf: {  	v42 =	vsel vm0, $0x0, v42  }
0x2c0: {  	v41 =	vadd.s32 v62, v42;
	v38 =	vsel vm1, $0xC0000000, v38  }
0x2c1: {  	v42 =	vperm.xlane v41, v8;
	vm2 =	vgt.s32 v36, v38  }
0x2c2: {  	v36 =	vsel vm2, v36, v38  }
0x2c3: {  	v63 =	vsel vm1, $0x0, v42;
	v45 =	vperm.xlane v36, v12  }
0x2c4: {  	v38 =	vadd.s32 v63, v41  }
0x2c5: {  	v41 =	vperm.xlane v38, v12;
	v42 =	vsel vm15, $0xC0000000, v45  }
0x2c6: {  	vm2 =	vgt.s32 v36, v42  }
0x2c7: {  	v41 =	vsel vm15, $0x0, v41;
	v36 =	vsel vm2, v36, v42  }
0x2c8: {  	v38 =	vadd.s32 v41, v38;
	v46 =	vperm.xlane v36, v20  }
0x2c9: {  	v47 =	vperm.xlane v38, v20  }
0x2ca: {  	v41 =	vsel vm5, $0xC0000000, v46  }
0x2cb: {  	v48 =	vperm.xlane v40, v32;
	v42 =	vsel vm5, $0x0, v47;
	vm2 =	vgt.s32 v36, v41  }
0x2cc: {  	v37 =	vadd.s32 v37, v42;
	v36 =	vsel vm2, v36, v41  }
0x2cd: {  	v37 =	vadd.s32 v38, v37;
	vm2 =	vgt.s32 v48, v36  }
0x2ce: {  	[tilespmem:v39+s23+$0x0] =	vst.idx.msk $0xffff, v37;
	v37 =	vperm.xlane v37, v32;
	v36 =	vsel vm2, v48, v36  }
0x2cf: {  	s29 =	sld [smem:$0x7D6];
	[tilespmem:v39+s24+$0x0] =	vst.idx.msk $0xffff, v36;
	v36 =	vperm.xlane v36, v32  }
0x2d0: {  	[tilespmem:$0x10C00] =	vst v37  }
0x2d1: {  	s26 =	simm.s32 $0x10C00;
	[tilespmem:$0x10C10] =	vst v36  }
0x2d2: {  	[spmem:s29] =	stream.linear.scatter [tilespmem:s26], [sflag:$0x1], $0x10, $0x38;
	[tilespmem:$0x1AC48] =	vst v63  }
0x2d3: {  	_ =	swait.ge [sflag:s14], $0x10  }
0x2d4: {  	s28 =	sld [smem:$0x7D7]  }
0x2d5: {  	[sflag:s14] =	ssyncset.done $0x0  }
0x2d6: {  	s29 =	simm.s32 $0x10C10;
	[sflag:s14] =	ssyncadd.s32 $0xFFFFFFF0  }
0x2d7: {  	[spmem:s28] =	stream.linear.scatter [tilespmem:s29], [sflag:$0x1], $0x10, $0x38;
	[tilespmem:$0x1AC48] =	vst v63  }
0x2d8: {  	_ =	swait.ge [sflag:s14], $0x10  }
0x2d9: {  	[sflag:s14] =	ssyncset.done $0x0  }
0x2da: {  	[sflag:s14] =	ssyncadd.s32 $0xFFFFFFF0  }
0x2db: {  	[bflag:$0x0] =	sbarrier.arrive $0xFFFF  }
0x2dc: {  	s26 =	simm.s32 $0x10C20;
	s28 =	rddreg [dreg:$0xd]  }
0x2dd: {  	[tilespmem:s26], [sflag:$0x1] =	stream.linear.gather [spmem:s28], $0x100, $0x38;
	[tilespmem:$0x1AC48] =	vst v63  }
0x2de: {  	_ =	swait.ge [sflag:s14], $0x100  }
0x2df: {  	v49 =	vmul.u32 $0x10, v0;
	[sflag:s14] =	ssyncset.done $0x0  }
0x2e0: {  	s28 =	simm.s32 $0x10D20;
	s29 =	rddreg [dreg:$0xf];
	[sflag:s14] =	ssyncadd.s32 $0xFFFFFF00  }
0x2e1: {  	[tilespmem:s28], [sflag:$0x1] =	stream.linear.gather [spmem:s29], $0x100, $0x38;
	[tilespmem:$0x1AC48] =	vst v63  }
0x2e2: {  	_ =	swait.ge [sflag:s14], $0x100  }
0x2e3: {  	[sflag:s14] =	ssyncset.done $0x0  }
0x2e4: {  	v51 =	vld [tilespmem:$0x1FF60];
	[sflag:s14] =	ssyncadd.s32 $0xFFFFFF00  }
0x2e5: {  	v50 =	vld.idx.msk [tilespmem:v49+s28+$0x0], $0xffff;
	_ =	sdelay $0x2  }
0x2e6: {  	v36 =	vld.idx.msk [tilespmem:v49+s26+$0x0], $0xffff  }
0x2e7: {  	vm2 =	vnez.u8 v51  }
0x2e8: {  	v37 =	vnsel vm2, $0xFFFFFFFF, v50  }
0x2e9: {  	v52 =	vperm.xlane v37, v6;
	_ =	sdelay $0x1  }
0x2ea: {  	v36 =	vnsel vm2, $0x0, v36;
	v38 =	vsel vm0, $0xC0000000, v52  }
0x2eb: {  	v53 =	vperm.xlane v36, v6;
	vm2 =	vgt.s32 v37, v38  }
0x2ec: {  	v37 =	vsel vm2, v37, v38  }
0x2ed: {  	v39 =	vsel vm0, $0x0, v53;
	v38 =	vperm.xlane v37, v8  }
0x2ee: {  	v36 =	vadd.s32 v36, v39  }
0x2ef: {  	v39 =	vperm.xlane v36, v8;
	v38 =	vsel vm1, $0xC0000000, v38  }
0x2f0: {  	vm0 =	vgt.s32 v37, v38  }
0x2f1: {  	s29 =	simm.s32 $0x0;
	v54 =	vsel vm1, $0x0, v39;
	v37 =	vsel vm0, v37, v38  }
0x2f2: {  	v56 =	vor.u32 s29, v0;
	v38 =	vadd.s32 v54, v36;
	v55 =	vperm.xlane v37, v12  }
0x2f3: {  	v36 =	vand.u32 v2, v56;
	v57 =	vperm.xlane v38, v12  }
0x2f4: {  	v39 =	vsel vm15, $0xC0000000, v55  }
0x2f5: {  	v40 =	vsel vm15, $0x0, v57;
	vm0 =	vgt.s32 v37, v39  }
0x2f6: {  	v38 =	vadd.s32 v40, v38;
	v37 =	vsel vm0, v37, v39  }
0x2f7: {  	v40 =	vperm.xlane v38, v20;
	v39 =	vperm.xlane v37, v20  }
0x2f8: {  	v58 =	vld.idx.msk [tilespmem:v36+s24+$0x0], $0xffff  }
0x2f9: {  	v59 =	vld.idx.msk [tilespmem:v36+s23+$0x0], $0xffff;
	v40 =	vsel vm5, $0x0, v40;
	v39 =	vsel vm5, $0xC0000000, v39  }
0x2fa: {  	v38 =	vadd.s32 v40, v38;
	vm0 =	vgt.s32 v37, v39  }
0x2fb: {  	v43 =	vld.idx.msk [tilespmem:v36+s13+$0x0], $0xffff;
	v38 =	vperm.xlane v38, v32;
	v37 =	vsel vm0, v37, v39  }
0x2fc: {  	v37 =	vperm.xlane v37, v32  }
0x2fd: {  	v38 =	vadd.s32 $0xFFFFFFFF, v38  }
0x2fe: {  	v40 =	vadd.s32 v59, v38;
	vm0 =	vgt.s32 v58, v37  }
0x2ff: {  	v60 =	vor.u32 s29, v1;
	vm2 =	vlt.s32 v40, $0x3E80;
	v41 =	vsel vm0, v58, v37  }
0x300: {  	v62 =	vmul.u32 $0x5, v40;
	vm0 =	vne.s32 v43, $0x55F0000;
	v61 =	vsub.s32 v60, v41  }
0x301: {  	vm0 =	vmand vm0, vm2;
	vm2 =	vlt.s32 v61, $0x5  }
0x302: {  	s2 =	simm.s32 $0x10;
	v42 =	vadd.s32 v62, v61;
	vm2 =	vmand vm0, vm2  }
0x303: {  	v63 =	vor.u32 s2, v0;
	vm3 =	veq.s32 v60, v41;
	v42 =	vnsel vm2, $0x13880, v42  }
0x304: {  	s26 =	simm.s32 $0x20;
	v39 =	vand.u32 v2, v63;
	vm0 =	vmand vm0, vm3;
	v41 =	vnsel vm2, $0x3E80, v40;
	[tilespmem:v36+s30+$0x0] =	vst.idx.msk $0xffff, v42  }
.LBB3_15:
0x305: {  	p1 =	sne.s32 s26, $0x7F0;
	v40 =	vnsel vm0, $0x3E80, v40;
	[tilespmem:v36+s3+$0x0] =	vst.idx.msk $0xffff, v41  }
0x306: {  	[tilespmem:v36+s4+$0x0] =	vst.idx.msk $0xffff, v40;
	v36 =	vmov v39  }
0x307: {  	v41 =	vld.idx.msk [tilespmem:v39+s24+$0x0], $0xffff  }
0x308: {  	v40 =	vld.idx.msk [tilespmem:v39+s23+$0x0], $0xffff  }
0x309: {  	v39 =	vld.idx.msk [tilespmem:v39+s13+$0x0], $0xffff;
	_ =	sdelay $0x4  }
0x30a: {  	v42 =	vor.u32 s2, v1;
	s2 =	smov.u32 s26;
	vm0 =	vgt.s32 v41, v37  }
0x30b: {  	v40 =	vadd.s32 v40, v38;
	v41 =	vsel vm0, v41, v37;
	vm0 =	vne.s32 v39, $0x55F0000  }
.Ltmp6:
0x30c: {  	v43 =	vsub.s32 v42, v41;
	vm2 =	vlt.s32 v40, $0x3E80;
	v44 =	vmul.u32 $0x5, v40;
	(pc) =	sbr.rel @p1 .LBB3_15-.Ltmp6, $4  }
0x30d: {  	v39 =	vor.u32 s26, v0;
	vm0 =	vmand vm0, vm2;
	vm2 =	vlt.s32 v43, $0x5  }
0x30e: {  	v39 =	vand.u32 v2, v39;
	vm2 =	vmand vm0, vm2;
	v43 =	vadd.s32 v44, v43  }
0x30f: {  	vm3 =	veq.s32 v42, v41;
	v43 =	vnsel vm2, $0x13880, v43  }
0x310: {  	s26 =	sadd.s32 $0x10, s26;
	vm0 =	vmand vm0, vm3;
	v41 =	vnsel vm2, $0x3E80, v40;
	[tilespmem:v36+s30+$0x0] =	vst.idx.msk $0xffff, v43  }
0x311: {  	_ =	sdelay $0x3  }
0x312: {  	v40 =	vnsel vm0, $0x3E80, v40;
	[tilespmem:v36+s3+$0x0] =	vst.idx.msk $0xffff, v41  }
0x313: {  	[tilespmem:v36+s4+$0x0] =	vst.idx.msk $0xffff, v40  }
0x314: {  	v36 =	vld.idx.msk [tilespmem:v39+s24+$0x0], $0xffff  }
0x315: {  	v40 =	vld.idx.msk [tilespmem:v39+s23+$0x0], $0xffff  }
0x316: {  	v41 =	vld.idx.msk [tilespmem:v39+s13+$0x0], $0xffff;
	_ =	sdelay $0x3  }
0x317: {  	v42 =	vor.u32 s2, v1;
	vm0 =	vgt.s32 v36, v37  }
0x318: {  	v38 =	vadd.s32 v40, v38;
	v36 =	vsel vm0, v36, v37;
	vm0 =	vne.s32 v41, $0x55F0000  }
0x319: {  	vm2 =	vlt.s32 v38, $0x3E80;
	v40 =	vmul.u32 $0x5, v38;
	v37 =	vsub.s32 v42, v36  }
0x31a: {  	vm0 =	vmand vm0, vm2;
	vm2 =	vlt.s32 v37, $0x5  }
0x31b: {  	v37 =	vadd.s32 v40, v37;
	vm2 =	vmand vm0, vm2  }
0x31c: {  	vm3 =	veq.s32 v42, v36;
	v37 =	vnsel vm2, $0x13880, v37  }
0x31d: {  	vm0 =	vmand vm0, vm3;
	v56 =	vnsel vm2, $0x3E80, v38;
	[tilespmem:v39+s30+$0x0] =	vst.idx.msk $0xffff, v37  }
0x31e: {  	v57 =	vnsel vm0, $0x3E80, v38;
	[tilespmem:v39+s3+$0x0] =	vst.idx.msk $0xffff, v56  }
0x31f: {  	s26 =	rddreg [dreg:$0x10];
	[tilespmem:v39+s4+$0x0] =	vst.idx.msk $0xffff, v57  }
0x320: {  	[spmem:s26] =	stream.indirect.scatter [tilespmem:s30], [sflag:$0x1], $0x1, s1, s1, $0xb8;
	[tilespmem:$0x1AC48] =	vst v63  }
0x321: {  	_ =	swait.ge [sflag:s14], $0x800  }
0x322: {  	[sflag:s14] =	ssyncset.done $0x0  }
0x323: {  	s28 =	rddreg [dreg:$0x11];
	[sflag:s14] =	ssyncadd.s32 $0xFFFFF800  }
0x324: {  	[spmem:s28] =	stream.indirect.scatter [tilespmem:s3], [sflag:$0x1], $0x1, s1, s1, $0xb8;
	[tilespmem:$0x1AC48] =	vst v63  }
0x325: {  	_ =	swait.ge [sflag:s14], $0x800  }
0x326: {  	[sflag:s14] =	ssyncset.done $0x0  }
0x327: {  	s29 =	rddreg [dreg:$0x13];
	[sflag:s14] =	ssyncadd.s32 $0xFFFFF800  }
0x328: {  	[spmem:s29] =	stream.indirect.scatter [tilespmem:s4], [sflag:$0x1], $0x1, s1, s1, $0xb8;
	[tilespmem:$0x1AC48] =	vst v63  }
0x329: {  	_ =	swait.ge [sflag:s14], $0x800  }
0x32a: {  	[sflag:s14] =	ssyncset.done $0x0  }
0x32b: {  	[sflag:s14] =	ssyncadd.s32 $0xFFFFF800  }
0x32c: {  	[bflag:$0x0] =	sbarrier.arrive $0xFFFF  }
0x32d: {  	s26 =	sld [smem:$0x7F5];
	_ =	sdelay $0x2  }
0x32e: {  	[tilespmem:s30], [sflag:$0x1] =	stream.linear.gather [spmem:s26], $0x800, $0x38;
	[tilespmem:$0x1AC48] =	vst v63  }
0x32f: {  	_ =	swait.ge [sflag:s14], $0x800  }
0x330: {  	s28 =	sld [smem:$0x7F6]  }
0x331: {  	[sflag:s14] =	ssyncset.done $0x0  }
0x332: {  	[sflag:s14] =	ssyncadd.s32 $0xFFFFF800  }
0x333: {  	[tilespmem:s3], [sflag:$0x1] =	stream.linear.gather [spmem:s28], $0x800, $0x38;
	[tilespmem:$0x1AC48] =	vst v63  }
0x334: {  	_ =	swait.ge [sflag:s14], $0x800  }
0x335: {  	s29 =	sld [smem:$0x7F7]  }
0x336: {  	[sflag:s14] =	ssyncset.done $0x0  }
0x337: {  	[sflag:s14] =	ssyncadd.s32 $0xFFFFF800  }
0x338: {  	[tilespmem:s4], [sflag:$0x1] =	stream.linear.gather [spmem:s29], $0x800, $0x38;
	[tilespmem:$0x1AC48] =	vst v63  }
0x339: {  	_ =	swait.ge [sflag:s14], $0x800  }
0x33a: {  	s29 =	sld [smem:$0x7D0];
	_ =	sdelay $0x1  }
0x33b: {  	s28 =	simm.s32 $0xB400;
	[sflag:s14] =	ssyncset.done $0x0;
	s26 =	rddreg [dreg:$0x18]  }
0x33c: {  	[sflag:s14] =	ssyncadd.s32 $0xFFFFF800;
	s2 =	sadd.s32 s26, s29;
	s26 =	simm.s32 $0x0  }
0x33d: {  	[tilespmem:s28], [sflag:$0x1] =	stream.linear.gather [hbm4b:s2+s26], $0x800, $0x38;
	[tilespmem:$0x1AC48] =	vst v63  }
0x33e: {  	_ =	swait.ge [sflag:s14], $0x800  }
0x33f: {  	[sflag:s14] =	ssyncset.done $0x0;
	s28 =	rddreg [dreg:$0x19]  }
0x340: {  	[sflag:s14] =	ssyncadd.s32 $0xFFFFF800;
	s2 =	sadd.s32 s28, s29;
	s28 =	simm.s32 $0xBC00  }
0x341: {  	[tilespmem:s28], [sflag:$0x1] =	stream.linear.gather [hbm4b:s2+s26], $0x800, $0x38;
	[tilespmem:$0x1AC48] =	vst v63  }
0x342: {  	_ =	swait.ge [sflag:s14], $0x800  }
0x343: {  	[sflag:s14] =	ssyncset.done $0x0;
	s28 =	rddreg [dreg:$0x1a]  }
0x344: {  	[sflag:s14] =	ssyncadd.s32 $0xFFFFF800;
	s2 =	sadd.s32 s28, s29;
	s28 =	simm.s32 $0xC400  }
0x345: {  	[tilespmem:s28], [sflag:$0x1] =	stream.linear.gather [hbm4b:s2+s26], $0x800, $0x38;
	[tilespmem:$0x1AC48] =	vst v63  }
0x346: {  	_ =	swait.ge [sflag:s14], $0x800  }
0x347: {  	[sflag:s14] =	ssyncset.done $0x0  }
0x348: {  	[sflag:s14] =	ssyncadd.s32 $0xFFFFF800  }
0x349: {  	s28 =	rddreg [dreg:$0x1]  }
0x34a: {  	s2 =	sadd.s32 s28, s29;
	s28 =	simm.s32 $0xCC00  }
0x34b: {  	[tilespmem:s28], [sflag:$0x1] =	stream.linear.gather [hbm4b:s2+s26], $0x800, $0x38;
	[tilespmem:$0x1AC48] =	vst v63  }
0x34c: {  	_ =	swait.ge [sflag:s14], $0x800  }
0x34d: {  	[sflag:s14] =	ssyncset.done $0x0;
	s28 =	rddreg [dreg:$0x15]  }
0x34e: {  	[sflag:s14] =	ssyncadd.s32 $0xFFFFF800;
	s2 =	sadd.s32 s28, s29;
	s28 =	simm.s32 $0xD400  }
0x34f: {  	[tilespmem:s28], [sflag:$0x1] =	stream.linear.gather [hbm4b:s2+s26], $0x800, $0x38;
	[tilespmem:$0x1AC48] =	vst v63  }
0x350: {  	_ =	swait.ge [sflag:s14], $0x800  }
0x351: {  	[sflag:s14] =	ssyncset.done $0x0;
	s28 =	rddreg [dreg:$0x16]  }
0x352: {  	[sflag:s14] =	ssyncadd.s32 $0xFFFFF800;
	s2 =	sadd.s32 s28, s29;
	s28 =	simm.s32 $0xDC00  }
0x353: {  	[tilespmem:s28], [sflag:$0x1] =	stream.linear.gather [hbm4b:s2+s26], $0x800, $0x38;
	[tilespmem:$0x1AC48] =	vst v63  }
0x354: {  	_ =	swait.ge [sflag:s14], $0x800  }
0x355: {  	[sflag:s14] =	ssyncset.done $0x0;
	s28 =	rddreg [dreg:$0x17]  }
0x356: {  	v36 =	vor.u32 s26, v0;
	[sflag:s14] =	ssyncadd.s32 $0xFFFFF800;
	s2 =	sadd.s32 s28, s29;
	s29 =	simm.s32 $0xE400  }
0x357: {  	[tilespmem:s29], [sflag:$0x1] =	stream.linear.gather [hbm4b:s2+s26], $0x800, $0x38;
	[tilespmem:$0x1AC48] =	vst v63  }
0x358: {  	_ =	swait.ge [sflag:s14], $0x800  }
0x359: {  	[sflag:s14] =	ssyncset.done $0x0  }
0x35a: {  	[sflag:s14] =	ssyncadd.s32 $0xFFFFF800  }
0x35b: {  	v58 =	vld.idx.msk [tilespmem:v36+s30+$0x0], $0xffff;
	_ =	sdelay $0x2  }
0x35c: {  	v59 =	vld.idx.msk [tilespmem:v36+s4+$0x0], $0xffff;
	_ =	sdelay $0x1  }
0x35d: {  	v37 =	vshll.u32 v58, $0x2  }
0x35e: {  	[tilespmem:v36+s17+$0x0] =	vst.idx.msk $0xffff, v37;
	v60 =	vor.u32 $0x1, v37  }
0x35f: {  	v61 =	vor.u32 $0x2, v37;
	[tilespmem:v36+s25+$0x0] =	vst.idx.msk $0xffff, v60  }
0x360: {  	v38 =	vshll.u32 v59, $0x2;
	v37 =	vor.u32 $0x3, v37;
	[tilespmem:v36+s7+$0x0] =	vst.idx.msk $0xffff, v61  }
0x361: {  	v62 =	vor.u32 $0x1, v38;
	[tilespmem:v36+s6+$0x0] =	vst.idx.msk $0xffff, v37  }
0x362: {  	s29 =	simm.s32 $0x10;
	v63 =	vor.u32 $0x2, v38;
	[tilespmem:v36+s9+$0x0] =	vst.idx.msk $0xffff, v62  }
0x363: {  	s2 =	simm.s32 $0x20;
	v38 =	vor.u32 $0x3, v38;
	v37 =	vor.u32 s29, v0;
	[tilespmem:v36+s10+$0x0] =	vst.idx.msk $0xffff, v63  }
.LBB3_17:
0x364: {  	p1 =	sne.s32 s2, $0x7F0;
	[tilespmem:v36+s11+$0x0] =	vst.idx.msk $0xffff, v38;
	v36 =	vmov v37;
	s26 =	smov.u32 s2;
	s2 =	sadd.s32 $0x10, s2  }
0x365: {  	v38 =	vld.idx.msk [tilespmem:v37+s30+$0x0], $0xffff;
	_ =	sdelay $0x2  }
0x366: {  	v39 =	vld.idx.msk [tilespmem:v37+s4+$0x0], $0xffff;
	_ =	sdelay $0x2  }
0x367: {  	v38 =	vshll.u32 v38, $0x2  }
0x368: {  	[tilespmem:v37+s17+$0x0] =	vst.idx.msk $0xffff, v38;
	v37 =	vor.u32 $0x1, v38  }
.Ltmp7:
0x369: {  	v40 =	vor.u32 $0x2, v38;
	[tilespmem:v36+s25+$0x0] =	vst.idx.msk $0xffff, v37;
	(pc) =	sbr.rel @p1 .LBB3_17-.Ltmp7, $4  }
0x36a: {  	v38 =	vor.u32 $0x3, v38;
	v37 =	vor.u32 s26, v0;
	v39 =	vshll.u32 v39, $0x2;
	[tilespmem:v36+s7+$0x0] =	vst.idx.msk $0xffff, v40  }
0x36b: {  	[tilespmem:v36+s6+$0x0] =	vst.idx.msk $0xffff, v38;
	v38 =	vor.u32 $0x1, v39  }
0x36c: {  	[tilespmem:v36+s9+$0x0] =	vst.idx.msk $0xffff, v38;
	v38 =	vor.u32 $0x2, v39  }
0x36d: {  	[tilespmem:v36+s10+$0x0] =	vst.idx.msk $0xffff, v38;
	v38 =	vor.u32 $0x3, v39  }
0x36e: {  	_ =	sdelay $0x3  }
0x36f: {  	[tilespmem:v36+s11+$0x0] =	vst.idx.msk $0xffff, v38  }
0x370: {  	v36 =	vld.idx.msk [tilespmem:v37+s30+$0x0], $0xffff;
	_ =	sdelay $0x2  }
0x371: {  	v38 =	vld.idx.msk [tilespmem:v37+s4+$0x0], $0xffff;
	_ =	sdelay $0x1  }
0x372: {  	v36 =	vshll.u32 v36, $0x2  }
0x373: {  	[tilespmem:v37+s17+$0x0] =	vst.idx.msk $0xffff, v36;
	v39 =	vor.u32 $0x1, v36  }
0x374: {  	v60 =	vor.u32 $0x2, v36;
	[tilespmem:v37+s25+$0x0] =	vst.idx.msk $0xffff, v39  }
0x375: {  	v38 =	vshll.u32 v38, $0x2;
	v36 =	vor.u32 $0x3, v36;
	[tilespmem:v37+s7+$0x0] =	vst.idx.msk $0xffff, v60  }
0x376: {  	v61 =	vor.u32 $0x1, v38;
	[tilespmem:v37+s6+$0x0] =	vst.idx.msk $0xffff, v36  }
0x377: {  	v62 =	vor.u32 $0x2, v38;
	[tilespmem:v37+s9+$0x0] =	vst.idx.msk $0xffff, v61  }
0x378: {  	v63 =	vor.u32 $0x3, v38;
	[tilespmem:v37+s10+$0x0] =	vst.idx.msk $0xffff, v62  }
0x379: {  	s26 =	rddreg [dreg:$0x7];
	s2 =	simm.s32 $0xB400;
	[tilespmem:v37+s11+$0x0] =	vst.idx.msk $0xffff, v63  }
0x37a: {  	[spmem:s26] =	stream.indirect.scatter [tilespmem:s2], [sflag:$0x1], $0x1, s17, s1, $0xb8;
	[tilespmem:$0x1AC48] =	vst v63  }
0x37b: {  	s2 =	simm.s32 $0x1  }
0x37c: {  	_ =	swait.ge [sflag:s2], $0x800  }
0x37d: {  	[sflag:s2] =	ssyncset.done $0x0  }
0x37e: {  	s28 =	simm.s32 $0xBC00;
	[sflag:s2] =	ssyncadd.s32 $0xFFFFF800  }
0x37f: {  	[spmem:s26] =	stream.indirect.scatter [tilespmem:s28], [sflag:$0x1], $0x1, s25, s1, $0xb8;
	[tilespmem:$0x1AC48] =	vst v63  }
0x380: {  	_ =	swait.ge [sflag:s2], $0x800  }
0x381: {  	[sflag:s2] =	ssyncset.done $0x0  }
0x382: {  	s28 =	simm.s32 $0xC400;
	[sflag:s2] =	ssyncadd.s32 $0xFFFFF800  }
0x383: {  	[spmem:s26] =	stream.indirect.scatter [tilespmem:s28], [sflag:$0x1], $0x1, s7, s1, $0xb8;
	[tilespmem:$0x1AC48] =	vst v63  }
0x384: {  	_ =	swait.ge [sflag:s2], $0x800  }
0x385: {  	[sflag:s2] =	ssyncset.done $0x0  }
0x386: {  	s28 =	simm.s32 $0xCC00;
	[sflag:s2] =	ssyncadd.s32 $0xFFFFF800  }
0x387: {  	[spmem:s26] =	stream.indirect.scatter [tilespmem:s28], [sflag:$0x1], $0x1, s6, s1, $0xb8;
	[tilespmem:$0x1AC48] =	vst v63  }
0x388: {  	_ =	swait.ge [sflag:s2], $0x800  }
0x389: {  	[sflag:s2] =	ssyncset.done $0x0  }
0x38a: {  	[sflag:s2] =	ssyncadd.s32 $0xFFFFF800  }
0x38b: {  	s28 =	simm.s32 $0xD400;
	s26 =	rddreg [dreg:$0x8]  }
0x38c: {  	[spmem:s26] =	stream.indirect.scatter [tilespmem:s28], [sflag:$0x1], $0x1, s9, s1, $0xb8;
	[tilespmem:$0x1AC48] =	vst v63  }
0x38d: {  	_ =	swait.ge [sflag:s2], $0x800  }
0x38e: {  	[sflag:s2] =	ssyncset.done $0x0  }
0x38f: {  	s28 =	simm.s32 $0xDC00;
	[sflag:s2] =	ssyncadd.s32 $0xFFFFF800  }
0x390: {  	[spmem:s26] =	stream.indirect.scatter [tilespmem:s28], [sflag:$0x1], $0x1, s10, s1, $0xb8;
	[tilespmem:$0x1AC48] =	vst v63  }
0x391: {  	_ =	swait.ge [sflag:s2], $0x800  }
0x392: {  	[sflag:s2] =	ssyncset.done $0x0  }
0x393: {  	s28 =	simm.s32 $0xE400;
	[sflag:s2] =	ssyncadd.s32 $0xFFFFF800  }
0x394: {  	[spmem:s26] =	stream.indirect.scatter [tilespmem:s28], [sflag:$0x1], $0x1, s11, s1, $0xb8;
	[tilespmem:$0x1AC48] =	vst v63  }
0x395: {  	_ =	swait.ge [sflag:s2], $0x800  }
0x396: {  	[sflag:s2] =	ssyncset.done $0x0  }
0x397: {  	[sflag:s2] =	ssyncadd.s32 $0xFFFFF800  }
0x398: {  	s28 =	rddreg [dreg:$0x9]  }
0x399: {  	[spmem:s28] =	stream.indirect.scatter.add.s32 [tilespmem:s8], [sflag:$0x1], $0x1, s3, s1, $0xb8;
	[tilespmem:$0x1AC48] =	vst v63  }
0x39a: {  	_ =	swait.ge [sflag:s2], $0x800  }
0x39b: {  	s26 =	sld [smem:$0x7CF];
	_ =	sdelay $0x1  }
0x39c: {  	s28 =	sld [smem:$0x7DA]  }
0x39d: {  	s29 =	smul.u32 $0x4E200, s26  }
0x39e: {  	[sflag:s2] =	ssyncset.done $0x0  }
0x39f: {  	[sflag:s2] =	ssyncadd.s32 $0xFFFFF800;
	s28 =	sadd.s32 s28, s29  }
0x3a0: {  	[bflag:$0x0] =	sbarrier.arrive $0xFFFF;
	s28 =	sshrl.u32 s28, $0x3  }
0x3a1: {  	[smem:$0x7C8] =	sst s28;
	s28 =	stileid.u32  }
0x3a2: {  	s29 =	rddreg [dreg:$0x2];
	s28 =	sshll.u32 s28, $0x6  }
0x3a3: {  	s26 =	smul.u32 $0xFA00, s26;
	[smem:$0x7C9] =	sst s28  }
0x3a4: {  	s28 =	sld [smem:$0x7C8]  }
0x3a5: {  	[smem:$0x7CB] =	sst s26  }
0x3a6: {  	s26 =	sld [smem:$0x7DC]  }
0x3a7: {  	s29 =	sadd.s32 s29, s28;
	s28 =	sld [smem:$0x7C9]  }
0x3a8: {  	[smem:$0x7CA] =	sst s29  }
0x3a9: {  	s29 =	sld [smem:$0x7CA];
	_ =	sdelay $0x1  }
0x3aa: {  	s28 =	sor.u32 $0x1C01, s28  }
0x3ab: {  	[hbm:s29], [sflag:s28] =	dma.local [spmem:s26], $0x9C4  }
0x3ac: {  	_ =	swait.ge [sflag:s2], $0x9C4  }
0x3ad: {  	s26 =	sld [smem:$0x7DB]  }
0x3ae: {  	s29 =	sld [smem:$0x7CB];
	_ =	sdelay $0x1  }
0x3af: {  	[sflag:s2] =	ssyncset.done $0x0  }
0x3b0: {  	[sflag:s2] =	ssyncadd.s32 $0xFFFFF63C;
	s26 =	sadd.s32 s26, s29  }
0x3b1: {  	s29 =	rddreg [dreg:$0x3];
	s26 =	sshrl.u32 s26, $0x3  }
0x3b2: {  	s26 =	sadd.s32 s29, s26;
	s29 =	sld [smem:$0x7CF];
	_ =	sdelay $0x2  }
0x3b3: {  	s29 =	smul.u32 $0x3E80, s29;
	_ =	sdelay $0x1  }
0x3b4: {  	[smem:$0x7CC] =	sst s29  }
0x3b5: {  	s29 =	sld [smem:$0x7DD];
	_ =	sdelay $0x2  }
0x3b6: {  	[hbm:s26], [sflag:s28] =	dma.local [spmem:s29], $0x1F4  }
0x3b7: {  	_ =	swait.ge [sflag:s2], $0x1F4  }
0x3b8: {  	s26 =	sld [smem:$0x7DE]  }
0x3b9: {  	s29 =	sld [smem:$0x7CC];
	_ =	sdelay $0x1  }
0x3ba: {  	[sflag:s2] =	ssyncset.done $0x0  }
0x3bb: {  	[sflag:s2] =	ssyncadd.s32 $0xFFFFFE0C;
	s26 =	sadd.s32 s26, s29  }
0x3bc: {  	s29 =	rddreg [dreg:$0x4];
	s26 =	sshrl.u32 s26, $0x3  }
0x3bd: {  	s26 =	sadd.s32 s29, s26;
	s29 =	sld [smem:$0x7DF];
	_ =	sdelay $0x2  }
0x3be: {  	[hbm:s26], [sflag:s28] =	dma.local [spmem:s29], $0x7D  }
0x3bf: {  	_ =	swait.ge [sflag:s2], $0x7D  }
0x3c0: {  	[sflag:s2] =	ssyncset.done $0x0  }
0x3c1: {  	[sflag:s2] =	ssyncadd.s32 $0xFFFFFF83  }
0x3c2: {  	[bflag:$0x0] =	sbarrier.arrive $0xFFFF  }
0x3c3: {  	s28 =	sld [smem:$0x7D1]  }
0x3c4: {  	p1 =	por $0x0, $0x0  }
0x3c5: {  	s26 =	simm.s32 @!p1 $0x0  }
0x3c6: {  	s26 =	simm.s32 @p1 $0x1;
	p1 =	seq.s32 s28, $0x1  }
.Ltmp8:
0x3c7: {  	_ = 	snop;
	(pc) =	sbr.rel @p1 .LBB3_2-.Ltmp8, $3  }
0x3c8: {  	_ =	sdelay $0x1  }
0x3c9: {  	[smem:$0x7D3] =	sst s26  }
0x3ca: {  	s29 =	rddreg [dreg:$0x1d]  }
0x3cb: {  	s26 =	sld [smem:$0x7D2]  }
0x3cc: {  	s2 =	sld [smem:$0x7D8];
	_ =	sdelay $0x1  }
0x3cd: {  	s26 =	sadd.s32 $0x1, s26  }
0x3ce: {  	p1 =	sne.s32 s26, s2  }
.Ltmp9:
0x3cf: {  	_ = 	snop;
	(pc) =	sbr.rel @p1 .LBB3_1-.Ltmp9, $1  }
0x3d0: {  	_ =	sdelay $0x3  }
0x3d1: {  	_ =	sfence.sel $0x180000  }
0x3d2: {  	[bflag:$0x0] =	sbarrier.arrive $0xFFFF  }
0x3d3: {  	_ =	strace $0x90000047  }
0x3d4: {  	s0 =	stileid.u32;
	[bflag:$0x2] =	sbarrier.arrive $0xFFFF  }
0x3d5: {  	p0 =	sne.s32 s0, $0x0;
	s0 =	rddreg [dreg:$0x12]  }
0x3d6: {  	s0 =	sadd.s32 @!p0 $0x100000, s0  }
0x3d7: {  	[sflag:s0] =	ssyncadd.tile.s32 @!p0 $0x1;
	_ =	shalt  }
.Lfunc_end3:
_tile_overlayer_lowered:
.L_overlay_start_3:
0x3d8: {  	(tag) =	ssettag $0x3  }
0x3d9: {  	s0 =	rddreg [dreg:$0x0];
	s2 =	stileid.u32  }
0x3da: {  	s1 =	rddreg [dreg:$0x1];
	p0 =	sne.s32 s2, $0x0  }
0x3db: {  	s3 =	rddreg [dreg:$0x2];
	[bflag:$0x3] =	sbarrier.arrive $0xFFFF;
	s2 =	simm.s32 @!p0 $0x1C01  }
0x3dc: {  	[timem:s3], [sflag:s2] =	dma.local @!p0 [hbm:s0], s1  }
0x3dd: {  	s0 =	simm.s32 @!p0 $0x1  }
0x3de: {  	_ =	swait.ge @!p0 [sflag:s0], s1  }
0x3df: {  	s1 =	ssub.s32 @!p0 $0x0, s1;
	[sflag:s0] =	ssyncset.done @!p0 $0x0  }
0x3e0: {  	[sflag:s0] =	ssyncadd.s32 @!p0 s1  }
0x3e1: {  	[bflag:$0x3] =	sbarrier.arrive $0xFFFF  }
0x3e2: {  	_ =	shalt  }

</sc_bundles>
